<compile_context>
chip_gen: v7x
topology: tpu7x:2x2x1
jax: 0.10.2.dev20260603
libtpu: 0.0.44.dev20260713+nightly
codegen_flags: <defaults>
</compile_context>

<pallas_src>
import functools

import jax
import jax.numpy as jnp
from jax import lax
from jax.experimental import pallas as pl
from jax.experimental.pallas import tpu as pltpu
from jax.experimental.pallas import tpu_sc as plsc

N_USER = 10000
N_ITEM = 10000
E = 320000
K = 128
EPS = 0.1

NSUB = 16
CH = 128
E_SUB = E // NSUB
SLAB = 160
GRP = 32
NGRP = SLAB // GRP
NOUT = 10240
ACC_ROWS = NOUT + 128
DUMP = NOUT
ZB = ACC_ROWS // NSUB
WOUT = NOUT // NSUB

_mesh = plsc.VectorSubcoreMesh(core_axis_name="c", subcore_axis_name="s")


@functools.partial(
    pl.kernel,
    out_type=[
        jax.ShapeDtypeStruct((NOUT, K), jnp.float32),
        jax.ShapeDtypeStruct((NOUT, K), jnp.float32),
        jax.ShapeDtypeStruct((NOUT, K), jnp.float32),
        jax.ShapeDtypeStruct((NOUT, K), jnp.float32),
    ],
    mesh=_mesh,
    scratch_types=[
        pltpu.VMEM((GRP, CH), jnp.int32),
        pltpu.VMEM((GRP, CH), jnp.int32),
        pltpu.VMEM((GRP, CH), jnp.float32),
        pltpu.VMEM((CH, K), jnp.float32),
        pltpu.VMEM_SHARED((ACC_ROWS, K), jnp.float32),
    ],
)
def _sc_aggregate(Yu, Yi, src_g, src_s, dst_g, dst_s, wf2, wi2, zrows,
                  A_u, A_i, dg_u, dg_i,
                  idx_g, idx_s, w2, rows_v, acc):
    c = lax.axis_index("c")
    s = lax.axis_index("s")

    def run_dir(table, gidx2, sidx2, wsrc2, A_out, dg_out):
        r0 = s * SLAB
        zb = pl.multiple_of(s * ZB, 8)
        wb = pl.multiple_of(s * WOUT, 8)

        pltpu.sync_copy(zrows, acc.at[pl.ds(zb, ZB)])
        plsc.subcore_barrier()

        @pl.loop(0, NGRP)
        def _grp(g):
            gb = pl.multiple_of(r0 + g * GRP, 8)
            pltpu.sync_copy(gidx2.at[pl.ds(gb, GRP)], idx_g)
            pltpu.sync_copy(sidx2.at[pl.ds(gb, GRP)], idx_s)
            pltpu.sync_copy(wsrc2.at[pl.ds(gb, GRP)], w2)

            @pl.loop(0, GRP)
            def _chunk(j):
                pltpu.sync_copy(table.at[idx_g.at[j]], rows_v)

                @pl.loop(0, CH // 16)
                def _wm(v):
                    wvec = w2[j, pl.ds(v * 16, 16)]
                    for r16 in range(16):
                        r = v * 16 + r16
                        wr = wvec[r16]
                        for q in range(K // 16):
                            sl = pl.ds(q * 16, 16)
                            rows_v[r, sl] = rows_v[r, sl] * wr

                pltpu.sync_copy(rows_v, acc.at[idx_s.at[j]], add=True)

        plsc.subcore_barrier()
        pltpu.sync_copy(acc.at[pl.ds(wb, WOUT)], A_out.at[pl.ds(wb, WOUT)])
        plsc.subcore_barrier()

        pltpu.sync_copy(zrows, acc.at[pl.ds(zb, ZB)])

        @pl.loop(0, CH)
        def _fill(r):
            for q in range(K // 16):
                rows_v[r, pl.ds(q * 16, 16)] = jnp.full((16,), 1.0, jnp.float32)

        plsc.subcore_barrier()

        @pl.loop(0, NGRP)
        def _grp2(g):
            gb = pl.multiple_of(r0 + g * GRP, 8)
            pltpu.sync_copy(sidx2.at[pl.ds(gb, GRP)], idx_s)

            @pl.loop(0, GRP)
            def _chunk2(j):
                pltpu.sync_copy(rows_v, acc.at[idx_s.at[j]], add=True)

        plsc.subcore_barrier()
        pltpu.sync_copy(acc.at[pl.ds(wb, WOUT)], dg_out.at[pl.ds(wb, WOUT)])
        plsc.subcore_barrier()

    @pl.when(c == 0)
    def _():
        run_dir(Yi, dst_g, src_s, wi2, A_u, dg_u)

    @pl.when(c == 1)
    def _():
        run_dir(Yu, src_g, dst_s, wf2, A_i, dg_i)


def _tc_body(Xu, Yu, Au, du, Hf, Xi, Yi, Ai, di, Hi, out_u, out_i):
    scale = (EPS / K) * (EPS / K)
    ek = EPS / K
    dn = (((1,), (0,)), ((), ()))
    dnt = (((1,), (1,)), ((), ()))

    Hf_ = Hf[...]
    t = lax.dot_general(Yu[...], Hf_, dn, preferred_element_type=jnp.float32)
    t2 = lax.dot_general(t, Hf_, dnt, preferred_element_type=jnp.float32)
    ah = lax.dot_general(Au[...], Hf_, dnt, preferred_element_type=jnp.float32)
    out_u[...] = Xu[...] - du[:, 0:1] * t2 * scale + ah * ek

    Hi_ = Hi[...]
    ti = lax.dot_general(Yi[...], Hi_, dn, preferred_element_type=jnp.float32)
    ti2 = lax.dot_general(ti, Hi_, dnt, preferred_element_type=jnp.float32)
    ahi = lax.dot_general(Ai[...], Hi_, dnt, preferred_element_type=jnp.float32)
    out_i[...] = Xi[...] - di[:, 0:1] * ti2 * scale + ahi * ek


_TC_BLOCK = 1024


def _tc_combine(Xu, Yu, Au, du, Hf, Xi, Yi, Ai, di, Hi):
    grid = (NOUT // _TC_BLOCK,)
    row_spec = pl.BlockSpec((_TC_BLOCK, K), lambda i: (i, 0))
    h_spec = pl.BlockSpec((K, K), lambda i: (0, 0))
    return pl.pallas_call(
        _tc_body,
        grid=grid,
        in_specs=[row_spec, row_spec, row_spec, row_spec, h_spec,
                  row_spec, row_spec, row_spec, row_spec, h_spec],
        out_specs=[row_spec, row_spec],
        out_shape=[
            jax.ShapeDtypeStruct((NOUT, K), jnp.float32),
            jax.ShapeDtypeStruct((NOUT, K), jnp.float32),
        ],
    )(Xu, Yu, Au, du, Hf, Xi, Yi, Ai, di, Hi)


def _pad_edges(a, fill):
    a2 = a.reshape(NSUB, E_SUB)
    pad = jnp.full((NSUB, SLAB * CH - E_SUB), fill, a.dtype)
    return jnp.concatenate([a2, pad], axis=1).reshape(NSUB * SLAB, CH)


def kernel(Y_user, Y_item, X_user, X_item, H_fwd, H_inv, w_fwd, w_inv, edge_src, edge_dst):
    src_g = _pad_edges(edge_src, 0)
    src_s = _pad_edges(edge_src, DUMP)
    dst_g = _pad_edges(edge_dst, 0)
    dst_s = _pad_edges(edge_dst, DUMP)
    wf2 = _pad_edges(w_fwd.reshape(E), jnp.float32(0))
    wi2 = _pad_edges(w_inv.reshape(E), jnp.float32(0))
    zrows = jnp.zeros((ZB, K), jnp.float32)
    A_u, A_i, dg_u, dg_i = _sc_aggregate(
        Y_user, Y_item, src_g, src_s, dst_g, dst_s, wf2, wi2, zrows)
    pad = ((0, NOUT - N_USER), (0, 0))
    ret_u, ret_i = _tc_combine(
        jnp.pad(X_user, pad), jnp.pad(Y_user, pad), A_u, dg_u, H_fwd,
        jnp.pad(X_item, pad), jnp.pad(Y_item, pad), A_i, dg_i, H_inv)
    return ret_u[:N_USER], ret_i[:N_ITEM]

# --- scband reference (transcript-rebuilt; emitter-appended) ---
"""Pipeline reference for scband-zoo-bp-propagate-43293270343696 (READ-ONLY COPY).

The authoritative reference and input builder live on the scoring server;
editing this copy changes nothing except your own understanding.
"""

import jax, jax.numpy as jnp
import numpy as np

N_USER = 10000
N_ITEM = 10000
E = 320000
K_USER = 128
K_ITEM = 128
EPS = 0.1


def setup_inputs(seed: int = 0) -> dict:
    key = jax.random.key(seed)
    ks = jax.random.split(key, 10)
    return {
        "Y_user": jax.random.uniform(ks[0], (N_USER, K_USER), dtype=jnp.float32),
        "Y_item": jax.random.uniform(ks[1], (N_ITEM, K_ITEM), dtype=jnp.float32),
        "X_user": jax.random.normal(ks[2], (N_USER, K_USER), dtype=jnp.float32),
        "X_item": jax.random.normal(ks[3], (N_ITEM, K_ITEM), dtype=jnp.float32),
        "H_fwd": jax.random.normal(ks[4], (K_USER, K_ITEM), dtype=jnp.float32),
        "H_inv": jax.random.normal(ks[5], (K_ITEM, K_USER), dtype=jnp.float32),
        "w_fwd": jax.random.uniform(ks[6], (E, 1), dtype=jnp.float32),
        "w_inv": jax.random.uniform(ks[7], (E, 1), dtype=jnp.float32),
        "edge_src": jax.random.randint(ks[8], (E,), 0, N_USER, dtype=jnp.int32),
        "edge_dst": jax.random.randint(ks[9], (E,), 0, N_ITEM, dtype=jnp.int32),
    }


def reference(Y_user, Y_item, X_user, X_item, H_fwd, H_inv, w_fwd, w_inv, edge_src, edge_dst):
    # ZooBP propagation on a bipartite heterograph with canonical etypes
    # ('user','rates','item') and its inverse ('item','rated-by','user').
    # H_fwd = H['user-rates-item'] : [K_USER, K_ITEM]
    # H_inv = H['item-rated-by-user'] : [K_ITEM, K_USER]
    scale = (EPS / K_USER) * (EPS / K_ITEM)

    # ret[ntype] = X[ntype]
    # echo-cancellation term: Dpt * Y[src] @ (H H^T) * (eps/src_dim)*(eps/dst_dim)
    deg_u = jnp.bincount(edge_src, length=N_USER).astype(Y_user.dtype)[:, None]
    deg_i = jnp.bincount(edge_dst, length=N_ITEM).astype(Y_item.dtype)[:, None]
    HHT_f = H_fwd @ H_fwd.T   # [K_USER, K_USER]
    HHT_i = H_inv @ H_inv.T   # [K_ITEM, K_ITEM]
    ret_u = X_user - deg_u * (Y_user @ HHT_f) * scale
    ret_i = X_item - deg_i * (Y_item @ HHT_i) * scale

    # apply_edges(u_mul_e('h','w','m')): m[e] = Y[src(e)] * w[e]
    m_f = jnp.take(Y_user, edge_src, axis=0) * w_fwd   # [E, K_USER]
    m_i = jnp.take(Y_item, edge_dst, axis=0) * w_inv   # [E, K_ITEM]

    # edge out = m @ H[t_inv].T * (eps / dst_dim)
    out_f = (m_f @ H_inv.T) * (EPS / K_ITEM)   # [E, K_ITEM], messages to items
    out_i = (m_i @ H_fwd.T) * (EPS / K_USER)   # [E, K_USER], messages to users

    # update_all(copy_e, sum): scatter-add edge messages to dst nodes
    ret_u = ret_u + jax.ops.segment_sum(out_i, edge_src, num_segments=N_USER)
    ret_i = ret_i + jax.ops.segment_sum(out_f, edge_dst, num_segments=N_ITEM)
    return ret_u, ret_i

if __name__ == "__main__":
    import jax
    _d = setup_inputs()
    print(jax.jit(kernel)(*tuple(_d.values())))

</pallas_src>

<mosaic_0001>
#map = affine_map<(d0, d1) -> (0, 0)>
module attributes {stable_mosaic.version = 14 : i64} {
  func.func @_sc_aggregate(%arg0: i32, %arg1: i32, %arg2: memref<10000x128xf32, #tpu.memory_space<hbm>>, %arg3: memref<10000x128xf32, #tpu.memory_space<hbm>>, %arg4: memref<2560x128xi32, #tpu.memory_space<hbm>>, %arg5: memref<2560x128xi32, #tpu.memory_space<hbm>>, %arg6: memref<2560x128xi32, #tpu.memory_space<hbm>>, %arg7: memref<2560x128xi32, #tpu.memory_space<hbm>>, %arg8: memref<2560x128xf32, #tpu.memory_space<hbm>>, %arg9: memref<2560x128xf32, #tpu.memory_space<hbm>>, %arg10: memref<648x128xf32, #tpu.memory_space<hbm>>, %arg11: memref<10240x128xf32, #tpu.memory_space<hbm>>, %arg12: memref<10240x128xf32, #tpu.memory_space<hbm>>, %arg13: memref<10240x128xf32, #tpu.memory_space<hbm>>, %arg14: memref<10240x128xf32, #tpu.memory_space<hbm>>, %arg15: memref<32x128xi32, #tpu.memory_space<vmem>>, %arg16: memref<32x128xi32, #tpu.memory_space<vmem>>, %arg17: memref<32x128xf32, #tpu.memory_space<vmem>>, %arg18: memref<128x128xf32, #tpu.memory_space<vmem>>, %arg19: memref<10368x128xf32, #tpu.memory_space<vmem_shared>>) attributes {dimension_semantics = [#tpu.dimension_semantics<core_parallel>, #tpu.dimension_semantics<subcore_parallel>], iteration_bounds = array<i64: 2, 16>, scalar_prefetch = 0 : i64, scratch_operands = 5 : i64, tpu.core_type = #tpu.core_type<sc_vector_subcore>, window_params = [{transform_indices = #map}, {transform_indices = #map}, {transform_indices = #map}, {transform_indices = #map}, {transform_indices = #map}, {transform_indices = #map}, {transform_indices = #map}, {transform_indices = #map}, {transform_indices = #map}, {transform_indices = #map}, {transform_indices = #map}, {transform_indices = #map}, {transform_indices = #map}]} {
    %eq3A = arith.constant 0 : i32
    %eq3A_0 = arith.cmpi eq, %arg0, %eq3A : i32
    %convert_element_type3A = arith.extui %eq3A_0 : i1 to i32
    %cond3A = arith.constant 0 : i32
    %cond3A_1 = arith.cmpi ne, %convert_element_type3A, %cond3A : i32
    scf.if %cond3A_1 {
      %mul3A = arith.constant 160 : i32
      %mul3A_7 = arith.muli %arg1, %mul3A : i32
      %mul3A_8 = arith.constant 648 : i32
      %mul3A_9 = arith.muli %arg1, %mul3A_8 : i32
      %multiple_of3A = tpu.assume_multiple %mul3A_9, 8 : i32
      %mul3A_10 = arith.constant 640 : i32
      %mul3A_11 = arith.muli %arg1, %mul3A_10 : i32
      %multiple_of3A_12 = tpu.assume_multiple %mul3A_11, 8 : i32
      "tpu.region"() ({
        %run_scoped3A = tpu.sem_alloc : memref<!tpu.dma_semaphore, #tpu.memory_space<semaphore_mem>>
        %dma_start3A = arith.constant 0 : i32
        %dma_start3A_32 = tpu.memref_slice %arg19[%multiple_of3A, %dma_start3A] : memref<10368x128xf32, #tpu.memory_space<vmem_shared>> -> memref<648x128xf32, #tpu.memory_space<vmem_shared>>
        tpu.enqueue_dma source(%arg10 : memref<648x128xf32, #tpu.memory_space<hbm>>) target(%dma_start3A_32 : memref<648x128xf32, #tpu.memory_space<vmem_shared>>) target_semaphore(%run_scoped3A : memref<!tpu.dma_semaphore, #tpu.memory_space<semaphore_mem>>)
        %dma_wait3A = arith.constant 0 : i32
        %dma_wait3A_33 = tpu.memref_slice %arg19[%multiple_of3A, %dma_wait3A] : memref<10368x128xf32, #tpu.memory_space<vmem_shared>> -> memref<648x128xf32, #tpu.memory_space<vmem_shared>>
        tpu.wait_dma2 semaphore(%run_scoped3A : memref<!tpu.dma_semaphore, #tpu.memory_space<semaphore_mem>>) src(%arg10 : memref<648x128xf32, #tpu.memory_space<hbm>>) dst(%dma_wait3A_33 : memref<648x128xf32, #tpu.memory_space<vmem_shared>>)
        tpu.yield
      }) : () -> ()
      %barrier3A = arith.constant 0 : index
      tpu.barrier barrier_id(%barrier3A)
      %scan3A = arith.constant 0 : i32
      %scan3A_13 = arith.constant 5 : i32
      %scan3A_14 = arith.addi %scan3A, %scan3A_13 : i32
      %scan3A_15 = arith.constant 1 : i32
      scf.for %scan3A_32 = %scan3A to %scan3A_14 step %scan3A_15  : i32 {
        %mul3A_33 = arith.constant 1 : i32
        %mul3A_34 = arith.muli %scan3A_32, %mul3A_33 : i32
        %add3A = arith.constant 0 : i32
        %add3A_35 = arith.addi %add3A, %mul3A_34 : i32
        %mul3A_36 = arith.constant 32 : i32
        %mul3A_37 = arith.muli %add3A_35, %mul3A_36 : i32
        %add3A_38 = arith.addi %mul3A_7, %mul3A_37 : i32
        %multiple_of3A_39 = tpu.assume_multiple %add3A_38, 8 : i32
        "tpu.region"() ({
          %run_scoped3A = tpu.sem_alloc : memref<!tpu.dma_semaphore, #tpu.memory_space<semaphore_mem>>
          %dma_start3A = arith.constant 0 : i32
          %dma_start3A_45 = tpu.memref_slice %arg6[%multiple_of3A_39, %dma_start3A] : memref<2560x128xi32, #tpu.memory_space<hbm>> -> memref<32x128xi32, #tpu.memory_space<hbm>>
          %dma_start3A_46 = arith.constant 0 : i32
          %dma_start3A_47 = tpu.memref_slice %arg6[%multiple_of3A_39, %dma_start3A_46] : memref<2560x128xi32, #tpu.memory_space<hbm>> -> memref<32x128xi32, #tpu.memory_space<hbm>>
          tpu.enqueue_dma source(%dma_start3A_47 : memref<32x128xi32, #tpu.memory_space<hbm>>) target(%arg15 : memref<32x128xi32, #tpu.memory_space<vmem>>) target_semaphore(%run_scoped3A : memref<!tpu.dma_semaphore, #tpu.memory_space<semaphore_mem>>)
          %dma_wait3A = arith.constant 0 : i32
          %dma_wait3A_48 = tpu.memref_slice %arg6[%multiple_of3A_39, %dma_wait3A] : memref<2560x128xi32, #tpu.memory_space<hbm>> -> memref<32x128xi32, #tpu.memory_space<hbm>>
          %dma_wait3A_49 = arith.constant 0 : i32
          %dma_wait3A_50 = tpu.memref_slice %arg6[%multiple_of3A_39, %dma_wait3A_49] : memref<2560x128xi32, #tpu.memory_space<hbm>> -> memref<32x128xi32, #tpu.memory_space<hbm>>
          tpu.wait_dma2 semaphore(%run_scoped3A : memref<!tpu.dma_semaphore, #tpu.memory_space<semaphore_mem>>) src(%dma_wait3A_50 : memref<32x128xi32, #tpu.memory_space<hbm>>) dst(%arg15 : memref<32x128xi32, #tpu.memory_space<vmem>>)
          tpu.yield
        }) : () -> ()
        "tpu.region"() ({
          %run_scoped3A = tpu.sem_alloc : memref<!tpu.dma_semaphore, #tpu.memory_space<semaphore_mem>>
          %dma_start3A = arith.constant 0 : i32
          %dma_start3A_45 = tpu.memref_slice %arg5[%multiple_of3A_39, %dma_start3A] : memref<2560x128xi32, #tpu.memory_space<hbm>> -> memref<32x128xi32, #tpu.memory_space<hbm>>
          %dma_start3A_46 = arith.constant 0 : i32
          %dma_start3A_47 = tpu.memref_slice %arg5[%multiple_of3A_39, %dma_start3A_46] : memref<2560x128xi32, #tpu.memory_space<hbm>> -> memref<32x128xi32, #tpu.memory_space<hbm>>
          tpu.enqueue_dma source(%dma_start3A_47 : memref<32x128xi32, #tpu.memory_space<hbm>>) target(%arg16 : memref<32x128xi32, #tpu.memory_space<vmem>>) target_semaphore(%run_scoped3A : memref<!tpu.dma_semaphore, #tpu.memory_space<semaphore_mem>>)
          %dma_wait3A = arith.constant 0 : i32
          %dma_wait3A_48 = tpu.memref_slice %arg5[%multiple_of3A_39, %dma_wait3A] : memref<2560x128xi32, #tpu.memory_space<hbm>> -> memref<32x128xi32, #tpu.memory_space<hbm>>
          %dma_wait3A_49 = arith.constant 0 : i32
          %dma_wait3A_50 = tpu.memref_slice %arg5[%multiple_of3A_39, %dma_wait3A_49] : memref<2560x128xi32, #tpu.memory_space<hbm>> -> memref<32x128xi32, #tpu.memory_space<hbm>>
          tpu.wait_dma2 semaphore(%run_scoped3A : memref<!tpu.dma_semaphore, #tpu.memory_space<semaphore_mem>>) src(%dma_wait3A_50 : memref<32x128xi32, #tpu.memory_space<hbm>>) dst(%arg16 : memref<32x128xi32, #tpu.memory_space<vmem>>)
          tpu.yield
        }) : () -> ()
        "tpu.region"() ({
          %run_scoped3A = tpu.sem_alloc : memref<!tpu.dma_semaphore, #tpu.memory_space<semaphore_mem>>
          %dma_start3A = arith.constant 0 : i32
          %dma_start3A_45 = tpu.memref_slice %arg9[%multiple_of3A_39, %dma_start3A] : memref<2560x128xf32, #tpu.memory_space<hbm>> -> memref<32x128xf32, #tpu.memory_space<hbm>>
          %dma_start3A_46 = arith.constant 0 : i32
          %dma_start3A_47 = tpu.memref_slice %arg9[%multiple_of3A_39, %dma_start3A_46] : memref<2560x128xf32, #tpu.memory_space<hbm>> -> memref<32x128xf32, #tpu.memory_space<hbm>>
          tpu.enqueue_dma source(%dma_start3A_47 : memref<32x128xf32, #tpu.memory_space<hbm>>) target(%arg17 : memref<32x128xf32, #tpu.memory_space<vmem>>) target_semaphore(%run_scoped3A : memref<!tpu.dma_semaphore, #tpu.memory_space<semaphore_mem>>)
          %dma_wait3A = arith.constant 0 : i32
          %dma_wait3A_48 = tpu.memref_slice %arg9[%multiple_of3A_39, %dma_wait3A] : memref<2560x128xf32, #tpu.memory_space<hbm>> -> memref<32x128xf32, #tpu.memory_space<hbm>>
          %dma_wait3A_49 = arith.constant 0 : i32
          %dma_wait3A_50 = tpu.memref_slice %arg9[%multiple_of3A_39, %dma_wait3A_49] : memref<2560x128xf32, #tpu.memory_space<hbm>> -> memref<32x128xf32, #tpu.memory_space<hbm>>
          tpu.wait_dma2 semaphore(%run_scoped3A : memref<!tpu.dma_semaphore, #tpu.memory_space<semaphore_mem>>) src(%dma_wait3A_50 : memref<32x128xf32, #tpu.memory_space<hbm>>) dst(%arg17 : memref<32x128xf32, #tpu.memory_space<vmem>>)
          tpu.yield
        }) : () -> ()
        %scan3A_40 = arith.constant 0 : i32
        %scan3A_41 = arith.constant 32 : i32
        %scan3A_42 = arith.addi %scan3A_40, %scan3A_41 : i32
        %scan3A_43 = arith.constant 1 : i32
        scf.for %scan3A_45 = %scan3A_40 to %scan3A_42 step %scan3A_43  : i32 {
          %mul3A_46 = arith.constant 1 : i32
          %mul3A_47 = arith.muli %scan3A_45, %mul3A_46 : i32
          %add3A_48 = arith.constant 0 : i32
          %add3A_49 = arith.addi %add3A_48, %mul3A_47 : i32
          "tpu.region"() ({
            %run_scoped3A = tpu.sem_alloc : memref<!tpu.dma_semaphore, #tpu.memory_space<semaphore_mem>>
            %dma_start3A = arith.constant 0 : i32
            %dma_start3A_55 = tpu.memref_slice %arg15[%add3A_49, %dma_start3A] : memref<32x128xi32, #tpu.memory_space<vmem>> -> memref<1x128xi32, #tpu.memory_space<vmem>>
            %dma_start3A_56 = tpu.memref_squeeze %dma_start3A_55 : memref<1x128xi32, #tpu.memory_space<vmem>> -> memref<128xi32, #tpu.memory_space<vmem>>
            %dma_start3A_57 = arith.constant 0 : i32
            %dma_start3A_58 = arith.constant 0 : i32
            %dma_start3A_59 = tpu.memref_slice %arg3[%dma_start3A_57, %dma_start3A_58] : memref<10000x128xf32, #tpu.memory_space<hbm>> -> memref<10000x128xf32, #tpu.memory_space<hbm>>
            tpu.enqueue_indirect_dma source(%dma_start3A_59 : memref<10000x128xf32, #tpu.memory_space<hbm>>) target(%arg18 : memref<128x128xf32, #tpu.memory_space<vmem>>) offsets(%dma_start3A_56 : memref<128xi32, #tpu.memory_space<vmem>>) semaphore(%run_scoped3A : memref<!tpu.dma_semaphore, #tpu.memory_space<semaphore_mem>>)
            %dma_wait3A = arith.constant 0 : i32
            %dma_wait3A_60 = tpu.memref_slice %arg15[%add3A_49, %dma_wait3A] : memref<32x128xi32, #tpu.memory_space<vmem>> -> memref<1x128xi32, #tpu.memory_space<vmem>>
            %dma_wait3A_61 = tpu.memref_squeeze %dma_wait3A_60 : memref<1x128xi32, #tpu.memory_space<vmem>> -> memref<128xi32, #tpu.memory_space<vmem>>
            %dma_wait3A_62 = arith.constant 0 : i32
            %dma_wait3A_63 = arith.constant 0 : i32
            %dma_wait3A_64 = tpu.memref_slice %arg3[%dma_wait3A_62, %dma_wait3A_63] : memref<10000x128xf32, #tpu.memory_space<hbm>> -> memref<10000x128xf32, #tpu.memory_space<hbm>>
            tpu.wait_indirect_dma semaphore(%run_scoped3A : memref<!tpu.dma_semaphore, #tpu.memory_space<semaphore_mem>>) src(%dma_wait3A_64 : memref<10000x128xf32, #tpu.memory_space<hbm>>) dst(%arg18 : memref<128x128xf32, #tpu.memory_space<vmem>>)
            tpu.yield
          }) : () -> ()
          %scan3A_50 = arith.constant 0 : i32
          %scan3A_51 = arith.constant 8 : i32
          %scan3A_52 = arith.addi %scan3A_50, %scan3A_51 : i32
          %scan3A_53 = arith.constant 1 : i32
          scf.for %scan3A_55 = %scan3A_50 to %scan3A_52 step %scan3A_53  : i32 {
            %mul3A_56 = arith.constant 1 : i32
            %mul3A_57 = arith.muli %scan3A_55, %mul3A_56 : i32
            %add3A_58 = arith.constant 0 : i32
            %add3A_59 = arith.addi %add3A_58, %mul3A_57 : i32
            %mul3A_60 = arith.constant 16 : i32
            %mul3A_61 = arith.muli %add3A_59, %mul3A_60 : i32
            %get3A = arith.index_cast %add3A_49 : i32 to index
            %get3A_62 = arith.index_cast %mul3A_61 : i32 to index
            %get3A_63 = tpu.vector_load %arg17[%get3A, %get3A_62] {strides = array<i32>} : memref<32x128xf32, #tpu.memory_space<vmem>>, vector<1x16xf32>,
            %get3A_64 = vector.shape_cast %get3A_63 : vector<1x16xf32> to vector<16xf32>
            %mul3A_65 = arith.constant 16 : i32
            %mul3A_66 = arith.muli %add3A_59, %mul3A_65 : i32
            %add3A_67 = arith.constant 0 : i32
            %add3A_68 = arith.addi %mul3A_66, %add3A_67 : i32
            %slice3A = vector.extract_strided_slice %get3A_64 {offsets = [0], sizes = [1], strides = [1]} : vector<16xf32> to vector<1xf32>
            %squeeze3A = vector.extract %slice3A[0] : f32 from vector<1xf32>
            %get3A_69 = arith.index_cast %add3A_68 : i32 to index
            %get3A_70 = arith.constant 0 : index
            %get3A_71 = tpu.vector_load %arg18[%get3A_69, %get3A_70] {strides = array<i32>} : memref<128x128xf32, #tpu.memory_space<vmem>>, vector<1x16xf32>,
            %get3A_72 = vector.shape_cast %get3A_71 : vector<1x16xf32> to vector<16xf32>
            %mul3A_73 = vector.broadcast %squeeze3A : f32 to vector<16xf32>
            %mul3A_74 = arith.mulf %get3A_72, %mul3A_73 : vector<16xf32>
            %swap3A = arith.index_cast %add3A_68 : i32 to index
            %swap3A_75 = arith.constant 0 : index
            %swap3A_76 = tpu.vector_load %arg18[%swap3A, %swap3A_75] {strides = array<i32>} : memref<128x128xf32, #tpu.memory_space<vmem>>, vector<1x16xf32>,
            %swap3A_77 = vector.shape_cast %swap3A_76 : vector<1x16xf32> to vector<16xf32>
            %swap3A_78 = vector.shape_cast %mul3A_74 : vector<16xf32> to vector<1x16xf32>
            tpu.vector_store %arg18[%swap3A, %swap3A_75], %swap3A_78 {strides = array<i32>} : memref<128x128xf32, #tpu.memory_space<vmem>>, vector<1x16xf32>,
            %get3A_79 = arith.index_cast %add3A_68 : i32 to index
            %get3A_80 = arith.constant 16 : index
            %get3A_81 = tpu.vector_load %arg18[%get3A_79, %get3A_80] {strides = array<i32>} : memref<128x128xf32, #tpu.memory_space<vmem>>, vector<1x16xf32>,
            %get3A_82 = vector.shape_cast %get3A_81 : vector<1x16xf32> to vector<16xf32>
            %mul3A_83 = vector.broadcast %squeeze3A : f32 to vector<16xf32>
            %mul3A_84 = arith.mulf %get3A_82, %mul3A_83 : vector<16xf32>
            %swap3A_85 = arith.index_cast %add3A_68 : i32 to index
            %swap3A_86 = arith.constant 16 : index
            %swap3A_87 = tpu.vector_load %arg18[%swap3A_85, %swap3A_86] {strides = array<i32>} : memref<128x128xf32, #tpu.memory_space<vmem>>, vector<1x16xf32>,
            %swap3A_88 = vector.shape_cast %swap3A_87 : vector<1x16xf32> to vector<16xf32>
            %swap3A_89 = vector.shape_cast %mul3A_84 : vector<16xf32> to vector<1x16xf32>
            tpu.vector_store %arg18[%swap3A_85, %swap3A_86], %swap3A_89 {strides = array<i32>} : memref<128x128xf32, #tpu.memory_space<vmem>>, vector<1x16xf32>,
            %get3A_90 = arith.index_cast %add3A_68 : i32 to index
            %get3A_91 = arith.constant 32 : index
            %get3A_92 = tpu.vector_load %arg18[%get3A_90, %get3A_91] {strides = array<i32>} : memref<128x128xf32, #tpu.memory_space<vmem>>, vector<1x16xf32>,
            %get3A_93 = vector.shape_cast %get3A_92 : vector<1x16xf32> to vector<16xf32>
            %mul3A_94 = vector.broadcast %squeeze3A : f32 to vector<16xf32>
            %mul3A_95 = arith.mulf %get3A_93, %mul3A_94 : vector<16xf32>
            %swap3A_96 = arith.index_cast %add3A_68 : i32 to index
            %swap3A_97 = arith.constant 32 : index
            %swap3A_98 = tpu.vector_load %arg18[%swap3A_96, %swap3A_97] {strides = array<i32>} : memref<128x128xf32, #tpu.memory_space<vmem>>, vector<1x16xf32>,
            %swap3A_99 = vector.shape_cast %swap3A_98 : vector<1x16xf32> to vector<16xf32>
            %swap3A_100 = vector.shape_cast %mul3A_95 : vector<16xf32> to vector<1x16xf32>
            tpu.vector_store %arg18[%swap3A_96, %swap3A_97], %swap3A_100 {strides = array<i32>} : memref<128x128xf32, #tpu.memory_space<vmem>>, vector<1x16xf32>,
            %get3A_101 = arith.index_cast %add3A_68 : i32 to index
            %get3A_102 = arith.constant 48 : index
            %get3A_103 = tpu.vector_load %arg18[%get3A_101, %get3A_102] {strides = array<i32>} : memref<128x128xf32, #tpu.memory_space<vmem>>, vector<1x16xf32>,
            %get3A_104 = vector.shape_cast %get3A_103 : vector<1x16xf32> to vector<16xf32>
            %mul3A_105 = vector.broadcast %squeeze3A : f32 to vector<16xf32>
            %mul3A_106 = arith.mulf %get3A_104, %mul3A_105 : vector<16xf32>
            %swap3A_107 = arith.index_cast %add3A_68 : i32 to index
            %swap3A_108 = arith.constant 48 : index
            %swap3A_109 = tpu.vector_load %arg18[%swap3A_107, %swap3A_108] {strides = array<i32>} : memref<128x128xf32, #tpu.memory_space<vmem>>, vector<1x16xf32>,
            %swap3A_110 = vector.shape_cast %swap3A_109 : vector<1x16xf32> to vector<16xf32>
            %swap3A_111 = vector.shape_cast %mul3A_106 : vector<16xf32> to vector<1x16xf32>
            tpu.vector_store %arg18[%swap3A_107, %swap3A_108], %swap3A_111 {strides = array<i32>} : memref<128x128xf32, #tpu.memory_space<vmem>>, vector<1x16xf32>,
            %get3A_112 = arith.index_cast %add3A_68 : i32 to index
            %get3A_113 = arith.constant 64 : index
            %get3A_114 = tpu.vector_load %arg18[%get3A_112, %get3A_113] {strides = array<i32>} : memref<128x128xf32, #tpu.memory_space<vmem>>, vector<1x16xf32>,
            %get3A_115 = vector.shape_cast %get3A_114 : vector<1x16xf32> to vector<16xf32>
            %mul3A_116 = vector.broadcast %squeeze3A : f32 to vector<16xf32>
            %mul3A_117 = arith.mulf %get3A_115, %mul3A_116 : vector<16xf32>
            %swap3A_118 = arith.index_cast %add3A_68 : i32 to index
            %swap3A_119 = arith.constant 64 : index
            %swap3A_120 = tpu.vector_load %arg18[%swap3A_118, %swap3A_119] {strides = array<i32>} : memref<128x128xf32, #tpu.memory_space<vmem>>, vector<1x16xf32>,
            %swap3A_121 = vector.shape_cast %swap3A_120 : vector<1x16xf32> to vector<16xf32>
            %swap3A_122 = vector.shape_cast %mul3A_117 : vector<16xf32> to vector<1x16xf32>
            tpu.vector_store %arg18[%swap3A_118, %swap3A_119], %swap3A_122 {strides = array<i32>} : memref<128x128xf32, #tpu.memory_space<vmem>>, vector<1x16xf32>,
            %get3A_123 = arith.index_cast %add3A_68 : i32 to index
            %get3A_124 = arith.constant 80 : index
            %get3A_125 = tpu.vector_load %arg18[%get3A_123, %get3A_124] {strides = array<i32>} : memref<128x128xf32, #tpu.memory_space<vmem>>, vector<1x16xf32>,
            %get3A_126 = vector.shape_cast %get3A_125 : vector<1x16xf32> to vector<16xf32>
            %mul3A_127 = vector.broadcast %squeeze3A : f32 to vector<16xf32>
            %mul3A_128 = arith.mulf %get3A_126, %mul3A_127 : vector<16xf32>
            %swap3A_129 = arith.index_cast %add3A_68 : i32 to index
            %swap3A_130 = arith.constant 80 : index
            %swap3A_131 = tpu.vector_load %arg18[%swap3A_129, %swap3A_130] {strides = array<i32>} : memref<128x128xf32, #tpu.memory_space<vmem>>, vector<1x16xf32>,
            %swap3A_132 = vector.shape_cast %swap3A_131 : vector<1x16xf32> to vector<16xf32>
            %swap3A_133 = vector.shape_cast %mul3A_128 : vector<16xf32> to vector<1x16xf32>
            tpu.vector_store %arg18[%swap3A_129, %swap3A_130], %swap3A_133 {strides = array<i32>} : memref<128x128xf32, #tpu.memory_space<vmem>>, vector<1x16xf32>,
            %get3A_134 = arith.index_cast %add3A_68 : i32 to index
            %get3A_135 = arith.constant 96 : index
            %get3A_136 = tpu.vector_load %arg18[%get3A_134, %get3A_135] {strides = array<i32>} : memref<128x128xf32, #tpu.memory_space<vmem>>, vector<1x16xf32>,
            %get3A_137 = vector.shape_cast %get3A_136 : vector<1x16xf32> to vector<16xf32>
            %mul3A_138 = vector.broadcast %squeeze3A : f32 to vector<16xf32>
            %mul3A_139 = arith.mulf %get3A_137, %mul3A_138 : vector<16xf32>
            %swap3A_140 = arith.index_cast %add3A_68 : i32 to index
            %swap3A_141 = arith.constant 96 : index
            %swap3A_142 = tpu.vector_load %arg18[%swap3A_140, %swap3A_141] {strides = array<i32>} : memref<128x128xf32, #tpu.memory_space<vmem>>, vector<1x16xf32>,
            %swap3A_143 = vector.shape_cast %swap3A_142 : vector<1x16xf32> to vector<16xf32>
            %swap3A_144 = vector.shape_cast %mul3A_139 : vector<16xf32> to vector<1x16xf32>
            tpu.vector_store %arg18[%swap3A_140, %swap3A_141], %swap3A_144 {strides = array<i32>} : memref<128x128xf32, #tpu.memory_space<vmem>>, vector<1x16xf32>,
            %get3A_145 = arith.index_cast %add3A_68 : i32 to index
            %get3A_146 = arith.constant 112 : index
            %get3A_147 = tpu.vector_load %arg18[%get3A_145, %get3A_146] {strides = array<i32>} : memref<128x128xf32, #tpu.memory_space<vmem>>, vector<1x16xf32>,
            %get3A_148 = vector.shape_cast %get3A_147 : vector<1x16xf32> to vector<16xf32>
            %mul3A_149 = vector.broadcast %squeeze3A : f32 to vector<16xf32>
            %mul3A_150 = arith.mulf %get3A_148, %mul3A_149 : vector<16xf32>
            %swap3A_151 = arith.index_cast %add3A_68 : i32 to index
            %swap3A_152 = arith.constant 112 : index
            %swap3A_153 = tpu.vector_load %arg18[%swap3A_151, %swap3A_152] {strides = array<i32>} : memref<128x128xf32, #tpu.memory_space<vmem>>, vector<1x16xf32>,
            %swap3A_154 = vector.shape_cast %swap3A_153 : vector<1x16xf32> to vector<16xf32>
            %swap3A_155 = vector.shape_cast %mul3A_150 : vector<16xf32> to vector<1x16xf32>
            tpu.vector_store %arg18[%swap3A_151, %swap3A_152], %swap3A_155 {strides = array<i32>} : memref<128x128xf32, #tpu.memory_space<vmem>>, vector<1x16xf32>,
            %mul3A_156 = arith.constant 16 : i32
            %mul3A_157 = arith.muli %add3A_59, %mul3A_156 : i32
            %add3A_158 = arith.constant 1 : i32
            %add3A_159 = arith.addi %mul3A_157, %add3A_158 : i32
            %slice3A_160 = vector.extract_strided_slice %get3A_64 {offsets = [1], sizes = [1], strides = [1]} : vector<16xf32> to vector<1xf32>
            %squeeze3A_161 = vector.extract %slice3A_160[0] : f32 from vector<1xf32>
            %get3A_162 = arith.index_cast %add3A_159 : i32 to index
            %get3A_163 = arith.constant 0 : index
            %get3A_164 = tpu.vector_load %arg18[%get3A_162, %get3A_163] {strides = array<i32>} : memref<128x128xf32, #tpu.memory_space<vmem>>, vector<1x16xf32>,
            %get3A_165 = vector.shape_cast %get3A_164 : vector<1x16xf32> to vector<16xf32>
            %mul3A_166 = vector.broadcast %squeeze3A_161 : f32 to vector<16xf32>
            %mul3A_167 = arith.mulf %get3A_165, %mul3A_166 : vector<16xf32>
            %swap3A_168 = arith.index_cast %add3A_159 : i32 to index
            %swap3A_169 = arith.constant 0 : index
            %swap3A_170 = tpu.vector_load %arg18[%swap3A_168, %swap3A_169] {strides = array<i32>} : memref<128x128xf32, #tpu.memory_space<vmem>>, vector<1x16xf32>,
            %swap3A_171 = vector.shape_cast %swap3A_170 : vector<1x16xf32> to vector<16xf32>
            %swap3A_172 = vector.shape_cast %mul3A_167 : vector<16xf32> to vector<1x16xf32>
            tpu.vector_store %arg18[%swap3A_168, %swap3A_169], %swap3A_172 {strides = array<i32>} : memref<128x128xf32, #tpu.memory_space<vmem>>, vector<1x16xf32>,
            %get3A_173 = arith.index_cast %add3A_159 : i32 to index
            %get3A_174 = arith.constant 16 : index
            %get3A_175 = tpu.vector_load %arg18[%get3A_173, %get3A_174] {strides = array<i32>} : memref<128x128xf32, #tpu.memory_space<vmem>>, vector<1x16xf32>,
            %get3A_176 = vector.shape_cast %get3A_175 : vector<1x16xf32> to vector<16xf32>
            %mul3A_177 = vector.broadcast %squeeze3A_161 : f32 to vector<16xf32>
            %mul3A_178 = arith.mulf %get3A_176, %mul3A_177 : vector<16xf32>
            %swap3A_179 = arith.index_cast %add3A_159 : i32 to index
            %swap3A_180 = arith.constant 16 : index
            %swap3A_181 = tpu.vector_load %arg18[%swap3A_179, %swap3A_180] {strides = array<i32>} : memref<128x128xf32, #tpu.memory_space<vmem>>, vector<1x16xf32>,
            %swap3A_182 = vector.shape_cast %swap3A_181 : vector<1x16xf32> to vector<16xf32>
            %swap3A_183 = vector.shape_cast %mul3A_178 : vector<16xf32> to vector<1x16xf32>
            tpu.vector_store %arg18[%swap3A_179, %swap3A_180], %swap3A_183 {strides = array<i32>} : memref<128x128xf32, #tpu.memory_space<vmem>>, vector<1x16xf32>,
            %get3A_184 = arith.index_cast %add3A_159 : i32 to index
            %get3A_185 = arith.constant 32 : index
            %get3A_186 = tpu.vector_load %arg18[%get3A_184, %get3A_185] {strides = array<i32>} : memref<128x128xf32, #tpu.memory_space<vmem>>, vector<1x16xf32>,
            %get3A_187 = vector.shape_cast %get3A_186 : vector<1x16xf32> to vector<16xf32>
            %mul3A_188 = vector.broadcast %squeeze3A_161 : f32 to vector<16xf32>
            %mul3A_189 = arith.mulf %get3A_187, %mul3A_188 : vector<16xf32>
            %swap3A_190 = arith.index_cast %add3A_159 : i32 to index
            %swap3A_191 = arith.constant 32 : index
            %swap3A_192 = tpu.vector_load %arg18[%swap3A_190, %swap3A_191] {strides = array<i32>} : memref<128x128xf32, #tpu.memory_space<vmem>>, vector<1x16xf32>,
            %swap3A_193 = vector.shape_cast %swap3A_192 : vector<1x16xf32> to vector<16xf32>
            %swap3A_194 = vector.shape_cast %mul3A_189 : vector<16xf32> to vector<1x16xf32>
            tpu.vector_store %arg18[%swap3A_190, %swap3A_191], %swap3A_194 {strides = array<i32>} : memref<128x128xf32, #tpu.memory_space<vmem>>, vector<1x16xf32>,
            %get3A_195 = arith.index_cast %add3A_159 : i32 to index
            %get3A_196 = arith.constant 48 : index
            %get3A_197 = tpu.vector_load %arg18[%get3A_195, %get3A_196] {strides = array<i32>} : memref<128x128xf32, #tpu.memory_space<vmem>>, vector<1x16xf32>,
            %get3A_198 = vector.shape_cast %get3A_197 : vector<1x16xf32> to vector<16xf32>
            %mul3A_199 = vector.broadcast %squeeze3A_161 : f32 to vector<16xf32>
            %mul3A_200 = arith.mulf %get3A_198, %mul3A_199 : vector<16xf32>
            %swap3A_201 = arith.index_cast %add3A_159 : i32 to index
            %swap3A_202 = arith.constant 48 : index
            %swap3A_203 = tpu.vector_load %arg18[%swap3A_201, %swap3A_202] {strides = array<i32>} : memref<128x128xf32, #tpu.memory_space<vmem>>, vector<1x16xf32>,
            %swap3A_204 = vector.shape_cast %swap3A_203 : vector<1x16xf32> to vector<16xf32>
            %swap3A_205 = vector.shape_cast %mul3A_200 : vector<16xf32> to vector<1x16xf32>
            tpu.vector_store %arg18[%swap3A_201, %swap3A_202], %swap3A_205 {strides = array<i32>} : memref<128x128xf32, #tpu.memory_space<vmem>>, vector<1x16xf32>,
            %get3A_206 = arith.index_cast %add3A_159 : i32 to index
            %get3A_207 = arith.constant 64 : index
            %get3A_208 = tpu.vector_load %arg18[%get3A_206, %get3A_207] {strides = array<i32>} : memref<128x128xf32, #tpu.memory_space<vmem>>, vector<1x16xf32>,
            %get3A_209 = vector.shape_cast %get3A_208 : vector<1x16xf32> to vector<16xf32>
            %mul3A_210 = vector.broadcast %squeeze3A_161 : f32 to vector<16xf32>
            %mul3A_211 = arith.mulf %get3A_209, %mul3A_210 : vector<16xf32>
            %swap3A_212 = arith.index_cast %add3A_159 : i32 to index
            %swap3A_213 = arith.constant 64 : index
            %swap3A_214 = tpu.vector_load %arg18[%swap3A_212, %swap3A_213] {strides = array<i32>} : memref<128x128xf32, #tpu.memory_space<vmem>>, vector<1x16xf32>,
            %swap3A_215 = vector.shape_cast %swap3A_214 : vector<1x16xf32> to vector<16xf32>
            %swap3A_216 = vector.shape_cast %mul3A_211 : vector<16xf32> to vector<1x16xf32>
            tpu.vector_store %arg18[%swap3A_212, %swap3A_213], %swap3A_216 {strides = array<i32>} : memref<128x128xf32, #tpu.memory_space<vmem>>, vector<1x16xf32>,
            %get3A_217 = arith.index_cast %add3A_159 : i32 to index
            %get3A_218 = arith.constant 80 : index
            %get3A_219 = tpu.vector_load %arg18[%get3A_217, %get3A_218] {strides = array<i32>} : memref<128x128xf32, #tpu.memory_space<vmem>>, vector<1x16xf32>,
            %get3A_220 = vector.shape_cast %get3A_219 : vector<1x16xf32> to vector<16xf32>
            %mul3A_221 = vector.broadcast %squeeze3A_161 : f32 to vector<16xf32>
            %mul3A_222 = arith.mulf %get3A_220, %mul3A_221 : vector<16xf32>
            %swap3A_223 = arith.index_cast %add3A_159 : i32 to index
            %swap3A_224 = arith.constant 80 : index
            %swap3A_225 = tpu.vector_load %arg18[%swap3A_223, %swap3A_224] {strides = array<i32>} : memref<128x128xf32, #tpu.memory_space<vmem>>, vector<1x16xf32>,
            %swap3A_226 = vector.shape_cast %swap3A_225 : vector<1x16xf32> to vector<16xf32>
            %swap3A_227 = vector.shape_cast %mul3A_222 : vector<16xf32> to vector<1x16xf32>
            tpu.vector_store %arg18[%swap3A_223, %swap3A_224], %swap3A_227 {strides = array<i32>} : memref<128x128xf32, #tpu.memory_space<vmem>>, vector<1x16xf32>,
            %get3A_228 = arith.index_cast %add3A_159 : i32 to index
            %get3A_229 = arith.constant 96 : index
            %get3A_230 = tpu.vector_load %arg18[%get3A_228, %get3A_229] {strides = array<i32>} : memref<128x128xf32, #tpu.memory_space<vmem>>, vector<1x16xf32>,
            %get3A_231 = vector.shape_cast %get3A_230 : vector<1x16xf32> to vector<16xf32>
            %mul3A_232 = vector.broadcast %squeeze3A_161 : f32 to vector<16xf32>
            %mul3A_233 = arith.mulf %get3A_231, %mul3A_232 : vector<16xf32>
            %swap3A_234 = arith.index_cast %add3A_159 : i32 to index
            %swap3A_235 = arith.constant 96 : index
            %swap3A_236 = tpu.vector_load %arg18[%swap3A_234, %swap3A_235] {strides = array<i32>} : memref<128x128xf32, #tpu.memory_space<vmem>>, vector<1x16xf32>,
            %swap3A_237 = vector.shape_cast %swap3A_236 : vector<1x16xf32> to vector<16xf32>
            %swap3A_238 = vector.shape_cast %mul3A_233 : vector<16xf32> to vector<1x16xf32>
            tpu.vector_store %arg18[%swap3A_234, %swap3A_235], %swap3A_238 {strides = array<i32>} : memref<128x128xf32, #tpu.memory_space<vmem>>, vector<1x16xf32>,
            %get3A_239 = arith.index_cast %add3A_159 : i32 to index
            %get3A_240 = arith.constant 112 : index
            %get3A_241 = tpu.vector_load %arg18[%get3A_239, %get3A_240] {strides = array<i32>} : memref<128x128xf32, #tpu.memory_space<vmem>>, vector<1x16xf32>,
            %get3A_242 = vector.shape_cast %get3A_241 : vector<1x16xf32> to vector<16xf32>
            %mul3A_243 = vector.broadcast %squeeze3A_161 : f32 to vector<16xf32>
            %mul3A_244 = arith.mulf %get3A_242, %mul3A_243 : vector<16xf32>
            %swap3A_245 = arith.index_cast %add3A_159 : i32 to index
            %swap3A_246 = arith.constant 112 : index
            %swap3A_247 = tpu.vector_load %arg18[%swap3A_245, %swap3A_246] {strides = array<i32>} : memref<128x128xf32, #tpu.memory_space<vmem>>, vector<1x16xf32>,
            %swap3A_248 = vector.shape_cast %swap3A_247 : vector<1x16xf32> to vector<16xf32>
            %swap3A_249 = vector.shape_cast %mul3A_244 : vector<16xf32> to vector<1x16xf32>
            tpu.vector_store %arg18[%swap3A_245, %swap3A_246], %swap3A_249 {strides = array<i32>} : memref<128x128xf32, #tpu.memory_space<vmem>>, vector<1x16xf32>,
            %mul3A_250 = arith.constant 16 : i32
            %mul3A_251 = arith.muli %add3A_59, %mul3A_250 : i32
            %add3A_252 = arith.constant 2 : i32
            %add3A_253 = arith.addi %mul3A_251, %add3A_252 : i32
            %slice3A_254 = vector.extract_strided_slice %get3A_64 {offsets = [2], sizes = [1], strides = [1]} : vector<16xf32> to vector<1xf32>
            %squeeze3A_255 = vector.extract %slice3A_254[0] : f32 from vector<1xf32>
            %get3A_256 = arith.index_cast %add3A_253 : i32 to index
            %get3A_257 = arith.constant 0 : index
            %get3A_258 = tpu.vector_load %arg18[%get3A_256, %get3A_257] {strides = array<i32>} : memref<128x128xf32, #tpu.memory_space<vmem>>, vector<1x16xf32>,
            %get3A_259 = vector.shape_cast %get3A_258 : vector<1x16xf32> to vector<16xf32>
            %mul3A_260 = vector.broadcast %squeeze3A_255 : f32 to vector<16xf32>
            %mul3A_261 = arith.mulf %get3A_259, %mul3A_260 : vector<16xf32>
            %swap3A_262 = arith.index_cast %add3A_253 : i32 to index
            %swap3A_263 = arith.constant 0 : index
            %swap3A_264 = tpu.vector_load %arg18[%swap3A_262, %swap3A_263] {strides = array<i32>} : memref<128x128xf32, #tpu.memory_space<vmem>>, vector<1x16xf32>,
            %swap3A_265 = vector.shape_cast %swap3A_264 : vector<1x16xf32> to vector<16xf32>
            %swap3A_266 = vector.shape_cast %mul3A_261 : vector<16xf32> to vector<1x16xf32>
            tpu.vector_store %arg18[%swap3A_262, %swap3A_263], %swap3A_266 {strides = array<i32>} : memref<128x128xf32, #tpu.memory_space<vmem>>, vector<1x16xf32>,
            %get3A_267 = arith.index_cast %add3A_253 : i32 to index
            %get3A_268 = arith.constant 16 : index
            %get3A_269 = tpu.vector_load %arg18[%get3A_267, %get3A_268] {strides = array<i32>} : memref<128x128xf32, #tpu.memory_space<vmem>>, vector<1x16xf32>,
            %get3A_270 = vector.shape_cast %get3A_269 : vector<1x16xf32> to vector<16xf32>
            %mul3A_271 = vector.broadcast %squeeze3A_255 : f32 to vector<16xf32>
            %mul3A_272 = arith.mulf %get3A_270, %mul3A_271 : vector<16xf32>
            %swap3A_273 = arith.index_cast %add3A_253 : i32 to index
            %swap3A_274 = arith.constant 16 : index
            %swap3A_275 = tpu.vector_load %arg18[%swap3A_273, %swap3A_274] {strides = array<i32>} : memref<128x128xf32, #tpu.memory_space<vmem>>, vector<1x16xf32>,
            %swap3A_276 = vector.shape_cast %swap3A_275 : vector<1x16xf32> to vector<16xf32>
            %swap3A_277 = vector.shape_cast %mul3A_272 : vector<16xf32> to vector<1x16xf32>
            tpu.vector_store %arg18[%swap3A_273, %swap3A_274], %swap3A_277 {strides = array<i32>} : memref<128x128xf32, #tpu.memory_space<vmem>>, vector<1x16xf32>,
            %get3A_278 = arith.index_cast %add3A_253 : i32 to index
            %get3A_279 = arith.constant 32 : index
            %get3A_280 = tpu.vector_load %arg18[%get3A_278, %get3A_279] {strides = array<i32>} : memref<128x128xf32, #tpu.memory_space<vmem>>, vector<1x16xf32>,
            %get3A_281 = vector.shape_cast %get3A_280 : vector<1x16xf32> to vector<16xf32>
            %mul3A_282 = vector.broadcast %squeeze3A_255 : f32 to vector<16xf32>
            %mul3A_283 = arith.mulf %get3A_281, %mul3A_282 : vector<16xf32>
            %swap3A_284 = arith.index_cast %add3A_253 : i32 to index
            %swap3A_285 = arith.constant 32 : index
            %swap3A_286 = tpu.vector_load %arg18[%swap3A_284, %swap3A_285] {strides = array<i32>} : memref<128x128xf32, #tpu.memory_space<vmem>>, vector<1x16xf32>,
            %swap3A_287 = vector.shape_cast %swap3A_286 : vector<1x16xf32> to vector<16xf32>
            %swap3A_288 = vector.shape_cast %mul3A_283 : vector<16xf32> to vector<1x16xf32>
            tpu.vector_store %arg18[%swap3A_284, %swap3A_285], %swap3A_288 {strides = array<i32>} : memref<128x128xf32, #tpu.memory_space<vmem>>, vector<1x16xf32>,
            %get3A_289 = arith.index_cast %add3A_253 : i32 to index
            %get3A_290 = arith.constant 48 : index
            %get3A_291 = tpu.vector_load %arg18[%get3A_289, %get3A_290] {strides = array<i32>} : memref<128x128xf32, #tpu.memory_space<vmem>>, vector<1x16xf32>,
            %get3A_292 = vector.shape_cast %get3A_291 : vector<1x16xf32> to vector<16xf32>
            %mul3A_293 = vector.broadcast %squeeze3A_255 : f32 to vector<16xf32>
            %mul3A_294 = arith.mulf %get3A_292, %mul3A_293 : vector<16xf32>
            %swap3A_295 = arith.index_cast %add3A_253 : i32 to index
            %swap3A_296 = arith.constant 48 : index
            %swap3A_297 = tpu.vector_load %arg18[%swap3A_295, %swap3A_296] {strides = array<i32>} : memref<128x128xf32, #tpu.memory_space<vmem>>, vector<1x16xf32>,
            %swap3A_298 = vector.shape_cast %swap3A_297 : vector<1x16xf32> to vector<16xf32>
            %swap3A_299 = vector.shape_cast %mul3A_294 : vector<16xf32> to vector<1x16xf32>
            tpu.vector_store %arg18[%swap3A_295, %swap3A_296], %swap3A_299 {strides = array<i32>} : memref<128x128xf32, #tpu.memory_space<vmem>>, vector<1x16xf32>,
            %get3A_300 = arith.index_cast %add3A_253 : i32 to index
            %get3A_301 = arith.constant 64 : index
            %get3A_302 = tpu.vector_load %arg18[%get3A_300, %get3A_301] {strides = array<i32>} : memref<128x128xf32, #tpu.memory_space<vmem>>, vector<1x16xf32>,
            %get3A_303 = vector.shape_cast %get3A_302 : vector<1x16xf32> to vector<16xf32>
            %mul3A_304 = vector.broadcast %squeeze3A_255 : f32 to vector<16xf32>
            %mul3A_305 = arith.mulf %get3A_303, %mul3A_304 : vector<16xf32>
            %swap3A_306 = arith.index_cast %add3A_253 : i32 to index
            %swap3A_307 = arith.constant 64 : index
            %swap3A_308 = tpu.vector_load %arg18[%swap3A_306, %swap3A_307] {strides = array<i32>} : memref<128x128xf32, #tpu.memory_space<vmem>>, vector<1x16xf32>,
            %swap3A_309 = vector.shape_cast %swap3A_308 : vector<1x16xf32> to vector<16xf32>
            %swap3A_310 = vector.shape_cast %mul3A_305 : vector<16xf32> to vector<1x16xf32>
            tpu.vector_store %arg18[%swap3A_306, %swap3A_307], %swap3A_310 {strides = array<i32>} : memref<128x128xf32, #tpu.memory_space<vmem>>, vector<1x16xf32>,
            %get3A_311 = arith.index_cast %add3A_253 : i32 to index
            %get3A_312 = arith.constant 80 : index
            %get3A_313 = tpu.vector_load %arg18[%get3A_311, %get3A_312] {strides = array<i32>} : memref<128x128xf32, #tpu.memory_space<vmem>>, vector<1x16xf32>,
            %get3A_314 = vector.shape_cast %get3A_313 : vector<1x16xf32> to vector<16xf32>
            %mul3A_315 = vector.broadcast %squeeze3A_255 : f32 to vector<16xf32>
            %mul3A_316 = arith.mulf %get3A_314, %mul3A_315 : vector<16xf32>
            %swap3A_317 = arith.index_cast %add3A_253 : i32 to index
            %swap3A_318 = arith.constant 80 : index
            %swap3A_319 = tpu.vector_load %arg18[%swap3A_317, %swap3A_318] {strides = array<i32>} : memref<128x128xf32, #tpu.memory_space<vmem>>, vector<1x16xf32>,
            %swap3A_320 = vector.shape_cast %swap3A_319 : vector<1x16xf32> to vector<16xf32>
            %swap3A_321 = vector.shape_cast %mul3A_316 : vector<16xf32> to vector<1x16xf32>
            tpu.vector_store %arg18[%swap3A_317, %swap3A_318], %swap3A_321 {strides = array<i32>} : memref<128x128xf32, #tpu.memory_space<vmem>>, vector<1x16xf32>,
            %get3A_322 = arith.index_cast %add3A_253 : i32 to index
            %get3A_323 = arith.constant 96 : index
            %get3A_324 = tpu.vector_load %arg18[%get3A_322, %get3A_323] {strides = array<i32>} : memref<128x128xf32, #tpu.memory_space<vmem>>, vector<1x16xf32>,
            %get3A_325 = vector.shape_cast %get3A_324 : vector<1x16xf32> to vector<16xf32>
            %mul3A_326 = vector.broadcast %squeeze3A_255 : f32 to vector<16xf32>
            %mul3A_327 = arith.mulf %get3A_325, %mul3A_326 : vector<16xf32>
            %swap3A_328 = arith.index_cast %add3A_253 : i32 to index
            %swap3A_329 = arith.constant 96 : index
            %swap3A_330 = tpu.vector_load %arg18[%swap3A_328, %swap3A_329] {strides = array<i32>} : memref<128x128xf32, #tpu.memory_space<vmem>>, vector<1x16xf32>,
            %swap3A_331 = vector.shape_cast %swap3A_330 : vector<1x16xf32> to vector<16xf32>
            %swap3A_332 = vector.shape_cast %mul3A_327 : vector<16xf32> to vector<1x16xf32>
            tpu.vector_store %arg18[%swap3A_328, %swap3A_329], %swap3A_332 {strides = array<i32>} : memref<128x128xf32, #tpu.memory_space<vmem>>, vector<1x16xf32>,
            %get3A_333 = arith.index_cast %add3A_253 : i32 to index
            %get3A_334 = arith.constant 112 : index
            %get3A_335 = tpu.vector_load %arg18[%get3A_333, %get3A_334] {strides = array<i32>} : memref<128x128xf32, #tpu.memory_space<vmem>>, vector<1x16xf32>,
            %get3A_336 = vector.shape_cast %get3A_335 : vector<1x16xf32> to vector<16xf32>
            %mul3A_337 = vector.broadcast %squeeze3A_255 : f32 to vector<16xf32>
            %mul3A_338 = arith.mulf %get3A_336, %mul3A_337 : vector<16xf32>
            %swap3A_339 = arith.index_cast %add3A_253 : i32 to index
            %swap3A_340 = arith.constant 112 : index
            %swap3A_341 = tpu.vector_load %arg18[%swap3A_339, %swap3A_340] {strides = array<i32>} : memref<128x128xf32, #tpu.memory_space<vmem>>, vector<1x16xf32>,
            %swap3A_342 = vector.shape_cast %swap3A_341 : vector<1x16xf32> to vector<16xf32>
            %swap3A_343 = vector.shape_cast %mul3A_338 : vector<16xf32> to vector<1x16xf32>
            tpu.vector_store %arg18[%swap3A_339, %swap3A_340], %swap3A_343 {strides = array<i32>} : memref<128x128xf32, #tpu.memory_space<vmem>>, vector<1x16xf32>,
            %mul3A_344 = arith.constant 16 : i32
            %mul3A_345 = arith.muli %add3A_59, %mul3A_344 : i32
            %add3A_346 = arith.constant 3 : i32
            %add3A_347 = arith.addi %mul3A_345, %add3A_346 : i32
            %slice3A_348 = vector.extract_strided_slice %get3A_64 {offsets = [3], sizes = [1], strides = [1]} : vector<16xf32> to vector<1xf32>
            %squeeze3A_349 = vector.extract %slice3A_348[0] : f32 from vector<1xf32>
            %get3A_350 = arith.index_cast %add3A_347 : i32 to index
            %get3A_351 = arith.constant 0 : index
            %get3A_352 = tpu.vector_load %arg18[%get3A_350, %get3A_351] {strides = array<i32>} : memref<128x128xf32, #tpu.memory_space<vmem>>, vector<1x16xf32>,
            %get3A_353 = vector.shape_cast %get3A_352 : vector<1x16xf32> to vector<16xf32>
            %mul3A_354 = vector.broadcast %squeeze3A_349 : f32 to vector<16xf32>
            %mul3A_355 = arith.mulf %get3A_353, %mul3A_354 : vector<16xf32>
            %swap3A_356 = arith.index_cast %add3A_347 : i32 to index
            %swap3A_357 = arith.constant 0 : index
            %swap3A_358 = tpu.vector_load %arg18[%swap3A_356, %swap3A_357] {strides = array<i32>} : memref<128x128xf32, #tpu.memory_space<vmem>>, vector<1x16xf32>,
            %swap3A_359 = vector.shape_cast %swap3A_358 : vector<1x16xf32> to vector<16xf32>
            %swap3A_360 = vector.shape_cast %mul3A_355 : vector<16xf32> to vector<1x16xf32>
            tpu.vector_store %arg18[%swap3A_356, %swap3A_357], %swap3A_360 {strides = array<i32>} : memref<128x128xf32, #tpu.memory_space<vmem>>, vector<1x16xf32>,
            %get3A_361 = arith.index_cast %add3A_347 : i32 to index
            %get3A_362 = arith.constant 16 : index
            %get3A_363 = tpu.vector_load %arg18[%get3A_361, %get3A_362] {strides = array<i32>} : memref<128x128xf32, #tpu.memory_space<vmem>>, vector<1x16xf32>,
            %get3A_364 = vector.shape_cast %get3A_363 : vector<1x16xf32> to vector<16xf32>
            %mul3A_365 = vector.broadcast %squeeze3A_349 : f32 to vector<16xf32>
            %mul3A_366 = arith.mulf %get3A_364, %mul3A_365 : vector<16xf32>
            %swap3A_367 = arith.index_cast %add3A_347 : i32 to index
            %swap3A_368 = arith.constant 16 : index
            %swap3A_369 = tpu.vector_load %arg18[%swap3A_367, %swap3A_368] {strides = array<i32>} : memref<128x128xf32, #tpu.memory_space<vmem>>, vector<1x16xf32>,
            %swap3A_370 = vector.shape_cast %swap3A_369 : vector<1x16xf32> to vector<16xf32>
            %swap3A_371 = vector.shape_cast %mul3A_366 : vector<16xf32> to vector<1x16xf32>
            tpu.vector_store %arg18[%swap3A_367, %swap3A_368], %swap3A_371 {strides = array<i32>} : memref<128x128xf32, #tpu.memory_space<vmem>>, vector<1x16xf32>,
            %get3A_372 = arith.index_cast %add3A_347 : i32 to index
            %get3A_373 = arith.constant 32 : index
            %get3A_374 = tpu.vector_load %arg18[%get3A_372, %get3A_373] {strides = array<i32>} : memref<128x128xf32, #tpu.memory_space<vmem>>, vector<1x16xf32>,
            %get3A_375 = vector.shape_cast %get3A_374 : vector<1x16xf32> to vector<16xf32>
            %mul3A_376 = vector.broadcast %squeeze3A_349 : f32 to vector<16xf32>
            %mul3A_377 = arith.mulf %get3A_375, %mul3A_376 : vector<16xf32>
            %swap3A_378 = arith.index_cast %add3A_347 : i32 to index
            %swap3A_379 = arith.constant 32 : index
            %swap3A_380 = tpu.vector_load %arg18[%swap3A_378, %swap3A_379] {strides = array<i32>} : memref<128x128xf32, #tpu.memory_space<vmem>>, vector<1x16xf32>,
            %swap3A_381 = vector.shape_cast %swap3A_380 : vector<1x16xf32> to vector<16xf32>
            %swap3A_382 = vector.shape_cast %mul3A_377 : vector<16xf32> to vector<1x16xf32>
            tpu.vector_store %arg18[%swap3A_378, %swap3A_379], %swap3A_382 {strides = array<i32>} : memref<128x128xf32, #tpu.memory_space<vmem>>, vector<1x16xf32>,
            %get3A_383 = arith.index_cast %add3A_347 : i32 to index
            %get3A_384 = arith.constant 48 : index
            %get3A_385 = tpu.vector_load %arg18[%get3A_383, %get3A_384] {strides = array<i32>} : memref<128x128xf32, #tpu.memory_space<vmem>>, vector<1x16xf32>,
            %get3A_386 = vector.shape_cast %get3A_385 : vector<1x16xf32> to vector<16xf32>
            %mul3A_387 = vector.broadcast %squeeze3A_349 : f32 to vector<16xf32>
            %mul3A_388 = arith.mulf %get3A_386, %mul3A_387 : vector<16xf32>
            %swap3A_389 = arith.index_cast %add3A_347 : i32 to index
            %swap3A_390 = arith.constant 48 : index
            %swap3A_391 = tpu.vector_load %arg18[%swap3A_389, %swap3A_390] {strides = array<i32>} : memref<128x128xf32, #tpu.memory_space<vmem>>, vector<1x16xf32>,
            %swap3A_392 = vector.shape_cast %swap3A_391 : vector<1x16xf32> to vector<16xf32>
            %swap3A_393 = vector.shape_cast %mul3A_388 : vector<16xf32> to vector<1x16xf32>
            tpu.vector_store %arg18[%swap3A_389, %swap3A_390], %swap3A_393 {strides = array<i32>} : memref<128x128xf32, #tpu.memory_space<vmem>>, vector<1x16xf32>,
            %get3A_394 = arith.index_cast %add3A_347 : i32 to index
            %get3A_395 = arith.constant 64 : index
            %get3A_396 = tpu.vector_load %arg18[%get3A_394, %get3A_395] {strides = array<i32>} : memref<128x128xf32, #tpu.memory_space<vmem>>, vector<1x16xf32>,
            %get3A_397 = vector.shape_cast %get3A_396 : vector<1x16xf32> to vector<16xf32>
            %mul3A_398 = vector.broadcast %squeeze3A_349 : f32 to vector<16xf32>
            %mul3A_399 = arith.mulf %get3A_397, %mul3A_398 : vector<16xf32>
            %swap3A_400 = arith.index_cast %add3A_347 : i32 to index
            %swap3A_401 = arith.constant 64 : index
            %swap3A_402 = tpu.vector_load %arg18[%swap3A_400, %swap3A_401] {strides = array<i32>} : memref<128x128xf32, #tpu.memory_space<vmem>>, vector<1x16xf32>,
            %swap3A_403 = vector.shape_cast %swap3A_402 : vector<1x16xf32> to vector<16xf32>
            %swap3A_404 = vector.shape_cast %mul3A_399 : vector<16xf32> to vector<1x16xf32>
            tpu.vector_store %arg18[%swap3A_400, %swap3A_401], %swap3A_404 {strides = array<i32>} : memref<128x128xf32, #tpu.memory_space<vmem>>, vector<1x16xf32>,
            %get3A_405 = arith.index_cast %add3A_347 : i32 to index
            %get3A_406 = arith.constant 80 : index
            %get3A_407 = tpu.vector_load %arg18[%get3A_405, %get3A_406] {strides = array<i32>} : memref<128x128xf32, #tpu.memory_space<vmem>>, vector<1x16xf32>,
            %get3A_408 = vector.shape_cast %get3A_407 : vector<1x16xf32> to vector<16xf32>
            %mul3A_409 = vector.broadcast %squeeze3A_349 : f32 to vector<16xf32>
            %mul3A_410 = arith.mulf %get3A_408, %mul3A_409 : vector<16xf32>
            %swap3A_411 = arith.index_cast %add3A_347 : i32 to index
            %swap3A_412 = arith.constant 80 : index
            %swap3A_413 = tpu.vector_load %arg18[%swap3A_411, %swap3A_412] {strides = array<i32>} : memref<128x128xf32, #tpu.memory_space<vmem>>, vector<1x16xf32>,
            %swap3A_414 = vector.shape_cast %swap3A_413 : vector<1x16xf32> to vector<16xf32>
            %swap3A_415 = vector.shape_cast %mul3A_410 : vector<16xf32> to vector<1x16xf32>
            tpu.vector_store %arg18[%swap3A_411, %swap3A_412], %swap3A_415 {strides = array<i32>} : memref<128x128xf32, #tpu.memory_space<vmem>>, vector<1x16xf32>,
            %get3A_416 = arith.index_cast %add3A_347 : i32 to index
            %get3A_417 = arith.constant 96 : index
            %get3A_418 = tpu.vector_load %arg18[%get3A_416, %get3A_417] {strides = array<i32>} : memref<128x128xf32, #tpu.memory_space<vmem>>, vector<1x16xf32>,
            %get3A_419 = vector.shape_cast %get3A_418 : vector<1x16xf32> to vector<16xf32>
            %mul3A_420 = vector.broadcast %squeeze3A_349 : f32 to vector<16xf32>
            %mul3A_421 = arith.mulf %get3A_419, %mul3A_420 : vector<16xf32>
            %swap3A_422 = arith.index_cast %add3A_347 : i32 to index
            %swap3A_423 = arith.constant 96 : index
            %swap3A_424 = tpu.vector_load %arg18[%swap3A_422, %swap3A_423] {strides = array<i32>} : memref<128x128xf32, #tpu.memory_space<vmem>>, vector<1x16xf32>,
            %swap3A_425 = vector.shape_cast %swap3A_424 : vector<1x16xf32> to vector<16xf32>
            %swap3A_426 = vector.shape_cast %mul3A_421 : vector<16xf32> to vector<1x16xf32>
            tpu.vector_store %arg18[%swap3A_422, %swap3A_423], %swap3A_426 {strides = array<i32>} : memref<128x128xf32, #tpu.memory_space<vmem>>, vector<1x16xf32>,
            %get3A_427 = arith.index_cast %add3A_347 : i32 to index
            %get3A_428 = arith.constant 112 : index
            %get3A_429 = tpu.vector_load %arg18[%get3A_427, %get3A_428] {strides = array<i32>} : memref<128x128xf32, #tpu.memory_space<vmem>>, vector<1x16xf32>,
            %get3A_430 = vector.shape_cast %get3A_429 : vector<1x16xf32> to vector<16xf32>
            %mul3A_431 = vector.broadcast %squeeze3A_349 : f32 to vector<16xf32>
            %mul3A_432 = arith.mulf %get3A_430, %mul3A_431 : vector<16xf32>
            %swap3A_433 = arith.index_cast %add3A_347 : i32 to index
            %swap3A_434 = arith.constant 112 : index
            %swap3A_435 = tpu.vector_load %arg18[%swap3A_433, %swap3A_434] {strides = array<i32>} : memref<128x128xf32, #tpu.memory_space<vmem>>, vector<1x16xf32>,
            %swap3A_436 = vector.shape_cast %swap3A_435 : vector<1x16xf32> to vector<16xf32>
            %swap3A_437 = vector.shape_cast %mul3A_432 : vector<16xf32> to vector<1x16xf32>
            tpu.vector_store %arg18[%swap3A_433, %swap3A_434], %swap3A_437 {strides = array<i32>} : memref<128x128xf32, #tpu.memory_space<vmem>>, vector<1x16xf32>,
            %mul3A_438 = arith.constant 16 : i32
            %mul3A_439 = arith.muli %add3A_59, %mul3A_438 : i32
            %add3A_440 = arith.constant 4 : i32
            %add3A_441 = arith.addi %mul3A_439, %add3A_440 : i32
            %slice3A_442 = vector.extract_strided_slice %get3A_64 {offsets = [4], sizes = [1], strides = [1]} : vector<16xf32> to vector<1xf32>
            %squeeze3A_443 = vector.extract %slice3A_442[0] : f32 from vector<1xf32>
            %get3A_444 = arith.index_cast %add3A_441 : i32 to index
            %get3A_445 = arith.constant 0 : index
            %get3A_446 = tpu.vector_load %arg18[%get3A_444, %get3A_445] {strides = array<i32>} : memref<128x128xf32, #tpu.memory_space<vmem>>, vector<1x16xf32>,
            %get3A_447 = vector.shape_cast %get3A_446 : vector<1x16xf32> to vector<16xf32>
            %mul3A_448 = vector.broadcast %squeeze3A_443 : f32 to vector<16xf32>
            %mul3A_449 = arith.mulf %get3A_447, %mul3A_448 : vector<16xf32>
            %swap3A_450 = arith.index_cast %add3A_441 : i32 to index
            %swap3A_451 = arith.constant 0 : index
            %swap3A_452 = tpu.vector_load %arg18[%swap3A_450, %swap3A_451] {strides = array<i32>} : memref<128x128xf32, #tpu.memory_space<vmem>>, vector<1x16xf32>,
            %swap3A_453 = vector.shape_cast %swap3A_452 : vector<1x16xf32> to vector<16xf32>
            %swap3A_454 = vector.shape_cast %mul3A_449 : vector<16xf32> to vector<1x16xf32>
            tpu.vector_store %arg18[%swap3A_450, %swap3A_451], %swap3A_454 {strides = array<i32>} : memref<128x128xf32, #tpu.memory_space<vmem>>, vector<1x16xf32>,
            %get3A_455 = arith.index_cast %add3A_441 : i32 to index
            %get3A_456 = arith.constant 16 : index
            %get3A_457 = tpu.vector_load %arg18[%get3A_455, %get3A_456] {strides = array<i32>} : memref<128x128xf32, #tpu.memory_space<vmem>>, vector<1x16xf32>,
            %get3A_458 = vector.shape_cast %get3A_457 : vector<1x16xf32> to vector<16xf32>
            %mul3A_459 = vector.broadcast %squeeze3A_443 : f32 to vector<16xf32>
            %mul3A_460 = arith.mulf %get3A_458, %mul3A_459 : vector<16xf32>
            %swap3A_461 = arith.index_cast %add3A_441 : i32 to index
            %swap3A_462 = arith.constant 16 : index
            %swap3A_463 = tpu.vector_load %arg18[%swap3A_461, %swap3A_462] {strides = array<i32>} : memref<128x128xf32, #tpu.memory_space<vmem>>, vector<1x16xf32>,
            %swap3A_464 = vector.shape_cast %swap3A_463 : vector<1x16xf32> to vector<16xf32>
            %swap3A_465 = vector.shape_cast %mul3A_460 : vector<16xf32> to vector<1x16xf32>
            tpu.vector_store %arg18[%swap3A_461, %swap3A_462], %swap3A_465 {strides = array<i32>} : memref<128x128xf32, #tpu.memory_space<vmem>>, vector<1x16xf32>,
            %get3A_466 = arith.index_cast %add3A_441 : i32 to index
            %get3A_467 = arith.constant 32 : index
            %get3A_468 = tpu.vector_load %arg18[%get3A_466, %get3A_467] {strides = array<i32>} : memref<128x128xf32, #tpu.memory_space<vmem>>, vector<1x16xf32>,
            %get3A_469 = vector.shape_cast %get3A_468 : vector<1x16xf32> to vector<16xf32>
            %mul3A_470 = vector.broadcast %squeeze3A_443 : f32 to vector<16xf32>
            %mul3A_471 = arith.mulf %get3A_469, %mul3A_470 : vector<16xf32>
            %swap3A_472 = arith.index_cast %add3A_441 : i32 to index
            %swap3A_473 = arith.constant 32 : index
            %swap3A_474 = tpu.vector_load %arg18[%swap3A_472, %swap3A_473] {strides = array<i32>} : memref<128x128xf32, #tpu.memory_space<vmem>>, vector<1x16xf32>,
            %swap3A_475 = vector.shape_cast %swap3A_474 : vector<1x16xf32> to vector<16xf32>
            %swap3A_476 = vector.shape_cast %mul3A_471 : vector<16xf32> to vector<1x16xf32>
            tpu.vector_store %arg18[%swap3A_472, %swap3A_473], %swap3A_476 {strides = array<i32>} : memref<128x128xf32, #tpu.memory_space<vmem>>, vector<1x16xf32>,
            %get3A_477 = arith.index_cast %add3A_441 : i32 to index
            %get3A_478 = arith.constant 48 : index
            %get3A_479 = tpu.vector_load %arg18[%get3A_477, %get3A_478] {strides = array<i32>} : memref<128x128xf32, #tpu.memory_space<vmem>>, vector<1x16xf32>,
            %get3A_480 = vector.shape_cast %get3A_479 : vector<1x16xf32> to vector<16xf32>
            %mul3A_481 = vector.broadcast %squeeze3A_443 : f32 to vector<16xf32>
            %mul3A_482 = arith.mulf %get3A_480, %mul3A_481 : vector<16xf32>
            %swap3A_483 = arith.index_cast %add3A_441 : i32 to index
            %swap3A_484 = arith.constant 48 : index
            %swap3A_485 = tpu.vector_load %arg18[%swap3A_483, %swap3A_484] {strides = array<i32>} : memref<128x128xf32, #tpu.memory_space<vmem>>, vector<1x16xf32>,
            %swap3A_486 = vector.shape_cast %swap3A_485 : vector<1x16xf32> to vector<16xf32>
            %swap3A_487 = vector.shape_cast %mul3A_482 : vector<16xf32> to vector<1x16xf32>
            tpu.vector_store %arg18[%swap3A_483, %swap3A_484], %swap3A_487 {strides = array<i32>} : memref<128x128xf32, #tpu.memory_space<vmem>>, vector<1x16xf32>,
            %get3A_488 = arith.index_cast %add3A_441 : i32 to index
            %get3A_489 = arith.constant 64 : index
            %get3A_490 = tpu.vector_load %arg18[%get3A_488, %get3A_489] {strides = array<i32>} : memref<128x128xf32, #tpu.memory_space<vmem>>, vector<1x16xf32>,
            %get3A_491 = vector.shape_cast %get3A_490 : vector<1x16xf32> to vector<16xf32>
            %mul3A_492 = vector.broadcast %squeeze3A_443 : f32 to vector<16xf32>
            %mul3A_493 = arith.mulf %get3A_491, %mul3A_492 : vector<16xf32>
            %swap3A_494 = arith.index_cast %add3A_441 : i32 to index
            %swap3A_495 = arith.constant 64 : index
            %swap3A_496 = tpu.vector_load %arg18[%swap3A_494, %swap3A_495] {strides = array<i32>} : memref<128x128xf32, #tpu.memory_space<vmem>>, vector<1x16xf32>,
            %swap3A_497 = vector.shape_cast %swap3A_496 : vector<1x16xf32> to vector<16xf32>
            %swap3A_498 = vector.shape_cast %mul3A_493 : vector<16xf32> to vector<1x16xf32>
            tpu.vector_store %arg18[%swap3A_494, %swap3A_495], %swap3A_498 {strides = array<i32>} : memref<128x128xf32, #tpu.memory_space<vmem>>, vector<1x16xf32>,
            %get3A_499 = arith.index_cast %add3A_441 : i32 to index
            %get3A_500 = arith.constant 80 : index
            %get3A_501 = tpu.vector_load %arg18[%get3A_499, %get3A_500] {strides = array<i32>} : memref<128x128xf32, #tpu.memory_space<vmem>>, vector<1x16xf32>,
            %get3A_502 = vector.shape_cast %get3A_501 : vector<1x16xf32> to vector<16xf32>
            %mul3A_503 = vector.broadcast %squeeze3A_443 : f32 to vector<16xf32>
            %mul3A_504 = arith.mulf %get3A_502, %mul3A_503 : vector<16xf32>
            %swap3A_505 = arith.index_cast %add3A_441 : i32 to index
            %swap3A_506 = arith.constant 80 : index
            %swap3A_507 = tpu.vector_load %arg18[%swap3A_505, %swap3A_506] {strides = array<i32>} : memref<128x128xf32, #tpu.memory_space<vmem>>, vector<1x16xf32>,
            %swap3A_508 = vector.shape_cast %swap3A_507 : vector<1x16xf32> to vector<16xf32>
            %swap3A_509 = vector.shape_cast %mul3A_504 : vector<16xf32> to vector<1x16xf32>
            tpu.vector_store %arg18[%swap3A_505, %swap3A_506], %swap3A_509 {strides = array<i32>} : memref<128x128xf32, #tpu.memory_space<vmem>>, vector<1x16xf32>,
            %get3A_510 = arith.index_cast %add3A_441 : i32 to index
            %get3A_511 = arith.constant 96 : index
            %get3A_512 = tpu.vector_load %arg18[%get3A_510, %get3A_511] {strides = array<i32>} : memref<128x128xf32, #tpu.memory_space<vmem>>, vector<1x16xf32>,
            %get3A_513 = vector.shape_cast %get3A_512 : vector<1x16xf32> to vector<16xf32>
            %mul3A_514 = vector.broadcast %squeeze3A_443 : f32 to vector<16xf32>
            %mul3A_515 = arith.mulf %get3A_513, %mul3A_514 : vector<16xf32>
            %swap3A_516 = arith.index_cast %add3A_441 : i32 to index
            %swap3A_517 = arith.constant 96 : index
            %swap3A_518 = tpu.vector_load %arg18[%swap3A_516, %swap3A_517] {strides = array<i32>} : memref<128x128xf32, #tpu.memory_space<vmem>>, vector<1x16xf32>,
            %swap3A_519 = vector.shape_cast %swap3A_518 : vector<1x16xf32> to vector<16xf32>
            %swap3A_520 = vector.shape_cast %mul3A_515 : vector<16xf32> to vector<1x16xf32>
            tpu.vector_store %arg18[%swap3A_516, %swap3A_517], %swap3A_520 {strides = array<i32>} : memref<128x128xf32, #tpu.memory_space<vmem>>, vector<1x16xf32>,
            %get3A_521 = arith.index_cast %add3A_441 : i32 to index
            %get3A_522 = arith.constant 112 : index
            %get3A_523 = tpu.vector_load %arg18[%get3A_521, %get3A_522] {strides = array<i32>} : memref<128x128xf32, #tpu.memory_space<vmem>>, vector<1x16xf32>,
            %get3A_524 = vector.shape_cast %get3A_523 : vector<1x16xf32> to vector<16xf32>
            %mul3A_525 = vector.broadcast %squeeze3A_443 : f32 to vector<16xf32>
            %mul3A_526 = arith.mulf %get3A_524, %mul3A_525 : vector<16xf32>
            %swap3A_527 = arith.index_cast %add3A_441 : i32 to index
            %swap3A_528 = arith.constant 112 : index
            %swap3A_529 = tpu.vector_load %arg18[%swap3A_527, %swap3A_528] {strides = array<i32>} : memref<128x128xf32, #tpu.memory_space<vmem>>, vector<1x16xf32>,
            %swap3A_530 = vector.shape_cast %swap3A_529 : vector<1x16xf32> to vector<16xf32>
            %swap3A_531 = vector.shape_cast %mul3A_526 : vector<16xf32> to vector<1x16xf32>
            tpu.vector_store %arg18[%swap3A_527, %swap3A_528], %swap3A_531 {strides = array<i32>} : memref<128x128xf32, #tpu.memory_space<vmem>>, vector<1x16xf32>,
            %mul3A_532 = arith.constant 16 : i32
            %mul3A_533 = arith.muli %add3A_59, %mul3A_532 : i32
            %add3A_534 = arith.constant 5 : i32
            %add3A_535 = arith.addi %mul3A_533, %add3A_534 : i32
            %slice3A_536 = vector.extract_strided_slice %get3A_64 {offsets = [5], sizes = [1], strides = [1]} : vector<16xf32> to vector<1xf32>
            %squeeze3A_537 = vector.extract %slice3A_536[0] : f32 from vector<1xf32>
            %get3A_538 = arith.index_cast %add3A_535 : i32 to index
            %get3A_539 = arith.constant 0 : index
            %get3A_540 = tpu.vector_load %arg18[%get3A_538, %get3A_539] {strides = array<i32>} : memref<128x128xf32, #tpu.memory_space<vmem>>, vector<1x16xf32>,
            %get3A_541 = vector.shape_cast %get3A_540 : vector<1x16xf32> to vector<16xf32>
            %mul3A_542 = vector.broadcast %squeeze3A_537 : f32 to vector<16xf32>
            %mul3A_543 = arith.mulf %get3A_541, %mul3A_542 : vector<16xf32>
            %swap3A_544 = arith.index_cast %add3A_535 : i32 to index
            %swap3A_545 = arith.constant 0 : index
            %swap3A_546 = tpu.vector_load %arg18[%swap3A_544, %swap3A_545] {strides = array<i32>} : memref<128x128xf32, #tpu.memory_space<vmem>>, vector<1x16xf32>,
            %swap3A_547 = vector.shape_cast %swap3A_546 : vector<1x16xf32> to vector<16xf32>
            %swap3A_548 = vector.shape_cast %mul3A_543 : vector<16xf32> to vector<1x16xf32>
            tpu.vector_store %arg18[%swap3A_544, %swap3A_545], %swap3A_548 {strides = array<i32>} : memref<128x128xf32, #tpu.memory_space<vmem>>, vector<1x16xf32>,
            %get3A_549 = arith.index_cast %add3A_535 : i32 to index
            %get3A_550 = arith.constant 16 : index
            %get3A_551 = tpu.vector_load %arg18[%get3A_549, %get3A_550] {strides = array<i32>} : memref<128x128xf32, #tpu.memory_space<vmem>>, vector<1x16xf32>,
            %get3A_552 = vector.shape_cast %get3A_551 : vector<1x16xf32> to vector<16xf32>
            %mul3A_553 = vector.broadcast %squeeze3A_537 : f32 to vector<16xf32>
            %mul3A_554 = arith.mulf %get3A_552, %mul3A_553 : vector<16xf32>
            %swap3A_555 = arith.index_cast %add3A_535 : i32 to index
            %swap3A_556 = arith.constant 16 : index
            %swap3A_557 = tpu.vector_load %arg18[%swap3A_555, %swap3A_556] {strides = array<i32>} : memref<128x128xf32, #tpu.memory_space<vmem>>, vector<1x16xf32>,
            %swap3A_558 = vector.shape_cast %swap3A_557 : vector<1x16xf32> to vector<16xf32>
            %swap3A_559 = vector.shape_cast %mul3A_554 : vector<16xf32> to vector<1x16xf32>
            tpu.vector_store %arg18[%swap3A_555, %swap3A_556], %swap3A_559 {strides = array<i32>} : memref<128x128xf32, #tpu.memory_space<vmem>>, vector<1x16xf32>,
            %get3A_560 = arith.index_cast %add3A_535 : i32 to index
            %get3A_561 = arith.constant 32 : index
            %get3A_562 = tpu.vector_load %arg18[%get3A_560, %get3A_561] {strides = array<i32>} : memref<128x128xf32, #tpu.memory_space<vmem>>, vector<1x16xf32>,
            %get3A_563 = vector.shape_cast %get3A_562 : vector<1x16xf32> to vector<16xf32>
            %mul3A_564 = vector.broadcast %squeeze3A_537 : f32 to vector<16xf32>
            %mul3A_565 = arith.mulf %get3A_563, %mul3A_564 : vector<16xf32>
            %swap3A_566 = arith.index_cast %add3A_535 : i32 to index
            %swap3A_567 = arith.constant 32 : index
            %swap3A_568 = tpu.vector_load %arg18[%swap3A_566, %swap3A_567] {strides = array<i32>} : memref<128x128xf32, #tpu.memory_space<vmem>>, vector<1x16xf32>,
            %swap3A_569 = vector.shape_cast %swap3A_568 : vector<1x16xf32> to vector<16xf32>
            %swap3A_570 = vector.shape_cast %mul3A_565 : vector<16xf32> to vector<1x16xf32>
            tpu.vector_store %arg18[%swap3A_566, %swap3A_567], %swap3A_570 {strides = array<i32>} : memref<128x128xf32, #tpu.memory_space<vmem>>, vector<1x16xf32>,
            %get3A_571 = arith.index_cast %add3A_535 : i32 to index
            %get3A_572 = arith.constant 48 : index
            %get3A_573 = tpu.vector_load %arg18[%get3A_571, %get3A_572] {strides = array<i32>} : memref<128x128xf32, #tpu.memory_space<vmem>>, vector<1x16xf32>,
            %get3A_574 = vector.shape_cast %get3A_573 : vector<1x16xf32> to vector<16xf32>
            %mul3A_575 = vector.broadcast %squeeze3A_537 : f32 to vector<16xf32>
            %mul3A_576 = arith.mulf %get3A_574, %mul3A_575 : vector<16xf32>
            %swap3A_577 = arith.index_cast %add3A_535 : i32 to index
            %swap3A_578 = arith.constant 48 : index
            %swap3A_579 = tpu.vector_load %arg18[%swap3A_577, %swap3A_578] {strides = array<i32>} : memref<128x128xf32, #tpu.memory_space<vmem>>, vector<1x16xf32>,
            %swap3A_580 = vector.shape_cast %swap3A_579 : vector<1x16xf32> to vector<16xf32>
            %swap3A_581 = vector.shape_cast %mul3A_576 : vector<16xf32> to vector<1x16xf32>
            tpu.vector_store %arg18[%swap3A_577, %swap3A_578], %swap3A_581 {strides = array<i32>} : memref<128x128xf32, #tpu.memory_space<vmem>>, vector<1x16xf32>,
            %get3A_582 = arith.index_cast %add3A_535 : i32 to index
            %get3A_583 = arith.constant 64 : index
            %get3A_584 = tpu.vector_load %arg18[%get3A_582, %get3A_583] {strides = array<i32>} : memref<128x128xf32, #tpu.memory_space<vmem>>, vector<1x16xf32>,
            %get3A_585 = vector.shape_cast %get3A_584 : vector<1x16xf32> to vector<16xf32>
            %mul3A_586 = vector.broadcast %squeeze3A_537 : f32 to vector<16xf32>
            %mul3A_587 = arith.mulf %get3A_585, %mul3A_586 : vector<16xf32>
            %swap3A_588 = arith.index_cast %add3A_535 : i32 to index
            %swap3A_589 = arith.constant 64 : index
            %swap3A_590 = tpu.vector_load %arg18[%swap3A_588, %swap3A_589] {strides = array<i32>} : memref<128x128xf32, #tpu.memory_space<vmem>>, vector<1x16xf32>,
            %swap3A_591 = vector.shape_cast %swap3A_590 : vector<1x16xf32> to vector<16xf32>
            %swap3A_592 = vector.shape_cast %mul3A_587 : vector<16xf32> to vector<1x16xf32>
            tpu.vector_store %arg18[%swap3A_588, %swap3A_589], %swap3A_592 {strides = array<i32>} : memref<128x128xf32, #tpu.memory_space<vmem>>, vector<1x16xf32>,
            %get3A_593 = arith.index_cast %add3A_535 : i32 to index
            %get3A_594 = arith.constant 80 : index
            %get3A_595 = tpu.vector_load %arg18[%get3A_593, %get3A_594] {strides = array<i32>} : memref<128x128xf32, #tpu.memory_space<vmem>>, vector<1x16xf32>,
            %get3A_596 = vector.shape_cast %get3A_595 : vector<1x16xf32> to vector<16xf32>
            %mul3A_597 = vector.broadcast %squeeze3A_537 : f32 to vector<16xf32>
            %mul3A_598 = arith.mulf %get3A_596, %mul3A_597 : vector<16xf32>
            %swap3A_599 = arith.index_cast %add3A_535 : i32 to index
            %swap3A_600 = arith.constant 80 : index
            %swap3A_601 = tpu.vector_load %arg18[%swap3A_599, %swap3A_600] {strides = array<i32>} : memref<128x128xf32, #tpu.memory_space<vmem>>, vector<1x16xf32>,
            %swap3A_602 = vector.shape_cast %swap3A_601 : vector<1x16xf32> to vector<16xf32>
            %swap3A_603 = vector.shape_cast %mul3A_598 : vector<16xf32> to vector<1x16xf32>
            tpu.vector_store %arg18[%swap3A_599, %swap3A_600], %swap3A_603 {strides = array<i32>} : memref<128x128xf32, #tpu.memory_space<vmem>>, vector<1x16xf32>,
            %get3A_604 = arith.index_cast %add3A_535 : i32 to index
            %get3A_605 = arith.constant 96 : index
            %get3A_606 = tpu.vector_load %arg18[%get3A_604, %get3A_605] {strides = array<i32>} : memref<128x128xf32, #tpu.memory_space<vmem>>, vector<1x16xf32>,
            %get3A_607 = vector.shape_cast %get3A_606 : vector<1x16xf32> to vector<16xf32>
            %mul3A_608 = vector.broadcast %squeeze3A_537 : f32 to vector<16xf32>
            %mul3A_609 = arith.mulf %get3A_607, %mul3A_608 : vector<16xf32>
            %swap3A_610 = arith.index_cast %add3A_535 : i32 to index
            %swap3A_611 = arith.constant 96 : index
            %swap3A_612 = tpu.vector_load %arg18[%swap3A_610, %swap3A_611] {strides = array<i32>} : memref<128x128xf32, #tpu.memory_space<vmem>>, vector<1x16xf32>,
            %swap3A_613 = vector.shape_cast %swap3A_612 : vector<1x16xf32> to vector<16xf32>
            %swap3A_614 = vector.shape_cast %mul3A_609 : vector<16xf32> to vector<1x16xf32>
            tpu.vector_store %arg18[%swap3A_610, %swap3A_611], %swap3A_614 {strides = array<i32>} : memref<128x128xf32, #tpu.memory_space<vmem>>, vector<1x16xf32>,
            %get3A_615 = arith.index_cast %add3A_535 : i32 to index
            %get3A_616 = arith.constant 112 : index
            %get3A_617 = tpu.vector_load %arg18[%get3A_615, %get3A_616] {strides = array<i32>} : memref<128x128xf32, #tpu.memory_space<vmem>>, vector<1x16xf32>,
            %get3A_618 = vector.shape_cast %get3A_617 : vector<1x16xf32> to vector<16xf32>
            %mul3A_619 = vector.broadcast %squeeze3A_537 : f32 to vector<16xf32>
            %mul3A_620 = arith.mulf %get3A_618, %mul3A_619 : vector<16xf32>
            %swap3A_621 = arith.index_cast %add3A_535 : i32 to index
            %swap3A_622 = arith.constant 112 : index
            %swap3A_623 = tpu.vector_load %arg18[%swap3A_621, %swap3A_622] {strides = array<i32>} : memref<128x128xf32, #tpu.memory_space<vmem>>, vector<1x16xf32>,
            %swap3A_624 = vector.shape_cast %swap3A_623 : vector<1x16xf32> to vector<16xf32>
            %swap3A_625 = vector.shape_cast %mul3A_620 : vector<16xf32> to vector<1x16xf32>
            tpu.vector_store %arg18[%swap3A_621, %swap3A_622], %swap3A_625 {strides = array<i32>} : memref<128x128xf32, #tpu.memory_space<vmem>>, vector<1x16xf32>,
            %mul3A_626 = arith.constant 16 : i32
            %mul3A_627 = arith.muli %add3A_59, %mul3A_626 : i32
            %add3A_628 = arith.constant 6 : i32
            %add3A_629 = arith.addi %mul3A_627, %add3A_628 : i32
            %slice3A_630 = vector.extract_strided_slice %get3A_64 {offsets = [6], sizes = [1], strides = [1]} : vector<16xf32> to vector<1xf32>
            %squeeze3A_631 = vector.extract %slice3A_630[0] : f32 from vector<1xf32>
            %get3A_632 = arith.index_cast %add3A_629 : i32 to index
            %get3A_633 = arith.constant 0 : index
            %get3A_634 = tpu.vector_load %arg18[%get3A_632, %get3A_633] {strides = array<i32>} : memref<128x128xf32, #tpu.memory_space<vmem>>, vector<1x16xf32>,
            %get3A_635 = vector.shape_cast %get3A_634 : vector<1x16xf32> to vector<16xf32>
            %mul3A_636 = vector.broadcast %squeeze3A_631 : f32 to vector<16xf32>
            %mul3A_637 = arith.mulf %get3A_635, %mul3A_636 : vector<16xf32>
            %swap3A_638 = arith.index_cast %add3A_629 : i32 to index
            %swap3A_639 = arith.constant 0 : index
            %swap3A_640 = tpu.vector_load %arg18[%swap3A_638, %swap3A_639] {strides = array<i32>} : memref<128x128xf32, #tpu.memory_space<vmem>>, vector<1x16xf32>,
            %swap3A_641 = vector.shape_cast %swap3A_640 : vector<1x16xf32> to vector<16xf32>
            %swap3A_642 = vector.shape_cast %mul3A_637 : vector<16xf32> to vector<1x16xf32>
            tpu.vector_store %arg18[%swap3A_638, %swap3A_639], %swap3A_642 {strides = array<i32>} : memref<128x128xf32, #tpu.memory_space<vmem>>, vector<1x16xf32>,
            %get3A_643 = arith.index_cast %add3A_629 : i32 to index
            %get3A_644 = arith.constant 16 : index
            %get3A_645 = tpu.vector_load %arg18[%get3A_643, %get3A_644] {strides = array<i32>} : memref<128x128xf32, #tpu.memory_space<vmem>>, vector<1x16xf32>,
            %get3A_646 = vector.shape_cast %get3A_645 : vector<1x16xf32> to vector<16xf32>
            %mul3A_647 = vector.broadcast %squeeze3A_631 : f32 to vector<16xf32>
            %mul3A_648 = arith.mulf %get3A_646, %mul3A_647 : vector<16xf32>
            %swap3A_649 = arith.index_cast %add3A_629 : i32 to index
            %swap3A_650 = arith.constant 16 : index
            %swap3A_651 = tpu.vector_load %arg18[%swap3A_649, %swap3A_650] {strides = array<i32>} : memref<128x128xf32, #tpu.memory_space<vmem>>, vector<1x16xf32>,
            %swap3A_652 = vector.shape_cast %swap3A_651 : vector<1x16xf32> to vector<16xf32>
            %swap3A_653 = vector.shape_cast %mul3A_648 : vector<16xf32> to vector<1x16xf32>
            tpu.vector_store %arg18[%swap3A_649, %swap3A_650], %swap3A_653 {strides = array<i32>} : memref<128x128xf32, #tpu.memory_space<vmem>>, vector<1x16xf32>,
            %get3A_654 = arith.index_cast %add3A_629 : i32 to index
            %get3A_655 = arith.constant 32 : index
            %get3A_656 = tpu.vector_load %arg18[%get3A_654, %get3A_655] {strides = array<i32>} : memref<128x128xf32, #tpu.memory_space<vmem>>, vector<1x16xf32>,
            %get3A_657 = vector.shape_cast %get3A_656 : vector<1x16xf32> to vector<16xf32>
            %mul3A_658 = vector.broadcast %squeeze3A_631 : f32 to vector<16xf32>
            %mul3A_659 = arith.mulf %get3A_657, %mul3A_658 : vector<16xf32>
            %swap3A_660 = arith.index_cast %add3A_629 : i32 to index
            %swap3A_661 = arith.constant 32 : index
            %swap3A_662 = tpu.vector_load %arg18[%swap3A_660, %swap3A_661] {strides = array<i32>} : memref<128x128xf32, #tpu.memory_space<vmem>>, vector<1x16xf32>,
            %swap3A_663 = vector.shape_cast %swap3A_662 : vector<1x16xf32> to vector<16xf32>
            %swap3A_664 = vector.shape_cast %mul3A_659 : vector<16xf32> to vector<1x16xf32>
            tpu.vector_store %arg18[%swap3A_660, %swap3A_661], %swap3A_664 {strides = array<i32>} : memref<128x128xf32, #tpu.memory_space<vmem>>, vector<1x16xf32>,
            %get3A_665 = arith.index_cast %add3A_629 : i32 to index
            %get3A_666 = arith.constant 48 : index
            %get3A_667 = tpu.vector_load %arg18[%get3A_665, %get3A_666] {strides = array<i32>} : memref<128x128xf32, #tpu.memory_space<vmem>>, vector<1x16xf32>,
            %get3A_668 = vector.shape_cast %get3A_667 : vector<1x16xf32> to vector<16xf32>
            %mul3A_669 = vector.broadcast %squeeze3A_631 : f32 to vector<16xf32>
            %mul3A_670 = arith.mulf %get3A_668, %mul3A_669 : vector<16xf32>
            %swap3A_671 = arith.index_cast %add3A_629 : i32 to index
            %swap3A_672 = arith.constant 48 : index
            %swap3A_673 = tpu.vector_load %arg18[%swap3A_671, %swap3A_672] {strides = array<i32>} : memref<128x128xf32, #tpu.memory_space<vmem>>, vector<1x16xf32>,
            %swap3A_674 = vector.shape_cast %swap3A_673 : vector<1x16xf32> to vector<16xf32>
            %swap3A_675 = vector.shape_cast %mul3A_670 : vector<16xf32> to vector<1x16xf32>
            tpu.vector_store %arg18[%swap3A_671, %swap3A_672], %swap3A_675 {strides = array<i32>} : memref<128x128xf32, #tpu.memory_space<vmem>>, vector<1x16xf32>,
            %get3A_676 = arith.index_cast %add3A_629 : i32 to index
            %get3A_677 = arith.constant 64 : index
            %get3A_678 = tpu.vector_load %arg18[%get3A_676, %get3A_677] {strides = array<i32>} : memref<128x128xf32, #tpu.memory_space<vmem>>, vector<1x16xf32>,
            %get3A_679 = vector.shape_cast %get3A_678 : vector<1x16xf32> to vector<16xf32>
            %mul3A_680 = vector.broadcast %squeeze3A_631 : f32 to vector<16xf32>
            %mul3A_681 = arith.mulf %get3A_679, %mul3A_680 : vector<16xf32>
            %swap3A_682 = arith.index_cast %add3A_629 : i32 to index
            %swap3A_683 = arith.constant 64 : index
            %swap3A_684 = tpu.vector_load %arg18[%swap3A_682, %swap3A_683] {strides = array<i32>} : memref<128x128xf32, #tpu.memory_space<vmem>>, vector<1x16xf32>,
            %swap3A_685 = vector.shape_cast %swap3A_684 : vector<1x16xf32> to vector<16xf32>
            %swap3A_686 = vector.shape_cast %mul3A_681 : vector<16xf32> to vector<1x16xf32>
            tpu.vector_store %arg18[%swap3A_682, %swap3A_683], %swap3A_686 {strides = array<i32>} : memref<128x128xf32, #tpu.memory_space<vmem>>, vector<1x16xf32>,
            %get3A_687 = arith.index_cast %add3A_629 : i32 to index
            %get3A_688 = arith.constant 80 : index
            %get3A_689 = tpu.vector_load %arg18[%get3A_687, %get3A_688] {strides = array<i32>} : memref<128x128xf32, #tpu.memory_space<vmem>>, vector<1x16xf32>,
            %get3A_690 = vector.shape_cast %get3A_689 : vector<1x16xf32> to vector<16xf32>
            %mul3A_691 = vector.broadcast %squeeze3A_631 : f32 to vector<16xf32>
            %mul3A_692 = arith.mulf %get3A_690, %mul3A_691 : vector<16xf32>
            %swap3A_693 = arith.index_cast %add3A_629 : i32 to index
            %swap3A_694 = arith.constant 80 : index
            %swap3A_695 = tpu.vector_load %arg18[%swap3A_693, %swap3A_694] {strides = array<i32>} : memref<128x128xf32, #tpu.memory_space<vmem>>, vector<1x16xf32>,
            %swap3A_696 = vector.shape_cast %swap3A_695 : vector<1x16xf32> to vector<16xf32>
            %swap3A_697 = vector.shape_cast %mul3A_692 : vector<16xf32> to vector<1x16xf32>
            tpu.vector_store %arg18[%swap3A_693, %swap3A_694], %swap3A_697 {strides = array<i32>} : memref<128x128xf32, #tpu.memory_space<vmem>>, vector<1x16xf32>,
            %get3A_698 = arith.index_cast %add3A_629 : i32 to index
            %get3A_699 = arith.constant 96 : index
            %get3A_700 = tpu.vector_load %arg18[%get3A_698, %get3A_699] {strides = array<i32>} : memref<128x128xf32, #tpu.memory_space<vmem>>, vector<1x16xf32>,
            %get3A_701 = vector.shape_cast %get3A_700 : vector<1x16xf32> to vector<16xf32>
            %mul3A_702 = vector.broadcast %squeeze3A_631 : f32 to vector<16xf32>
            %mul3A_703 = arith.mulf %get3A_701, %mul3A_702 : vector<16xf32>
            %swap3A_704 = arith.index_cast %add3A_629 : i32 to index
            %swap3A_705 = arith.constant 96 : index
            %swap3A_706 = tpu.vector_load %arg18[%swap3A_704, %swap3A_705] {strides = array<i32>} : memref<128x128xf32, #tpu.memory_space<vmem>>, vector<1x16xf32>,
            %swap3A_707 = vector.shape_cast %swap3A_706 : vector<1x16xf32> to vector<16xf32>
            %swap3A_708 = vector.shape_cast %mul3A_703 : vector<16xf32> to vector<1x16xf32>
            tpu.vector_store %arg18[%swap3A_704, %swap3A_705], %swap3A_708 {strides = array<i32>} : memref<128x128xf32, #tpu.memory_space<vmem>>, vector<1x16xf32>,
            %get3A_709 = arith.index_cast %add3A_629 : i32 to index
            %get3A_710 = arith.constant 112 : index
            %get3A_711 = tpu.vector_load %arg18[%get3A_709, %get3A_710] {strides = array<i32>} : memref<128x128xf32, #tpu.memory_space<vmem>>, vector<1x16xf32>,
            %get3A_712 = vector.shape_cast %get3A_711 : vector<1x16xf32> to vector<16xf32>
            %mul3A_713 = vector.broadcast %squeeze3A_631 : f32 to vector<16xf32>
            %mul3A_714 = arith.mulf %get3A_712, %mul3A_713 : vector<16xf32>
            %swap3A_715 = arith.index_cast %add3A_629 : i32 to index
            %swap3A_716 = arith.constant 112 : index
            %swap3A_717 = tpu.vector_load %arg18[%swap3A_715, %swap3A_716] {strides = array<i32>} : memref<128x128xf32, #tpu.memory_space<vmem>>, vector<1x16xf32>,
            %swap3A_718 = vector.shape_cast %swap3A_717 : vector<1x16xf32> to vector<16xf32>
            %swap3A_719 = vector.shape_cast %mul3A_714 : vector<16xf32> to vector<1x16xf32>
            tpu.vector_store %arg18[%swap3A_715, %swap3A_716], %swap3A_719 {strides = array<i32>} : memref<128x128xf32, #tpu.memory_space<vmem>>, vector<1x16xf32>,
            %mul3A_720 = arith.constant 16 : i32
            %mul3A_721 = arith.muli %add3A_59, %mul3A_720 : i32
            %add3A_722 = arith.constant 7 : i32
            %add3A_723 = arith.addi %mul3A_721, %add3A_722 : i32
            %slice3A_724 = vector.extract_strided_slice %get3A_64 {offsets = [7], sizes = [1], strides = [1]} : vector<16xf32> to vector<1xf32>
            %squeeze3A_725 = vector.extract %slice3A_724[0] : f32 from vector<1xf32>
            %get3A_726 = arith.index_cast %add3A_723 : i32 to index
            %get3A_727 = arith.constant 0 : index
            %get3A_728 = tpu.vector_load %arg18[%get3A_726, %get3A_727] {strides = array<i32>} : memref<128x128xf32, #tpu.memory_space<vmem>>, vector<1x16xf32>,
            %get3A_729 = vector.shape_cast %get3A_728 : vector<1x16xf32> to vector<16xf32>
            %mul3A_730 = vector.broadcast %squeeze3A_725 : f32 to vector<16xf32>
            %mul3A_731 = arith.mulf %get3A_729, %mul3A_730 : vector<16xf32>
            %swap3A_732 = arith.index_cast %add3A_723 : i32 to index
            %swap3A_733 = arith.constant 0 : index
            %swap3A_734 = tpu.vector_load %arg18[%swap3A_732, %swap3A_733] {strides = array<i32>} : memref<128x128xf32, #tpu.memory_space<vmem>>, vector<1x16xf32>,
            %swap3A_735 = vector.shape_cast %swap3A_734 : vector<1x16xf32> to vector<16xf32>
            %swap3A_736 = vector.shape_cast %mul3A_731 : vector<16xf32> to vector<1x16xf32>
            tpu.vector_store %arg18[%swap3A_732, %swap3A_733], %swap3A_736 {strides = array<i32>} : memref<128x128xf32, #tpu.memory_space<vmem>>, vector<1x16xf32>,
            %get3A_737 = arith.index_cast %add3A_723 : i32 to index
            %get3A_738 = arith.constant 16 : index
            %get3A_739 = tpu.vector_load %arg18[%get3A_737, %get3A_738] {strides = array<i32>} : memref<128x128xf32, #tpu.memory_space<vmem>>, vector<1x16xf32>,
            %get3A_740 = vector.shape_cast %get3A_739 : vector<1x16xf32> to vector<16xf32>
            %mul3A_741 = vector.broadcast %squeeze3A_725 : f32 to vector<16xf32>
            %mul3A_742 = arith.mulf %get3A_740, %mul3A_741 : vector<16xf32>
            %swap3A_743 = arith.index_cast %add3A_723 : i32 to index
            %swap3A_744 = arith.constant 16 : index
            %swap3A_745 = tpu.vector_load %arg18[%swap3A_743, %swap3A_744] {strides = array<i32>} : memref<128x128xf32, #tpu.memory_space<vmem>>, vector<1x16xf32>,
            %swap3A_746 = vector.shape_cast %swap3A_745 : vector<1x16xf32> to vector<16xf32>
            %swap3A_747 = vector.shape_cast %mul3A_742 : vector<16xf32> to vector<1x16xf32>
            tpu.vector_store %arg18[%swap3A_743, %swap3A_744], %swap3A_747 {strides = array<i32>} : memref<128x128xf32, #tpu.memory_space<vmem>>, vector<1x16xf32>,
            %get3A_748 = arith.index_cast %add3A_723 : i32 to index
            %get3A_749 = arith.constant 32 : index
            %get3A_750 = tpu.vector_load %arg18[%get3A_748, %get3A_749] {strides = array<i32>} : memref<128x128xf32, #tpu.memory_space<vmem>>, vector<1x16xf32>,
            %get3A_751 = vector.shape_cast %get3A_750 : vector<1x16xf32> to vector<16xf32>
            %mul3A_752 = vector.broadcast %squeeze3A_725 : f32 to vector<16xf32>
            %mul3A_753 = arith.mulf %get3A_751, %mul3A_752 : vector<16xf32>
            %swap3A_754 = arith.index_cast %add3A_723 : i32 to index
            %swap3A_755 = arith.constant 32 : index
            %swap3A_756 = tpu.vector_load %arg18[%swap3A_754, %swap3A_755] {strides = array<i32>} : memref<128x128xf32, #tpu.memory_space<vmem>>, vector<1x16xf32>,
            %swap3A_757 = vector.shape_cast %swap3A_756 : vector<1x16xf32> to vector<16xf32>
            %swap3A_758 = vector.shape_cast %mul3A_753 : vector<16xf32> to vector<1x16xf32>
            tpu.vector_store %arg18[%swap3A_754, %swap3A_755], %swap3A_758 {strides = array<i32>} : memref<128x128xf32, #tpu.memory_space<vmem>>, vector<1x16xf32>,
            %get3A_759 = arith.index_cast %add3A_723 : i32 to index
            %get3A_760 = arith.constant 48 : index
            %get3A_761 = tpu.vector_load %arg18[%get3A_759, %get3A_760] {strides = array<i32>} : memref<128x128xf32, #tpu.memory_space<vmem>>, vector<1x16xf32>,
            %get3A_762 = vector.shape_cast %get3A_761 : vector<1x16xf32> to vector<16xf32>
            %mul3A_763 = vector.broadcast %squeeze3A_725 : f32 to vector<16xf32>
            %mul3A_764 = arith.mulf %get3A_762, %mul3A_763 : vector<16xf32>
            %swap3A_765 = arith.index_cast %add3A_723 : i32 to index
            %swap3A_766 = arith.constant 48 : index
            %swap3A_767 = tpu.vector_load %arg18[%swap3A_765, %swap3A_766] {strides = array<i32>} : memref<128x128xf32, #tpu.memory_space<vmem>>, vector<1x16xf32>,
            %swap3A_768 = vector.shape_cast %swap3A_767 : vector<1x16xf32> to vector<16xf32>
            %swap3A_769 = vector.shape_cast %mul3A_764 : vector<16xf32> to vector<1x16xf32>
            tpu.vector_store %arg18[%swap3A_765, %swap3A_766], %swap3A_769 {strides = array<i32>} : memref<128x128xf32, #tpu.memory_space<vmem>>, vector<1x16xf32>,
            %get3A_770 = arith.index_cast %add3A_723 : i32 to index
            %get3A_771 = arith.constant 64 : index
            %get3A_772 = tpu.vector_load %arg18[%get3A_770, %get3A_771] {strides = array<i32>} : memref<128x128xf32, #tpu.memory_space<vmem>>, vector<1x16xf32>,
            %get3A_773 = vector.shape_cast %get3A_772 : vector<1x16xf32> to vector<16xf32>
            %mul3A_774 = vector.broadcast %squeeze3A_725 : f32 to vector<16xf32>
            %mul3A_775 = arith.mulf %get3A_773, %mul3A_774 : vector<16xf32>
            %swap3A_776 = arith.index_cast %add3A_723 : i32 to index
            %swap3A_777 = arith.constant 64 : index
            %swap3A_778 = tpu.vector_load %arg18[%swap3A_776, %swap3A_777] {strides = array<i32>} : memref<128x128xf32, #tpu.memory_space<vmem>>, vector<1x16xf32>,
            %swap3A_779 = vector.shape_cast %swap3A_778 : vector<1x16xf32> to vector<16xf32>
            %swap3A_780 = vector.shape_cast %mul3A_775 : vector<16xf32> to vector<1x16xf32>
            tpu.vector_store %arg18[%swap3A_776, %swap3A_777], %swap3A_780 {strides = array<i32>} : memref<128x128xf32, #tpu.memory_space<vmem>>, vector<1x16xf32>,
            %get3A_781 = arith.index_cast %add3A_723 : i32 to index
            %get3A_782 = arith.constant 80 : index
            %get3A_783 = tpu.vector_load %arg18[%get3A_781, %get3A_782] {strides = array<i32>} : memref<128x128xf32, #tpu.memory_space<vmem>>, vector<1x16xf32>,
            %get3A_784 = vector.shape_cast %get3A_783 : vector<1x16xf32> to vector<16xf32>
            %mul3A_785 = vector.broadcast %squeeze3A_725 : f32 to vector<16xf32>
            %mul3A_786 = arith.mulf %get3A_784, %mul3A_785 : vector<16xf32>
            %swap3A_787 = arith.index_cast %add3A_723 : i32 to index
            %swap3A_788 = arith.constant 80 : index
            %swap3A_789 = tpu.vector_load %arg18[%swap3A_787, %swap3A_788] {strides = array<i32>} : memref<128x128xf32, #tpu.memory_space<vmem>>, vector<1x16xf32>,
            %swap3A_790 = vector.shape_cast %swap3A_789 : vector<1x16xf32> to vector<16xf32>
            %swap3A_791 = vector.shape_cast %mul3A_786 : vector<16xf32> to vector<1x16xf32>
            tpu.vector_store %arg18[%swap3A_787, %swap3A_788], %swap3A_791 {strides = array<i32>} : memref<128x128xf32, #tpu.memory_space<vmem>>, vector<1x16xf32>,
            %get3A_792 = arith.index_cast %add3A_723 : i32 to index
            %get3A_793 = arith.constant 96 : index
            %get3A_794 = tpu.vector_load %arg18[%get3A_792, %get3A_793] {strides = array<i32>} : memref<128x128xf32, #tpu.memory_space<vmem>>, vector<1x16xf32>,
            %get3A_795 = vector.shape_cast %get3A_794 : vector<1x16xf32> to vector<16xf32>
            %mul3A_796 = vector.broadcast %squeeze3A_725 : f32 to vector<16xf32>
            %mul3A_797 = arith.mulf %get3A_795, %mul3A_796 : vector<16xf32>
            %swap3A_798 = arith.index_cast %add3A_723 : i32 to index
            %swap3A_799 = arith.constant 96 : index
            %swap3A_800 = tpu.vector_load %arg18[%swap3A_798, %swap3A_799] {strides = array<i32>} : memref<128x128xf32, #tpu.memory_space<vmem>>, vector<1x16xf32>,
            %swap3A_801 = vector.shape_cast %swap3A_800 : vector<1x16xf32> to vector<16xf32>
            %swap3A_802 = vector.shape_cast %mul3A_797 : vector<16xf32> to vector<1x16xf32>
            tpu.vector_store %arg18[%swap3A_798, %swap3A_799], %swap3A_802 {strides = array<i32>} : memref<128x128xf32, #tpu.memory_space<vmem>>, vector<1x16xf32>,
            %get3A_803 = arith.index_cast %add3A_723 : i32 to index
            %get3A_804 = arith.constant 112 : index
            %get3A_805 = tpu.vector_load %arg18[%get3A_803, %get3A_804] {strides = array<i32>} : memref<128x128xf32, #tpu.memory_space<vmem>>, vector<1x16xf32>,
            %get3A_806 = vector.shape_cast %get3A_805 : vector<1x16xf32> to vector<16xf32>
            %mul3A_807 = vector.broadcast %squeeze3A_725 : f32 to vector<16xf32>
            %mul3A_808 = arith.mulf %get3A_806, %mul3A_807 : vector<16xf32>
            %swap3A_809 = arith.index_cast %add3A_723 : i32 to index
            %swap3A_810 = arith.constant 112 : index
            %swap3A_811 = tpu.vector_load %arg18[%swap3A_809, %swap3A_810] {strides = array<i32>} : memref<128x128xf32, #tpu.memory_space<vmem>>, vector<1x16xf32>,
            %swap3A_812 = vector.shape_cast %swap3A_811 : vector<1x16xf32> to vector<16xf32>
            %swap3A_813 = vector.shape_cast %mul3A_808 : vector<16xf32> to vector<1x16xf32>
            tpu.vector_store %arg18[%swap3A_809, %swap3A_810], %swap3A_813 {strides = array<i32>} : memref<128x128xf32, #tpu.memory_space<vmem>>, vector<1x16xf32>,
            %mul3A_814 = arith.constant 16 : i32
            %mul3A_815 = arith.muli %add3A_59, %mul3A_814 : i32
            %add3A_816 = arith.constant 8 : i32
            %add3A_817 = arith.addi %mul3A_815, %add3A_816 : i32
            %slice3A_818 = vector.extract_strided_slice %get3A_64 {offsets = [8], sizes = [1], strides = [1]} : vector<16xf32> to vector<1xf32>
            %squeeze3A_819 = vector.extract %slice3A_818[0] : f32 from vector<1xf32>
            %get3A_820 = arith.index_cast %add3A_817 : i32 to index
            %get3A_821 = arith.constant 0 : index
            %get3A_822 = tpu.vector_load %arg18[%get3A_820, %get3A_821] {strides = array<i32>} : memref<128x128xf32, #tpu.memory_space<vmem>>, vector<1x16xf32>,
            %get3A_823 = vector.shape_cast %get3A_822 : vector<1x16xf32> to vector<16xf32>
            %mul3A_824 = vector.broadcast %squeeze3A_819 : f32 to vector<16xf32>
            %mul3A_825 = arith.mulf %get3A_823, %mul3A_824 : vector<16xf32>
            %swap3A_826 = arith.index_cast %add3A_817 : i32 to index
            %swap3A_827 = arith.constant 0 : index
            %swap3A_828 = tpu.vector_load %arg18[%swap3A_826, %swap3A_827] {strides = array<i32>} : memref<128x128xf32, #tpu.memory_space<vmem>>, vector<1x16xf32>,
            %swap3A_829 = vector.shape_cast %swap3A_828 : vector<1x16xf32> to vector<16xf32>
            %swap3A_830 = vector.shape_cast %mul3A_825 : vector<16xf32> to vector<1x16xf32>
            tpu.vector_store %arg18[%swap3A_826, %swap3A_827], %swap3A_830 {strides = array<i32>} : memref<128x128xf32, #tpu.memory_space<vmem>>, vector<1x16xf32>,
            %get3A_831 = arith.index_cast %add3A_817 : i32 to index
            %get3A_832 = arith.constant 16 : index
            %get3A_833 = tpu.vector_load %arg18[%get3A_831, %get3A_832] {strides = array<i32>} : memref<128x128xf32, #tpu.memory_space<vmem>>, vector<1x16xf32>,
            %get3A_834 = vector.shape_cast %get3A_833 : vector<1x16xf32> to vector<16xf32>
            %mul3A_835 = vector.broadcast %squeeze3A_819 : f32 to vector<16xf32>
            %mul3A_836 = arith.mulf %get3A_834, %mul3A_835 : vector<16xf32>
            %swap3A_837 = arith.index_cast %add3A_817 : i32 to index
            %swap3A_838 = arith.constant 16 : index
            %swap3A_839 = tpu.vector_load %arg18[%swap3A_837, %swap3A_838] {strides = array<i32>} : memref<128x128xf32, #tpu.memory_space<vmem>>, vector<1x16xf32>,
            %swap3A_840 = vector.shape_cast %swap3A_839 : vector<1x16xf32> to vector<16xf32>
            %swap3A_841 = vector.shape_cast %mul3A_836 : vector<16xf32> to vector<1x16xf32>
            tpu.vector_store %arg18[%swap3A_837, %swap3A_838], %swap3A_841 {strides = array<i32>} : memref<128x128xf32, #tpu.memory_space<vmem>>, vector<1x16xf32>,
            %get3A_842 = arith.index_cast %add3A_817 : i32 to index
            %get3A_843 = arith.constant 32 : index
            %get3A_844 = tpu.vector_load %arg18[%get3A_842, %get3A_843] {strides = array<i32>} : memref<128x128xf32, #tpu.memory_space<vmem>>, vector<1x16xf32>,
            %get3A_845 = vector.shape_cast %get3A_844 : vector<1x16xf32> to vector<16xf32>
            %mul3A_846 = vector.broadcast %squeeze3A_819 : f32 to vector<16xf32>
            %mul3A_847 = arith.mulf %get3A_845, %mul3A_846 : vector<16xf32>
            %swap3A_848 = arith.index_cast %add3A_817 : i32 to index
            %swap3A_849 = arith.constant 32 : index
            %swap3A_850 = tpu.vector_load %arg18[%swap3A_848, %swap3A_849] {strides = array<i32>} : memref<128x128xf32, #tpu.memory_space<vmem>>, vector<1x16xf32>,
            %swap3A_851 = vector.shape_cast %swap3A_850 : vector<1x16xf32> to vector<16xf32>
            %swap3A_852 = vector.shape_cast %mul3A_847 : vector<16xf32> to vector<1x16xf32>
            tpu.vector_store %arg18[%swap3A_848, %swap3A_849], %swap3A_852 {strides = array<i32>} : memref<128x128xf32, #tpu.memory_space<vmem>>, vector<1x16xf32>,
            %get3A_853 = arith.index_cast %add3A_817 : i32 to index
            %get3A_854 = arith.constant 48 : index
            %get3A_855 = tpu.vector_load %arg18[%get3A_853, %get3A_854] {strides = array<i32>} : memref<128x128xf32, #tpu.memory_space<vmem>>, vector<1x16xf32>,
            %get3A_856 = vector.shape_cast %get3A_855 : vector<1x16xf32> to vector<16xf32>
            %mul3A_857 = vector.broadcast %squeeze3A_819 : f32 to vector<16xf32>
            %mul3A_858 = arith.mulf %get3A_856, %mul3A_857 : vector<16xf32>
            %swap3A_859 = arith.index_cast %add3A_817 : i32 to index
            %swap3A_860 = arith.constant 48 : index
            %swap3A_861 = tpu.vector_load %arg18[%swap3A_859, %swap3A_860] {strides = array<i32>} : memref<128x128xf32, #tpu.memory_space<vmem>>, vector<1x16xf32>,
            %swap3A_862 = vector.shape_cast %swap3A_861 : vector<1x16xf32> to vector<16xf32>
            %swap3A_863 = vector.shape_cast %mul3A_858 : vector<16xf32> to vector<1x16xf32>
            tpu.vector_store %arg18[%swap3A_859, %swap3A_860], %swap3A_863 {strides = array<i32>} : memref<128x128xf32, #tpu.memory_space<vmem>>, vector<1x16xf32>,
            %get3A_864 = arith.index_cast %add3A_817 : i32 to index
            %get3A_865 = arith.constant 64 : index
            %get3A_866 = tpu.vector_load %arg18[%get3A_864, %get3A_865] {strides = array<i32>} : memref<128x128xf32, #tpu.memory_space<vmem>>, vector<1x16xf32>,
            %get3A_867 = vector.shape_cast %get3A_866 : vector<1x16xf32> to vector<16xf32>
            %mul3A_868 = vector.broadcast %squeeze3A_819 : f32 to vector<16xf32>
            %mul3A_869 = arith.mulf %get3A_867, %mul3A_868 : vector<16xf32>
            %swap3A_870 = arith.index_cast %add3A_817 : i32 to index
            %swap3A_871 = arith.constant 64 : index
            %swap3A_872 = tpu.vector_load %arg18[%swap3A_870, %swap3A_871] {strides = array<i32>} : memref<128x128xf32, #tpu.memory_space<vmem>>, vector<1x16xf32>,
            %swap3A_873 = vector.shape_cast %swap3A_872 : vector<1x16xf32> to vector<16xf32>
            %swap3A_874 = vector.shape_cast %mul3A_869 : vector<16xf32> to vector<1x16xf32>
            tpu.vector_store %arg18[%swap3A_870, %swap3A_871], %swap3A_874 {strides = array<i32>} : memref<128x128xf32, #tpu.memory_space<vmem>>, vector<1x16xf32>,
            %get3A_875 = arith.index_cast %add3A_817 : i32 to index
            %get3A_876 = arith.constant 80 : index
            %get3A_877 = tpu.vector_load %arg18[%get3A_875, %get3A_876] {strides = array<i32>} : memref<128x128xf32, #tpu.memory_space<vmem>>, vector<1x16xf32>,
            %get3A_878 = vector.shape_cast %get3A_877 : vector<1x16xf32> to vector<16xf32>
            %mul3A_879 = vector.broadcast %squeeze3A_819 : f32 to vector<16xf32>
            %mul3A_880 = arith.mulf %get3A_878, %mul3A_879 : vector<16xf32>
            %swap3A_881 = arith.index_cast %add3A_817 : i32 to index
            %swap3A_882 = arith.constant 80 : index
            %swap3A_883 = tpu.vector_load %arg18[%swap3A_881, %swap3A_882] {strides = array<i32>} : memref<128x128xf32, #tpu.memory_space<vmem>>, vector<1x16xf32>,
            %swap3A_884 = vector.shape_cast %swap3A_883 : vector<1x16xf32> to vector<16xf32>
            %swap3A_885 = vector.shape_cast %mul3A_880 : vector<16xf32> to vector<1x16xf32>
            tpu.vector_store %arg18[%swap3A_881, %swap3A_882], %swap3A_885 {strides = array<i32>} : memref<128x128xf32, #tpu.memory_space<vmem>>, vector<1x16xf32>,
            %get3A_886 = arith.index_cast %add3A_817 : i32 to index
            %get3A_887 = arith.constant 96 : index
            %get3A_888 = tpu.vector_load %arg18[%get3A_886, %get3A_887] {strides = array<i32>} : memref<128x128xf32, #tpu.memory_space<vmem>>, vector<1x16xf32>,
            %get3A_889 = vector.shape_cast %get3A_888 : vector<1x16xf32> to vector<16xf32>
            %mul3A_890 = vector.broadcast %squeeze3A_819 : f32 to vector<16xf32>
            %mul3A_891 = arith.mulf %get3A_889, %mul3A_890 : vector<16xf32>
            %swap3A_892 = arith.index_cast %add3A_817 : i32 to index
            %swap3A_893 = arith.constant 96 : index
            %swap3A_894 = tpu.vector_load %arg18[%swap3A_892, %swap3A_893] {strides = array<i32>} : memref<128x128xf32, #tpu.memory_space<vmem>>, vector<1x16xf32>,
            %swap3A_895 = vector.shape_cast %swap3A_894 : vector<1x16xf32> to vector<16xf32>
            %swap3A_896 = vector.shape_cast %mul3A_891 : vector<16xf32> to vector<1x16xf32>
            tpu.vector_store %arg18[%swap3A_892, %swap3A_893], %swap3A_896 {strides = array<i32>} : memref<128x128xf32, #tpu.memory_space<vmem>>, vector<1x16xf32>,
            %get3A_897 = arith.index_cast %add3A_817 : i32 to index
            %get3A_898 = arith.constant 112 : index
            %get3A_899 = tpu.vector_load %arg18[%get3A_897, %get3A_898] {strides = array<i32>} : memref<128x128xf32, #tpu.memory_space<vmem>>, vector<1x16xf32>,
            %get3A_900 = vector.shape_cast %get3A_899 : vector<1x16xf32> to vector<16xf32>
            %mul3A_901 = vector.broadcast %squeeze3A_819 : f32 to vector<16xf32>
            %mul3A_902 = arith.mulf %get3A_900, %mul3A_901 : vector<16xf32>
            %swap3A_903 = arith.index_cast %add3A_817 : i32 to index
            %swap3A_904 = arith.constant 112 : index
            %swap3A_905 = tpu.vector_load %arg18[%swap3A_903, %swap3A_904] {strides = array<i32>} : memref<128x128xf32, #tpu.memory_space<vmem>>, vector<1x16xf32>,
            %swap3A_906 = vector.shape_cast %swap3A_905 : vector<1x16xf32> to vector<16xf32>
            %swap3A_907 = vector.shape_cast %mul3A_902 : vector<16xf32> to vector<1x16xf32>
            tpu.vector_store %arg18[%swap3A_903, %swap3A_904], %swap3A_907 {strides = array<i32>} : memref<128x128xf32, #tpu.memory_space<vmem>>, vector<1x16xf32>,
            %mul3A_908 = arith.constant 16 : i32
            %mul3A_909 = arith.muli %add3A_59, %mul3A_908 : i32
            %add3A_910 = arith.constant 9 : i32
            %add3A_911 = arith.addi %mul3A_909, %add3A_910 : i32
            %slice3A_912 = vector.extract_strided_slice %get3A_64 {offsets = [9], sizes = [1], strides = [1]} : vector<16xf32> to vector<1xf32>
            %squeeze3A_913 = vector.extract %slice3A_912[0] : f32 from vector<1xf32>
            %get3A_914 = arith.index_cast %add3A_911 : i32 to index
            %get3A_915 = arith.constant 0 : index
            %get3A_916 = tpu.vector_load %arg18[%get3A_914, %get3A_915] {strides = array<i32>} : memref<128x128xf32, #tpu.memory_space<vmem>>, vector<1x16xf32>,
            %get3A_917 = vector.shape_cast %get3A_916 : vector<1x16xf32> to vector<16xf32>
            %mul3A_918 = vector.broadcast %squeeze3A_913 : f32 to vector<16xf32>
            %mul3A_919 = arith.mulf %get3A_917, %mul3A_918 : vector<16xf32>
            %swap3A_920 = arith.index_cast %add3A_911 : i32 to index
            %swap3A_921 = arith.constant 0 : index
            %swap3A_922 = tpu.vector_load %arg18[%swap3A_920, %swap3A_921] {strides = array<i32>} : memref<128x128xf32, #tpu.memory_space<vmem>>, vector<1x16xf32>,
            %swap3A_923 = vector.shape_cast %swap3A_922 : vector<1x16xf32> to vector<16xf32>
            %swap3A_924 = vector.shape_cast %mul3A_919 : vector<16xf32> to vector<1x16xf32>
            tpu.vector_store %arg18[%swap3A_920, %swap3A_921], %swap3A_924 {strides = array<i32>} : memref<128x128xf32, #tpu.memory_space<vmem>>, vector<1x16xf32>,
            %get3A_925 = arith.index_cast %add3A_911 : i32 to index
            %get3A_926 = arith.constant 16 : index
            %get3A_927 = tpu.vector_load %arg18[%get3A_925, %get3A_926] {strides = array<i32>} : memref<128x128xf32, #tpu.memory_space<vmem>>, vector<1x16xf32>,
            %get3A_928 = vector.shape_cast %get3A_927 : vector<1x16xf32> to vector<16xf32>
            %mul3A_929 = vector.broadcast %squeeze3A_913 : f32 to vector<16xf32>
            %mul3A_930 = arith.mulf %get3A_928, %mul3A_929 : vector<16xf32>
            %swap3A_931 = arith.index_cast %add3A_911 : i32 to index
            %swap3A_932 = arith.constant 16 : index
            %swap3A_933 = tpu.vector_load %arg18[%swap3A_931, %swap3A_932] {strides = array<i32>} : memref<128x128xf32, #tpu.memory_space<vmem>>, vector<1x16xf32>,
            %swap3A_934 = vector.shape_cast %swap3A_933 : vector<1x16xf32> to vector<16xf32>
            %swap3A_935 = vector.shape_cast %mul3A_930 : vector<16xf32> to vector<1x16xf32>
            tpu.vector_store %arg18[%swap3A_931, %swap3A_932], %swap3A_935 {strides = array<i32>} : memref<128x128xf32, #tpu.memory_space<vmem>>, vector<1x16xf32>,
            %get3A_936 = arith.index_cast %add3A_911 : i32 to index
            %get3A_937 = arith.constant 32 : index
            %get3A_938 = tpu.vector_load %arg18[%get3A_936, %get3A_937] {strides = array<i32>} : memref<128x128xf32, #tpu.memory_space<vmem>>, vector<1x16xf32>,
            %get3A_939 = vector.shape_cast %get3A_938 : vector<1x16xf32> to vector<16xf32>
            %mul3A_940 = vector.broadcast %squeeze3A_913 : f32 to vector<16xf32>
            %mul3A_941 = arith.mulf %get3A_939, %mul3A_940 : vector<16xf32>
            %swap3A_942 = arith.index_cast %add3A_911 : i32 to index
            %swap3A_943 = arith.constant 32 : index
            %swap3A_944 = tpu.vector_load %arg18[%swap3A_942, %swap3A_943] {strides = array<i32>} : memref<128x128xf32, #tpu.memory_space<vmem>>, vector<1x16xf32>,
            %swap3A_945 = vector.shape_cast %swap3A_944 : vector<1x16xf32> to vector<16xf32>
            %swap3A_946 = vector.shape_cast %mul3A_941 : vector<16xf32> to vector<1x16xf32>
            tpu.vector_store %arg18[%swap3A_942, %swap3A_943], %swap3A_946 {strides = array<i32>} : memref<128x128xf32, #tpu.memory_space<vmem>>, vector<1x16xf32>,
            %get3A_947 = arith.index_cast %add3A_911 : i32 to index
            %get3A_948 = arith.constant 48 : index
            %get3A_949 = tpu.vector_load %arg18[%get3A_947, %get3A_948] {strides = array<i32>} : memref<128x128xf32, #tpu.memory_space<vmem>>, vector<1x16xf32>,
            %get3A_950 = vector.shape_cast %get3A_949 : vector<1x16xf32> to vector<16xf32>
            %mul3A_951 = vector.broadcast %squeeze3A_913 : f32 to vector<16xf32>
            %mul3A_952 = arith.mulf %get3A_950, %mul3A_951 : vector<16xf32>
            %swap3A_953 = arith.index_cast %add3A_911 : i32 to index
            %swap3A_954 = arith.constant 48 : index
            %swap3A_955 = tpu.vector_load %arg18[%swap3A_953, %swap3A_954] {strides = array<i32>} : memref<128x128xf32, #tpu.memory_space<vmem>>, vector<1x16xf32>,
            %swap3A_956 = vector.shape_cast %swap3A_955 : vector<1x16xf32> to vector<16xf32>
            %swap3A_957 = vector.shape_cast %mul3A_952 : vector<16xf32> to vector<1x16xf32>
            tpu.vector_store %arg18[%swap3A_953, %swap3A_954], %swap3A_957 {strides = array<i32>} : memref<128x128xf32, #tpu.memory_space<vmem>>, vector<1x16xf32>,
            %get3A_958 = arith.index_cast %add3A_911 : i32 to index
            %get3A_959 = arith.constant 64 : index
            %get3A_960 = tpu.vector_load %arg18[%get3A_958, %get3A_959] {strides = array<i32>} : memref<128x128xf32, #tpu.memory_space<vmem>>, vector<1x16xf32>,
            %get3A_961 = vector.shape_cast %get3A_960 : vector<1x16xf32> to vector<16xf32>
            %mul3A_962 = vector.broadcast %squeeze3A_913 : f32 to vector<16xf32>
            %mul3A_963 = arith.mulf %get3A_961, %mul3A_962 : vector<16xf32>
            %swap3A_964 = arith.index_cast %add3A_911 : i32 to index
            %swap3A_965 = arith.constant 64 : index
            %swap3A_966 = tpu.vector_load %arg18[%swap3A_964, %swap3A_965] {strides = array<i32>} : memref<128x128xf32, #tpu.memory_space<vmem>>, vector<1x16xf32>,
            %swap3A_967 = vector.shape_cast %swap3A_966 : vector<1x16xf32> to vector<16xf32>
            %swap3A_968 = vector.shape_cast %mul3A_963 : vector<16xf32> to vector<1x16xf32>
            tpu.vector_store %arg18[%swap3A_964, %swap3A_965], %swap3A_968 {strides = array<i32>} : memref<128x128xf32, #tpu.memory_space<vmem>>, vector<1x16xf32>,
            %get3A_969 = arith.index_cast %add3A_911 : i32 to index
            %get3A_970 = arith.constant 80 : index
            %get3A_971 = tpu.vector_load %arg18[%get3A_969, %get3A_970] {strides = array<i32>} : memref<128x128xf32, #tpu.memory_space<vmem>>, vector<1x16xf32>,
            %get3A_972 = vector.shape_cast %get3A_971 : vector<1x16xf32> to vector<16xf32>
            %mul3A_973 = vector.broadcast %squeeze3A_913 : f32 to vector<16xf32>
            %mul3A_974 = arith.mulf %get3A_972, %mul3A_973 : vector<16xf32>
            %swap3A_975 = arith.index_cast %add3A_911 : i32 to index
            %swap3A_976 = arith.constant 80 : index
            %swap3A_977 = tpu.vector_load %arg18[%swap3A_975, %swap3A_976] {strides = array<i32>} : memref<128x128xf32, #tpu.memory_space<vmem>>, vector<1x16xf32>,
            %swap3A_978 = vector.shape_cast %swap3A_977 : vector<1x16xf32> to vector<16xf32>
            %swap3A_979 = vector.shape_cast %mul3A_974 : vector<16xf32> to vector<1x16xf32>
            tpu.vector_store %arg18[%swap3A_975, %swap3A_976], %swap3A_979 {strides = array<i32>} : memref<128x128xf32, #tpu.memory_space<vmem>>, vector<1x16xf32>,
            %get3A_980 = arith.index_cast %add3A_911 : i32 to index
            %get3A_981 = arith.constant 96 : index
            %get3A_982 = tpu.vector_load %arg18[%get3A_980, %get3A_981] {strides = array<i32>} : memref<128x128xf32, #tpu.memory_space<vmem>>, vector<1x16xf32>,
            %get3A_983 = vector.shape_cast %get3A_982 : vector<1x16xf32> to vector<16xf32>
            %mul3A_984 = vector.broadcast %squeeze3A_913 : f32 to vector<16xf32>
            %mul3A_985 = arith.mulf %get3A_983, %mul3A_984 : vector<16xf32>
            %swap3A_986 = arith.index_cast %add3A_911 : i32 to index
            %swap3A_987 = arith.constant 96 : index
            %swap3A_988 = tpu.vector_load %arg18[%swap3A_986, %swap3A_987] {strides = array<i32>} : memref<128x128xf32, #tpu.memory_space<vmem>>, vector<1x16xf32>,
            %swap3A_989 = vector.shape_cast %swap3A_988 : vector<1x16xf32> to vector<16xf32>
            %swap3A_990 = vector.shape_cast %mul3A_985 : vector<16xf32> to vector<1x16xf32>
            tpu.vector_store %arg18[%swap3A_986, %swap3A_987], %swap3A_990 {strides = array<i32>} : memref<128x128xf32, #tpu.memory_space<vmem>>, vector<1x16xf32>,
            %get3A_991 = arith.index_cast %add3A_911 : i32 to index
            %get3A_992 = arith.constant 112 : index
            %get3A_993 = tpu.vector_load %arg18[%get3A_991, %get3A_992] {strides = array<i32>} : memref<128x128xf32, #tpu.memory_space<vmem>>, vector<1x16xf32>,
            %get3A_994 = vector.shape_cast %get3A_993 : vector<1x16xf32> to vector<16xf32>
            %mul3A_995 = vector.broadcast %squeeze3A_913 : f32 to vector<16xf32>
            %mul3A_996 = arith.mulf %get3A_994, %mul3A_995 : vector<16xf32>
            %swap3A_997 = arith.index_cast %add3A_911 : i32 to index
            %swap3A_998 = arith.constant 112 : index
            %swap3A_999 = tpu.vector_load %arg18[%swap3A_997, %swap3A_998] {strides = array<i32>} : memref<128x128xf32, #tpu.memory_space<vmem>>, vector<1x16xf32>,
            %swap3A_1000 = vector.shape_cast %swap3A_999 : vector<1x16xf32> to vector<16xf32>
            %swap3A_1001 = vector.shape_cast %mul3A_996 : vector<16xf32> to vector<1x16xf32>
            tpu.vector_store %arg18[%swap3A_997, %swap3A_998], %swap3A_1001 {strides = array<i32>} : memref<128x128xf32, #tpu.memory_space<vmem>>, vector<1x16xf32>,
            %mul3A_1002 = arith.constant 16 : i32
            %mul3A_1003 = arith.muli %add3A_59, %mul3A_1002 : i32
            %add3A_1004 = arith.constant 10 : i32
            %add3A_1005 = arith.addi %mul3A_1003, %add3A_1004 : i32
            %slice3A_1006 = vector.extract_strided_slice %get3A_64 {offsets = [10], sizes = [1], strides = [1]} : vector<16xf32> to vector<1xf32>
            %squeeze3A_1007 = vector.extract %slice3A_1006[0] : f32 from vector<1xf32>
            %get3A_1008 = arith.index_cast %add3A_1005 : i32 to index
            %get3A_1009 = arith.constant 0 : index
            %get3A_1010 = tpu.vector_load %arg18[%get3A_1008, %get3A_1009] {strides = array<i32>} : memref<128x128xf32, #tpu.memory_space<vmem>>, vector<1x16xf32>,
            %get3A_1011 = vector.shape_cast %get3A_1010 : vector<1x16xf32> to vector<16xf32>
            %mul3A_1012 = vector.broadcast %squeeze3A_1007 : f32 to vector<16xf32>
            %mul3A_1013 = arith.mulf %get3A_1011, %mul3A_1012 : vector<16xf32>
            %swap3A_1014 = arith.index_cast %add3A_1005 : i32 to index
            %swap3A_1015 = arith.constant 0 : index
            %swap3A_1016 = tpu.vector_load %arg18[%swap3A_1014, %swap3A_1015] {strides = array<i32>} : memref<128x128xf32, #tpu.memory_space<vmem>>, vector<1x16xf32>,
            %swap3A_1017 = vector.shape_cast %swap3A_1016 : vector<1x16xf32> to vector<16xf32>
            %swap3A_1018 = vector.shape_cast %mul3A_1013 : vector<16xf32> to vector<1x16xf32>
            tpu.vector_store %arg18[%swap3A_1014, %swap3A_1015], %swap3A_1018 {strides = array<i32>} : memref<128x128xf32, #tpu.memory_space<vmem>>, vector<1x16xf32>,
            %get3A_1019 = arith.index_cast %add3A_1005 : i32 to index
            %get3A_1020 = arith.constant 16 : index
            %get3A_1021 = tpu.vector_load %arg18[%get3A_1019, %get3A_1020] {strides = array<i32>} : memref<128x128xf32, #tpu.memory_space<vmem>>, vector<1x16xf32>,
            %get3A_1022 = vector.shape_cast %get3A_1021 : vector<1x16xf32> to vector<16xf32>
            %mul3A_1023 = vector.broadcast %squeeze3A_1007 : f32 to vector<16xf32>
            %mul3A_1024 = arith.mulf %get3A_1022, %mul3A_1023 : vector<16xf32>
            %swap3A_1025 = arith.index_cast %add3A_1005 : i32 to index
            %swap3A_1026 = arith.constant 16 : index
            %swap3A_1027 = tpu.vector_load %arg18[%swap3A_1025, %swap3A_1026] {strides = array<i32>} : memref<128x128xf32, #tpu.memory_space<vmem>>, vector<1x16xf32>,
            %swap3A_1028 = vector.shape_cast %swap3A_1027 : vector<1x16xf32> to vector<16xf32>
            %swap3A_1029 = vector.shape_cast %mul3A_1024 : vector<16xf32> to vector<1x16xf32>
            tpu.vector_store %arg18[%swap3A_1025, %swap3A_1026], %swap3A_1029 {strides = array<i32>} : memref<128x128xf32, #tpu.memory_space<vmem>>, vector<1x16xf32>,
            %get3A_1030 = arith.index_cast %add3A_1005 : i32 to index
            %get3A_1031 = arith.constant 32 : index
            %get3A_1032 = tpu.vector_load %arg18[%get3A_1030, %get3A_1031] {strides = array<i32>} : memref<128x128xf32, #tpu.memory_space<vmem>>, vector<1x16xf32>,
            %get3A_1033 = vector.shape_cast %get3A_1032 : vector<1x16xf32> to vector<16xf32>
            %mul3A_1034 = vector.broadcast %squeeze3A_1007 : f32 to vector<16xf32>
            %mul3A_1035 = arith.mulf %get3A_1033, %mul3A_1034 : vector<16xf32>
            %swap3A_1036 = arith.index_cast %add3A_1005 : i32 to index
            %swap3A_1037 = arith.constant 32 : index
            %swap3A_1038 = tpu.vector_load %arg18[%swap3A_1036, %swap3A_1037] {strides = array<i32>} : memref<128x128xf32, #tpu.memory_space<vmem>>, vector<1x16xf32>,
            %swap3A_1039 = vector.shape_cast %swap3A_1038 : vector<1x16xf32> to vector<16xf32>
            %swap3A_1040 = vector.shape_cast %mul3A_1035 : vector<16xf32> to vector<1x16xf32>
            tpu.vector_store %arg18[%swap3A_1036, %swap3A_1037], %swap3A_1040 {strides = array<i32>} : memref<128x128xf32, #tpu.memory_space<vmem>>, vector<1x16xf32>,
            %get3A_1041 = arith.index_cast %add3A_1005 : i32 to index
            %get3A_1042 = arith.constant 48 : index
            %get3A_1043 = tpu.vector_load %arg18[%get3A_1041, %get3A_1042] {strides = array<i32>} : memref<128x128xf32, #tpu.memory_space<vmem>>, vector<1x16xf32>,
            %get3A_1044 = vector.shape_cast %get3A_1043 : vector<1x16xf32> to vector<16xf32>
            %mul3A_1045 = vector.broadcast %squeeze3A_1007 : f32 to vector<16xf32>
            %mul3A_1046 = arith.mulf %get3A_1044, %mul3A_1045 : vector<16xf32>
            %swap3A_1047 = arith.index_cast %add3A_1005 : i32 to index
            %swap3A_1048 = arith.constant 48 : index
            %swap3A_1049 = tpu.vector_load %arg18[%swap3A_1047, %swap3A_1048] {strides = array<i32>} : memref<128x128xf32, #tpu.memory_space<vmem>>, vector<1x16xf32>,
            %swap3A_1050 = vector.shape_cast %swap3A_1049 : vector<1x16xf32> to vector<16xf32>
            %swap3A_1051 = vector.shape_cast %mul3A_1046 : vector<16xf32> to vector<1x16xf32>
            tpu.vector_store %arg18[%swap3A_1047, %swap3A_1048], %swap3A_1051 {strides = array<i32>} : memref<128x128xf32, #tpu.memory_space<vmem>>, vector<1x16xf32>,
            %get3A_1052 = arith.index_cast %add3A_1005 : i32 to index
            %get3A_1053 = arith.constant 64 : index
            %get3A_1054 = tpu.vector_load %arg18[%get3A_1052, %get3A_1053] {strides = array<i32>} : memref<128x128xf32, #tpu.memory_space<vmem>>, vector<1x16xf32>,
            %get3A_1055 = vector.shape_cast %get3A_1054 : vector<1x16xf32> to vector<16xf32>
            %mul3A_1056 = vector.broadcast %squeeze3A_1007 : f32 to vector<16xf32>
            %mul3A_1057 = arith.mulf %get3A_1055, %mul3A_1056 : vector<16xf32>
            %swap3A_1058 = arith.index_cast %add3A_1005 : i32 to index
            %swap3A_1059 = arith.constant 64 : index
            %swap3A_1060 = tpu.vector_load %arg18[%swap3A_1058, %swap3A_1059] {strides = array<i32>} : memref<128x128xf32, #tpu.memory_space<vmem>>, vector<1x16xf32>,
            %swap3A_1061 = vector.shape_cast %swap3A_1060 : vector<1x16xf32> to vector<16xf32>
            %swap3A_1062 = vector.shape_cast %mul3A_1057 : vector<16xf32> to vector<1x16xf32>
            tpu.vector_store %arg18[%swap3A_1058, %swap3A_1059], %swap3A_1062 {strides = array<i32>} : memref<128x128xf32, #tpu.memory_space<vmem>>, vector<1x16xf32>,
            %get3A_1063 = arith.index_cast %add3A_1005 : i32 to index
            %get3A_1064 = arith.constant 80 : index
            %get3A_1065 = tpu.vector_load %arg18[%get3A_1063, %get3A_1064] {strides = array<i32>} : memref<128x128xf32, #tpu.memory_space<vmem>>, vector<1x16xf32>,
            %get3A_1066 = vector.shape_cast %get3A_1065 : vector<1x16xf32> to vector<16xf32>
            %mul3A_1067 = vector.broadcast %squeeze3A_1007 : f32 to vector<16xf32>
            %mul3A_1068 = arith.mulf %get3A_1066, %mul3A_1067 : vector<16xf32>
            %swap3A_1069 = arith.index_cast %add3A_1005 : i32 to index
            %swap3A_1070 = arith.constant 80 : index
            %swap3A_1071 = tpu.vector_load %arg18[%swap3A_1069, %swap3A_1070] {strides = array<i32>} : memref<128x128xf32, #tpu.memory_space<vmem>>, vector<1x16xf32>,
            %swap3A_1072 = vector.shape_cast %swap3A_1071 : vector<1x16xf32> to vector<16xf32>
            %swap3A_1073 = vector.shape_cast %mul3A_1068 : vector<16xf32> to vector<1x16xf32>
            tpu.vector_store %arg18[%swap3A_1069, %swap3A_1070], %swap3A_1073 {strides = array<i32>} : memref<128x128xf32, #tpu.memory_space<vmem>>, vector<1x16xf32>,
            %get3A_1074 = arith.index_cast %add3A_1005 : i32 to index
            %get3A_1075 = arith.constant 96 : index
            %get3A_1076 = tpu.vector_load %arg18[%get3A_1074, %get3A_1075] {strides = array<i32>} : memref<128x128xf32, #tpu.memory_space<vmem>>, vector<1x16xf32>,
            %get3A_1077 = vector.shape_cast %get3A_1076 : vector<1x16xf32> to vector<16xf32>
            %mul3A_1078 = vector.broadcast %squeeze3A_1007 : f32 to vector<16xf32>
            %mul3A_1079 = arith.mulf %get3A_1077, %mul3A_1078 : vector<16xf32>
            %swap3A_1080 = arith.index_cast %add3A_1005 : i32 to index
            %swap3A_1081 = arith.constant 96 : index
            %swap3A_1082 = tpu.vector_load %arg18[%swap3A_1080, %swap3A_1081] {strides = array<i32>} : memref<128x128xf32, #tpu.memory_space<vmem>>, vector<1x16xf32>,
            %swap3A_1083 = vector.shape_cast %swap3A_1082 : vector<1x16xf32> to vector<16xf32>
            %swap3A_1084 = vector.shape_cast %mul3A_1079 : vector<16xf32> to vector<1x16xf32>
            tpu.vector_store %arg18[%swap3A_1080, %swap3A_1081], %swap3A_1084 {strides = array<i32>} : memref<128x128xf32, #tpu.memory_space<vmem>>, vector<1x16xf32>,
            %get3A_1085 = arith.index_cast %add3A_1005 : i32 to index
            %get3A_1086 = arith.constant 112 : index
            %get3A_1087 = tpu.vector_load %arg18[%get3A_1085, %get3A_1086] {strides = array<i32>} : memref<128x128xf32, #tpu.memory_space<vmem>>, vector<1x16xf32>,
            %get3A_1088 = vector.shape_cast %get3A_1087 : vector<1x16xf32> to vector<16xf32>
            %mul3A_1089 = vector.broadcast %squeeze3A_1007 : f32 to vector<16xf32>
            %mul3A_1090 = arith.mulf %get3A_1088, %mul3A_1089 : vector<16xf32>
            %swap3A_1091 = arith.index_cast %add3A_1005 : i32 to index
            %swap3A_1092 = arith.constant 112 : index
            %swap3A_1093 = tpu.vector_load %arg18[%swap3A_1091, %swap3A_1092] {strides = array<i32>} : memref<128x128xf32, #tpu.memory_space<vmem>>, vector<1x16xf32>,
            %swap3A_1094 = vector.shape_cast %swap3A_1093 : vector<1x16xf32> to vector<16xf32>
            %swap3A_1095 = vector.shape_cast %mul3A_1090 : vector<16xf32> to vector<1x16xf32>
            tpu.vector_store %arg18[%swap3A_1091, %swap3A_1092], %swap3A_1095 {strides = array<i32>} : memref<128x128xf32, #tpu.memory_space<vmem>>, vector<1x16xf32>,
            %mul3A_1096 = arith.constant 16 : i32
            %mul3A_1097 = arith.muli %add3A_59, %mul3A_1096 : i32
            %add3A_1098 = arith.constant 11 : i32
            %add3A_1099 = arith.addi %mul3A_1097, %add3A_1098 : i32
            %slice3A_1100 = vector.extract_strided_slice %get3A_64 {offsets = [11], sizes = [1], strides = [1]} : vector<16xf32> to vector<1xf32>
            %squeeze3A_1101 = vector.extract %slice3A_1100[0] : f32 from vector<1xf32>
            %get3A_1102 = arith.index_cast %add3A_1099 : i32 to index
            %get3A_1103 = arith.constant 0 : index
            %get3A_1104 = tpu.vector_load %arg18[%get3A_1102, %get3A_1103] {strides = array<i32>} : memref<128x128xf32, #tpu.memory_space<vmem>>, vector<1x16xf32>,
            %get3A_1105 = vector.shape_cast %get3A_1104 : vector<1x16xf32> to vector<16xf32>
            %mul3A_1106 = vector.broadcast %squeeze3A_1101 : f32 to vector<16xf32>
            %mul3A_1107 = arith.mulf %get3A_1105, %mul3A_1106 : vector<16xf32>
            %swap3A_1108 = arith.index_cast %add3A_1099 : i32 to index
            %swap3A_1109 = arith.constant 0 : index
            %swap3A_1110 = tpu.vector_load %arg18[%swap3A_1108, %swap3A_1109] {strides = array<i32>} : memref<128x128xf32, #tpu.memory_space<vmem>>, vector<1x16xf32>,
            %swap3A_1111 = vector.shape_cast %swap3A_1110 : vector<1x16xf32> to vector<16xf32>
            %swap3A_1112 = vector.shape_cast %mul3A_1107 : vector<16xf32> to vector<1x16xf32>
            tpu.vector_store %arg18[%swap3A_1108, %swap3A_1109], %swap3A_1112 {strides = array<i32>} : memref<128x128xf32, #tpu.memory_space<vmem>>, vector<1x16xf32>,
            %get3A_1113 = arith.index_cast %add3A_1099 : i32 to index
            %get3A_1114 = arith.constant 16 : index
            %get3A_1115 = tpu.vector_load %arg18[%get3A_1113, %get3A_1114] {strides = array<i32>} : memref<128x128xf32, #tpu.memory_space<vmem>>, vector<1x16xf32>,
            %get3A_1116 = vector.shape_cast %get3A_1115 : vector<1x16xf32> to vector<16xf32>
            %mul3A_1117 = vector.broadcast %squeeze3A_1101 : f32 to vector<16xf32>
            %mul3A_1118 = arith.mulf %get3A_1116, %mul3A_1117 : vector<16xf32>
            %swap3A_1119 = arith.index_cast %add3A_1099 : i32 to index
            %swap3A_1120 = arith.constant 16 : index
            %swap3A_1121 = tpu.vector_load %arg18[%swap3A_1119, %swap3A_1120] {strides = array<i32>} : memref<128x128xf32, #tpu.memory_space<vmem>>, vector<1x16xf32>,
            %swap3A_1122 = vector.shape_cast %swap3A_1121 : vector<1x16xf32> to vector<16xf32>
            %swap3A_1123 = vector.shape_cast %mul3A_1118 : vector<16xf32> to vector<1x16xf32>
            tpu.vector_store %arg18[%swap3A_1119, %swap3A_1120], %swap3A_1123 {strides = array<i32>} : memref<128x128xf32, #tpu.memory_space<vmem>>, vector<1x16xf32>,
            %get3A_1124 = arith.index_cast %add3A_1099 : i32 to index
            %get3A_1125 = arith.constant 32 : index
            %get3A_1126 = tpu.vector_load %arg18[%get3A_1124, %get3A_1125] {strides = array<i32>} : memref<128x128xf32, #tpu.memory_space<vmem>>, vector<1x16xf32>,
            %get3A_1127 = vector.shape_cast %get3A_1126 : vector<1x16xf32> to vector<16xf32>
            %mul3A_1128 = vector.broadcast %squeeze3A_1101 : f32 to vector<16xf32>
            %mul3A_1129 = arith.mulf %get3A_1127, %mul3A_1128 : vector<16xf32>
            %swap3A_1130 = arith.index_cast %add3A_1099 : i32 to index
            %swap3A_1131 = arith.constant 32 : index
            %swap3A_1132 = tpu.vector_load %arg18[%swap3A_1130, %swap3A_1131] {strides = array<i32>} : memref<128x128xf32, #tpu.memory_space<vmem>>, vector<1x16xf32>,
            %swap3A_1133 = vector.shape_cast %swap3A_1132 : vector<1x16xf32> to vector<16xf32>
            %swap3A_1134 = vector.shape_cast %mul3A_1129 : vector<16xf32> to vector<1x16xf32>
            tpu.vector_store %arg18[%swap3A_1130, %swap3A_1131], %swap3A_1134 {strides = array<i32>} : memref<128x128xf32, #tpu.memory_space<vmem>>, vector<1x16xf32>,
            %get3A_1135 = arith.index_cast %add3A_1099 : i32 to index
            %get3A_1136 = arith.constant 48 : index
            %get3A_1137 = tpu.vector_load %arg18[%get3A_1135, %get3A_1136] {strides = array<i32>} : memref<128x128xf32, #tpu.memory_space<vmem>>, vector<1x16xf32>,
            %get3A_1138 = vector.shape_cast %get3A_1137 : vector<1x16xf32> to vector<16xf32>
            %mul3A_1139 = vector.broadcast %squeeze3A_1101 : f32 to vector<16xf32>
            %mul3A_1140 = arith.mulf %get3A_1138, %mul3A_1139 : vector<16xf32>
            %swap3A_1141 = arith.index_cast %add3A_1099 : i32 to index
            %swap3A_1142 = arith.constant 48 : index
            %swap3A_1143 = tpu.vector_load %arg18[%swap3A_1141, %swap3A_1142] {strides = array<i32>} : memref<128x128xf32, #tpu.memory_space<vmem>>, vector<1x16xf32>,
            %swap3A_1144 = vector.shape_cast %swap3A_1143 : vector<1x16xf32> to vector<16xf32>
            %swap3A_1145 = vector.shape_cast %mul3A_1140 : vector<16xf32> to vector<1x16xf32>
            tpu.vector_store %arg18[%swap3A_1141, %swap3A_1142], %swap3A_1145 {strides = array<i32>} : memref<128x128xf32, #tpu.memory_space<vmem>>, vector<1x16xf32>,
            %get3A_1146 = arith.index_cast %add3A_1099 : i32 to index
            %get3A_1147 = arith.constant 64 : index
            %get3A_1148 = tpu.vector_load %arg18[%get3A_1146, %get3A_1147] {strides = array<i32>} : memref<128x128xf32, #tpu.memory_space<vmem>>, vector<1x16xf32>,
            %get3A_1149 = vector.shape_cast %get3A_1148 : vector<1x16xf32> to vector<16xf32>
            %mul3A_1150 = vector.broadcast %squeeze3A_1101 : f32 to vector<16xf32>
            %mul3A_1151 = arith.mulf %get3A_1149, %mul3A_1150 : vector<16xf32>
            %swap3A_1152 = arith.index_cast %add3A_1099 : i32 to index
            %swap3A_1153 = arith.constant 64 : index
            %swap3A_1154 = tpu.vector_load %arg18[%swap3A_1152, %swap3A_1153] {strides = array<i32>} : memref<128x128xf32, #tpu.memory_space<vmem>>, vector<1x16xf32>,
            %swap3A_1155 = vector.shape_cast %swap3A_1154 : vector<1x16xf32> to vector<16xf32>
            %swap3A_1156 = vector.shape_cast %mul3A_1151 : vector<16xf32> to vector<1x16xf32>
            tpu.vector_store %arg18[%swap3A_1152, %swap3A_1153], %swap3A_1156 {strides = array<i32>} : memref<128x128xf32, #tpu.memory_space<vmem>>, vector<1x16xf32>,
            %get3A_1157 = arith.index_cast %add3A_1099 : i32 to index
            %get3A_1158 = arith.constant 80 : index
            %get3A_1159 = tpu.vector_load %arg18[%get3A_1157, %get3A_1158] {strides = array<i32>} : memref<128x128xf32, #tpu.memory_space<vmem>>, vector<1x16xf32>,
            %get3A_1160 = vector.shape_cast %get3A_1159 : vector<1x16xf32> to vector<16xf32>
            %mul3A_1161 = vector.broadcast %squeeze3A_1101 : f32 to vector<16xf32>
            %mul3A_1162 = arith.mulf %get3A_1160, %mul3A_1161 : vector<16xf32>
            %swap3A_1163 = arith.index_cast %add3A_1099 : i32 to index
            %swap3A_1164 = arith.constant 80 : index
            %swap3A_1165 = tpu.vector_load %arg18[%swap3A_1163, %swap3A_1164] {strides = array<i32>} : memref<128x128xf32, #tpu.memory_space<vmem>>, vector<1x16xf32>,
            %swap3A_1166 = vector.shape_cast %swap3A_1165 : vector<1x16xf32> to vector<16xf32>
            %swap3A_1167 = vector.shape_cast %mul3A_1162 : vector<16xf32> to vector<1x16xf32>
            tpu.vector_store %arg18[%swap3A_1163, %swap3A_1164], %swap3A_1167 {strides = array<i32>} : memref<128x128xf32, #tpu.memory_space<vmem>>, vector<1x16xf32>,
            %get3A_1168 = arith.index_cast %add3A_1099 : i32 to index
            %get3A_1169 = arith.constant 96 : index
            %get3A_1170 = tpu.vector_load %arg18[%get3A_1168, %get3A_1169] {strides = array<i32>} : memref<128x128xf32, #tpu.memory_space<vmem>>, vector<1x16xf32>,
            %get3A_1171 = vector.shape_cast %get3A_1170 : vector<1x16xf32> to vector<16xf32>
            %mul3A_1172 = vector.broadcast %squeeze3A_1101 : f32 to vector<16xf32>
            %mul3A_1173 = arith.mulf %get3A_1171, %mul3A_1172 : vector<16xf32>
            %swap3A_1174 = arith.index_cast %add3A_1099 : i32 to index
            %swap3A_1175 = arith.constant 96 : index
            %swap3A_1176 = tpu.vector_load %arg18[%swap3A_1174, %swap3A_1175] {strides = array<i32>} : memref<128x128xf32, #tpu.memory_space<vmem>>, vector<1x16xf32>,
            %swap3A_1177 = vector.shape_cast %swap3A_1176 : vector<1x16xf32> to vector<16xf32>
            %swap3A_1178 = vector.shape_cast %mul3A_1173 : vector<16xf32> to vector<1x16xf32>
            tpu.vector_store %arg18[%swap3A_1174, %swap3A_1175], %swap3A_1178 {strides = array<i32>} : memref<128x128xf32, #tpu.memory_space<vmem>>, vector<1x16xf32>,
            %get3A_1179 = arith.index_cast %add3A_1099 : i32 to index
            %get3A_1180 = arith.constant 112 : index
            %get3A_1181 = tpu.vector_load %arg18[%get3A_1179, %get3A_1180] {strides = array<i32>} : memref<128x128xf32, #tpu.memory_space<vmem>>, vector<1x16xf32>,
            %get3A_1182 = vector.shape_cast %get3A_1181 : vector<1x16xf32> to vector<16xf32>
            %mul3A_1183 = vector.broadcast %squeeze3A_1101 : f32 to vector<16xf32>
            %mul3A_1184 = arith.mulf %get3A_1182, %mul3A_1183 : vector<16xf32>
            %swap3A_1185 = arith.index_cast %add3A_1099 : i32 to index
            %swap3A_1186 = arith.constant 112 : index
            %swap3A_1187 = tpu.vector_load %arg18[%swap3A_1185, %swap3A_1186] {strides = array<i32>} : memref<128x128xf32, #tpu.memory_space<vmem>>, vector<1x16xf32>,
            %swap3A_1188 = vector.shape_cast %swap3A_1187 : vector<1x16xf32> to vector<16xf32>
            %swap3A_1189 = vector.shape_cast %mul3A_1184 : vector<16xf32> to vector<1x16xf32>
            tpu.vector_store %arg18[%swap3A_1185, %swap3A_1186], %swap3A_1189 {strides = array<i32>} : memref<128x128xf32, #tpu.memory_space<vmem>>, vector<1x16xf32>,
            %mul3A_1190 = arith.constant 16 : i32
            %mul3A_1191 = arith.muli %add3A_59, %mul3A_1190 : i32
            %add3A_1192 = arith.constant 12 : i32
            %add3A_1193 = arith.addi %mul3A_1191, %add3A_1192 : i32
            %slice3A_1194 = vector.extract_strided_slice %get3A_64 {offsets = [12], sizes = [1], strides = [1]} : vector<16xf32> to vector<1xf32>
            %squeeze3A_1195 = vector.extract %slice3A_1194[0] : f32 from vector<1xf32>
            %get3A_1196 = arith.index_cast %add3A_1193 : i32 to index
            %get3A_1197 = arith.constant 0 : index
            %get3A_1198 = tpu.vector_load %arg18[%get3A_1196, %get3A_1197] {strides = array<i32>} : memref<128x128xf32, #tpu.memory_space<vmem>>, vector<1x16xf32>,
            %get3A_1199 = vector.shape_cast %get3A_1198 : vector<1x16xf32> to vector<16xf32>
            %mul3A_1200 = vector.broadcast %squeeze3A_1195 : f32 to vector<16xf32>
            %mul3A_1201 = arith.mulf %get3A_1199, %mul3A_1200 : vector<16xf32>
            %swap3A_1202 = arith.index_cast %add3A_1193 : i32 to index
            %swap3A_1203 = arith.constant 0 : index
            %swap3A_1204 = tpu.vector_load %arg18[%swap3A_1202, %swap3A_1203] {strides = array<i32>} : memref<128x128xf32, #tpu.memory_space<vmem>>, vector<1x16xf32>,
            %swap3A_1205 = vector.shape_cast %swap3A_1204 : vector<1x16xf32> to vector<16xf32>
            %swap3A_1206 = vector.shape_cast %mul3A_1201 : vector<16xf32> to vector<1x16xf32>
            tpu.vector_store %arg18[%swap3A_1202, %swap3A_1203], %swap3A_1206 {strides = array<i32>} : memref<128x128xf32, #tpu.memory_space<vmem>>, vector<1x16xf32>,
            %get3A_1207 = arith.index_cast %add3A_1193 : i32 to index
            %get3A_1208 = arith.constant 16 : index
            %get3A_1209 = tpu.vector_load %arg18[%get3A_1207, %get3A_1208] {strides = array<i32>} : memref<128x128xf32, #tpu.memory_space<vmem>>, vector<1x16xf32>,
            %get3A_1210 = vector.shape_cast %get3A_1209 : vector<1x16xf32> to vector<16xf32>
            %mul3A_1211 = vector.broadcast %squeeze3A_1195 : f32 to vector<16xf32>
            %mul3A_1212 = arith.mulf %get3A_1210, %mul3A_1211 : vector<16xf32>
            %swap3A_1213 = arith.index_cast %add3A_1193 : i32 to index
            %swap3A_1214 = arith.constant 16 : index
            %swap3A_1215 = tpu.vector_load %arg18[%swap3A_1213, %swap3A_1214] {strides = array<i32>} : memref<128x128xf32, #tpu.memory_space<vmem>>, vector<1x16xf32>,
            %swap3A_1216 = vector.shape_cast %swap3A_1215 : vector<1x16xf32> to vector<16xf32>
            %swap3A_1217 = vector.shape_cast %mul3A_1212 : vector<16xf32> to vector<1x16xf32>
            tpu.vector_store %arg18[%swap3A_1213, %swap3A_1214], %swap3A_1217 {strides = array<i32>} : memref<128x128xf32, #tpu.memory_space<vmem>>, vector<1x16xf32>,
            %get3A_1218 = arith.index_cast %add3A_1193 : i32 to index
            %get3A_1219 = arith.constant 32 : index
            %get3A_1220 = tpu.vector_load %arg18[%get3A_1218, %get3A_1219] {strides = array<i32>} : memref<128x128xf32, #tpu.memory_space<vmem>>, vector<1x16xf32>,
            %get3A_1221 = vector.shape_cast %get3A_1220 : vector<1x16xf32> to vector<16xf32>
            %mul3A_1222 = vector.broadcast %squeeze3A_1195 : f32 to vector<16xf32>
            %mul3A_1223 = arith.mulf %get3A_1221, %mul3A_1222 : vector<16xf32>
            %swap3A_1224 = arith.index_cast %add3A_1193 : i32 to index
            %swap3A_1225 = arith.constant 32 : index
            %swap3A_1226 = tpu.vector_load %arg18[%swap3A_1224, %swap3A_1225] {strides = array<i32>} : memref<128x128xf32, #tpu.memory_space<vmem>>, vector<1x16xf32>,
            %swap3A_1227 = vector.shape_cast %swap3A_1226 : vector<1x16xf32> to vector<16xf32>
            %swap3A_1228 = vector.shape_cast %mul3A_1223 : vector<16xf32> to vector<1x16xf32>
            tpu.vector_store %arg18[%swap3A_1224, %swap3A_1225], %swap3A_1228 {strides = array<i32>} : memref<128x128xf32, #tpu.memory_space<vmem>>, vector<1x16xf32>,
            %get3A_1229 = arith.index_cast %add3A_1193 : i32 to index
            %get3A_1230 = arith.constant 48 : index
            %get3A_1231 = tpu.vector_load %arg18[%get3A_1229, %get3A_1230] {strides = array<i32>} : memref<128x128xf32, #tpu.memory_space<vmem>>, vector<1x16xf32>,
            %get3A_1232 = vector.shape_cast %get3A_1231 : vector<1x16xf32> to vector<16xf32>
            %mul3A_1233 = vector.broadcast %squeeze3A_1195 : f32 to vector<16xf32>
            %mul3A_1234 = arith.mulf %get3A_1232, %mul3A_1233 : vector<16xf32>
            %swap3A_1235 = arith.index_cast %add3A_1193 : i32 to index
            %swap3A_1236 = arith.constant 48 : index
            %swap3A_1237 = tpu.vector_load %arg18[%swap3A_1235, %swap3A_1236] {strides = array<i32>} : memref<128x128xf32, #tpu.memory_space<vmem>>, vector<1x16xf32>,
            %swap3A_1238 = vector.shape_cast %swap3A_1237 : vector<1x16xf32> to vector<16xf32>
            %swap3A_1239 = vector.shape_cast %mul3A_1234 : vector<16xf32> to vector<1x16xf32>
            tpu.vector_store %arg18[%swap3A_1235, %swap3A_1236], %swap3A_1239 {strides = array<i32>} : memref<128x128xf32, #tpu.memory_space<vmem>>, vector<1x16xf32>,
            %get3A_1240 = arith.index_cast %add3A_1193 : i32 to index
            %get3A_1241 = arith.constant 64 : index
            %get3A_1242 = tpu.vector_load %arg18[%get3A_1240, %get3A_1241] {strides = array<i32>} : memref<128x128xf32, #tpu.memory_space<vmem>>, vector<1x16xf32>,
            %get3A_1243 = vector.shape_cast %get3A_1242 : vector<1x16xf32> to vector<16xf32>
            %mul3A_1244 = vector.broadcast %squeeze3A_1195 : f32 to vector<16xf32>
            %mul3A_1245 = arith.mulf %get3A_1243, %mul3A_1244 : vector<16xf32>
            %swap3A_1246 = arith.index_cast %add3A_1193 : i32 to index
            %swap3A_1247 = arith.constant 64 : index
            %swap3A_1248 = tpu.vector_load %arg18[%swap3A_1246, %swap3A_1247] {strides = array<i32>} : memref<128x128xf32, #tpu.memory_space<vmem>>, vector<1x16xf32>,
            %swap3A_1249 = vector.shape_cast %swap3A_1248 : vector<1x16xf32> to vector<16xf32>
            %swap3A_1250 = vector.shape_cast %mul3A_1245 : vector<16xf32> to vector<1x16xf32>
            tpu.vector_store %arg18[%swap3A_1246, %swap3A_1247], %swap3A_1250 {strides = array<i32>} : memref<128x128xf32, #tpu.memory_space<vmem>>, vector<1x16xf32>,
            %get3A_1251 = arith.index_cast %add3A_1193 : i32 to index
            %get3A_1252 = arith.constant 80 : index
            %get3A_1253 = tpu.vector_load %arg18[%get3A_1251, %get3A_1252] {strides = array<i32>} : memref<128x128xf32, #tpu.memory_space<vmem>>, vector<1x16xf32>,
            %get3A_1254 = vector.shape_cast %get3A_1253 : vector<1x16xf32> to vector<16xf32>
            %mul3A_1255 = vector.broadcast %squeeze3A_1195 : f32 to vector<16xf32>
            %mul3A_1256 = arith.mulf %get3A_1254, %mul3A_1255 : vector<16xf32>
            %swap3A_1257 = arith.index_cast %add3A_1193 : i32 to index
            %swap3A_1258 = arith.constant 80 : index
            %swap3A_1259 = tpu.vector_load %arg18[%swap3A_1257, %swap3A_1258] {strides = array<i32>} : memref<128x128xf32, #tpu.memory_space<vmem>>, vector<1x16xf32>,
            %swap3A_1260 = vector.shape_cast %swap3A_1259 : vector<1x16xf32> to vector<16xf32>
            %swap3A_1261 = vector.shape_cast %mul3A_1256 : vector<16xf32> to vector<1x16xf32>
            tpu.vector_store %arg18[%swap3A_1257, %swap3A_1258], %swap3A_1261 {strides = array<i32>} : memref<128x128xf32, #tpu.memory_space<vmem>>, vector<1x16xf32>,
            %get3A_1262 = arith.index_cast %add3A_1193 : i32 to index
            %get3A_1263 = arith.constant 96 : index
            %get3A_1264 = tpu.vector_load %arg18[%get3A_1262, %get3A_1263] {strides = array<i32>} : memref<128x128xf32, #tpu.memory_space<vmem>>, vector<1x16xf32>,
            %get3A_1265 = vector.shape_cast %get3A_1264 : vector<1x16xf32> to vector<16xf32>
            %mul3A_1266 = vector.broadcast %squeeze3A_1195 : f32 to vector<16xf32>
            %mul3A_1267 = arith.mulf %get3A_1265, %mul3A_1266 : vector<16xf32>
            %swap3A_1268 = arith.index_cast %add3A_1193 : i32 to index
            %swap3A_1269 = arith.constant 96 : index
            %swap3A_1270 = tpu.vector_load %arg18[%swap3A_1268, %swap3A_1269] {strides = array<i32>} : memref<128x128xf32, #tpu.memory_space<vmem>>, vector<1x16xf32>,
            %swap3A_1271 = vector.shape_cast %swap3A_1270 : vector<1x16xf32> to vector<16xf32>
            %swap3A_1272 = vector.shape_cast %mul3A_1267 : vector<16xf32> to vector<1x16xf32>
            tpu.vector_store %arg18[%swap3A_1268, %swap3A_1269], %swap3A_1272 {strides = array<i32>} : memref<128x128xf32, #tpu.memory_space<vmem>>, vector<1x16xf32>,
            %get3A_1273 = arith.index_cast %add3A_1193 : i32 to index
            %get3A_1274 = arith.constant 112 : index
            %get3A_1275 = tpu.vector_load %arg18[%get3A_1273, %get3A_1274] {strides = array<i32>} : memref<128x128xf32, #tpu.memory_space<vmem>>, vector<1x16xf32>,
            %get3A_1276 = vector.shape_cast %get3A_1275 : vector<1x16xf32> to vector<16xf32>
            %mul3A_1277 = vector.broadcast %squeeze3A_1195 : f32 to vector<16xf32>
            %mul3A_1278 = arith.mulf %get3A_1276, %mul3A_1277 : vector<16xf32>
            %swap3A_1279 = arith.index_cast %add3A_1193 : i32 to index
            %swap3A_1280 = arith.constant 112 : index
            %swap3A_1281 = tpu.vector_load %arg18[%swap3A_1279, %swap3A_1280] {strides = array<i32>} : memref<128x128xf32, #tpu.memory_space<vmem>>, vector<1x16xf32>,
            %swap3A_1282 = vector.shape_cast %swap3A_1281 : vector<1x16xf32> to vector<16xf32>
            %swap3A_1283 = vector.shape_cast %mul3A_1278 : vector<16xf32> to vector<1x16xf32>
            tpu.vector_store %arg18[%swap3A_1279, %swap3A_1280], %swap3A_1283 {strides = array<i32>} : memref<128x128xf32, #tpu.memory_space<vmem>>, vector<1x16xf32>,
            %mul3A_1284 = arith.constant 16 : i32
            %mul3A_1285 = arith.muli %add3A_59, %mul3A_1284 : i32
            %add3A_1286 = arith.constant 13 : i32
            %add3A_1287 = arith.addi %mul3A_1285, %add3A_1286 : i32
            %slice3A_1288 = vector.extract_strided_slice %get3A_64 {offsets = [13], sizes = [1], strides = [1]} : vector<16xf32> to vector<1xf32>
            %squeeze3A_1289 = vector.extract %slice3A_1288[0] : f32 from vector<1xf32>
            %get3A_1290 = arith.index_cast %add3A_1287 : i32 to index
            %get3A_1291 = arith.constant 0 : index
            %get3A_1292 = tpu.vector_load %arg18[%get3A_1290, %get3A_1291] {strides = array<i32>} : memref<128x128xf32, #tpu.memory_space<vmem>>, vector<1x16xf32>,
            %get3A_1293 = vector.shape_cast %get3A_1292 : vector<1x16xf32> to vector<16xf32>
            %mul3A_1294 = vector.broadcast %squeeze3A_1289 : f32 to vector<16xf32>
            %mul3A_1295 = arith.mulf %get3A_1293, %mul3A_1294 : vector<16xf32>
            %swap3A_1296 = arith.index_cast %add3A_1287 : i32 to index
            %swap3A_1297 = arith.constant 0 : index
            %swap3A_1298 = tpu.vector_load %arg18[%swap3A_1296, %swap3A_1297] {strides = array<i32>} : memref<128x128xf32, #tpu.memory_space<vmem>>, vector<1x16xf32>,
            %swap3A_1299 = vector.shape_cast %swap3A_1298 : vector<1x16xf32> to vector<16xf32>
            %swap3A_1300 = vector.shape_cast %mul3A_1295 : vector<16xf32> to vector<1x16xf32>
            tpu.vector_store %arg18[%swap3A_1296, %swap3A_1297], %swap3A_1300 {strides = array<i32>} : memref<128x128xf32, #tpu.memory_space<vmem>>, vector<1x16xf32>,
            %get3A_1301 = arith.index_cast %add3A_1287 : i32 to index
            %get3A_1302 = arith.constant 16 : index
            %get3A_1303 = tpu.vector_load %arg18[%get3A_1301, %get3A_1302] {strides = array<i32>} : memref<128x128xf32, #tpu.memory_space<vmem>>, vector<1x16xf32>,
            %get3A_1304 = vector.shape_cast %get3A_1303 : vector<1x16xf32> to vector<16xf32>
            %mul3A_1305 = vector.broadcast %squeeze3A_1289 : f32 to vector<16xf32>
            %mul3A_1306 = arith.mulf %get3A_1304, %mul3A_1305 : vector<16xf32>
            %swap3A_1307 = arith.index_cast %add3A_1287 : i32 to index
            %swap3A_1308 = arith.constant 16 : index
            %swap3A_1309 = tpu.vector_load %arg18[%swap3A_1307, %swap3A_1308] {strides = array<i32>} : memref<128x128xf32, #tpu.memory_space<vmem>>, vector<1x16xf32>,
            %swap3A_1310 = vector.shape_cast %swap3A_1309 : vector<1x16xf32> to vector<16xf32>
            %swap3A_1311 = vector.shape_cast %mul3A_1306 : vector<16xf32> to vector<1x16xf32>
            tpu.vector_store %arg18[%swap3A_1307, %swap3A_1308], %swap3A_1311 {strides = array<i32>} : memref<128x128xf32, #tpu.memory_space<vmem>>, vector<1x16xf32>,
            %get3A_1312 = arith.index_cast %add3A_1287 : i32 to index
            %get3A_1313 = arith.constant 32 : index
            %get3A_1314 = tpu.vector_load %arg18[%get3A_1312, %get3A_1313] {strides = array<i32>} : memref<128x128xf32, #tpu.memory_space<vmem>>, vector<1x16xf32>,
            %get3A_1315 = vector.shape_cast %get3A_1314 : vector<1x16xf32> to vector<16xf32>
            %mul3A_1316 = vector.broadcast %squeeze3A_1289 : f32 to vector<16xf32>
            %mul3A_1317 = arith.mulf %get3A_1315, %mul3A_1316 : vector<16xf32>
            %swap3A_1318 = arith.index_cast %add3A_1287 : i32 to index
            %swap3A_1319 = arith.constant 32 : index
            %swap3A_1320 = tpu.vector_load %arg18[%swap3A_1318, %swap3A_1319] {strides = array<i32>} : memref<128x128xf32, #tpu.memory_space<vmem>>, vector<1x16xf32>,
            %swap3A_1321 = vector.shape_cast %swap3A_1320 : vector<1x16xf32> to vector<16xf32>
            %swap3A_1322 = vector.shape_cast %mul3A_1317 : vector<16xf32> to vector<1x16xf32>
            tpu.vector_store %arg18[%swap3A_1318, %swap3A_1319], %swap3A_1322 {strides = array<i32>} : memref<128x128xf32, #tpu.memory_space<vmem>>, vector<1x16xf32>,
            %get3A_1323 = arith.index_cast %add3A_1287 : i32 to index
            %get3A_1324 = arith.constant 48 : index
            %get3A_1325 = tpu.vector_load %arg18[%get3A_1323, %get3A_1324] {strides = array<i32>} : memref<128x128xf32, #tpu.memory_space<vmem>>, vector<1x16xf32>,
            %get3A_1326 = vector.shape_cast %get3A_1325 : vector<1x16xf32> to vector<16xf32>
            %mul3A_1327 = vector.broadcast %squeeze3A_1289 : f32 to vector<16xf32>
            %mul3A_1328 = arith.mulf %get3A_1326, %mul3A_1327 : vector<16xf32>
            %swap3A_1329 = arith.index_cast %add3A_1287 : i32 to index
            %swap3A_1330 = arith.constant 48 : index
            %swap3A_1331 = tpu.vector_load %arg18[%swap3A_1329, %swap3A_1330] {strides = array<i32>} : memref<128x128xf32, #tpu.memory_space<vmem>>, vector<1x16xf32>,
            %swap3A_1332 = vector.shape_cast %swap3A_1331 : vector<1x16xf32> to vector<16xf32>
            %swap3A_1333 = vector.shape_cast %mul3A_1328 : vector<16xf32> to vector<1x16xf32>
            tpu.vector_store %arg18[%swap3A_1329, %swap3A_1330], %swap3A_1333 {strides = array<i32>} : memref<128x128xf32, #tpu.memory_space<vmem>>, vector<1x16xf32>,
            %get3A_1334 = arith.index_cast %add3A_1287 : i32 to index
            %get3A_1335 = arith.constant 64 : index
            %get3A_1336 = tpu.vector_load %arg18[%get3A_1334, %get3A_1335] {strides = array<i32>} : memref<128x128xf32, #tpu.memory_space<vmem>>, vector<1x16xf32>,
            %get3A_1337 = vector.shape_cast %get3A_1336 : vector<1x16xf32> to vector<16xf32>
            %mul3A_1338 = vector.broadcast %squeeze3A_1289 : f32 to vector<16xf32>
            %mul3A_1339 = arith.mulf %get3A_1337, %mul3A_1338 : vector<16xf32>
            %swap3A_1340 = arith.index_cast %add3A_1287 : i32 to index
            %swap3A_1341 = arith.constant 64 : index
            %swap3A_1342 = tpu.vector_load %arg18[%swap3A_1340, %swap3A_1341] {strides = array<i32>} : memref<128x128xf32, #tpu.memory_space<vmem>>, vector<1x16xf32>,
            %swap3A_1343 = vector.shape_cast %swap3A_1342 : vector<1x16xf32> to vector<16xf32>
            %swap3A_1344 = vector.shape_cast %mul3A_1339 : vector<16xf32> to vector<1x16xf32>
            tpu.vector_store %arg18[%swap3A_1340, %swap3A_1341], %swap3A_1344 {strides = array<i32>} : memref<128x128xf32, #tpu.memory_space<vmem>>, vector<1x16xf32>,
            %get3A_1345 = arith.index_cast %add3A_1287 : i32 to index
            %get3A_1346 = arith.constant 80 : index
            %get3A_1347 = tpu.vector_load %arg18[%get3A_1345, %get3A_1346] {strides = array<i32>} : memref<128x128xf32, #tpu.memory_space<vmem>>, vector<1x16xf32>,
            %get3A_1348 = vector.shape_cast %get3A_1347 : vector<1x16xf32> to vector<16xf32>
            %mul3A_1349 = vector.broadcast %squeeze3A_1289 : f32 to vector<16xf32>
            %mul3A_1350 = arith.mulf %get3A_1348, %mul3A_1349 : vector<16xf32>
            %swap3A_1351 = arith.index_cast %add3A_1287 : i32 to index
            %swap3A_1352 = arith.constant 80 : index
            %swap3A_1353 = tpu.vector_load %arg18[%swap3A_1351, %swap3A_1352] {strides = array<i32>} : memref<128x128xf32, #tpu.memory_space<vmem>>, vector<1x16xf32>,
            %swap3A_1354 = vector.shape_cast %swap3A_1353 : vector<1x16xf32> to vector<16xf32>
            %swap3A_1355 = vector.shape_cast %mul3A_1350 : vector<16xf32> to vector<1x16xf32>
            tpu.vector_store %arg18[%swap3A_1351, %swap3A_1352], %swap3A_1355 {strides = array<i32>} : memref<128x128xf32, #tpu.memory_space<vmem>>, vector<1x16xf32>,
            %get3A_1356 = arith.index_cast %add3A_1287 : i32 to index
            %get3A_1357 = arith.constant 96 : index
            %get3A_1358 = tpu.vector_load %arg18[%get3A_1356, %get3A_1357] {strides = array<i32>} : memref<128x128xf32, #tpu.memory_space<vmem>>, vector<1x16xf32>,
            %get3A_1359 = vector.shape_cast %get3A_1358 : vector<1x16xf32> to vector<16xf32>
            %mul3A_1360 = vector.broadcast %squeeze3A_1289 : f32 to vector<16xf32>
            %mul3A_1361 = arith.mulf %get3A_1359, %mul3A_1360 : vector<16xf32>
            %swap3A_1362 = arith.index_cast %add3A_1287 : i32 to index
            %swap3A_1363 = arith.constant 96 : index
            %swap3A_1364 = tpu.vector_load %arg18[%swap3A_1362, %swap3A_1363] {strides = array<i32>} : memref<128x128xf32, #tpu.memory_space<vmem>>, vector<1x16xf32>,
            %swap3A_1365 = vector.shape_cast %swap3A_1364 : vector<1x16xf32> to vector<16xf32>
            %swap3A_1366 = vector.shape_cast %mul3A_1361 : vector<16xf32> to vector<1x16xf32>
            tpu.vector_store %arg18[%swap3A_1362, %swap3A_1363], %swap3A_1366 {strides = array<i32>} : memref<128x128xf32, #tpu.memory_space<vmem>>, vector<1x16xf32>,
            %get3A_1367 = arith.index_cast %add3A_1287 : i32 to index
            %get3A_1368 = arith.constant 112 : index
            %get3A_1369 = tpu.vector_load %arg18[%get3A_1367, %get3A_1368] {strides = array<i32>} : memref<128x128xf32, #tpu.memory_space<vmem>>, vector<1x16xf32>,
            %get3A_1370 = vector.shape_cast %get3A_1369 : vector<1x16xf32> to vector<16xf32>
            %mul3A_1371 = vector.broadcast %squeeze3A_1289 : f32 to vector<16xf32>
            %mul3A_1372 = arith.mulf %get3A_1370, %mul3A_1371 : vector<16xf32>
            %swap3A_1373 = arith.index_cast %add3A_1287 : i32 to index
            %swap3A_1374 = arith.constant 112 : index
            %swap3A_1375 = tpu.vector_load %arg18[%swap3A_1373, %swap3A_1374] {strides = array<i32>} : memref<128x128xf32, #tpu.memory_space<vmem>>, vector<1x16xf32>,
            %swap3A_1376 = vector.shape_cast %swap3A_1375 : vector<1x16xf32> to vector<16xf32>
            %swap3A_1377 = vector.shape_cast %mul3A_1372 : vector<16xf32> to vector<1x16xf32>
            tpu.vector_store %arg18[%swap3A_1373, %swap3A_1374], %swap3A_1377 {strides = array<i32>} : memref<128x128xf32, #tpu.memory_space<vmem>>, vector<1x16xf32>,
            %mul3A_1378 = arith.constant 16 : i32
            %mul3A_1379 = arith.muli %add3A_59, %mul3A_1378 : i32
            %add3A_1380 = arith.constant 14 : i32
            %add3A_1381 = arith.addi %mul3A_1379, %add3A_1380 : i32
            %slice3A_1382 = vector.extract_strided_slice %get3A_64 {offsets = [14], sizes = [1], strides = [1]} : vector<16xf32> to vector<1xf32>
            %squeeze3A_1383 = vector.extract %slice3A_1382[0] : f32 from vector<1xf32>
            %get3A_1384 = arith.index_cast %add3A_1381 : i32 to index
            %get3A_1385 = arith.constant 0 : index
            %get3A_1386 = tpu.vector_load %arg18[%get3A_1384, %get3A_1385] {strides = array<i32>} : memref<128x128xf32, #tpu.memory_space<vmem>>, vector<1x16xf32>,
            %get3A_1387 = vector.shape_cast %get3A_1386 : vector<1x16xf32> to vector<16xf32>
            %mul3A_1388 = vector.broadcast %squeeze3A_1383 : f32 to vector<16xf32>
            %mul3A_1389 = arith.mulf %get3A_1387, %mul3A_1388 : vector<16xf32>
            %swap3A_1390 = arith.index_cast %add3A_1381 : i32 to index
            %swap3A_1391 = arith.constant 0 : index
            %swap3A_1392 = tpu.vector_load %arg18[%swap3A_1390, %swap3A_1391] {strides = array<i32>} : memref<128x128xf32, #tpu.memory_space<vmem>>, vector<1x16xf32>,
            %swap3A_1393 = vector.shape_cast %swap3A_1392 : vector<1x16xf32> to vector<16xf32>
            %swap3A_1394 = vector.shape_cast %mul3A_1389 : vector<16xf32> to vector<1x16xf32>
            tpu.vector_store %arg18[%swap3A_1390, %swap3A_1391], %swap3A_1394 {strides = array<i32>} : memref<128x128xf32, #tpu.memory_space<vmem>>, vector<1x16xf32>,
            %get3A_1395 = arith.index_cast %add3A_1381 : i32 to index
            %get3A_1396 = arith.constant 16 : index
            %get3A_1397 = tpu.vector_load %arg18[%get3A_1395, %get3A_1396] {strides = array<i32>} : memref<128x128xf32, #tpu.memory_space<vmem>>, vector<1x16xf32>,
            %get3A_1398 = vector.shape_cast %get3A_1397 : vector<1x16xf32> to vector<16xf32>
            %mul3A_1399 = vector.broadcast %squeeze3A_1383 : f32 to vector<16xf32>
            %mul3A_1400 = arith.mulf %get3A_1398, %mul3A_1399 : vector<16xf32>
            %swap3A_1401 = arith.index_cast %add3A_1381 : i32 to index
            %swap3A_1402 = arith.constant 16 : index
            %swap3A_1403 = tpu.vector_load %arg18[%swap3A_1401, %swap3A_1402] {strides = array<i32>} : memref<128x128xf32, #tpu.memory_space<vmem>>, vector<1x16xf32>,
            %swap3A_1404 = vector.shape_cast %swap3A_1403 : vector<1x16xf32> to vector<16xf32>
            %swap3A_1405 = vector.shape_cast %mul3A_1400 : vector<16xf32> to vector<1x16xf32>
            tpu.vector_store %arg18[%swap3A_1401, %swap3A_1402], %swap3A_1405 {strides = array<i32>} : memref<128x128xf32, #tpu.memory_space<vmem>>, vector<1x16xf32>,
            %get3A_1406 = arith.index_cast %add3A_1381 : i32 to index
            %get3A_1407 = arith.constant 32 : index
            %get3A_1408 = tpu.vector_load %arg18[%get3A_1406, %get3A_1407] {strides = array<i32>} : memref<128x128xf32, #tpu.memory_space<vmem>>, vector<1x16xf32>,
            %get3A_1409 = vector.shape_cast %get3A_1408 : vector<1x16xf32> to vector<16xf32>
            %mul3A_1410 = vector.broadcast %squeeze3A_1383 : f32 to vector<16xf32>
            %mul3A_1411 = arith.mulf %get3A_1409, %mul3A_1410 : vector<16xf32>
            %swap3A_1412 = arith.index_cast %add3A_1381 : i32 to index
            %swap3A_1413 = arith.constant 32 : index
            %swap3A_1414 = tpu.vector_load %arg18[%swap3A_1412, %swap3A_1413] {strides = array<i32>} : memref<128x128xf32, #tpu.memory_space<vmem>>, vector<1x16xf32>,
            %swap3A_1415 = vector.shape_cast %swap3A_1414 : vector<1x16xf32> to vector<16xf32>
            %swap3A_1416 = vector.shape_cast %mul3A_1411 : vector<16xf32> to vector<1x16xf32>
            tpu.vector_store %arg18[%swap3A_1412, %swap3A_1413], %swap3A_1416 {strides = array<i32>} : memref<128x128xf32, #tpu.memory_space<vmem>>, vector<1x16xf32>,
            %get3A_1417 = arith.index_cast %add3A_1381 : i32 to index
            %get3A_1418 = arith.constant 48 : index
            %get3A_1419 = tpu.vector_load %arg18[%get3A_1417, %get3A_1418] {strides = array<i32>} : memref<128x128xf32, #tpu.memory_space<vmem>>, vector<1x16xf32>,
            %get3A_1420 = vector.shape_cast %get3A_1419 : vector<1x16xf32> to vector<16xf32>
            %mul3A_1421 = vector.broadcast %squeeze3A_1383 : f32 to vector<16xf32>
            %mul3A_1422 = arith.mulf %get3A_1420, %mul3A_1421 : vector<16xf32>
            %swap3A_1423 = arith.index_cast %add3A_1381 : i32 to index
            %swap3A_1424 = arith.constant 48 : index
            %swap3A_1425 = tpu.vector_load %arg18[%swap3A_1423, %swap3A_1424] {strides = array<i32>} : memref<128x128xf32, #tpu.memory_space<vmem>>, vector<1x16xf32>,
            %swap3A_1426 = vector.shape_cast %swap3A_1425 : vector<1x16xf32> to vector<16xf32>
            %swap3A_1427 = vector.shape_cast %mul3A_1422 : vector<16xf32> to vector<1x16xf32>
            tpu.vector_store %arg18[%swap3A_1423, %swap3A_1424], %swap3A_1427 {strides = array<i32>} : memref<128x128xf32, #tpu.memory_space<vmem>>, vector<1x16xf32>,
            %get3A_1428 = arith.index_cast %add3A_1381 : i32 to index
            %get3A_1429 = arith.constant 64 : index
            %get3A_1430 = tpu.vector_load %arg18[%get3A_1428, %get3A_1429] {strides = array<i32>} : memref<128x128xf32, #tpu.memory_space<vmem>>, vector<1x16xf32>,
            %get3A_1431 = vector.shape_cast %get3A_1430 : vector<1x16xf32> to vector<16xf32>
            %mul3A_1432 = vector.broadcast %squeeze3A_1383 : f32 to vector<16xf32>
            %mul3A_1433 = arith.mulf %get3A_1431, %mul3A_1432 : vector<16xf32>
            %swap3A_1434 = arith.index_cast %add3A_1381 : i32 to index
            %swap3A_1435 = arith.constant 64 : index
            %swap3A_1436 = tpu.vector_load %arg18[%swap3A_1434, %swap3A_1435] {strides = array<i32>} : memref<128x128xf32, #tpu.memory_space<vmem>>, vector<1x16xf32>,
            %swap3A_1437 = vector.shape_cast %swap3A_1436 : vector<1x16xf32> to vector<16xf32>
            %swap3A_1438 = vector.shape_cast %mul3A_1433 : vector<16xf32> to vector<1x16xf32>
            tpu.vector_store %arg18[%swap3A_1434, %swap3A_1435], %swap3A_1438 {strides = array<i32>} : memref<128x128xf32, #tpu.memory_space<vmem>>, vector<1x16xf32>,
            %get3A_1439 = arith.index_cast %add3A_1381 : i32 to index
            %get3A_1440 = arith.constant 80 : index
            %get3A_1441 = tpu.vector_load %arg18[%get3A_1439, %get3A_1440] {strides = array<i32>} : memref<128x128xf32, #tpu.memory_space<vmem>>, vector<1x16xf32>,
            %get3A_1442 = vector.shape_cast %get3A_1441 : vector<1x16xf32> to vector<16xf32>
            %mul3A_1443 = vector.broadcast %squeeze3A_1383 : f32 to vector<16xf32>
            %mul3A_1444 = arith.mulf %get3A_1442, %mul3A_1443 : vector<16xf32>
            %swap3A_1445 = arith.index_cast %add3A_1381 : i32 to index
            %swap3A_1446 = arith.constant 80 : index
            %swap3A_1447 = tpu.vector_load %arg18[%swap3A_1445, %swap3A_1446] {strides = array<i32>} : memref<128x128xf32, #tpu.memory_space<vmem>>, vector<1x16xf32>,
            %swap3A_1448 = vector.shape_cast %swap3A_1447 : vector<1x16xf32> to vector<16xf32>
            %swap3A_1449 = vector.shape_cast %mul3A_1444 : vector<16xf32> to vector<1x16xf32>
            tpu.vector_store %arg18[%swap3A_1445, %swap3A_1446], %swap3A_1449 {strides = array<i32>} : memref<128x128xf32, #tpu.memory_space<vmem>>, vector<1x16xf32>,
            %get3A_1450 = arith.index_cast %add3A_1381 : i32 to index
            %get3A_1451 = arith.constant 96 : index
            %get3A_1452 = tpu.vector_load %arg18[%get3A_1450, %get3A_1451] {strides = array<i32>} : memref<128x128xf32, #tpu.memory_space<vmem>>, vector<1x16xf32>,
            %get3A_1453 = vector.shape_cast %get3A_1452 : vector<1x16xf32> to vector<16xf32>
            %mul3A_1454 = vector.broadcast %squeeze3A_1383 : f32 to vector<16xf32>
            %mul3A_1455 = arith.mulf %get3A_1453, %mul3A_1454 : vector<16xf32>
            %swap3A_1456 = arith.index_cast %add3A_1381 : i32 to index
            %swap3A_1457 = arith.constant 96 : index
            %swap3A_1458 = tpu.vector_load %arg18[%swap3A_1456, %swap3A_1457] {strides = array<i32>} : memref<128x128xf32, #tpu.memory_space<vmem>>, vector<1x16xf32>,
            %swap3A_1459 = vector.shape_cast %swap3A_1458 : vector<1x16xf32> to vector<16xf32>
            %swap3A_1460 = vector.shape_cast %mul3A_1455 : vector<16xf32> to vector<1x16xf32>
            tpu.vector_store %arg18[%swap3A_1456, %swap3A_1457], %swap3A_1460 {strides = array<i32>} : memref<128x128xf32, #tpu.memory_space<vmem>>, vector<1x16xf32>,
            %get3A_1461 = arith.index_cast %add3A_1381 : i32 to index
            %get3A_1462 = arith.constant 112 : index
            %get3A_1463 = tpu.vector_load %arg18[%get3A_1461, %get3A_1462] {strides = array<i32>} : memref<128x128xf32, #tpu.memory_space<vmem>>, vector<1x16xf32>,
            %get3A_1464 = vector.shape_cast %get3A_1463 : vector<1x16xf32> to vector<16xf32>
            %mul3A_1465 = vector.broadcast %squeeze3A_1383 : f32 to vector<16xf32>
            %mul3A_1466 = arith.mulf %get3A_1464, %mul3A_1465 : vector<16xf32>
            %swap3A_1467 = arith.index_cast %add3A_1381 : i32 to index
            %swap3A_1468 = arith.constant 112 : index
            %swap3A_1469 = tpu.vector_load %arg18[%swap3A_1467, %swap3A_1468] {strides = array<i32>} : memref<128x128xf32, #tpu.memory_space<vmem>>, vector<1x16xf32>,
            %swap3A_1470 = vector.shape_cast %swap3A_1469 : vector<1x16xf32> to vector<16xf32>
            %swap3A_1471 = vector.shape_cast %mul3A_1466 : vector<16xf32> to vector<1x16xf32>
            tpu.vector_store %arg18[%swap3A_1467, %swap3A_1468], %swap3A_1471 {strides = array<i32>} : memref<128x128xf32, #tpu.memory_space<vmem>>, vector<1x16xf32>,
            %mul3A_1472 = arith.constant 16 : i32
            %mul3A_1473 = arith.muli %add3A_59, %mul3A_1472 : i32
            %add3A_1474 = arith.constant 15 : i32
            %add3A_1475 = arith.addi %mul3A_1473, %add3A_1474 : i32
            %slice3A_1476 = vector.extract_strided_slice %get3A_64 {offsets = [15], sizes = [1], strides = [1]} : vector<16xf32> to vector<1xf32>
            %squeeze3A_1477 = vector.extract %slice3A_1476[0] : f32 from vector<1xf32>
            %get3A_1478 = arith.index_cast %add3A_1475 : i32 to index
            %get3A_1479 = arith.constant 0 : index
            %get3A_1480 = tpu.vector_load %arg18[%get3A_1478, %get3A_1479] {strides = array<i32>} : memref<128x128xf32, #tpu.memory_space<vmem>>, vector<1x16xf32>,
            %get3A_1481 = vector.shape_cast %get3A_1480 : vector<1x16xf32> to vector<16xf32>
            %mul3A_1482 = vector.broadcast %squeeze3A_1477 : f32 to vector<16xf32>
            %mul3A_1483 = arith.mulf %get3A_1481, %mul3A_1482 : vector<16xf32>
            %swap3A_1484 = arith.index_cast %add3A_1475 : i32 to index
            %swap3A_1485 = arith.constant 0 : index
            %swap3A_1486 = tpu.vector_load %arg18[%swap3A_1484, %swap3A_1485] {strides = array<i32>} : memref<128x128xf32, #tpu.memory_space<vmem>>, vector<1x16xf32>,
            %swap3A_1487 = vector.shape_cast %swap3A_1486 : vector<1x16xf32> to vector<16xf32>
            %swap3A_1488 = vector.shape_cast %mul3A_1483 : vector<16xf32> to vector<1x16xf32>
            tpu.vector_store %arg18[%swap3A_1484, %swap3A_1485], %swap3A_1488 {strides = array<i32>} : memref<128x128xf32, #tpu.memory_space<vmem>>, vector<1x16xf32>,
            %get3A_1489 = arith.index_cast %add3A_1475 : i32 to index
            %get3A_1490 = arith.constant 16 : index
            %get3A_1491 = tpu.vector_load %arg18[%get3A_1489, %get3A_1490] {strides = array<i32>} : memref<128x128xf32, #tpu.memory_space<vmem>>, vector<1x16xf32>,
            %get3A_1492 = vector.shape_cast %get3A_1491 : vector<1x16xf32> to vector<16xf32>
            %mul3A_1493 = vector.broadcast %squeeze3A_1477 : f32 to vector<16xf32>
            %mul3A_1494 = arith.mulf %get3A_1492, %mul3A_1493 : vector<16xf32>
            %swap3A_1495 = arith.index_cast %add3A_1475 : i32 to index
            %swap3A_1496 = arith.constant 16 : index
            %swap3A_1497 = tpu.vector_load %arg18[%swap3A_1495, %swap3A_1496] {strides = array<i32>} : memref<128x128xf32, #tpu.memory_space<vmem>>, vector<1x16xf32>,
            %swap3A_1498 = vector.shape_cast %swap3A_1497 : vector<1x16xf32> to vector<16xf32>
            %swap3A_1499 = vector.shape_cast %mul3A_1494 : vector<16xf32> to vector<1x16xf32>
            tpu.vector_store %arg18[%swap3A_1495, %swap3A_1496], %swap3A_1499 {strides = array<i32>} : memref<128x128xf32, #tpu.memory_space<vmem>>, vector<1x16xf32>,
            %get3A_1500 = arith.index_cast %add3A_1475 : i32 to index
            %get3A_1501 = arith.constant 32 : index
            %get3A_1502 = tpu.vector_load %arg18[%get3A_1500, %get3A_1501] {strides = array<i32>} : memref<128x128xf32, #tpu.memory_space<vmem>>, vector<1x16xf32>,
            %get3A_1503 = vector.shape_cast %get3A_1502 : vector<1x16xf32> to vector<16xf32>
            %mul3A_1504 = vector.broadcast %squeeze3A_1477 : f32 to vector<16xf32>
            %mul3A_1505 = arith.mulf %get3A_1503, %mul3A_1504 : vector<16xf32>
            %swap3A_1506 = arith.index_cast %add3A_1475 : i32 to index
            %swap3A_1507 = arith.constant 32 : index
            %swap3A_1508 = tpu.vector_load %arg18[%swap3A_1506, %swap3A_1507] {strides = array<i32>} : memref<128x128xf32, #tpu.memory_space<vmem>>, vector<1x16xf32>,
            %swap3A_1509 = vector.shape_cast %swap3A_1508 : vector<1x16xf32> to vector<16xf32>
            %swap3A_1510 = vector.shape_cast %mul3A_1505 : vector<16xf32> to vector<1x16xf32>
            tpu.vector_store %arg18[%swap3A_1506, %swap3A_1507], %swap3A_1510 {strides = array<i32>} : memref<128x128xf32, #tpu.memory_space<vmem>>, vector<1x16xf32>,
            %get3A_1511 = arith.index_cast %add3A_1475 : i32 to index
            %get3A_1512 = arith.constant 48 : index
            %get3A_1513 = tpu.vector_load %arg18[%get3A_1511, %get3A_1512] {strides = array<i32>} : memref<128x128xf32, #tpu.memory_space<vmem>>, vector<1x16xf32>,
            %get3A_1514 = vector.shape_cast %get3A_1513 : vector<1x16xf32> to vector<16xf32>
            %mul3A_1515 = vector.broadcast %squeeze3A_1477 : f32 to vector<16xf32>
            %mul3A_1516 = arith.mulf %get3A_1514, %mul3A_1515 : vector<16xf32>
            %swap3A_1517 = arith.index_cast %add3A_1475 : i32 to index
            %swap3A_1518 = arith.constant 48 : index
            %swap3A_1519 = tpu.vector_load %arg18[%swap3A_1517, %swap3A_1518] {strides = array<i32>} : memref<128x128xf32, #tpu.memory_space<vmem>>, vector<1x16xf32>,
            %swap3A_1520 = vector.shape_cast %swap3A_1519 : vector<1x16xf32> to vector<16xf32>
            %swap3A_1521 = vector.shape_cast %mul3A_1516 : vector<16xf32> to vector<1x16xf32>
            tpu.vector_store %arg18[%swap3A_1517, %swap3A_1518], %swap3A_1521 {strides = array<i32>} : memref<128x128xf32, #tpu.memory_space<vmem>>, vector<1x16xf32>,
            %get3A_1522 = arith.index_cast %add3A_1475 : i32 to index
            %get3A_1523 = arith.constant 64 : index
            %get3A_1524 = tpu.vector_load %arg18[%get3A_1522, %get3A_1523] {strides = array<i32>} : memref<128x128xf32, #tpu.memory_space<vmem>>, vector<1x16xf32>,
            %get3A_1525 = vector.shape_cast %get3A_1524 : vector<1x16xf32> to vector<16xf32>
            %mul3A_1526 = vector.broadcast %squeeze3A_1477 : f32 to vector<16xf32>
            %mul3A_1527 = arith.mulf %get3A_1525, %mul3A_1526 : vector<16xf32>
            %swap3A_1528 = arith.index_cast %add3A_1475 : i32 to index
            %swap3A_1529 = arith.constant 64 : index
            %swap3A_1530 = tpu.vector_load %arg18[%swap3A_1528, %swap3A_1529] {strides = array<i32>} : memref<128x128xf32, #tpu.memory_space<vmem>>, vector<1x16xf32>,
            %swap3A_1531 = vector.shape_cast %swap3A_1530 : vector<1x16xf32> to vector<16xf32>
            %swap3A_1532 = vector.shape_cast %mul3A_1527 : vector<16xf32> to vector<1x16xf32>
            tpu.vector_store %arg18[%swap3A_1528, %swap3A_1529], %swap3A_1532 {strides = array<i32>} : memref<128x128xf32, #tpu.memory_space<vmem>>, vector<1x16xf32>,
            %get3A_1533 = arith.index_cast %add3A_1475 : i32 to index
            %get3A_1534 = arith.constant 80 : index
            %get3A_1535 = tpu.vector_load %arg18[%get3A_1533, %get3A_1534] {strides = array<i32>} : memref<128x128xf32, #tpu.memory_space<vmem>>, vector<1x16xf32>,
            %get3A_1536 = vector.shape_cast %get3A_1535 : vector<1x16xf32> to vector<16xf32>
            %mul3A_1537 = vector.broadcast %squeeze3A_1477 : f32 to vector<16xf32>
            %mul3A_1538 = arith.mulf %get3A_1536, %mul3A_1537 : vector<16xf32>
            %swap3A_1539 = arith.index_cast %add3A_1475 : i32 to index
            %swap3A_1540 = arith.constant 80 : index
            %swap3A_1541 = tpu.vector_load %arg18[%swap3A_1539, %swap3A_1540] {strides = array<i32>} : memref<128x128xf32, #tpu.memory_space<vmem>>, vector<1x16xf32>,
            %swap3A_1542 = vector.shape_cast %swap3A_1541 : vector<1x16xf32> to vector<16xf32>
            %swap3A_1543 = vector.shape_cast %mul3A_1538 : vector<16xf32> to vector<1x16xf32>
            tpu.vector_store %arg18[%swap3A_1539, %swap3A_1540], %swap3A_1543 {strides = array<i32>} : memref<128x128xf32, #tpu.memory_space<vmem>>, vector<1x16xf32>,
            %get3A_1544 = arith.index_cast %add3A_1475 : i32 to index
            %get3A_1545 = arith.constant 96 : index
            %get3A_1546 = tpu.vector_load %arg18[%get3A_1544, %get3A_1545] {strides = array<i32>} : memref<128x128xf32, #tpu.memory_space<vmem>>, vector<1x16xf32>,
            %get3A_1547 = vector.shape_cast %get3A_1546 : vector<1x16xf32> to vector<16xf32>
            %mul3A_1548 = vector.broadcast %squeeze3A_1477 : f32 to vector<16xf32>
            %mul3A_1549 = arith.mulf %get3A_1547, %mul3A_1548 : vector<16xf32>
            %swap3A_1550 = arith.index_cast %add3A_1475 : i32 to index
            %swap3A_1551 = arith.constant 96 : index
            %swap3A_1552 = tpu.vector_load %arg18[%swap3A_1550, %swap3A_1551] {strides = array<i32>} : memref<128x128xf32, #tpu.memory_space<vmem>>, vector<1x16xf32>,
            %swap3A_1553 = vector.shape_cast %swap3A_1552 : vector<1x16xf32> to vector<16xf32>
            %swap3A_1554 = vector.shape_cast %mul3A_1549 : vector<16xf32> to vector<1x16xf32>
            tpu.vector_store %arg18[%swap3A_1550, %swap3A_1551], %swap3A_1554 {strides = array<i32>} : memref<128x128xf32, #tpu.memory_space<vmem>>, vector<1x16xf32>,
            %get3A_1555 = arith.index_cast %add3A_1475 : i32 to index
            %get3A_1556 = arith.constant 112 : index
            %get3A_1557 = tpu.vector_load %arg18[%get3A_1555, %get3A_1556] {strides = array<i32>} : memref<128x128xf32, #tpu.memory_space<vmem>>, vector<1x16xf32>,
            %get3A_1558 = vector.shape_cast %get3A_1557 : vector<1x16xf32> to vector<16xf32>
            %mul3A_1559 = vector.broadcast %squeeze3A_1477 : f32 to vector<16xf32>
            %mul3A_1560 = arith.mulf %get3A_1558, %mul3A_1559 : vector<16xf32>
            %swap3A_1561 = arith.index_cast %add3A_1475 : i32 to index
            %swap3A_1562 = arith.constant 112 : index
            %swap3A_1563 = tpu.vector_load %arg18[%swap3A_1561, %swap3A_1562] {strides = array<i32>} : memref<128x128xf32, #tpu.memory_space<vmem>>, vector<1x16xf32>,
            %swap3A_1564 = vector.shape_cast %swap3A_1563 : vector<1x16xf32> to vector<16xf32>
            %swap3A_1565 = vector.shape_cast %mul3A_1560 : vector<16xf32> to vector<1x16xf32>
            tpu.vector_store %arg18[%swap3A_1561, %swap3A_1562], %swap3A_1565 {strides = array<i32>} : memref<128x128xf32, #tpu.memory_space<vmem>>, vector<1x16xf32>,
          }
          %scan3A_54 = arith.constant 8 : i32
          "tpu.region"() ({
            %run_scoped3A = tpu.sem_alloc : memref<!tpu.dma_semaphore, #tpu.memory_space<semaphore_mem>>
            %dma_start3A = arith.constant 0 : i32
            %dma_start3A_55 = tpu.memref_slice %arg16[%add3A_49, %dma_start3A] : memref<32x128xi32, #tpu.memory_space<vmem>> -> memref<1x128xi32, #tpu.memory_space<vmem>>
            %dma_start3A_56 = tpu.memref_squeeze %dma_start3A_55 : memref<1x128xi32, #tpu.memory_space<vmem>> -> memref<128xi32, #tpu.memory_space<vmem>>
            %dma_start3A_57 = arith.constant 0 : i32
            %dma_start3A_58 = arith.constant 0 : i32
            %dma_start3A_59 = tpu.memref_slice %arg19[%dma_start3A_57, %dma_start3A_58] : memref<10368x128xf32, #tpu.memory_space<vmem_shared>> -> memref<10368x128xf32, #tpu.memory_space<vmem_shared>>
            tpu.enqueue_indirect_dma source(%arg18 : memref<128x128xf32, #tpu.memory_space<vmem>>) target(%dma_start3A_59 : memref<10368x128xf32, #tpu.memory_space<vmem_shared>>) offsets(%dma_start3A_56 : memref<128xi32, #tpu.memory_space<vmem>>) semaphore(%run_scoped3A : memref<!tpu.dma_semaphore, #tpu.memory_space<semaphore_mem>>) {add = true}
            %dma_wait3A = arith.constant 0 : i32
            %dma_wait3A_60 = tpu.memref_slice %arg16[%add3A_49, %dma_wait3A] : memref<32x128xi32, #tpu.memory_space<vmem>> -> memref<1x128xi32, #tpu.memory_space<vmem>>
            %dma_wait3A_61 = tpu.memref_squeeze %dma_wait3A_60 : memref<1x128xi32, #tpu.memory_space<vmem>> -> memref<128xi32, #tpu.memory_space<vmem>>
            %dma_wait3A_62 = arith.constant 0 : i32
            %dma_wait3A_63 = arith.constant 0 : i32
            %dma_wait3A_64 = tpu.memref_slice %arg19[%dma_wait3A_62, %dma_wait3A_63] : memref<10368x128xf32, #tpu.memory_space<vmem_shared>> -> memref<10368x128xf32, #tpu.memory_space<vmem_shared>>
            tpu.wait_indirect_dma semaphore(%run_scoped3A : memref<!tpu.dma_semaphore, #tpu.memory_space<semaphore_mem>>) src(%arg18 : memref<128x128xf32, #tpu.memory_space<vmem>>) dst(%dma_wait3A_64 : memref<10368x128xf32, #tpu.memory_space<vmem_shared>>)
            tpu.yield
          }) : () -> ()
        }
        %scan3A_44 = arith.constant 32 : i32
      }
      %scan3A_16 = arith.constant 5 : i32
      %barrier3A_17 = arith.constant 0 : index
      tpu.barrier barrier_id(%barrier3A_17)
      "tpu.region"() ({
        %run_scoped3A = tpu.sem_alloc : memref<!tpu.dma_semaphore, #tpu.memory_space<semaphore_mem>>
        %dma_start3A = arith.constant 0 : i32
        %dma_start3A_32 = tpu.memref_slice %arg11[%multiple_of3A_12, %dma_start3A] : memref<10240x128xf32, #tpu.memory_space<hbm>> -> memref<640x128xf32, #tpu.memory_space<hbm>>
        %dma_start3A_33 = arith.constant 0 : i32
        %dma_start3A_34 = tpu.memref_slice %arg19[%multiple_of3A_12, %dma_start3A_33] : memref<10368x128xf32, #tpu.memory_space<vmem_shared>> -> memref<640x128xf32, #tpu.memory_space<vmem_shared>>
        tpu.enqueue_dma source(%dma_start3A_34 : memref<640x128xf32, #tpu.memory_space<vmem_shared>>) target(%dma_start3A_32 : memref<640x128xf32, #tpu.memory_space<hbm>>) target_semaphore(%run_scoped3A : memref<!tpu.dma_semaphore, #tpu.memory_space<semaphore_mem>>)
        %dma_wait3A = arith.constant 0 : i32
        %dma_wait3A_35 = tpu.memref_slice %arg11[%multiple_of3A_12, %dma_wait3A] : memref<10240x128xf32, #tpu.memory_space<hbm>> -> memref<640x128xf32, #tpu.memory_space<hbm>>
        %dma_wait3A_36 = arith.constant 0 : i32
        %dma_wait3A_37 = tpu.memref_slice %arg19[%multiple_of3A_12, %dma_wait3A_36] : memref<10368x128xf32, #tpu.memory_space<vmem_shared>> -> memref<640x128xf32, #tpu.memory_space<vmem_shared>>
        tpu.wait_dma2 semaphore(%run_scoped3A : memref<!tpu.dma_semaphore, #tpu.memory_space<semaphore_mem>>) src(%dma_wait3A_37 : memref<640x128xf32, #tpu.memory_space<vmem_shared>>) dst(%dma_wait3A_35 : memref<640x128xf32, #tpu.memory_space<hbm>>)
        tpu.yield
      }) : () -> ()
      %barrier3A_18 = arith.constant 0 : index
      tpu.barrier barrier_id(%barrier3A_18)
      "tpu.region"() ({
        %run_scoped3A = tpu.sem_alloc : memref<!tpu.dma_semaphore, #tpu.memory_space<semaphore_mem>>
        %dma_start3A = arith.constant 0 : i32
        %dma_start3A_32 = tpu.memref_slice %arg19[%multiple_of3A, %dma_start3A] : memref<10368x128xf32, #tpu.memory_space<vmem_shared>> -> memref<648x128xf32, #tpu.memory_space<vmem_shared>>
        tpu.enqueue_dma source(%arg10 : memref<648x128xf32, #tpu.memory_space<hbm>>) target(%dma_start3A_32 : memref<648x128xf32, #tpu.memory_space<vmem_shared>>) target_semaphore(%run_scoped3A : memref<!tpu.dma_semaphore, #tpu.memory_space<semaphore_mem>>)
        %dma_wait3A = arith.constant 0 : i32
        %dma_wait3A_33 = tpu.memref_slice %arg19[%multiple_of3A, %dma_wait3A] : memref<10368x128xf32, #tpu.memory_space<vmem_shared>> -> memref<648x128xf32, #tpu.memory_space<vmem_shared>>
        tpu.wait_dma2 semaphore(%run_scoped3A : memref<!tpu.dma_semaphore, #tpu.memory_space<semaphore_mem>>) src(%arg10 : memref<648x128xf32, #tpu.memory_space<hbm>>) dst(%dma_wait3A_33 : memref<648x128xf32, #tpu.memory_space<vmem_shared>>)
        tpu.yield
      }) : () -> ()
      %scan3A_19 = arith.constant 0 : i32
      %scan3A_20 = arith.constant 128 : i32
      %scan3A_21 = arith.addi %scan3A_19, %scan3A_20 : i32
      %scan3A_22 = arith.constant 1 : i32
      scf.for %scan3A_32 = %scan3A_19 to %scan3A_21 step %scan3A_22  : i32 {
        %mul3A_33 = arith.constant 1 : i32
        %mul3A_34 = arith.muli %scan3A_32, %mul3A_33 : i32
        %add3A = arith.constant 0 : i32
        %add3A_35 = arith.addi %add3A, %mul3A_34 : i32
        %broadcast_in_dim3A = arith.constant 1.000000e+00 : f32
        %broadcast_in_dim3A_36 = vector.broadcast %broadcast_in_dim3A : f32 to vector<16xf32>
        %swap3A = arith.index_cast %add3A_35 : i32 to index
        %swap3A_37 = arith.constant 0 : index
        %swap3A_38 = tpu.vector_load %arg18[%swap3A, %swap3A_37] {strides = array<i32>} : memref<128x128xf32, #tpu.memory_space<vmem>>, vector<1x16xf32>,
        %swap3A_39 = vector.shape_cast %swap3A_38 : vector<1x16xf32> to vector<16xf32>
        %swap3A_40 = vector.shape_cast %broadcast_in_dim3A_36 : vector<16xf32> to vector<1x16xf32>
        tpu.vector_store %arg18[%swap3A, %swap3A_37], %swap3A_40 {strides = array<i32>} : memref<128x128xf32, #tpu.memory_space<vmem>>, vector<1x16xf32>,
        %broadcast_in_dim3A_41 = arith.constant 1.000000e+00 : f32
        %broadcast_in_dim3A_42 = vector.broadcast %broadcast_in_dim3A_41 : f32 to vector<16xf32>
        %swap3A_43 = arith.index_cast %add3A_35 : i32 to index
        %swap3A_44 = arith.constant 16 : index
        %swap3A_45 = tpu.vector_load %arg18[%swap3A_43, %swap3A_44] {strides = array<i32>} : memref<128x128xf32, #tpu.memory_space<vmem>>, vector<1x16xf32>,
        %swap3A_46 = vector.shape_cast %swap3A_45 : vector<1x16xf32> to vector<16xf32>
        %swap3A_47 = vector.shape_cast %broadcast_in_dim3A_42 : vector<16xf32> to vector<1x16xf32>
        tpu.vector_store %arg18[%swap3A_43, %swap3A_44], %swap3A_47 {strides = array<i32>} : memref<128x128xf32, #tpu.memory_space<vmem>>, vector<1x16xf32>,
        %broadcast_in_dim3A_48 = arith.constant 1.000000e+00 : f32
        %broadcast_in_dim3A_49 = vector.broadcast %broadcast_in_dim3A_48 : f32 to vector<16xf32>
        %swap3A_50 = arith.index_cast %add3A_35 : i32 to index
        %swap3A_51 = arith.constant 32 : index
        %swap3A_52 = tpu.vector_load %arg18[%swap3A_50, %swap3A_51] {strides = array<i32>} : memref<128x128xf32, #tpu.memory_space<vmem>>, vector<1x16xf32>,
        %swap3A_53 = vector.shape_cast %swap3A_52 : vector<1x16xf32> to vector<16xf32>
        %swap3A_54 = vector.shape_cast %broadcast_in_dim3A_49 : vector<16xf32> to vector<1x16xf32>
        tpu.vector_store %arg18[%swap3A_50, %swap3A_51], %swap3A_54 {strides = array<i32>} : memref<128x128xf32, #tpu.memory_space<vmem>>, vector<1x16xf32>,
        %broadcast_in_dim3A_55 = arith.constant 1.000000e+00 : f32
        %broadcast_in_dim3A_56 = vector.broadcast %broadcast_in_dim3A_55 : f32 to vector<16xf32>
        %swap3A_57 = arith.index_cast %add3A_35 : i32 to index
        %swap3A_58 = arith.constant 48 : index
        %swap3A_59 = tpu.vector_load %arg18[%swap3A_57, %swap3A_58] {strides = array<i32>} : memref<128x128xf32, #tpu.memory_space<vmem>>, vector<1x16xf32>,
        %swap3A_60 = vector.shape_cast %swap3A_59 : vector<1x16xf32> to vector<16xf32>
        %swap3A_61 = vector.shape_cast %broadcast_in_dim3A_56 : vector<16xf32> to vector<1x16xf32>
        tpu.vector_store %arg18[%swap3A_57, %swap3A_58], %swap3A_61 {strides = array<i32>} : memref<128x128xf32, #tpu.memory_space<vmem>>, vector<1x16xf32>,
        %broadcast_in_dim3A_62 = arith.constant 1.000000e+00 : f32
        %broadcast_in_dim3A_63 = vector.broadcast %broadcast_in_dim3A_62 : f32 to vector<16xf32>
        %swap3A_64 = arith.index_cast %add3A_35 : i32 to index
        %swap3A_65 = arith.constant 64 : index
        %swap3A_66 = tpu.vector_load %arg18[%swap3A_64, %swap3A_65] {strides = array<i32>} : memref<128x128xf32, #tpu.memory_space<vmem>>, vector<1x16xf32>,
        %swap3A_67 = vector.shape_cast %swap3A_66 : vector<1x16xf32> to vector<16xf32>
        %swap3A_68 = vector.shape_cast %broadcast_in_dim3A_63 : vector<16xf32> to vector<1x16xf32>
        tpu.vector_store %arg18[%swap3A_64, %swap3A_65], %swap3A_68 {strides = array<i32>} : memref<128x128xf32, #tpu.memory_space<vmem>>, vector<1x16xf32>,
        %broadcast_in_dim3A_69 = arith.constant 1.000000e+00 : f32
        %broadcast_in_dim3A_70 = vector.broadcast %broadcast_in_dim3A_69 : f32 to vector<16xf32>
        %swap3A_71 = arith.index_cast %add3A_35 : i32 to index
        %swap3A_72 = arith.constant 80 : index
        %swap3A_73 = tpu.vector_load %arg18[%swap3A_71, %swap3A_72] {strides = array<i32>} : memref<128x128xf32, #tpu.memory_space<vmem>>, vector<1x16xf32>,
        %swap3A_74 = vector.shape_cast %swap3A_73 : vector<1x16xf32> to vector<16xf32>
        %swap3A_75 = vector.shape_cast %broadcast_in_dim3A_70 : vector<16xf32> to vector<1x16xf32>
        tpu.vector_store %arg18[%swap3A_71, %swap3A_72], %swap3A_75 {strides = array<i32>} : memref<128x128xf32, #tpu.memory_space<vmem>>, vector<1x16xf32>,
        %broadcast_in_dim3A_76 = arith.constant 1.000000e+00 : f32
        %broadcast_in_dim3A_77 = vector.broadcast %broadcast_in_dim3A_76 : f32 to vector<16xf32>
        %swap3A_78 = arith.index_cast %add3A_35 : i32 to index
        %swap3A_79 = arith.constant 96 : index
        %swap3A_80 = tpu.vector_load %arg18[%swap3A_78, %swap3A_79] {strides = array<i32>} : memref<128x128xf32, #tpu.memory_space<vmem>>, vector<1x16xf32>,
        %swap3A_81 = vector.shape_cast %swap3A_80 : vector<1x16xf32> to vector<16xf32>
        %swap3A_82 = vector.shape_cast %broadcast_in_dim3A_77 : vector<16xf32> to vector<1x16xf32>
        tpu.vector_store %arg18[%swap3A_78, %swap3A_79], %swap3A_82 {strides = array<i32>} : memref<128x128xf32, #tpu.memory_space<vmem>>, vector<1x16xf32>,
        %broadcast_in_dim3A_83 = arith.constant 1.000000e+00 : f32
        %broadcast_in_dim3A_84 = vector.broadcast %broadcast_in_dim3A_83 : f32 to vector<16xf32>
        %swap3A_85 = arith.index_cast %add3A_35 : i32 to index
        %swap3A_86 = arith.constant 112 : index
        %swap3A_87 = tpu.vector_load %arg18[%swap3A_85, %swap3A_86] {strides = array<i32>} : memref<128x128xf32, #tpu.memory_space<vmem>>, vector<1x16xf32>,
        %swap3A_88 = vector.shape_cast %swap3A_87 : vector<1x16xf32> to vector<16xf32>
        %swap3A_89 = vector.shape_cast %broadcast_in_dim3A_84 : vector<16xf32> to vector<1x16xf32>
        tpu.vector_store %arg18[%swap3A_85, %swap3A_86], %swap3A_89 {strides = array<i32>} : memref<128x128xf32, #tpu.memory_space<vmem>>, vector<1x16xf32>,
      }
      %scan3A_23 = arith.constant 128 : i32
      %barrier3A_24 = arith.constant 0 : index
      tpu.barrier barrier_id(%barrier3A_24)
      %scan3A_25 = arith.constant 0 : i32
      %scan3A_26 = arith.constant 5 : i32
      %scan3A_27 = arith.addi %scan3A_25, %scan3A_26 : i32
      %scan3A_28 = arith.constant 1 : i32
      scf.for %scan3A_32 = %scan3A_25 to %scan3A_27 step %scan3A_28  : i32 {
        %mul3A_33 = arith.constant 1 : i32
        %mul3A_34 = arith.muli %scan3A_32, %mul3A_33 : i32
        %add3A = arith.constant 0 : i32
        %add3A_35 = arith.addi %add3A, %mul3A_34 : i32
        %mul3A_36 = arith.constant 32 : i32
        %mul3A_37 = arith.muli %add3A_35, %mul3A_36 : i32
        %add3A_38 = arith.addi %mul3A_7, %mul3A_37 : i32
        %multiple_of3A_39 = tpu.assume_multiple %add3A_38, 8 : i32
        "tpu.region"() ({
          %run_scoped3A = tpu.sem_alloc : memref<!tpu.dma_semaphore, #tpu.memory_space<semaphore_mem>>
          %dma_start3A = arith.constant 0 : i32
          %dma_start3A_45 = tpu.memref_slice %arg5[%multiple_of3A_39, %dma_start3A] : memref<2560x128xi32, #tpu.memory_space<hbm>> -> memref<32x128xi32, #tpu.memory_space<hbm>>
          %dma_start3A_46 = arith.constant 0 : i32
          %dma_start3A_47 = tpu.memref_slice %arg5[%multiple_of3A_39, %dma_start3A_46] : memref<2560x128xi32, #tpu.memory_space<hbm>> -> memref<32x128xi32, #tpu.memory_space<hbm>>
          tpu.enqueue_dma source(%dma_start3A_47 : memref<32x128xi32, #tpu.memory_space<hbm>>) target(%arg16 : memref<32x128xi32, #tpu.memory_space<vmem>>) target_semaphore(%run_scoped3A : memref<!tpu.dma_semaphore, #tpu.memory_space<semaphore_mem>>)
          %dma_wait3A = arith.constant 0 : i32
          %dma_wait3A_48 = tpu.memref_slice %arg5[%multiple_of3A_39, %dma_wait3A] : memref<2560x128xi32, #tpu.memory_space<hbm>> -> memref<32x128xi32, #tpu.memory_space<hbm>>
          %dma_wait3A_49 = arith.constant 0 : i32
          %dma_wait3A_50 = tpu.memref_slice %arg5[%multiple_of3A_39, %dma_wait3A_49] : memref<2560x128xi32, #tpu.memory_space<hbm>> -> memref<32x128xi32, #tpu.memory_space<hbm>>
          tpu.wait_dma2 semaphore(%run_scoped3A : memref<!tpu.dma_semaphore, #tpu.memory_space<semaphore_mem>>) src(%dma_wait3A_50 : memref<32x128xi32, #tpu.memory_space<hbm>>) dst(%arg16 : memref<32x128xi32, #tpu.memory_space<vmem>>)
          tpu.yield
        }) : () -> ()
        %scan3A_40 = arith.constant 0 : i32
        %scan3A_41 = arith.constant 32 : i32
        %scan3A_42 = arith.addi %scan3A_40, %scan3A_41 : i32
        %scan3A_43 = arith.constant 1 : i32
        scf.for %scan3A_45 = %scan3A_40 to %scan3A_42 step %scan3A_43  : i32 {
          %mul3A_46 = arith.constant 1 : i32
          %mul3A_47 = arith.muli %scan3A_45, %mul3A_46 : i32
          %add3A_48 = arith.constant 0 : i32
          %add3A_49 = arith.addi %add3A_48, %mul3A_47 : i32
          "tpu.region"() ({
            %run_scoped3A = tpu.sem_alloc : memref<!tpu.dma_semaphore, #tpu.memory_space<semaphore_mem>>
            %dma_start3A = arith.constant 0 : i32
            %dma_start3A_50 = tpu.memref_slice %arg16[%add3A_49, %dma_start3A] : memref<32x128xi32, #tpu.memory_space<vmem>> -> memref<1x128xi32, #tpu.memory_space<vmem>>
            %dma_start3A_51 = tpu.memref_squeeze %dma_start3A_50 : memref<1x128xi32, #tpu.memory_space<vmem>> -> memref<128xi32, #tpu.memory_space<vmem>>
            %dma_start3A_52 = arith.constant 0 : i32
            %dma_start3A_53 = arith.constant 0 : i32
            %dma_start3A_54 = tpu.memref_slice %arg19[%dma_start3A_52, %dma_start3A_53] : memref<10368x128xf32, #tpu.memory_space<vmem_shared>> -> memref<10368x128xf32, #tpu.memory_space<vmem_shared>>
            tpu.enqueue_indirect_dma source(%arg18 : memref<128x128xf32, #tpu.memory_space<vmem>>) target(%dma_start3A_54 : memref<10368x128xf32, #tpu.memory_space<vmem_shared>>) offsets(%dma_start3A_51 : memref<128xi32, #tpu.memory_space<vmem>>) semaphore(%run_scoped3A : memref<!tpu.dma_semaphore, #tpu.memory_space<semaphore_mem>>) {add = true}
            %dma_wait3A = arith.constant 0 : i32
            %dma_wait3A_55 = tpu.memref_slice %arg16[%add3A_49, %dma_wait3A] : memref<32x128xi32, #tpu.memory_space<vmem>> -> memref<1x128xi32, #tpu.memory_space<vmem>>
            %dma_wait3A_56 = tpu.memref_squeeze %dma_wait3A_55 : memref<1x128xi32, #tpu.memory_space<vmem>> -> memref<128xi32, #tpu.memory_space<vmem>>
            %dma_wait3A_57 = arith.constant 0 : i32
            %dma_wait3A_58 = arith.constant 0 : i32
            %dma_wait3A_59 = tpu.memref_slice %arg19[%dma_wait3A_57, %dma_wait3A_58] : memref<10368x128xf32, #tpu.memory_space<vmem_shared>> -> memref<10368x128xf32, #tpu.memory_space<vmem_shared>>
            tpu.wait_indirect_dma semaphore(%run_scoped3A : memref<!tpu.dma_semaphore, #tpu.memory_space<semaphore_mem>>) src(%arg18 : memref<128x128xf32, #tpu.memory_space<vmem>>) dst(%dma_wait3A_59 : memref<10368x128xf32, #tpu.memory_space<vmem_shared>>)
            tpu.yield
          }) : () -> ()
        }
        %scan3A_44 = arith.constant 32 : i32
      }
      %scan3A_29 = arith.constant 5 : i32
      %barrier3A_30 = arith.constant 0 : index
      tpu.barrier barrier_id(%barrier3A_30)
      "tpu.region"() ({
        %run_scoped3A = tpu.sem_alloc : memref<!tpu.dma_semaphore, #tpu.memory_space<semaphore_mem>>
        %dma_start3A = arith.constant 0 : i32
        %dma_start3A_32 = tpu.memref_slice %arg13[%multiple_of3A_12, %dma_start3A] : memref<10240x128xf32, #tpu.memory_space<hbm>> -> memref<640x128xf32, #tpu.memory_space<hbm>>
        %dma_start3A_33 = arith.constant 0 : i32
        %dma_start3A_34 = tpu.memref_slice %arg19[%multiple_of3A_12, %dma_start3A_33] : memref<10368x128xf32, #tpu.memory_space<vmem_shared>> -> memref<640x128xf32, #tpu.memory_space<vmem_shared>>
        tpu.enqueue_dma source(%dma_start3A_34 : memref<640x128xf32, #tpu.memory_space<vmem_shared>>) target(%dma_start3A_32 : memref<640x128xf32, #tpu.memory_space<hbm>>) target_semaphore(%run_scoped3A : memref<!tpu.dma_semaphore, #tpu.memory_space<semaphore_mem>>)
        %dma_wait3A = arith.constant 0 : i32
        %dma_wait3A_35 = tpu.memref_slice %arg13[%multiple_of3A_12, %dma_wait3A] : memref<10240x128xf32, #tpu.memory_space<hbm>> -> memref<640x128xf32, #tpu.memory_space<hbm>>
        %dma_wait3A_36 = arith.constant 0 : i32
        %dma_wait3A_37 = tpu.memref_slice %arg19[%multiple_of3A_12, %dma_wait3A_36] : memref<10368x128xf32, #tpu.memory_space<vmem_shared>> -> memref<640x128xf32, #tpu.memory_space<vmem_shared>>
        tpu.wait_dma2 semaphore(%run_scoped3A : memref<!tpu.dma_semaphore, #tpu.memory_space<semaphore_mem>>) src(%dma_wait3A_37 : memref<640x128xf32, #tpu.memory_space<vmem_shared>>) dst(%dma_wait3A_35 : memref<640x128xf32, #tpu.memory_space<hbm>>)
        tpu.yield
      }) : () -> ()
      %barrier3A_31 = arith.constant 0 : index
      tpu.barrier barrier_id(%barrier3A_31)
    } else {
    }
    %eq3A_2 = arith.constant 1 : i32
    %eq3A_3 = arith.cmpi eq, %arg0, %eq3A_2 : i32
    %convert_element_type3A_4 = arith.extui %eq3A_3 : i1 to i32
    %cond3A_5 = arith.constant 0 : i32
    %cond3A_6 = arith.cmpi ne, %convert_element_type3A_4, %cond3A_5 : i32
    scf.if %cond3A_6 {
      %mul3A = arith.constant 160 : i32
      %mul3A_7 = arith.muli %arg1, %mul3A : i32
      %mul3A_8 = arith.constant 648 : i32
      %mul3A_9 = arith.muli %arg1, %mul3A_8 : i32
      %multiple_of3A = tpu.assume_multiple %mul3A_9, 8 : i32
      %mul3A_10 = arith.constant 640 : i32
      %mul3A_11 = arith.muli %arg1, %mul3A_10 : i32
      %multiple_of3A_12 = tpu.assume_multiple %mul3A_11, 8 : i32
      "tpu.region"() ({
        %run_scoped3A = tpu.sem_alloc : memref<!tpu.dma_semaphore, #tpu.memory_space<semaphore_mem>>
        %dma_start3A = arith.constant 0 : i32
        %dma_start3A_32 = tpu.memref_slice %arg19[%multiple_of3A, %dma_start3A] : memref<10368x128xf32, #tpu.memory_space<vmem_shared>> -> memref<648x128xf32, #tpu.memory_space<vmem_shared>>
        tpu.enqueue_dma source(%arg10 : memref<648x128xf32, #tpu.memory_space<hbm>>) target(%dma_start3A_32 : memref<648x128xf32, #tpu.memory_space<vmem_shared>>) target_semaphore(%run_scoped3A : memref<!tpu.dma_semaphore, #tpu.memory_space<semaphore_mem>>)
        %dma_wait3A = arith.constant 0 : i32
        %dma_wait3A_33 = tpu.memref_slice %arg19[%multiple_of3A, %dma_wait3A] : memref<10368x128xf32, #tpu.memory_space<vmem_shared>> -> memref<648x128xf32, #tpu.memory_space<vmem_shared>>
        tpu.wait_dma2 semaphore(%run_scoped3A : memref<!tpu.dma_semaphore, #tpu.memory_space<semaphore_mem>>) src(%arg10 : memref<648x128xf32, #tpu.memory_space<hbm>>) dst(%dma_wait3A_33 : memref<648x128xf32, #tpu.memory_space<vmem_shared>>)
        tpu.yield
      }) : () -> ()
      %barrier3A = arith.constant 0 : index
      tpu.barrier barrier_id(%barrier3A)
      %scan3A = arith.constant 0 : i32
      %scan3A_13 = arith.constant 5 : i32
      %scan3A_14 = arith.addi %scan3A, %scan3A_13 : i32
      %scan3A_15 = arith.constant 1 : i32
      scf.for %scan3A_32 = %scan3A to %scan3A_14 step %scan3A_15  : i32 {
        %mul3A_33 = arith.constant 1 : i32
        %mul3A_34 = arith.muli %scan3A_32, %mul3A_33 : i32
        %add3A = arith.constant 0 : i32
        %add3A_35 = arith.addi %add3A, %mul3A_34 : i32
        %mul3A_36 = arith.constant 32 : i32
        %mul3A_37 = arith.muli %add3A_35, %mul3A_36 : i32
        %add3A_38 = arith.addi %mul3A_7, %mul3A_37 : i32
        %multiple_of3A_39 = tpu.assume_multiple %add3A_38, 8 : i32
        "tpu.region"() ({
          %run_scoped3A = tpu.sem_alloc : memref<!tpu.dma_semaphore, #tpu.memory_space<semaphore_mem>>
          %dma_start3A = arith.constant 0 : i32
          %dma_start3A_45 = tpu.memref_slice %arg4[%multiple_of3A_39, %dma_start3A] : memref<2560x128xi32, #tpu.memory_space<hbm>> -> memref<32x128xi32, #tpu.memory_space<hbm>>
          %dma_start3A_46 = arith.constant 0 : i32
          %dma_start3A_47 = tpu.memref_slice %arg4[%multiple_of3A_39, %dma_start3A_46] : memref<2560x128xi32, #tpu.memory_space<hbm>> -> memref<32x128xi32, #tpu.memory_space<hbm>>
          tpu.enqueue_dma source(%dma_start3A_47 : memref<32x128xi32, #tpu.memory_space<hbm>>) target(%arg15 : memref<32x128xi32, #tpu.memory_space<vmem>>) target_semaphore(%run_scoped3A : memref<!tpu.dma_semaphore, #tpu.memory_space<semaphore_mem>>)
          %dma_wait3A = arith.constant 0 : i32
          %dma_wait3A_48 = tpu.memref_slice %arg4[%multiple_of3A_39, %dma_wait3A] : memref<2560x128xi32, #tpu.memory_space<hbm>> -> memref<32x128xi32, #tpu.memory_space<hbm>>
          %dma_wait3A_49 = arith.constant 0 : i32
          %dma_wait3A_50 = tpu.memref_slice %arg4[%multiple_of3A_39, %dma_wait3A_49] : memref<2560x128xi32, #tpu.memory_space<hbm>> -> memref<32x128xi32, #tpu.memory_space<hbm>>
          tpu.wait_dma2 semaphore(%run_scoped3A : memref<!tpu.dma_semaphore, #tpu.memory_space<semaphore_mem>>) src(%dma_wait3A_50 : memref<32x128xi32, #tpu.memory_space<hbm>>) dst(%arg15 : memref<32x128xi32, #tpu.memory_space<vmem>>)
          tpu.yield
        }) : () -> ()
        "tpu.region"() ({
          %run_scoped3A = tpu.sem_alloc : memref<!tpu.dma_semaphore, #tpu.memory_space<semaphore_mem>>
          %dma_start3A = arith.constant 0 : i32
          %dma_start3A_45 = tpu.memref_slice %arg7[%multiple_of3A_39, %dma_start3A] : memref<2560x128xi32, #tpu.memory_space<hbm>> -> memref<32x128xi32, #tpu.memory_space<hbm>>
          %dma_start3A_46 = arith.constant 0 : i32
          %dma_start3A_47 = tpu.memref_slice %arg7[%multiple_of3A_39, %dma_start3A_46] : memref<2560x128xi32, #tpu.memory_space<hbm>> -> memref<32x128xi32, #tpu.memory_space<hbm>>
          tpu.enqueue_dma source(%dma_start3A_47 : memref<32x128xi32, #tpu.memory_space<hbm>>) target(%arg16 : memref<32x128xi32, #tpu.memory_space<vmem>>) target_semaphore(%run_scoped3A : memref<!tpu.dma_semaphore, #tpu.memory_space<semaphore_mem>>)
          %dma_wait3A = arith.constant 0 : i32
          %dma_wait3A_48 = tpu.memref_slice %arg7[%multiple_of3A_39, %dma_wait3A] : memref<2560x128xi32, #tpu.memory_space<hbm>> -> memref<32x128xi32, #tpu.memory_space<hbm>>
          %dma_wait3A_49 = arith.constant 0 : i32
          %dma_wait3A_50 = tpu.memref_slice %arg7[%multiple_of3A_39, %dma_wait3A_49] : memref<2560x128xi32, #tpu.memory_space<hbm>> -> memref<32x128xi32, #tpu.memory_space<hbm>>
          tpu.wait_dma2 semaphore(%run_scoped3A : memref<!tpu.dma_semaphore, #tpu.memory_space<semaphore_mem>>) src(%dma_wait3A_50 : memref<32x128xi32, #tpu.memory_space<hbm>>) dst(%arg16 : memref<32x128xi32, #tpu.memory_space<vmem>>)
          tpu.yield
        }) : () -> ()
        "tpu.region"() ({
          %run_scoped3A = tpu.sem_alloc : memref<!tpu.dma_semaphore, #tpu.memory_space<semaphore_mem>>
          %dma_start3A = arith.constant 0 : i32
          %dma_start3A_45 = tpu.memref_slice %arg8[%multiple_of3A_39, %dma_start3A] : memref<2560x128xf32, #tpu.memory_space<hbm>> -> memref<32x128xf32, #tpu.memory_space<hbm>>
          %dma_start3A_46 = arith.constant 0 : i32
          %dma_start3A_47 = tpu.memref_slice %arg8[%multiple_of3A_39, %dma_start3A_46] : memref<2560x128xf32, #tpu.memory_space<hbm>> -> memref<32x128xf32, #tpu.memory_space<hbm>>
          tpu.enqueue_dma source(%dma_start3A_47 : memref<32x128xf32, #tpu.memory_space<hbm>>) target(%arg17 : memref<32x128xf32, #tpu.memory_space<vmem>>) target_semaphore(%run_scoped3A : memref<!tpu.dma_semaphore, #tpu.memory_space<semaphore_mem>>)
          %dma_wait3A = arith.constant 0 : i32
          %dma_wait3A_48 = tpu.memref_slice %arg8[%multiple_of3A_39, %dma_wait3A] : memref<2560x128xf32, #tpu.memory_space<hbm>> -> memref<32x128xf32, #tpu.memory_space<hbm>>
          %dma_wait3A_49 = arith.constant 0 : i32
          %dma_wait3A_50 = tpu.memref_slice %arg8[%multiple_of3A_39, %dma_wait3A_49] : memref<2560x128xf32, #tpu.memory_space<hbm>> -> memref<32x128xf32, #tpu.memory_space<hbm>>
          tpu.wait_dma2 semaphore(%run_scoped3A : memref<!tpu.dma_semaphore, #tpu.memory_space<semaphore_mem>>) src(%dma_wait3A_50 : memref<32x128xf32, #tpu.memory_space<hbm>>) dst(%arg17 : memref<32x128xf32, #tpu.memory_space<vmem>>)
          tpu.yield
        }) : () -> ()
        %scan3A_40 = arith.constant 0 : i32
        %scan3A_41 = arith.constant 32 : i32
        %scan3A_42 = arith.addi %scan3A_40, %scan3A_41 : i32
        %scan3A_43 = arith.constant 1 : i32
        scf.for %scan3A_45 = %scan3A_40 to %scan3A_42 step %scan3A_43  : i32 {
          %mul3A_46 = arith.constant 1 : i32
          %mul3A_47 = arith.muli %scan3A_45, %mul3A_46 : i32
          %add3A_48 = arith.constant 0 : i32
          %add3A_49 = arith.addi %add3A_48, %mul3A_47 : i32
          "tpu.region"() ({
            %run_scoped3A = tpu.sem_alloc : memref<!tpu.dma_semaphore, #tpu.memory_space<semaphore_mem>>
            %dma_start3A = arith.constant 0 : i32
            %dma_start3A_55 = tpu.memref_slice %arg15[%add3A_49, %dma_start3A] : memref<32x128xi32, #tpu.memory_space<vmem>> -> memref<1x128xi32, #tpu.memory_space<vmem>>
            %dma_start3A_56 = tpu.memref_squeeze %dma_start3A_55 : memref<1x128xi32, #tpu.memory_space<vmem>> -> memref<128xi32, #tpu.memory_space<vmem>>
            %dma_start3A_57 = arith.constant 0 : i32
            %dma_start3A_58 = arith.constant 0 : i32
            %dma_start3A_59 = tpu.memref_slice %arg2[%dma_start3A_57, %dma_start3A_58] : memref<10000x128xf32, #tpu.memory_space<hbm>> -> memref<10000x128xf32, #tpu.memory_space<hbm>>
            tpu.enqueue_indirect_dma source(%dma_start3A_59 : memref<10000x128xf32, #tpu.memory_space<hbm>>) target(%arg18 : memref<128x128xf32, #tpu.memory_space<vmem>>) offsets(%dma_start3A_56 : memref<128xi32, #tpu.memory_space<vmem>>) semaphore(%run_scoped3A : memref<!tpu.dma_semaphore, #tpu.memory_space<semaphore_mem>>)
            %dma_wait3A = arith.constant 0 : i32
            %dma_wait3A_60 = tpu.memref_slice %arg15[%add3A_49, %dma_wait3A] : memref<32x128xi32, #tpu.memory_space<vmem>> -> memref<1x128xi32, #tpu.memory_space<vmem>>
            %dma_wait3A_61 = tpu.memref_squeeze %dma_wait3A_60 : memref<1x128xi32, #tpu.memory_space<vmem>> -> memref<128xi32, #tpu.memory_space<vmem>>
            %dma_wait3A_62 = arith.constant 0 : i32
            %dma_wait3A_63 = arith.constant 0 : i32
            %dma_wait3A_64 = tpu.memref_slice %arg2[%dma_wait3A_62, %dma_wait3A_63] : memref<10000x128xf32, #tpu.memory_space<hbm>> -> memref<10000x128xf32, #tpu.memory_space<hbm>>
            tpu.wait_indirect_dma semaphore(%run_scoped3A : memref<!tpu.dma_semaphore, #tpu.memory_space<semaphore_mem>>) src(%dma_wait3A_64 : memref<10000x128xf32, #tpu.memory_space<hbm>>) dst(%arg18 : memref<128x128xf32, #tpu.memory_space<vmem>>)
            tpu.yield
          }) : () -> ()
          %scan3A_50 = arith.constant 0 : i32
          %scan3A_51 = arith.constant 8 : i32
          %scan3A_52 = arith.addi %scan3A_50, %scan3A_51 : i32
          %scan3A_53 = arith.constant 1 : i32
          scf.for %scan3A_55 = %scan3A_50 to %scan3A_52 step %scan3A_53  : i32 {
            %mul3A_56 = arith.constant 1 : i32
            %mul3A_57 = arith.muli %scan3A_55, %mul3A_56 : i32
            %add3A_58 = arith.constant 0 : i32
            %add3A_59 = arith.addi %add3A_58, %mul3A_57 : i32
            %mul3A_60 = arith.constant 16 : i32
            %mul3A_61 = arith.muli %add3A_59, %mul3A_60 : i32
            %get3A = arith.index_cast %add3A_49 : i32 to index
            %get3A_62 = arith.index_cast %mul3A_61 : i32 to index
            %get3A_63 = tpu.vector_load %arg17[%get3A, %get3A_62] {strides = array<i32>} : memref<32x128xf32, #tpu.memory_space<vmem>>, vector<1x16xf32>,
            %get3A_64 = vector.shape_cast %get3A_63 : vector<1x16xf32> to vector<16xf32>
            %mul3A_65 = arith.constant 16 : i32
            %mul3A_66 = arith.muli %add3A_59, %mul3A_65 : i32
            %add3A_67 = arith.constant 0 : i32
            %add3A_68 = arith.addi %mul3A_66, %add3A_67 : i32
            %slice3A = vector.extract_strided_slice %get3A_64 {offsets = [0], sizes = [1], strides = [1]} : vector<16xf32> to vector<1xf32>
            %squeeze3A = vector.extract %slice3A[0] : f32 from vector<1xf32>
            %get3A_69 = arith.index_cast %add3A_68 : i32 to index
            %get3A_70 = arith.constant 0 : index
            %get3A_71 = tpu.vector_load %arg18[%get3A_69, %get3A_70] {strides = array<i32>} : memref<128x128xf32, #tpu.memory_space<vmem>>, vector<1x16xf32>,
            %get3A_72 = vector.shape_cast %get3A_71 : vector<1x16xf32> to vector<16xf32>
            %mul3A_73 = vector.broadcast %squeeze3A : f32 to vector<16xf32>
            %mul3A_74 = arith.mulf %get3A_72, %mul3A_73 : vector<16xf32>
            %swap3A = arith.index_cast %add3A_68 : i32 to index
            %swap3A_75 = arith.constant 0 : index
            %swap3A_76 = tpu.vector_load %arg18[%swap3A, %swap3A_75] {strides = array<i32>} : memref<128x128xf32, #tpu.memory_space<vmem>>, vector<1x16xf32>,
            %swap3A_77 = vector.shape_cast %swap3A_76 : vector<1x16xf32> to vector<16xf32>
            %swap3A_78 = vector.shape_cast %mul3A_74 : vector<16xf32> to vector<1x16xf32>
            tpu.vector_store %arg18[%swap3A, %swap3A_75], %swap3A_78 {strides = array<i32>} : memref<128x128xf32, #tpu.memory_space<vmem>>, vector<1x16xf32>,
            %get3A_79 = arith.index_cast %add3A_68 : i32 to index
            %get3A_80 = arith.constant 16 : index
            %get3A_81 = tpu.vector_load %arg18[%get3A_79, %get3A_80] {strides = array<i32>} : memref<128x128xf32, #tpu.memory_space<vmem>>, vector<1x16xf32>,
            %get3A_82 = vector.shape_cast %get3A_81 : vector<1x16xf32> to vector<16xf32>
            %mul3A_83 = vector.broadcast %squeeze3A : f32 to vector<16xf32>
            %mul3A_84 = arith.mulf %get3A_82, %mul3A_83 : vector<16xf32>
            %swap3A_85 = arith.index_cast %add3A_68 : i32 to index
            %swap3A_86 = arith.constant 16 : index
            %swap3A_87 = tpu.vector_load %arg18[%swap3A_85, %swap3A_86] {strides = array<i32>} : memref<128x128xf32, #tpu.memory_space<vmem>>, vector<1x16xf32>,
            %swap3A_88 = vector.shape_cast %swap3A_87 : vector<1x16xf32> to vector<16xf32>
            %swap3A_89 = vector.shape_cast %mul3A_84 : vector<16xf32> to vector<1x16xf32>
            tpu.vector_store %arg18[%swap3A_85, %swap3A_86], %swap3A_89 {strides = array<i32>} : memref<128x128xf32, #tpu.memory_space<vmem>>, vector<1x16xf32>,
            %get3A_90 = arith.index_cast %add3A_68 : i32 to index
            %get3A_91 = arith.constant 32 : index
            %get3A_92 = tpu.vector_load %arg18[%get3A_90, %get3A_91] {strides = array<i32>} : memref<128x128xf32, #tpu.memory_space<vmem>>, vector<1x16xf32>,
            %get3A_93 = vector.shape_cast %get3A_92 : vector<1x16xf32> to vector<16xf32>
            %mul3A_94 = vector.broadcast %squeeze3A : f32 to vector<16xf32>
            %mul3A_95 = arith.mulf %get3A_93, %mul3A_94 : vector<16xf32>
            %swap3A_96 = arith.index_cast %add3A_68 : i32 to index
            %swap3A_97 = arith.constant 32 : index
            %swap3A_98 = tpu.vector_load %arg18[%swap3A_96, %swap3A_97] {strides = array<i32>} : memref<128x128xf32, #tpu.memory_space<vmem>>, vector<1x16xf32>,
            %swap3A_99 = vector.shape_cast %swap3A_98 : vector<1x16xf32> to vector<16xf32>
            %swap3A_100 = vector.shape_cast %mul3A_95 : vector<16xf32> to vector<1x16xf32>
            tpu.vector_store %arg18[%swap3A_96, %swap3A_97], %swap3A_100 {strides = array<i32>} : memref<128x128xf32, #tpu.memory_space<vmem>>, vector<1x16xf32>,
            %get3A_101 = arith.index_cast %add3A_68 : i32 to index
            %get3A_102 = arith.constant 48 : index
            %get3A_103 = tpu.vector_load %arg18[%get3A_101, %get3A_102] {strides = array<i32>} : memref<128x128xf32, #tpu.memory_space<vmem>>, vector<1x16xf32>,
            %get3A_104 = vector.shape_cast %get3A_103 : vector<1x16xf32> to vector<16xf32>
            %mul3A_105 = vector.broadcast %squeeze3A : f32 to vector<16xf32>
            %mul3A_106 = arith.mulf %get3A_104, %mul3A_105 : vector<16xf32>
            %swap3A_107 = arith.index_cast %add3A_68 : i32 to index
            %swap3A_108 = arith.constant 48 : index
            %swap3A_109 = tpu.vector_load %arg18[%swap3A_107, %swap3A_108] {strides = array<i32>} : memref<128x128xf32, #tpu.memory_space<vmem>>, vector<1x16xf32>,
            %swap3A_110 = vector.shape_cast %swap3A_109 : vector<1x16xf32> to vector<16xf32>
            %swap3A_111 = vector.shape_cast %mul3A_106 : vector<16xf32> to vector<1x16xf32>
            tpu.vector_store %arg18[%swap3A_107, %swap3A_108], %swap3A_111 {strides = array<i32>} : memref<128x128xf32, #tpu.memory_space<vmem>>, vector<1x16xf32>,
            %get3A_112 = arith.index_cast %add3A_68 : i32 to index
            %get3A_113 = arith.constant 64 : index
            %get3A_114 = tpu.vector_load %arg18[%get3A_112, %get3A_113] {strides = array<i32>} : memref<128x128xf32, #tpu.memory_space<vmem>>, vector<1x16xf32>,
            %get3A_115 = vector.shape_cast %get3A_114 : vector<1x16xf32> to vector<16xf32>
            %mul3A_116 = vector.broadcast %squeeze3A : f32 to vector<16xf32>
            %mul3A_117 = arith.mulf %get3A_115, %mul3A_116 : vector<16xf32>
            %swap3A_118 = arith.index_cast %add3A_68 : i32 to index
            %swap3A_119 = arith.constant 64 : index
            %swap3A_120 = tpu.vector_load %arg18[%swap3A_118, %swap3A_119] {strides = array<i32>} : memref<128x128xf32, #tpu.memory_space<vmem>>, vector<1x16xf32>,
            %swap3A_121 = vector.shape_cast %swap3A_120 : vector<1x16xf32> to vector<16xf32>
            %swap3A_122 = vector.shape_cast %mul3A_117 : vector<16xf32> to vector<1x16xf32>
            tpu.vector_store %arg18[%swap3A_118, %swap3A_119], %swap3A_122 {strides = array<i32>} : memref<128x128xf32, #tpu.memory_space<vmem>>, vector<1x16xf32>,
            %get3A_123 = arith.index_cast %add3A_68 : i32 to index
            %get3A_124 = arith.constant 80 : index
            %get3A_125 = tpu.vector_load %arg18[%get3A_123, %get3A_124] {strides = array<i32>} : memref<128x128xf32, #tpu.memory_space<vmem>>, vector<1x16xf32>,
            %get3A_126 = vector.shape_cast %get3A_125 : vector<1x16xf32> to vector<16xf32>
            %mul3A_127 = vector.broadcast %squeeze3A : f32 to vector<16xf32>
            %mul3A_128 = arith.mulf %get3A_126, %mul3A_127 : vector<16xf32>
            %swap3A_129 = arith.index_cast %add3A_68 : i32 to index
            %swap3A_130 = arith.constant 80 : index
            %swap3A_131 = tpu.vector_load %arg18[%swap3A_129, %swap3A_130] {strides = array<i32>} : memref<128x128xf32, #tpu.memory_space<vmem>>, vector<1x16xf32>,
            %swap3A_132 = vector.shape_cast %swap3A_131 : vector<1x16xf32> to vector<16xf32>
            %swap3A_133 = vector.shape_cast %mul3A_128 : vector<16xf32> to vector<1x16xf32>
            tpu.vector_store %arg18[%swap3A_129, %swap3A_130], %swap3A_133 {strides = array<i32>} : memref<128x128xf32, #tpu.memory_space<vmem>>, vector<1x16xf32>,
            %get3A_134 = arith.index_cast %add3A_68 : i32 to index
            %get3A_135 = arith.constant 96 : index
            %get3A_136 = tpu.vector_load %arg18[%get3A_134, %get3A_135] {strides = array<i32>} : memref<128x128xf32, #tpu.memory_space<vmem>>, vector<1x16xf32>,
            %get3A_137 = vector.shape_cast %get3A_136 : vector<1x16xf32> to vector<16xf32>
            %mul3A_138 = vector.broadcast %squeeze3A : f32 to vector<16xf32>
            %mul3A_139 = arith.mulf %get3A_137, %mul3A_138 : vector<16xf32>
            %swap3A_140 = arith.index_cast %add3A_68 : i32 to index
            %swap3A_141 = arith.constant 96 : index
            %swap3A_142 = tpu.vector_load %arg18[%swap3A_140, %swap3A_141] {strides = array<i32>} : memref<128x128xf32, #tpu.memory_space<vmem>>, vector<1x16xf32>,
            %swap3A_143 = vector.shape_cast %swap3A_142 : vector<1x16xf32> to vector<16xf32>
            %swap3A_144 = vector.shape_cast %mul3A_139 : vector<16xf32> to vector<1x16xf32>
            tpu.vector_store %arg18[%swap3A_140, %swap3A_141], %swap3A_144 {strides = array<i32>} : memref<128x128xf32, #tpu.memory_space<vmem>>, vector<1x16xf32>,
            %get3A_145 = arith.index_cast %add3A_68 : i32 to index
            %get3A_146 = arith.constant 112 : index
            %get3A_147 = tpu.vector_load %arg18[%get3A_145, %get3A_146] {strides = array<i32>} : memref<128x128xf32, #tpu.memory_space<vmem>>, vector<1x16xf32>,
            %get3A_148 = vector.shape_cast %get3A_147 : vector<1x16xf32> to vector<16xf32>
            %mul3A_149 = vector.broadcast %squeeze3A : f32 to vector<16xf32>
            %mul3A_150 = arith.mulf %get3A_148, %mul3A_149 : vector<16xf32>
            %swap3A_151 = arith.index_cast %add3A_68 : i32 to index
            %swap3A_152 = arith.constant 112 : index
            %swap3A_153 = tpu.vector_load %arg18[%swap3A_151, %swap3A_152] {strides = array<i32>} : memref<128x128xf32, #tpu.memory_space<vmem>>, vector<1x16xf32>,
            %swap3A_154 = vector.shape_cast %swap3A_153 : vector<1x16xf32> to vector<16xf32>
            %swap3A_155 = vector.shape_cast %mul3A_150 : vector<16xf32> to vector<1x16xf32>
            tpu.vector_store %arg18[%swap3A_151, %swap3A_152], %swap3A_155 {strides = array<i32>} : memref<128x128xf32, #tpu.memory_space<vmem>>, vector<1x16xf32>,
            %mul3A_156 = arith.constant 16 : i32
            %mul3A_157 = arith.muli %add3A_59, %mul3A_156 : i32
            %add3A_158 = arith.constant 1 : i32
            %add3A_159 = arith.addi %mul3A_157, %add3A_158 : i32
            %slice3A_160 = vector.extract_strided_slice %get3A_64 {offsets = [1], sizes = [1], strides = [1]} : vector<16xf32> to vector<1xf32>
            %squeeze3A_161 = vector.extract %slice3A_160[0] : f32 from vector<1xf32>
            %get3A_162 = arith.index_cast %add3A_159 : i32 to index
            %get3A_163 = arith.constant 0 : index
            %get3A_164 = tpu.vector_load %arg18[%get3A_162, %get3A_163] {strides = array<i32>} : memref<128x128xf32, #tpu.memory_space<vmem>>, vector<1x16xf32>,
            %get3A_165 = vector.shape_cast %get3A_164 : vector<1x16xf32> to vector<16xf32>
            %mul3A_166 = vector.broadcast %squeeze3A_161 : f32 to vector<16xf32>
            %mul3A_167 = arith.mulf %get3A_165, %mul3A_166 : vector<16xf32>
            %swap3A_168 = arith.index_cast %add3A_159 : i32 to index
            %swap3A_169 = arith.constant 0 : index
            %swap3A_170 = tpu.vector_load %arg18[%swap3A_168, %swap3A_169] {strides = array<i32>} : memref<128x128xf32, #tpu.memory_space<vmem>>, vector<1x16xf32>,
            %swap3A_171 = vector.shape_cast %swap3A_170 : vector<1x16xf32> to vector<16xf32>
            %swap3A_172 = vector.shape_cast %mul3A_167 : vector<16xf32> to vector<1x16xf32>
            tpu.vector_store %arg18[%swap3A_168, %swap3A_169], %swap3A_172 {strides = array<i32>} : memref<128x128xf32, #tpu.memory_space<vmem>>, vector<1x16xf32>,
            %get3A_173 = arith.index_cast %add3A_159 : i32 to index
            %get3A_174 = arith.constant 16 : index
            %get3A_175 = tpu.vector_load %arg18[%get3A_173, %get3A_174] {strides = array<i32>} : memref<128x128xf32, #tpu.memory_space<vmem>>, vector<1x16xf32>,
            %get3A_176 = vector.shape_cast %get3A_175 : vector<1x16xf32> to vector<16xf32>
            %mul3A_177 = vector.broadcast %squeeze3A_161 : f32 to vector<16xf32>
            %mul3A_178 = arith.mulf %get3A_176, %mul3A_177 : vector<16xf32>
            %swap3A_179 = arith.index_cast %add3A_159 : i32 to index
            %swap3A_180 = arith.constant 16 : index
            %swap3A_181 = tpu.vector_load %arg18[%swap3A_179, %swap3A_180] {strides = array<i32>} : memref<128x128xf32, #tpu.memory_space<vmem>>, vector<1x16xf32>,
            %swap3A_182 = vector.shape_cast %swap3A_181 : vector<1x16xf32> to vector<16xf32>
            %swap3A_183 = vector.shape_cast %mul3A_178 : vector<16xf32> to vector<1x16xf32>
            tpu.vector_store %arg18[%swap3A_179, %swap3A_180], %swap3A_183 {strides = array<i32>} : memref<128x128xf32, #tpu.memory_space<vmem>>, vector<1x16xf32>,
            %get3A_184 = arith.index_cast %add3A_159 : i32 to index
            %get3A_185 = arith.constant 32 : index
            %get3A_186 = tpu.vector_load %arg18[%get3A_184, %get3A_185] {strides = array<i32>} : memref<128x128xf32, #tpu.memory_space<vmem>>, vector<1x16xf32>,
            %get3A_187 = vector.shape_cast %get3A_186 : vector<1x16xf32> to vector<16xf32>
            %mul3A_188 = vector.broadcast %squeeze3A_161 : f32 to vector<16xf32>
            %mul3A_189 = arith.mulf %get3A_187, %mul3A_188 : vector<16xf32>
            %swap3A_190 = arith.index_cast %add3A_159 : i32 to index
            %swap3A_191 = arith.constant 32 : index
            %swap3A_192 = tpu.vector_load %arg18[%swap3A_190, %swap3A_191] {strides = array<i32>} : memref<128x128xf32, #tpu.memory_space<vmem>>, vector<1x16xf32>,
            %swap3A_193 = vector.shape_cast %swap3A_192 : vector<1x16xf32> to vector<16xf32>
            %swap3A_194 = vector.shape_cast %mul3A_189 : vector<16xf32> to vector<1x16xf32>
            tpu.vector_store %arg18[%swap3A_190, %swap3A_191], %swap3A_194 {strides = array<i32>} : memref<128x128xf32, #tpu.memory_space<vmem>>, vector<1x16xf32>,
            %get3A_195 = arith.index_cast %add3A_159 : i32 to index
            %get3A_196 = arith.constant 48 : index
            %get3A_197 = tpu.vector_load %arg18[%get3A_195, %get3A_196] {strides = array<i32>} : memref<128x128xf32, #tpu.memory_space<vmem>>, vector<1x16xf32>,
            %get3A_198 = vector.shape_cast %get3A_197 : vector<1x16xf32> to vector<16xf32>
            %mul3A_199 = vector.broadcast %squeeze3A_161 : f32 to vector<16xf32>
            %mul3A_200 = arith.mulf %get3A_198, %mul3A_199 : vector<16xf32>
            %swap3A_201 = arith.index_cast %add3A_159 : i32 to index
            %swap3A_202 = arith.constant 48 : index
            %swap3A_203 = tpu.vector_load %arg18[%swap3A_201, %swap3A_202] {strides = array<i32>} : memref<128x128xf32, #tpu.memory_space<vmem>>, vector<1x16xf32>,
            %swap3A_204 = vector.shape_cast %swap3A_203 : vector<1x16xf32> to vector<16xf32>
            %swap3A_205 = vector.shape_cast %mul3A_200 : vector<16xf32> to vector<1x16xf32>
            tpu.vector_store %arg18[%swap3A_201, %swap3A_202], %swap3A_205 {strides = array<i32>} : memref<128x128xf32, #tpu.memory_space<vmem>>, vector<1x16xf32>,
            %get3A_206 = arith.index_cast %add3A_159 : i32 to index
            %get3A_207 = arith.constant 64 : index
            %get3A_208 = tpu.vector_load %arg18[%get3A_206, %get3A_207] {strides = array<i32>} : memref<128x128xf32, #tpu.memory_space<vmem>>, vector<1x16xf32>,
            %get3A_209 = vector.shape_cast %get3A_208 : vector<1x16xf32> to vector<16xf32>
            %mul3A_210 = vector.broadcast %squeeze3A_161 : f32 to vector<16xf32>
            %mul3A_211 = arith.mulf %get3A_209, %mul3A_210 : vector<16xf32>
            %swap3A_212 = arith.index_cast %add3A_159 : i32 to index
            %swap3A_213 = arith.constant 64 : index
            %swap3A_214 = tpu.vector_load %arg18[%swap3A_212, %swap3A_213] {strides = array<i32>} : memref<128x128xf32, #tpu.memory_space<vmem>>, vector<1x16xf32>,
            %swap3A_215 = vector.shape_cast %swap3A_214 : vector<1x16xf32> to vector<16xf32>
            %swap3A_216 = vector.shape_cast %mul3A_211 : vector<16xf32> to vector<1x16xf32>
            tpu.vector_store %arg18[%swap3A_212, %swap3A_213], %swap3A_216 {strides = array<i32>} : memref<128x128xf32, #tpu.memory_space<vmem>>, vector<1x16xf32>,
            %get3A_217 = arith.index_cast %add3A_159 : i32 to index
            %get3A_218 = arith.constant 80 : index
            %get3A_219 = tpu.vector_load %arg18[%get3A_217, %get3A_218] {strides = array<i32>} : memref<128x128xf32, #tpu.memory_space<vmem>>, vector<1x16xf32>,
            %get3A_220 = vector.shape_cast %get3A_219 : vector<1x16xf32> to vector<16xf32>
            %mul3A_221 = vector.broadcast %squeeze3A_161 : f32 to vector<16xf32>
            %mul3A_222 = arith.mulf %get3A_220, %mul3A_221 : vector<16xf32>
            %swap3A_223 = arith.index_cast %add3A_159 : i32 to index
            %swap3A_224 = arith.constant 80 : index
            %swap3A_225 = tpu.vector_load %arg18[%swap3A_223, %swap3A_224] {strides = array<i32>} : memref<128x128xf32, #tpu.memory_space<vmem>>, vector<1x16xf32>,
            %swap3A_226 = vector.shape_cast %swap3A_225 : vector<1x16xf32> to vector<16xf32>
            %swap3A_227 = vector.shape_cast %mul3A_222 : vector<16xf32> to vector<1x16xf32>
            tpu.vector_store %arg18[%swap3A_223, %swap3A_224], %swap3A_227 {strides = array<i32>} : memref<128x128xf32, #tpu.memory_space<vmem>>, vector<1x16xf32>,
            %get3A_228 = arith.index_cast %add3A_159 : i32 to index
            %get3A_229 = arith.constant 96 : index
            %get3A_230 = tpu.vector_load %arg18[%get3A_228, %get3A_229] {strides = array<i32>} : memref<128x128xf32, #tpu.memory_space<vmem>>, vector<1x16xf32>,
            %get3A_231 = vector.shape_cast %get3A_230 : vector<1x16xf32> to vector<16xf32>
            %mul3A_232 = vector.broadcast %squeeze3A_161 : f32 to vector<16xf32>
            %mul3A_233 = arith.mulf %get3A_231, %mul3A_232 : vector<16xf32>
            %swap3A_234 = arith.index_cast %add3A_159 : i32 to index
            %swap3A_235 = arith.constant 96 : index
            %swap3A_236 = tpu.vector_load %arg18[%swap3A_234, %swap3A_235] {strides = array<i32>} : memref<128x128xf32, #tpu.memory_space<vmem>>, vector<1x16xf32>,
            %swap3A_237 = vector.shape_cast %swap3A_236 : vector<1x16xf32> to vector<16xf32>
            %swap3A_238 = vector.shape_cast %mul3A_233 : vector<16xf32> to vector<1x16xf32>
            tpu.vector_store %arg18[%swap3A_234, %swap3A_235], %swap3A_238 {strides = array<i32>} : memref<128x128xf32, #tpu.memory_space<vmem>>, vector<1x16xf32>,
            %get3A_239 = arith.index_cast %add3A_159 : i32 to index
            %get3A_240 = arith.constant 112 : index
            %get3A_241 = tpu.vector_load %arg18[%get3A_239, %get3A_240] {strides = array<i32>} : memref<128x128xf32, #tpu.memory_space<vmem>>, vector<1x16xf32>,
            %get3A_242 = vector.shape_cast %get3A_241 : vector<1x16xf32> to vector<16xf32>
            %mul3A_243 = vector.broadcast %squeeze3A_161 : f32 to vector<16xf32>
            %mul3A_244 = arith.mulf %get3A_242, %mul3A_243 : vector<16xf32>
            %swap3A_245 = arith.index_cast %add3A_159 : i32 to index
            %swap3A_246 = arith.constant 112 : index
            %swap3A_247 = tpu.vector_load %arg18[%swap3A_245, %swap3A_246] {strides = array<i32>} : memref<128x128xf32, #tpu.memory_space<vmem>>, vector<1x16xf32>,
            %swap3A_248 = vector.shape_cast %swap3A_247 : vector<1x16xf32> to vector<16xf32>
            %swap3A_249 = vector.shape_cast %mul3A_244 : vector<16xf32> to vector<1x16xf32>
            tpu.vector_store %arg18[%swap3A_245, %swap3A_246], %swap3A_249 {strides = array<i32>} : memref<128x128xf32, #tpu.memory_space<vmem>>, vector<1x16xf32>,
            %mul3A_250 = arith.constant 16 : i32
            %mul3A_251 = arith.muli %add3A_59, %mul3A_250 : i32
            %add3A_252 = arith.constant 2 : i32
            %add3A_253 = arith.addi %mul3A_251, %add3A_252 : i32
            %slice3A_254 = vector.extract_strided_slice %get3A_64 {offsets = [2], sizes = [1], strides = [1]} : vector<16xf32> to vector<1xf32>
            %squeeze3A_255 = vector.extract %slice3A_254[0] : f32 from vector<1xf32>
            %get3A_256 = arith.index_cast %add3A_253 : i32 to index
            %get3A_257 = arith.constant 0 : index
            %get3A_258 = tpu.vector_load %arg18[%get3A_256, %get3A_257] {strides = array<i32>} : memref<128x128xf32, #tpu.memory_space<vmem>>, vector<1x16xf32>,
            %get3A_259 = vector.shape_cast %get3A_258 : vector<1x16xf32> to vector<16xf32>
            %mul3A_260 = vector.broadcast %squeeze3A_255 : f32 to vector<16xf32>
            %mul3A_261 = arith.mulf %get3A_259, %mul3A_260 : vector<16xf32>
            %swap3A_262 = arith.index_cast %add3A_253 : i32 to index
            %swap3A_263 = arith.constant 0 : index
            %swap3A_264 = tpu.vector_load %arg18[%swap3A_262, %swap3A_263] {strides = array<i32>} : memref<128x128xf32, #tpu.memory_space<vmem>>, vector<1x16xf32>,
            %swap3A_265 = vector.shape_cast %swap3A_264 : vector<1x16xf32> to vector<16xf32>
            %swap3A_266 = vector.shape_cast %mul3A_261 : vector<16xf32> to vector<1x16xf32>
            tpu.vector_store %arg18[%swap3A_262, %swap3A_263], %swap3A_266 {strides = array<i32>} : memref<128x128xf32, #tpu.memory_space<vmem>>, vector<1x16xf32>,
            %get3A_267 = arith.index_cast %add3A_253 : i32 to index
            %get3A_268 = arith.constant 16 : index
            %get3A_269 = tpu.vector_load %arg18[%get3A_267, %get3A_268] {strides = array<i32>} : memref<128x128xf32, #tpu.memory_space<vmem>>, vector<1x16xf32>,
            %get3A_270 = vector.shape_cast %get3A_269 : vector<1x16xf32> to vector<16xf32>
            %mul3A_271 = vector.broadcast %squeeze3A_255 : f32 to vector<16xf32>
            %mul3A_272 = arith.mulf %get3A_270, %mul3A_271 : vector<16xf32>
            %swap3A_273 = arith.index_cast %add3A_253 : i32 to index
            %swap3A_274 = arith.constant 16 : index
            %swap3A_275 = tpu.vector_load %arg18[%swap3A_273, %swap3A_274] {strides = array<i32>} : memref<128x128xf32, #tpu.memory_space<vmem>>, vector<1x16xf32>,
            %swap3A_276 = vector.shape_cast %swap3A_275 : vector<1x16xf32> to vector<16xf32>
            %swap3A_277 = vector.shape_cast %mul3A_272 : vector<16xf32> to vector<1x16xf32>
            tpu.vector_store %arg18[%swap3A_273, %swap3A_274], %swap3A_277 {strides = array<i32>} : memref<128x128xf32, #tpu.memory_space<vmem>>, vector<1x16xf32>,
            %get3A_278 = arith.index_cast %add3A_253 : i32 to index
            %get3A_279 = arith.constant 32 : index
            %get3A_280 = tpu.vector_load %arg18[%get3A_278, %get3A_279] {strides = array<i32>} : memref<128x128xf32, #tpu.memory_space<vmem>>, vector<1x16xf32>,
            %get3A_281 = vector.shape_cast %get3A_280 : vector<1x16xf32> to vector<16xf32>
            %mul3A_282 = vector.broadcast %squeeze3A_255 : f32 to vector<16xf32>
            %mul3A_283 = arith.mulf %get3A_281, %mul3A_282 : vector<16xf32>
            %swap3A_284 = arith.index_cast %add3A_253 : i32 to index
            %swap3A_285 = arith.constant 32 : index
            %swap3A_286 = tpu.vector_load %arg18[%swap3A_284, %swap3A_285] {strides = array<i32>} : memref<128x128xf32, #tpu.memory_space<vmem>>, vector<1x16xf32>,
            %swap3A_287 = vector.shape_cast %swap3A_286 : vector<1x16xf32> to vector<16xf32>
            %swap3A_288 = vector.shape_cast %mul3A_283 : vector<16xf32> to vector<1x16xf32>
            tpu.vector_store %arg18[%swap3A_284, %swap3A_285], %swap3A_288 {strides = array<i32>} : memref<128x128xf32, #tpu.memory_space<vmem>>, vector<1x16xf32>,
            %get3A_289 = arith.index_cast %add3A_253 : i32 to index
            %get3A_290 = arith.constant 48 : index
            %get3A_291 = tpu.vector_load %arg18[%get3A_289, %get3A_290] {strides = array<i32>} : memref<128x128xf32, #tpu.memory_space<vmem>>, vector<1x16xf32>,
            %get3A_292 = vector.shape_cast %get3A_291 : vector<1x16xf32> to vector<16xf32>
            %mul3A_293 = vector.broadcast %squeeze3A_255 : f32 to vector<16xf32>
            %mul3A_294 = arith.mulf %get3A_292, %mul3A_293 : vector<16xf32>
            %swap3A_295 = arith.index_cast %add3A_253 : i32 to index
            %swap3A_296 = arith.constant 48 : index
            %swap3A_297 = tpu.vector_load %arg18[%swap3A_295, %swap3A_296] {strides = array<i32>} : memref<128x128xf32, #tpu.memory_space<vmem>>, vector<1x16xf32>,
            %swap3A_298 = vector.shape_cast %swap3A_297 : vector<1x16xf32> to vector<16xf32>
            %swap3A_299 = vector.shape_cast %mul3A_294 : vector<16xf32> to vector<1x16xf32>
            tpu.vector_store %arg18[%swap3A_295, %swap3A_296], %swap3A_299 {strides = array<i32>} : memref<128x128xf32, #tpu.memory_space<vmem>>, vector<1x16xf32>,
            %get3A_300 = arith.index_cast %add3A_253 : i32 to index
            %get3A_301 = arith.constant 64 : index
            %get3A_302 = tpu.vector_load %arg18[%get3A_300, %get3A_301] {strides = array<i32>} : memref<128x128xf32, #tpu.memory_space<vmem>>, vector<1x16xf32>,
            %get3A_303 = vector.shape_cast %get3A_302 : vector<1x16xf32> to vector<16xf32>
            %mul3A_304 = vector.broadcast %squeeze3A_255 : f32 to vector<16xf32>
            %mul3A_305 = arith.mulf %get3A_303, %mul3A_304 : vector<16xf32>
            %swap3A_306 = arith.index_cast %add3A_253 : i32 to index
            %swap3A_307 = arith.constant 64 : index
            %swap3A_308 = tpu.vector_load %arg18[%swap3A_306, %swap3A_307] {strides = array<i32>} : memref<128x128xf32, #tpu.memory_space<vmem>>, vector<1x16xf32>,
            %swap3A_309 = vector.shape_cast %swap3A_308 : vector<1x16xf32> to vector<16xf32>
            %swap3A_310 = vector.shape_cast %mul3A_305 : vector<16xf32> to vector<1x16xf32>
            tpu.vector_store %arg18[%swap3A_306, %swap3A_307], %swap3A_310 {strides = array<i32>} : memref<128x128xf32, #tpu.memory_space<vmem>>, vector<1x16xf32>,
            %get3A_311 = arith.index_cast %add3A_253 : i32 to index
            %get3A_312 = arith.constant 80 : index
            %get3A_313 = tpu.vector_load %arg18[%get3A_311, %get3A_312] {strides = array<i32>} : memref<128x128xf32, #tpu.memory_space<vmem>>, vector<1x16xf32>,
            %get3A_314 = vector.shape_cast %get3A_313 : vector<1x16xf32> to vector<16xf32>
            %mul3A_315 = vector.broadcast %squeeze3A_255 : f32 to vector<16xf32>
            %mul3A_316 = arith.mulf %get3A_314, %mul3A_315 : vector<16xf32>
            %swap3A_317 = arith.index_cast %add3A_253 : i32 to index
            %swap3A_318 = arith.constant 80 : index
            %swap3A_319 = tpu.vector_load %arg18[%swap3A_317, %swap3A_318] {strides = array<i32>} : memref<128x128xf32, #tpu.memory_space<vmem>>, vector<1x16xf32>,
            %swap3A_320 = vector.shape_cast %swap3A_319 : vector<1x16xf32> to vector<16xf32>
            %swap3A_321 = vector.shape_cast %mul3A_316 : vector<16xf32> to vector<1x16xf32>
            tpu.vector_store %arg18[%swap3A_317, %swap3A_318], %swap3A_321 {strides = array<i32>} : memref<128x128xf32, #tpu.memory_space<vmem>>, vector<1x16xf32>,
            %get3A_322 = arith.index_cast %add3A_253 : i32 to index
            %get3A_323 = arith.constant 96 : index
            %get3A_324 = tpu.vector_load %arg18[%get3A_322, %get3A_323] {strides = array<i32>} : memref<128x128xf32, #tpu.memory_space<vmem>>, vector<1x16xf32>,
            %get3A_325 = vector.shape_cast %get3A_324 : vector<1x16xf32> to vector<16xf32>
            %mul3A_326 = vector.broadcast %squeeze3A_255 : f32 to vector<16xf32>
            %mul3A_327 = arith.mulf %get3A_325, %mul3A_326 : vector<16xf32>
            %swap3A_328 = arith.index_cast %add3A_253 : i32 to index
            %swap3A_329 = arith.constant 96 : index
            %swap3A_330 = tpu.vector_load %arg18[%swap3A_328, %swap3A_329] {strides = array<i32>} : memref<128x128xf32, #tpu.memory_space<vmem>>, vector<1x16xf32>,
            %swap3A_331 = vector.shape_cast %swap3A_330 : vector<1x16xf32> to vector<16xf32>
            %swap3A_332 = vector.shape_cast %mul3A_327 : vector<16xf32> to vector<1x16xf32>
            tpu.vector_store %arg18[%swap3A_328, %swap3A_329], %swap3A_332 {strides = array<i32>} : memref<128x128xf32, #tpu.memory_space<vmem>>, vector<1x16xf32>,
            %get3A_333 = arith.index_cast %add3A_253 : i32 to index
            %get3A_334 = arith.constant 112 : index
            %get3A_335 = tpu.vector_load %arg18[%get3A_333, %get3A_334] {strides = array<i32>} : memref<128x128xf32, #tpu.memory_space<vmem>>, vector<1x16xf32>,
            %get3A_336 = vector.shape_cast %get3A_335 : vector<1x16xf32> to vector<16xf32>
            %mul3A_337 = vector.broadcast %squeeze3A_255 : f32 to vector<16xf32>
            %mul3A_338 = arith.mulf %get3A_336, %mul3A_337 : vector<16xf32>
            %swap3A_339 = arith.index_cast %add3A_253 : i32 to index
            %swap3A_340 = arith.constant 112 : index
            %swap3A_341 = tpu.vector_load %arg18[%swap3A_339, %swap3A_340] {strides = array<i32>} : memref<128x128xf32, #tpu.memory_space<vmem>>, vector<1x16xf32>,
            %swap3A_342 = vector.shape_cast %swap3A_341 : vector<1x16xf32> to vector<16xf32>
            %swap3A_343 = vector.shape_cast %mul3A_338 : vector<16xf32> to vector<1x16xf32>
            tpu.vector_store %arg18[%swap3A_339, %swap3A_340], %swap3A_343 {strides = array<i32>} : memref<128x128xf32, #tpu.memory_space<vmem>>, vector<1x16xf32>,
            %mul3A_344 = arith.constant 16 : i32
            %mul3A_345 = arith.muli %add3A_59, %mul3A_344 : i32
            %add3A_346 = arith.constant 3 : i32
            %add3A_347 = arith.addi %mul3A_345, %add3A_346 : i32
            %slice3A_348 = vector.extract_strided_slice %get3A_64 {offsets = [3], sizes = [1], strides = [1]} : vector<16xf32> to vector<1xf32>
            %squeeze3A_349 = vector.extract %slice3A_348[0] : f32 from vector<1xf32>
            %get3A_350 = arith.index_cast %add3A_347 : i32 to index
            %get3A_351 = arith.constant 0 : index
            %get3A_352 = tpu.vector_load %arg18[%get3A_350, %get3A_351] {strides = array<i32>} : memref<128x128xf32, #tpu.memory_space<vmem>>, vector<1x16xf32>,
            %get3A_353 = vector.shape_cast %get3A_352 : vector<1x16xf32> to vector<16xf32>
            %mul3A_354 = vector.broadcast %squeeze3A_349 : f32 to vector<16xf32>
            %mul3A_355 = arith.mulf %get3A_353, %mul3A_354 : vector<16xf32>
            %swap3A_356 = arith.index_cast %add3A_347 : i32 to index
            %swap3A_357 = arith.constant 0 : index
            %swap3A_358 = tpu.vector_load %arg18[%swap3A_356, %swap3A_357] {strides = array<i32>} : memref<128x128xf32, #tpu.memory_space<vmem>>, vector<1x16xf32>,
            %swap3A_359 = vector.shape_cast %swap3A_358 : vector<1x16xf32> to vector<16xf32>
            %swap3A_360 = vector.shape_cast %mul3A_355 : vector<16xf32> to vector<1x16xf32>
            tpu.vector_store %arg18[%swap3A_356, %swap3A_357], %swap3A_360 {strides = array<i32>} : memref<128x128xf32, #tpu.memory_space<vmem>>, vector<1x16xf32>,
            %get3A_361 = arith.index_cast %add3A_347 : i32 to index
            %get3A_362 = arith.constant 16 : index
            %get3A_363 = tpu.vector_load %arg18[%get3A_361, %get3A_362] {strides = array<i32>} : memref<128x128xf32, #tpu.memory_space<vmem>>, vector<1x16xf32>,
            %get3A_364 = vector.shape_cast %get3A_363 : vector<1x16xf32> to vector<16xf32>
            %mul3A_365 = vector.broadcast %squeeze3A_349 : f32 to vector<16xf32>
            %mul3A_366 = arith.mulf %get3A_364, %mul3A_365 : vector<16xf32>
            %swap3A_367 = arith.index_cast %add3A_347 : i32 to index
            %swap3A_368 = arith.constant 16 : index
            %swap3A_369 = tpu.vector_load %arg18[%swap3A_367, %swap3A_368] {strides = array<i32>} : memref<128x128xf32, #tpu.memory_space<vmem>>, vector<1x16xf32>,
            %swap3A_370 = vector.shape_cast %swap3A_369 : vector<1x16xf32> to vector<16xf32>
            %swap3A_371 = vector.shape_cast %mul3A_366 : vector<16xf32> to vector<1x16xf32>
            tpu.vector_store %arg18[%swap3A_367, %swap3A_368], %swap3A_371 {strides = array<i32>} : memref<128x128xf32, #tpu.memory_space<vmem>>, vector<1x16xf32>,
            %get3A_372 = arith.index_cast %add3A_347 : i32 to index
            %get3A_373 = arith.constant 32 : index
            %get3A_374 = tpu.vector_load %arg18[%get3A_372, %get3A_373] {strides = array<i32>} : memref<128x128xf32, #tpu.memory_space<vmem>>, vector<1x16xf32>,
            %get3A_375 = vector.shape_cast %get3A_374 : vector<1x16xf32> to vector<16xf32>
            %mul3A_376 = vector.broadcast %squeeze3A_349 : f32 to vector<16xf32>
            %mul3A_377 = arith.mulf %get3A_375, %mul3A_376 : vector<16xf32>
            %swap3A_378 = arith.index_cast %add3A_347 : i32 to index
            %swap3A_379 = arith.constant 32 : index
            %swap3A_380 = tpu.vector_load %arg18[%swap3A_378, %swap3A_379] {strides = array<i32>} : memref<128x128xf32, #tpu.memory_space<vmem>>, vector<1x16xf32>,
            %swap3A_381 = vector.shape_cast %swap3A_380 : vector<1x16xf32> to vector<16xf32>
            %swap3A_382 = vector.shape_cast %mul3A_377 : vector<16xf32> to vector<1x16xf32>
            tpu.vector_store %arg18[%swap3A_378, %swap3A_379], %swap3A_382 {strides = array<i32>} : memref<128x128xf32, #tpu.memory_space<vmem>>, vector<1x16xf32>,
            %get3A_383 = arith.index_cast %add3A_347 : i32 to index
            %get3A_384 = arith.constant 48 : index
            %get3A_385 = tpu.vector_load %arg18[%get3A_383, %get3A_384] {strides = array<i32>} : memref<128x128xf32, #tpu.memory_space<vmem>>, vector<1x16xf32>,
            %get3A_386 = vector.shape_cast %get3A_385 : vector<1x16xf32> to vector<16xf32>
            %mul3A_387 = vector.broadcast %squeeze3A_349 : f32 to vector<16xf32>
            %mul3A_388 = arith.mulf %get3A_386, %mul3A_387 : vector<16xf32>
            %swap3A_389 = arith.index_cast %add3A_347 : i32 to index
            %swap3A_390 = arith.constant 48 : index
            %swap3A_391 = tpu.vector_load %arg18[%swap3A_389, %swap3A_390] {strides = array<i32>} : memref<128x128xf32, #tpu.memory_space<vmem>>, vector<1x16xf32>,
            %swap3A_392 = vector.shape_cast %swap3A_391 : vector<1x16xf32> to vector<16xf32>
            %swap3A_393 = vector.shape_cast %mul3A_388 : vector<16xf32> to vector<1x16xf32>
            tpu.vector_store %arg18[%swap3A_389, %swap3A_390], %swap3A_393 {strides = array<i32>} : memref<128x128xf32, #tpu.memory_space<vmem>>, vector<1x16xf32>,
            %get3A_394 = arith.index_cast %add3A_347 : i32 to index
            %get3A_395 = arith.constant 64 : index
            %get3A_396 = tpu.vector_load %arg18[%get3A_394, %get3A_395] {strides = array<i32>} : memref<128x128xf32, #tpu.memory_space<vmem>>, vector<1x16xf32>,
            %get3A_397 = vector.shape_cast %get3A_396 : vector<1x16xf32> to vector<16xf32>
            %mul3A_398 = vector.broadcast %squeeze3A_349 : f32 to vector<16xf32>
            %mul3A_399 = arith.mulf %get3A_397, %mul3A_398 : vector<16xf32>
            %swap3A_400 = arith.index_cast %add3A_347 : i32 to index
            %swap3A_401 = arith.constant 64 : index
            %swap3A_402 = tpu.vector_load %arg18[%swap3A_400, %swap3A_401] {strides = array<i32>} : memref<128x128xf32, #tpu.memory_space<vmem>>, vector<1x16xf32>,
            %swap3A_403 = vector.shape_cast %swap3A_402 : vector<1x16xf32> to vector<16xf32>
            %swap3A_404 = vector.shape_cast %mul3A_399 : vector<16xf32> to vector<1x16xf32>
            tpu.vector_store %arg18[%swap3A_400, %swap3A_401], %swap3A_404 {strides = array<i32>} : memref<128x128xf32, #tpu.memory_space<vmem>>, vector<1x16xf32>,
            %get3A_405 = arith.index_cast %add3A_347 : i32 to index
            %get3A_406 = arith.constant 80 : index
            %get3A_407 = tpu.vector_load %arg18[%get3A_405, %get3A_406] {strides = array<i32>} : memref<128x128xf32, #tpu.memory_space<vmem>>, vector<1x16xf32>,
            %get3A_408 = vector.shape_cast %get3A_407 : vector<1x16xf32> to vector<16xf32>
            %mul3A_409 = vector.broadcast %squeeze3A_349 : f32 to vector<16xf32>
            %mul3A_410 = arith.mulf %get3A_408, %mul3A_409 : vector<16xf32>
            %swap3A_411 = arith.index_cast %add3A_347 : i32 to index
            %swap3A_412 = arith.constant 80 : index
            %swap3A_413 = tpu.vector_load %arg18[%swap3A_411, %swap3A_412] {strides = array<i32>} : memref<128x128xf32, #tpu.memory_space<vmem>>, vector<1x16xf32>,
            %swap3A_414 = vector.shape_cast %swap3A_413 : vector<1x16xf32> to vector<16xf32>
            %swap3A_415 = vector.shape_cast %mul3A_410 : vector<16xf32> to vector<1x16xf32>
            tpu.vector_store %arg18[%swap3A_411, %swap3A_412], %swap3A_415 {strides = array<i32>} : memref<128x128xf32, #tpu.memory_space<vmem>>, vector<1x16xf32>,
            %get3A_416 = arith.index_cast %add3A_347 : i32 to index
            %get3A_417 = arith.constant 96 : index
            %get3A_418 = tpu.vector_load %arg18[%get3A_416, %get3A_417] {strides = array<i32>} : memref<128x128xf32, #tpu.memory_space<vmem>>, vector<1x16xf32>,
            %get3A_419 = vector.shape_cast %get3A_418 : vector<1x16xf32> to vector<16xf32>
            %mul3A_420 = vector.broadcast %squeeze3A_349 : f32 to vector<16xf32>
            %mul3A_421 = arith.mulf %get3A_419, %mul3A_420 : vector<16xf32>
            %swap3A_422 = arith.index_cast %add3A_347 : i32 to index
            %swap3A_423 = arith.constant 96 : index
            %swap3A_424 = tpu.vector_load %arg18[%swap3A_422, %swap3A_423] {strides = array<i32>} : memref<128x128xf32, #tpu.memory_space<vmem>>, vector<1x16xf32>,
            %swap3A_425 = vector.shape_cast %swap3A_424 : vector<1x16xf32> to vector<16xf32>
            %swap3A_426 = vector.shape_cast %mul3A_421 : vector<16xf32> to vector<1x16xf32>
            tpu.vector_store %arg18[%swap3A_422, %swap3A_423], %swap3A_426 {strides = array<i32>} : memref<128x128xf32, #tpu.memory_space<vmem>>, vector<1x16xf32>,
            %get3A_427 = arith.index_cast %add3A_347 : i32 to index
            %get3A_428 = arith.constant 112 : index
            %get3A_429 = tpu.vector_load %arg18[%get3A_427, %get3A_428] {strides = array<i32>} : memref<128x128xf32, #tpu.memory_space<vmem>>, vector<1x16xf32>,
            %get3A_430 = vector.shape_cast %get3A_429 : vector<1x16xf32> to vector<16xf32>
            %mul3A_431 = vector.broadcast %squeeze3A_349 : f32 to vector<16xf32>
            %mul3A_432 = arith.mulf %get3A_430, %mul3A_431 : vector<16xf32>
            %swap3A_433 = arith.index_cast %add3A_347 : i32 to index
            %swap3A_434 = arith.constant 112 : index
            %swap3A_435 = tpu.vector_load %arg18[%swap3A_433, %swap3A_434] {strides = array<i32>} : memref<128x128xf32, #tpu.memory_space<vmem>>, vector<1x16xf32>,
            %swap3A_436 = vector.shape_cast %swap3A_435 : vector<1x16xf32> to vector<16xf32>
            %swap3A_437 = vector.shape_cast %mul3A_432 : vector<16xf32> to vector<1x16xf32>
            tpu.vector_store %arg18[%swap3A_433, %swap3A_434], %swap3A_437 {strides = array<i32>} : memref<128x128xf32, #tpu.memory_space<vmem>>, vector<1x16xf32>,
            %mul3A_438 = arith.constant 16 : i32
            %mul3A_439 = arith.muli %add3A_59, %mul3A_438 : i32
            %add3A_440 = arith.constant 4 : i32
            %add3A_441 = arith.addi %mul3A_439, %add3A_440 : i32
            %slice3A_442 = vector.extract_strided_slice %get3A_64 {offsets = [4], sizes = [1], strides = [1]} : vector<16xf32> to vector<1xf32>
            %squeeze3A_443 = vector.extract %slice3A_442[0] : f32 from vector<1xf32>
            %get3A_444 = arith.index_cast %add3A_441 : i32 to index
            %get3A_445 = arith.constant 0 : index
            %get3A_446 = tpu.vector_load %arg18[%get3A_444, %get3A_445] {strides = array<i32>} : memref<128x128xf32, #tpu.memory_space<vmem>>, vector<1x16xf32>,
            %get3A_447 = vector.shape_cast %get3A_446 : vector<1x16xf32> to vector<16xf32>
            %mul3A_448 = vector.broadcast %squeeze3A_443 : f32 to vector<16xf32>
            %mul3A_449 = arith.mulf %get3A_447, %mul3A_448 : vector<16xf32>
            %swap3A_450 = arith.index_cast %add3A_441 : i32 to index
            %swap3A_451 = arith.constant 0 : index
            %swap3A_452 = tpu.vector_load %arg18[%swap3A_450, %swap3A_451] {strides = array<i32>} : memref<128x128xf32, #tpu.memory_space<vmem>>, vector<1x16xf32>,
            %swap3A_453 = vector.shape_cast %swap3A_452 : vector<1x16xf32> to vector<16xf32>
            %swap3A_454 = vector.shape_cast %mul3A_449 : vector<16xf32> to vector<1x16xf32>
            tpu.vector_store %arg18[%swap3A_450, %swap3A_451], %swap3A_454 {strides = array<i32>} : memref<128x128xf32, #tpu.memory_space<vmem>>, vector<1x16xf32>,
            %get3A_455 = arith.index_cast %add3A_441 : i32 to index
            %get3A_456 = arith.constant 16 : index
            %get3A_457 = tpu.vector_load %arg18[%get3A_455, %get3A_456] {strides = array<i32>} : memref<128x128xf32, #tpu.memory_space<vmem>>, vector<1x16xf32>,
            %get3A_458 = vector.shape_cast %get3A_457 : vector<1x16xf32> to vector<16xf32>
            %mul3A_459 = vector.broadcast %squeeze3A_443 : f32 to vector<16xf32>
            %mul3A_460 = arith.mulf %get3A_458, %mul3A_459 : vector<16xf32>
            %swap3A_461 = arith.index_cast %add3A_441 : i32 to index
            %swap3A_462 = arith.constant 16 : index
            %swap3A_463 = tpu.vector_load %arg18[%swap3A_461, %swap3A_462] {strides = array<i32>} : memref<128x128xf32, #tpu.memory_space<vmem>>, vector<1x16xf32>,
            %swap3A_464 = vector.shape_cast %swap3A_463 : vector<1x16xf32> to vector<16xf32>
            %swap3A_465 = vector.shape_cast %mul3A_460 : vector<16xf32> to vector<1x16xf32>
            tpu.vector_store %arg18[%swap3A_461, %swap3A_462], %swap3A_465 {strides = array<i32>} : memref<128x128xf32, #tpu.memory_space<vmem>>, vector<1x16xf32>,
            %get3A_466 = arith.index_cast %add3A_441 : i32 to index
            %get3A_467 = arith.constant 32 : index
            %get3A_468 = tpu.vector_load %arg18[%get3A_466, %get3A_467] {strides = array<i32>} : memref<128x128xf32, #tpu.memory_space<vmem>>, vector<1x16xf32>,
            %get3A_469 = vector.shape_cast %get3A_468 : vector<1x16xf32> to vector<16xf32>
            %mul3A_470 = vector.broadcast %squeeze3A_443 : f32 to vector<16xf32>
            %mul3A_471 = arith.mulf %get3A_469, %mul3A_470 : vector<16xf32>
            %swap3A_472 = arith.index_cast %add3A_441 : i32 to index
            %swap3A_473 = arith.constant 32 : index
            %swap3A_474 = tpu.vector_load %arg18[%swap3A_472, %swap3A_473] {strides = array<i32>} : memref<128x128xf32, #tpu.memory_space<vmem>>, vector<1x16xf32>,
            %swap3A_475 = vector.shape_cast %swap3A_474 : vector<1x16xf32> to vector<16xf32>
            %swap3A_476 = vector.shape_cast %mul3A_471 : vector<16xf32> to vector<1x16xf32>
            tpu.vector_store %arg18[%swap3A_472, %swap3A_473], %swap3A_476 {strides = array<i32>} : memref<128x128xf32, #tpu.memory_space<vmem>>, vector<1x16xf32>,
            %get3A_477 = arith.index_cast %add3A_441 : i32 to index
            %get3A_478 = arith.constant 48 : index
            %get3A_479 = tpu.vector_load %arg18[%get3A_477, %get3A_478] {strides = array<i32>} : memref<128x128xf32, #tpu.memory_space<vmem>>, vector<1x16xf32>,
            %get3A_480 = vector.shape_cast %get3A_479 : vector<1x16xf32> to vector<16xf32>
            %mul3A_481 = vector.broadcast %squeeze3A_443 : f32 to vector<16xf32>
            %mul3A_482 = arith.mulf %get3A_480, %mul3A_481 : vector<16xf32>
            %swap3A_483 = arith.index_cast %add3A_441 : i32 to index
            %swap3A_484 = arith.constant 48 : index
            %swap3A_485 = tpu.vector_load %arg18[%swap3A_483, %swap3A_484] {strides = array<i32>} : memref<128x128xf32, #tpu.memory_space<vmem>>, vector<1x16xf32>,
            %swap3A_486 = vector.shape_cast %swap3A_485 : vector<1x16xf32> to vector<16xf32>
            %swap3A_487 = vector.shape_cast %mul3A_482 : vector<16xf32> to vector<1x16xf32>
            tpu.vector_store %arg18[%swap3A_483, %swap3A_484], %swap3A_487 {strides = array<i32>} : memref<128x128xf32, #tpu.memory_space<vmem>>, vector<1x16xf32>,
            %get3A_488 = arith.index_cast %add3A_441 : i32 to index
            %get3A_489 = arith.constant 64 : index
            %get3A_490 = tpu.vector_load %arg18[%get3A_488, %get3A_489] {strides = array<i32>} : memref<128x128xf32, #tpu.memory_space<vmem>>, vector<1x16xf32>,
            %get3A_491 = vector.shape_cast %get3A_490 : vector<1x16xf32> to vector<16xf32>
            %mul3A_492 = vector.broadcast %squeeze3A_443 : f32 to vector<16xf32>
            %mul3A_493 = arith.mulf %get3A_491, %mul3A_492 : vector<16xf32>
            %swap3A_494 = arith.index_cast %add3A_441 : i32 to index
            %swap3A_495 = arith.constant 64 : index
            %swap3A_496 = tpu.vector_load %arg18[%swap3A_494, %swap3A_495] {strides = array<i32>} : memref<128x128xf32, #tpu.memory_space<vmem>>, vector<1x16xf32>,
            %swap3A_497 = vector.shape_cast %swap3A_496 : vector<1x16xf32> to vector<16xf32>
            %swap3A_498 = vector.shape_cast %mul3A_493 : vector<16xf32> to vector<1x16xf32>
            tpu.vector_store %arg18[%swap3A_494, %swap3A_495], %swap3A_498 {strides = array<i32>} : memref<128x128xf32, #tpu.memory_space<vmem>>, vector<1x16xf32>,
            %get3A_499 = arith.index_cast %add3A_441 : i32 to index
            %get3A_500 = arith.constant 80 : index
            %get3A_501 = tpu.vector_load %arg18[%get3A_499, %get3A_500] {strides = array<i32>} : memref<128x128xf32, #tpu.memory_space<vmem>>, vector<1x16xf32>,
            %get3A_502 = vector.shape_cast %get3A_501 : vector<1x16xf32> to vector<16xf32>
            %mul3A_503 = vector.broadcast %squeeze3A_443 : f32 to vector<16xf32>
            %mul3A_504 = arith.mulf %get3A_502, %mul3A_503 : vector<16xf32>
            %swap3A_505 = arith.index_cast %add3A_441 : i32 to index
            %swap3A_506 = arith.constant 80 : index
            %swap3A_507 = tpu.vector_load %arg18[%swap3A_505, %swap3A_506] {strides = array<i32>} : memref<128x128xf32, #tpu.memory_space<vmem>>, vector<1x16xf32>,
            %swap3A_508 = vector.shape_cast %swap3A_507 : vector<1x16xf32> to vector<16xf32>
            %swap3A_509 = vector.shape_cast %mul3A_504 : vector<16xf32> to vector<1x16xf32>
            tpu.vector_store %arg18[%swap3A_505, %swap3A_506], %swap3A_509 {strides = array<i32>} : memref<128x128xf32, #tpu.memory_space<vmem>>, vector<1x16xf32>,
            %get3A_510 = arith.index_cast %add3A_441 : i32 to index
            %get3A_511 = arith.constant 96 : index
            %get3A_512 = tpu.vector_load %arg18[%get3A_510, %get3A_511] {strides = array<i32>} : memref<128x128xf32, #tpu.memory_space<vmem>>, vector<1x16xf32>,
            %get3A_513 = vector.shape_cast %get3A_512 : vector<1x16xf32> to vector<16xf32>
            %mul3A_514 = vector.broadcast %squeeze3A_443 : f32 to vector<16xf32>
            %mul3A_515 = arith.mulf %get3A_513, %mul3A_514 : vector<16xf32>
            %swap3A_516 = arith.index_cast %add3A_441 : i32 to index
            %swap3A_517 = arith.constant 96 : index
            %swap3A_518 = tpu.vector_load %arg18[%swap3A_516, %swap3A_517] {strides = array<i32>} : memref<128x128xf32, #tpu.memory_space<vmem>>, vector<1x16xf32>,
            %swap3A_519 = vector.shape_cast %swap3A_518 : vector<1x16xf32> to vector<16xf32>
            %swap3A_520 = vector.shape_cast %mul3A_515 : vector<16xf32> to vector<1x16xf32>
            tpu.vector_store %arg18[%swap3A_516, %swap3A_517], %swap3A_520 {strides = array<i32>} : memref<128x128xf32, #tpu.memory_space<vmem>>, vector<1x16xf32>,
            %get3A_521 = arith.index_cast %add3A_441 : i32 to index
            %get3A_522 = arith.constant 112 : index
            %get3A_523 = tpu.vector_load %arg18[%get3A_521, %get3A_522] {strides = array<i32>} : memref<128x128xf32, #tpu.memory_space<vmem>>, vector<1x16xf32>,
            %get3A_524 = vector.shape_cast %get3A_523 : vector<1x16xf32> to vector<16xf32>
            %mul3A_525 = vector.broadcast %squeeze3A_443 : f32 to vector<16xf32>
            %mul3A_526 = arith.mulf %get3A_524, %mul3A_525 : vector<16xf32>
            %swap3A_527 = arith.index_cast %add3A_441 : i32 to index
            %swap3A_528 = arith.constant 112 : index
            %swap3A_529 = tpu.vector_load %arg18[%swap3A_527, %swap3A_528] {strides = array<i32>} : memref<128x128xf32, #tpu.memory_space<vmem>>, vector<1x16xf32>,
            %swap3A_530 = vector.shape_cast %swap3A_529 : vector<1x16xf32> to vector<16xf32>
            %swap3A_531 = vector.shape_cast %mul3A_526 : vector<16xf32> to vector<1x16xf32>
            tpu.vector_store %arg18[%swap3A_527, %swap3A_528], %swap3A_531 {strides = array<i32>} : memref<128x128xf32, #tpu.memory_space<vmem>>, vector<1x16xf32>,
            %mul3A_532 = arith.constant 16 : i32
            %mul3A_533 = arith.muli %add3A_59, %mul3A_532 : i32
            %add3A_534 = arith.constant 5 : i32
            %add3A_535 = arith.addi %mul3A_533, %add3A_534 : i32
            %slice3A_536 = vector.extract_strided_slice %get3A_64 {offsets = [5], sizes = [1], strides = [1]} : vector<16xf32> to vector<1xf32>
            %squeeze3A_537 = vector.extract %slice3A_536[0] : f32 from vector<1xf32>
            %get3A_538 = arith.index_cast %add3A_535 : i32 to index
            %get3A_539 = arith.constant 0 : index
            %get3A_540 = tpu.vector_load %arg18[%get3A_538, %get3A_539] {strides = array<i32>} : memref<128x128xf32, #tpu.memory_space<vmem>>, vector<1x16xf32>,
            %get3A_541 = vector.shape_cast %get3A_540 : vector<1x16xf32> to vector<16xf32>
            %mul3A_542 = vector.broadcast %squeeze3A_537 : f32 to vector<16xf32>
            %mul3A_543 = arith.mulf %get3A_541, %mul3A_542 : vector<16xf32>
            %swap3A_544 = arith.index_cast %add3A_535 : i32 to index
            %swap3A_545 = arith.constant 0 : index
            %swap3A_546 = tpu.vector_load %arg18[%swap3A_544, %swap3A_545] {strides = array<i32>} : memref<128x128xf32, #tpu.memory_space<vmem>>, vector<1x16xf32>,
            %swap3A_547 = vector.shape_cast %swap3A_546 : vector<1x16xf32> to vector<16xf32>
            %swap3A_548 = vector.shape_cast %mul3A_543 : vector<16xf32> to vector<1x16xf32>
            tpu.vector_store %arg18[%swap3A_544, %swap3A_545], %swap3A_548 {strides = array<i32>} : memref<128x128xf32, #tpu.memory_space<vmem>>, vector<1x16xf32>,
            %get3A_549 = arith.index_cast %add3A_535 : i32 to index
            %get3A_550 = arith.constant 16 : index
            %get3A_551 = tpu.vector_load %arg18[%get3A_549, %get3A_550] {strides = array<i32>} : memref<128x128xf32, #tpu.memory_space<vmem>>, vector<1x16xf32>,
            %get3A_552 = vector.shape_cast %get3A_551 : vector<1x16xf32> to vector<16xf32>
            %mul3A_553 = vector.broadcast %squeeze3A_537 : f32 to vector<16xf32>
            %mul3A_554 = arith.mulf %get3A_552, %mul3A_553 : vector<16xf32>
            %swap3A_555 = arith.index_cast %add3A_535 : i32 to index
            %swap3A_556 = arith.constant 16 : index
            %swap3A_557 = tpu.vector_load %arg18[%swap3A_555, %swap3A_556] {strides = array<i32>} : memref<128x128xf32, #tpu.memory_space<vmem>>, vector<1x16xf32>,
            %swap3A_558 = vector.shape_cast %swap3A_557 : vector<1x16xf32> to vector<16xf32>
            %swap3A_559 = vector.shape_cast %mul3A_554 : vector<16xf32> to vector<1x16xf32>
            tpu.vector_store %arg18[%swap3A_555, %swap3A_556], %swap3A_559 {strides = array<i32>} : memref<128x128xf32, #tpu.memory_space<vmem>>, vector<1x16xf32>,
            %get3A_560 = arith.index_cast %add3A_535 : i32 to index
            %get3A_561 = arith.constant 32 : index
            %get3A_562 = tpu.vector_load %arg18[%get3A_560, %get3A_561] {strides = array<i32>} : memref<128x128xf32, #tpu.memory_space<vmem>>, vector<1x16xf32>,
            %get3A_563 = vector.shape_cast %get3A_562 : vector<1x16xf32> to vector<16xf32>
            %mul3A_564 = vector.broadcast %squeeze3A_537 : f32 to vector<16xf32>
            %mul3A_565 = arith.mulf %get3A_563, %mul3A_564 : vector<16xf32>
            %swap3A_566 = arith.index_cast %add3A_535 : i32 to index
            %swap3A_567 = arith.constant 32 : index
            %swap3A_568 = tpu.vector_load %arg18[%swap3A_566, %swap3A_567] {strides = array<i32>} : memref<128x128xf32, #tpu.memory_space<vmem>>, vector<1x16xf32>,
            %swap3A_569 = vector.shape_cast %swap3A_568 : vector<1x16xf32> to vector<16xf32>
            %swap3A_570 = vector.shape_cast %mul3A_565 : vector<16xf32> to vector<1x16xf32>
            tpu.vector_store %arg18[%swap3A_566, %swap3A_567], %swap3A_570 {strides = array<i32>} : memref<128x128xf32, #tpu.memory_space<vmem>>, vector<1x16xf32>,
            %get3A_571 = arith.index_cast %add3A_535 : i32 to index
            %get3A_572 = arith.constant 48 : index
            %get3A_573 = tpu.vector_load %arg18[%get3A_571, %get3A_572] {strides = array<i32>} : memref<128x128xf32, #tpu.memory_space<vmem>>, vector<1x16xf32>,
            %get3A_574 = vector.shape_cast %get3A_573 : vector<1x16xf32> to vector<16xf32>
            %mul3A_575 = vector.broadcast %squeeze3A_537 : f32 to vector<16xf32>
            %mul3A_576 = arith.mulf %get3A_574, %mul3A_575 : vector<16xf32>
            %swap3A_577 = arith.index_cast %add3A_535 : i32 to index
            %swap3A_578 = arith.constant 48 : index
            %swap3A_579 = tpu.vector_load %arg18[%swap3A_577, %swap3A_578] {strides = array<i32>} : memref<128x128xf32, #tpu.memory_space<vmem>>, vector<1x16xf32>,
            %swap3A_580 = vector.shape_cast %swap3A_579 : vector<1x16xf32> to vector<16xf32>
            %swap3A_581 = vector.shape_cast %mul3A_576 : vector<16xf32> to vector<1x16xf32>
            tpu.vector_store %arg18[%swap3A_577, %swap3A_578], %swap3A_581 {strides = array<i32>} : memref<128x128xf32, #tpu.memory_space<vmem>>, vector<1x16xf32>,
            %get3A_582 = arith.index_cast %add3A_535 : i32 to index
            %get3A_583 = arith.constant 64 : index
            %get3A_584 = tpu.vector_load %arg18[%get3A_582, %get3A_583] {strides = array<i32>} : memref<128x128xf32, #tpu.memory_space<vmem>>, vector<1x16xf32>,
            %get3A_585 = vector.shape_cast %get3A_584 : vector<1x16xf32> to vector<16xf32>
            %mul3A_586 = vector.broadcast %squeeze3A_537 : f32 to vector<16xf32>
            %mul3A_587 = arith.mulf %get3A_585, %mul3A_586 : vector<16xf32>
            %swap3A_588 = arith.index_cast %add3A_535 : i32 to index
            %swap3A_589 = arith.constant 64 : index
            %swap3A_590 = tpu.vector_load %arg18[%swap3A_588, %swap3A_589] {strides = array<i32>} : memref<128x128xf32, #tpu.memory_space<vmem>>, vector<1x16xf32>,
            %swap3A_591 = vector.shape_cast %swap3A_590 : vector<1x16xf32> to vector<16xf32>
            %swap3A_592 = vector.shape_cast %mul3A_587 : vector<16xf32> to vector<1x16xf32>
            tpu.vector_store %arg18[%swap3A_588, %swap3A_589], %swap3A_592 {strides = array<i32>} : memref<128x128xf32, #tpu.memory_space<vmem>>, vector<1x16xf32>,
            %get3A_593 = arith.index_cast %add3A_535 : i32 to index
            %get3A_594 = arith.constant 80 : index
            %get3A_595 = tpu.vector_load %arg18[%get3A_593, %get3A_594] {strides = array<i32>} : memref<128x128xf32, #tpu.memory_space<vmem>>, vector<1x16xf32>,
            %get3A_596 = vector.shape_cast %get3A_595 : vector<1x16xf32> to vector<16xf32>
            %mul3A_597 = vector.broadcast %squeeze3A_537 : f32 to vector<16xf32>
            %mul3A_598 = arith.mulf %get3A_596, %mul3A_597 : vector<16xf32>
            %swap3A_599 = arith.index_cast %add3A_535 : i32 to index
            %swap3A_600 = arith.constant 80 : index
            %swap3A_601 = tpu.vector_load %arg18[%swap3A_599, %swap3A_600] {strides = array<i32>} : memref<128x128xf32, #tpu.memory_space<vmem>>, vector<1x16xf32>,
            %swap3A_602 = vector.shape_cast %swap3A_601 : vector<1x16xf32> to vector<16xf32>
            %swap3A_603 = vector.shape_cast %mul3A_598 : vector<16xf32> to vector<1x16xf32>
            tpu.vector_store %arg18[%swap3A_599, %swap3A_600], %swap3A_603 {strides = array<i32>} : memref<128x128xf32, #tpu.memory_space<vmem>>, vector<1x16xf32>,
            %get3A_604 = arith.index_cast %add3A_535 : i32 to index
            %get3A_605 = arith.constant 96 : index
            %get3A_606 = tpu.vector_load %arg18[%get3A_604, %get3A_605] {strides = array<i32>} : memref<128x128xf32, #tpu.memory_space<vmem>>, vector<1x16xf32>,
            %get3A_607 = vector.shape_cast %get3A_606 : vector<1x16xf32> to vector<16xf32>
            %mul3A_608 = vector.broadcast %squeeze3A_537 : f32 to vector<16xf32>
            %mul3A_609 = arith.mulf %get3A_607, %mul3A_608 : vector<16xf32>
            %swap3A_610 = arith.index_cast %add3A_535 : i32 to index
            %swap3A_611 = arith.constant 96 : index
            %swap3A_612 = tpu.vector_load %arg18[%swap3A_610, %swap3A_611] {strides = array<i32>} : memref<128x128xf32, #tpu.memory_space<vmem>>, vector<1x16xf32>,
            %swap3A_613 = vector.shape_cast %swap3A_612 : vector<1x16xf32> to vector<16xf32>
            %swap3A_614 = vector.shape_cast %mul3A_609 : vector<16xf32> to vector<1x16xf32>
            tpu.vector_store %arg18[%swap3A_610, %swap3A_611], %swap3A_614 {strides = array<i32>} : memref<128x128xf32, #tpu.memory_space<vmem>>, vector<1x16xf32>,
            %get3A_615 = arith.index_cast %add3A_535 : i32 to index
            %get3A_616 = arith.constant 112 : index
            %get3A_617 = tpu.vector_load %arg18[%get3A_615, %get3A_616] {strides = array<i32>} : memref<128x128xf32, #tpu.memory_space<vmem>>, vector<1x16xf32>,
            %get3A_618 = vector.shape_cast %get3A_617 : vector<1x16xf32> to vector<16xf32>
            %mul3A_619 = vector.broadcast %squeeze3A_537 : f32 to vector<16xf32>
            %mul3A_620 = arith.mulf %get3A_618, %mul3A_619 : vector<16xf32>
            %swap3A_621 = arith.index_cast %add3A_535 : i32 to index
            %swap3A_622 = arith.constant 112 : index
            %swap3A_623 = tpu.vector_load %arg18[%swap3A_621, %swap3A_622] {strides = array<i32>} : memref<128x128xf32, #tpu.memory_space<vmem>>, vector<1x16xf32>,
            %swap3A_624 = vector.shape_cast %swap3A_623 : vector<1x16xf32> to vector<16xf32>
            %swap3A_625 = vector.shape_cast %mul3A_620 : vector<16xf32> to vector<1x16xf32>
            tpu.vector_store %arg18[%swap3A_621, %swap3A_622], %swap3A_625 {strides = array<i32>} : memref<128x128xf32, #tpu.memory_space<vmem>>, vector<1x16xf32>,
            %mul3A_626 = arith.constant 16 : i32
            %mul3A_627 = arith.muli %add3A_59, %mul3A_626 : i32
            %add3A_628 = arith.constant 6 : i32
            %add3A_629 = arith.addi %mul3A_627, %add3A_628 : i32
            %slice3A_630 = vector.extract_strided_slice %get3A_64 {offsets = [6], sizes = [1], strides = [1]} : vector<16xf32> to vector<1xf32>
            %squeeze3A_631 = vector.extract %slice3A_630[0] : f32 from vector<1xf32>
            %get3A_632 = arith.index_cast %add3A_629 : i32 to index
            %get3A_633 = arith.constant 0 : index
            %get3A_634 = tpu.vector_load %arg18[%get3A_632, %get3A_633] {strides = array<i32>} : memref<128x128xf32, #tpu.memory_space<vmem>>, vector<1x16xf32>,
            %get3A_635 = vector.shape_cast %get3A_634 : vector<1x16xf32> to vector<16xf32>
            %mul3A_636 = vector.broadcast %squeeze3A_631 : f32 to vector<16xf32>
            %mul3A_637 = arith.mulf %get3A_635, %mul3A_636 : vector<16xf32>
            %swap3A_638 = arith.index_cast %add3A_629 : i32 to index
            %swap3A_639 = arith.constant 0 : index
            %swap3A_640 = tpu.vector_load %arg18[%swap3A_638, %swap3A_639] {strides = array<i32>} : memref<128x128xf32, #tpu.memory_space<vmem>>, vector<1x16xf32>,
            %swap3A_641 = vector.shape_cast %swap3A_640 : vector<1x16xf32> to vector<16xf32>
            %swap3A_642 = vector.shape_cast %mul3A_637 : vector<16xf32> to vector<1x16xf32>
            tpu.vector_store %arg18[%swap3A_638, %swap3A_639], %swap3A_642 {strides = array<i32>} : memref<128x128xf32, #tpu.memory_space<vmem>>, vector<1x16xf32>,
            %get3A_643 = arith.index_cast %add3A_629 : i32 to index
            %get3A_644 = arith.constant 16 : index
            %get3A_645 = tpu.vector_load %arg18[%get3A_643, %get3A_644] {strides = array<i32>} : memref<128x128xf32, #tpu.memory_space<vmem>>, vector<1x16xf32>,
            %get3A_646 = vector.shape_cast %get3A_645 : vector<1x16xf32> to vector<16xf32>
            %mul3A_647 = vector.broadcast %squeeze3A_631 : f32 to vector<16xf32>
            %mul3A_648 = arith.mulf %get3A_646, %mul3A_647 : vector<16xf32>
            %swap3A_649 = arith.index_cast %add3A_629 : i32 to index
            %swap3A_650 = arith.constant 16 : index
            %swap3A_651 = tpu.vector_load %arg18[%swap3A_649, %swap3A_650] {strides = array<i32>} : memref<128x128xf32, #tpu.memory_space<vmem>>, vector<1x16xf32>,
            %swap3A_652 = vector.shape_cast %swap3A_651 : vector<1x16xf32> to vector<16xf32>
            %swap3A_653 = vector.shape_cast %mul3A_648 : vector<16xf32> to vector<1x16xf32>
            tpu.vector_store %arg18[%swap3A_649, %swap3A_650], %swap3A_653 {strides = array<i32>} : memref<128x128xf32, #tpu.memory_space<vmem>>, vector<1x16xf32>,
            %get3A_654 = arith.index_cast %add3A_629 : i32 to index
            %get3A_655 = arith.constant 32 : index
            %get3A_656 = tpu.vector_load %arg18[%get3A_654, %get3A_655] {strides = array<i32>} : memref<128x128xf32, #tpu.memory_space<vmem>>, vector<1x16xf32>,
            %get3A_657 = vector.shape_cast %get3A_656 : vector<1x16xf32> to vector<16xf32>
            %mul3A_658 = vector.broadcast %squeeze3A_631 : f32 to vector<16xf32>
            %mul3A_659 = arith.mulf %get3A_657, %mul3A_658 : vector<16xf32>
            %swap3A_660 = arith.index_cast %add3A_629 : i32 to index
            %swap3A_661 = arith.constant 32 : index
            %swap3A_662 = tpu.vector_load %arg18[%swap3A_660, %swap3A_661] {strides = array<i32>} : memref<128x128xf32, #tpu.memory_space<vmem>>, vector<1x16xf32>,
            %swap3A_663 = vector.shape_cast %swap3A_662 : vector<1x16xf32> to vector<16xf32>
            %swap3A_664 = vector.shape_cast %mul3A_659 : vector<16xf32> to vector<1x16xf32>
            tpu.vector_store %arg18[%swap3A_660, %swap3A_661], %swap3A_664 {strides = array<i32>} : memref<128x128xf32, #tpu.memory_space<vmem>>, vector<1x16xf32>,
            %get3A_665 = arith.index_cast %add3A_629 : i32 to index
            %get3A_666 = arith.constant 48 : index
            %get3A_667 = tpu.vector_load %arg18[%get3A_665, %get3A_666] {strides = array<i32>} : memref<128x128xf32, #tpu.memory_space<vmem>>, vector<1x16xf32>,
            %get3A_668 = vector.shape_cast %get3A_667 : vector<1x16xf32> to vector<16xf32>
            %mul3A_669 = vector.broadcast %squeeze3A_631 : f32 to vector<16xf32>
            %mul3A_670 = arith.mulf %get3A_668, %mul3A_669 : vector<16xf32>
            %swap3A_671 = arith.index_cast %add3A_629 : i32 to index
            %swap3A_672 = arith.constant 48 : index
            %swap3A_673 = tpu.vector_load %arg18[%swap3A_671, %swap3A_672] {strides = array<i32>} : memref<128x128xf32, #tpu.memory_space<vmem>>, vector<1x16xf32>,
            %swap3A_674 = vector.shape_cast %swap3A_673 : vector<1x16xf32> to vector<16xf32>
            %swap3A_675 = vector.shape_cast %mul3A_670 : vector<16xf32> to vector<1x16xf32>
            tpu.vector_store %arg18[%swap3A_671, %swap3A_672], %swap3A_675 {strides = array<i32>} : memref<128x128xf32, #tpu.memory_space<vmem>>, vector<1x16xf32>,
            %get3A_676 = arith.index_cast %add3A_629 : i32 to index
            %get3A_677 = arith.constant 64 : index
            %get3A_678 = tpu.vector_load %arg18[%get3A_676, %get3A_677] {strides = array<i32>} : memref<128x128xf32, #tpu.memory_space<vmem>>, vector<1x16xf32>,
            %get3A_679 = vector.shape_cast %get3A_678 : vector<1x16xf32> to vector<16xf32>
            %mul3A_680 = vector.broadcast %squeeze3A_631 : f32 to vector<16xf32>
            %mul3A_681 = arith.mulf %get3A_679, %mul3A_680 : vector<16xf32>
            %swap3A_682 = arith.index_cast %add3A_629 : i32 to index
            %swap3A_683 = arith.constant 64 : index
            %swap3A_684 = tpu.vector_load %arg18[%swap3A_682, %swap3A_683] {strides = array<i32>} : memref<128x128xf32, #tpu.memory_space<vmem>>, vector<1x16xf32>,
            %swap3A_685 = vector.shape_cast %swap3A_684 : vector<1x16xf32> to vector<16xf32>
            %swap3A_686 = vector.shape_cast %mul3A_681 : vector<16xf32> to vector<1x16xf32>
            tpu.vector_store %arg18[%swap3A_682, %swap3A_683], %swap3A_686 {strides = array<i32>} : memref<128x128xf32, #tpu.memory_space<vmem>>, vector<1x16xf32>,
            %get3A_687 = arith.index_cast %add3A_629 : i32 to index
            %get3A_688 = arith.constant 80 : index
            %get3A_689 = tpu.vector_load %arg18[%get3A_687, %get3A_688] {strides = array<i32>} : memref<128x128xf32, #tpu.memory_space<vmem>>, vector<1x16xf32>,
            %get3A_690 = vector.shape_cast %get3A_689 : vector<1x16xf32> to vector<16xf32>
            %mul3A_691 = vector.broadcast %squeeze3A_631 : f32 to vector<16xf32>
            %mul3A_692 = arith.mulf %get3A_690, %mul3A_691 : vector<16xf32>
            %swap3A_693 = arith.index_cast %add3A_629 : i32 to index
            %swap3A_694 = arith.constant 80 : index
            %swap3A_695 = tpu.vector_load %arg18[%swap3A_693, %swap3A_694] {strides = array<i32>} : memref<128x128xf32, #tpu.memory_space<vmem>>, vector<1x16xf32>,
            %swap3A_696 = vector.shape_cast %swap3A_695 : vector<1x16xf32> to vector<16xf32>
            %swap3A_697 = vector.shape_cast %mul3A_692 : vector<16xf32> to vector<1x16xf32>
            tpu.vector_store %arg18[%swap3A_693, %swap3A_694], %swap3A_697 {strides = array<i32>} : memref<128x128xf32, #tpu.memory_space<vmem>>, vector<1x16xf32>,
            %get3A_698 = arith.index_cast %add3A_629 : i32 to index
            %get3A_699 = arith.constant 96 : index
            %get3A_700 = tpu.vector_load %arg18[%get3A_698, %get3A_699] {strides = array<i32>} : memref<128x128xf32, #tpu.memory_space<vmem>>, vector<1x16xf32>,
            %get3A_701 = vector.shape_cast %get3A_700 : vector<1x16xf32> to vector<16xf32>
            %mul3A_702 = vector.broadcast %squeeze3A_631 : f32 to vector<16xf32>
            %mul3A_703 = arith.mulf %get3A_701, %mul3A_702 : vector<16xf32>
            %swap3A_704 = arith.index_cast %add3A_629 : i32 to index
            %swap3A_705 = arith.constant 96 : index
            %swap3A_706 = tpu.vector_load %arg18[%swap3A_704, %swap3A_705] {strides = array<i32>} : memref<128x128xf32, #tpu.memory_space<vmem>>, vector<1x16xf32>,
            %swap3A_707 = vector.shape_cast %swap3A_706 : vector<1x16xf32> to vector<16xf32>
            %swap3A_708 = vector.shape_cast %mul3A_703 : vector<16xf32> to vector<1x16xf32>
            tpu.vector_store %arg18[%swap3A_704, %swap3A_705], %swap3A_708 {strides = array<i32>} : memref<128x128xf32, #tpu.memory_space<vmem>>, vector<1x16xf32>,
            %get3A_709 = arith.index_cast %add3A_629 : i32 to index
            %get3A_710 = arith.constant 112 : index
            %get3A_711 = tpu.vector_load %arg18[%get3A_709, %get3A_710] {strides = array<i32>} : memref<128x128xf32, #tpu.memory_space<vmem>>, vector<1x16xf32>,
            %get3A_712 = vector.shape_cast %get3A_711 : vector<1x16xf32> to vector<16xf32>
            %mul3A_713 = vector.broadcast %squeeze3A_631 : f32 to vector<16xf32>
            %mul3A_714 = arith.mulf %get3A_712, %mul3A_713 : vector<16xf32>
            %swap3A_715 = arith.index_cast %add3A_629 : i32 to index
            %swap3A_716 = arith.constant 112 : index
            %swap3A_717 = tpu.vector_load %arg18[%swap3A_715, %swap3A_716] {strides = array<i32>} : memref<128x128xf32, #tpu.memory_space<vmem>>, vector<1x16xf32>,
            %swap3A_718 = vector.shape_cast %swap3A_717 : vector<1x16xf32> to vector<16xf32>
            %swap3A_719 = vector.shape_cast %mul3A_714 : vector<16xf32> to vector<1x16xf32>
            tpu.vector_store %arg18[%swap3A_715, %swap3A_716], %swap3A_719 {strides = array<i32>} : memref<128x128xf32, #tpu.memory_space<vmem>>, vector<1x16xf32>,
            %mul3A_720 = arith.constant 16 : i32
            %mul3A_721 = arith.muli %add3A_59, %mul3A_720 : i32
            %add3A_722 = arith.constant 7 : i32
            %add3A_723 = arith.addi %mul3A_721, %add3A_722 : i32
            %slice3A_724 = vector.extract_strided_slice %get3A_64 {offsets = [7], sizes = [1], strides = [1]} : vector<16xf32> to vector<1xf32>
            %squeeze3A_725 = vector.extract %slice3A_724[0] : f32 from vector<1xf32>
            %get3A_726 = arith.index_cast %add3A_723 : i32 to index
            %get3A_727 = arith.constant 0 : index
            %get3A_728 = tpu.vector_load %arg18[%get3A_726, %get3A_727] {strides = array<i32>} : memref<128x128xf32, #tpu.memory_space<vmem>>, vector<1x16xf32>,
            %get3A_729 = vector.shape_cast %get3A_728 : vector<1x16xf32> to vector<16xf32>
            %mul3A_730 = vector.broadcast %squeeze3A_725 : f32 to vector<16xf32>
            %mul3A_731 = arith.mulf %get3A_729, %mul3A_730 : vector<16xf32>
            %swap3A_732 = arith.index_cast %add3A_723 : i32 to index
            %swap3A_733 = arith.constant 0 : index
            %swap3A_734 = tpu.vector_load %arg18[%swap3A_732, %swap3A_733] {strides = array<i32>} : memref<128x128xf32, #tpu.memory_space<vmem>>, vector<1x16xf32>,
            %swap3A_735 = vector.shape_cast %swap3A_734 : vector<1x16xf32> to vector<16xf32>
            %swap3A_736 = vector.shape_cast %mul3A_731 : vector<16xf32> to vector<1x16xf32>
            tpu.vector_store %arg18[%swap3A_732, %swap3A_733], %swap3A_736 {strides = array<i32>} : memref<128x128xf32, #tpu.memory_space<vmem>>, vector<1x16xf32>,
            %get3A_737 = arith.index_cast %add3A_723 : i32 to index
            %get3A_738 = arith.constant 16 : index
            %get3A_739 = tpu.vector_load %arg18[%get3A_737, %get3A_738] {strides = array<i32>} : memref<128x128xf32, #tpu.memory_space<vmem>>, vector<1x16xf32>,
            %get3A_740 = vector.shape_cast %get3A_739 : vector<1x16xf32> to vector<16xf32>
            %mul3A_741 = vector.broadcast %squeeze3A_725 : f32 to vector<16xf32>
            %mul3A_742 = arith.mulf %get3A_740, %mul3A_741 : vector<16xf32>
            %swap3A_743 = arith.index_cast %add3A_723 : i32 to index
            %swap3A_744 = arith.constant 16 : index
            %swap3A_745 = tpu.vector_load %arg18[%swap3A_743, %swap3A_744] {strides = array<i32>} : memref<128x128xf32, #tpu.memory_space<vmem>>, vector<1x16xf32>,
            %swap3A_746 = vector.shape_cast %swap3A_745 : vector<1x16xf32> to vector<16xf32>
            %swap3A_747 = vector.shape_cast %mul3A_742 : vector<16xf32> to vector<1x16xf32>
            tpu.vector_store %arg18[%swap3A_743, %swap3A_744], %swap3A_747 {strides = array<i32>} : memref<128x128xf32, #tpu.memory_space<vmem>>, vector<1x16xf32>,
            %get3A_748 = arith.index_cast %add3A_723 : i32 to index
            %get3A_749 = arith.constant 32 : index
            %get3A_750 = tpu.vector_load %arg18[%get3A_748, %get3A_749] {strides = array<i32>} : memref<128x128xf32, #tpu.memory_space<vmem>>, vector<1x16xf32>,
            %get3A_751 = vector.shape_cast %get3A_750 : vector<1x16xf32> to vector<16xf32>
            %mul3A_752 = vector.broadcast %squeeze3A_725 : f32 to vector<16xf32>
            %mul3A_753 = arith.mulf %get3A_751, %mul3A_752 : vector<16xf32>
            %swap3A_754 = arith.index_cast %add3A_723 : i32 to index
            %swap3A_755 = arith.constant 32 : index
            %swap3A_756 = tpu.vector_load %arg18[%swap3A_754, %swap3A_755] {strides = array<i32>} : memref<128x128xf32, #tpu.memory_space<vmem>>, vector<1x16xf32>,
            %swap3A_757 = vector.shape_cast %swap3A_756 : vector<1x16xf32> to vector<16xf32>
            %swap3A_758 = vector.shape_cast %mul3A_753 : vector<16xf32> to vector<1x16xf32>
            tpu.vector_store %arg18[%swap3A_754, %swap3A_755], %swap3A_758 {strides = array<i32>} : memref<128x128xf32, #tpu.memory_space<vmem>>, vector<1x16xf32>,
            %get3A_759 = arith.index_cast %add3A_723 : i32 to index
            %get3A_760 = arith.constant 48 : index
            %get3A_761 = tpu.vector_load %arg18[%get3A_759, %get3A_760] {strides = array<i32>} : memref<128x128xf32, #tpu.memory_space<vmem>>, vector<1x16xf32>,
            %get3A_762 = vector.shape_cast %get3A_761 : vector<1x16xf32> to vector<16xf32>
            %mul3A_763 = vector.broadcast %squeeze3A_725 : f32 to vector<16xf32>
            %mul3A_764 = arith.mulf %get3A_762, %mul3A_763 : vector<16xf32>
            %swap3A_765 = arith.index_cast %add3A_723 : i32 to index
            %swap3A_766 = arith.constant 48 : index
            %swap3A_767 = tpu.vector_load %arg18[%swap3A_765, %swap3A_766] {strides = array<i32>} : memref<128x128xf32, #tpu.memory_space<vmem>>, vector<1x16xf32>,
            %swap3A_768 = vector.shape_cast %swap3A_767 : vector<1x16xf32> to vector<16xf32>
            %swap3A_769 = vector.shape_cast %mul3A_764 : vector<16xf32> to vector<1x16xf32>
            tpu.vector_store %arg18[%swap3A_765, %swap3A_766], %swap3A_769 {strides = array<i32>} : memref<128x128xf32, #tpu.memory_space<vmem>>, vector<1x16xf32>,
            %get3A_770 = arith.index_cast %add3A_723 : i32 to index
            %get3A_771 = arith.constant 64 : index
            %get3A_772 = tpu.vector_load %arg18[%get3A_770, %get3A_771] {strides = array<i32>} : memref<128x128xf32, #tpu.memory_space<vmem>>, vector<1x16xf32>,
            %get3A_773 = vector.shape_cast %get3A_772 : vector<1x16xf32> to vector<16xf32>
            %mul3A_774 = vector.broadcast %squeeze3A_725 : f32 to vector<16xf32>
            %mul3A_775 = arith.mulf %get3A_773, %mul3A_774 : vector<16xf32>
            %swap3A_776 = arith.index_cast %add3A_723 : i32 to index
            %swap3A_777 = arith.constant 64 : index
            %swap3A_778 = tpu.vector_load %arg18[%swap3A_776, %swap3A_777] {strides = array<i32>} : memref<128x128xf32, #tpu.memory_space<vmem>>, vector<1x16xf32>,
            %swap3A_779 = vector.shape_cast %swap3A_778 : vector<1x16xf32> to vector<16xf32>
            %swap3A_780 = vector.shape_cast %mul3A_775 : vector<16xf32> to vector<1x16xf32>
            tpu.vector_store %arg18[%swap3A_776, %swap3A_777], %swap3A_780 {strides = array<i32>} : memref<128x128xf32, #tpu.memory_space<vmem>>, vector<1x16xf32>,
            %get3A_781 = arith.index_cast %add3A_723 : i32 to index
            %get3A_782 = arith.constant 80 : index
            %get3A_783 = tpu.vector_load %arg18[%get3A_781, %get3A_782] {strides = array<i32>} : memref<128x128xf32, #tpu.memory_space<vmem>>, vector<1x16xf32>,
            %get3A_784 = vector.shape_cast %get3A_783 : vector<1x16xf32> to vector<16xf32>
            %mul3A_785 = vector.broadcast %squeeze3A_725 : f32 to vector<16xf32>
            %mul3A_786 = arith.mulf %get3A_784, %mul3A_785 : vector<16xf32>
            %swap3A_787 = arith.index_cast %add3A_723 : i32 to index
            %swap3A_788 = arith.constant 80 : index
            %swap3A_789 = tpu.vector_load %arg18[%swap3A_787, %swap3A_788] {strides = array<i32>} : memref<128x128xf32, #tpu.memory_space<vmem>>, vector<1x16xf32>,
            %swap3A_790 = vector.shape_cast %swap3A_789 : vector<1x16xf32> to vector<16xf32>
            %swap3A_791 = vector.shape_cast %mul3A_786 : vector<16xf32> to vector<1x16xf32>
            tpu.vector_store %arg18[%swap3A_787, %swap3A_788], %swap3A_791 {strides = array<i32>} : memref<128x128xf32, #tpu.memory_space<vmem>>, vector<1x16xf32>,
            %get3A_792 = arith.index_cast %add3A_723 : i32 to index
            %get3A_793 = arith.constant 96 : index
            %get3A_794 = tpu.vector_load %arg18[%get3A_792, %get3A_793] {strides = array<i32>} : memref<128x128xf32, #tpu.memory_space<vmem>>, vector<1x16xf32>,
            %get3A_795 = vector.shape_cast %get3A_794 : vector<1x16xf32> to vector<16xf32>
            %mul3A_796 = vector.broadcast %squeeze3A_725 : f32 to vector<16xf32>
            %mul3A_797 = arith.mulf %get3A_795, %mul3A_796 : vector<16xf32>
            %swap3A_798 = arith.index_cast %add3A_723 : i32 to index
            %swap3A_799 = arith.constant 96 : index
            %swap3A_800 = tpu.vector_load %arg18[%swap3A_798, %swap3A_799] {strides = array<i32>} : memref<128x128xf32, #tpu.memory_space<vmem>>, vector<1x16xf32>,
            %swap3A_801 = vector.shape_cast %swap3A_800 : vector<1x16xf32> to vector<16xf32>
            %swap3A_802 = vector.shape_cast %mul3A_797 : vector<16xf32> to vector<1x16xf32>
            tpu.vector_store %arg18[%swap3A_798, %swap3A_799], %swap3A_802 {strides = array<i32>} : memref<128x128xf32, #tpu.memory_space<vmem>>, vector<1x16xf32>,
            %get3A_803 = arith.index_cast %add3A_723 : i32 to index
            %get3A_804 = arith.constant 112 : index
            %get3A_805 = tpu.vector_load %arg18[%get3A_803, %get3A_804] {strides = array<i32>} : memref<128x128xf32, #tpu.memory_space<vmem>>, vector<1x16xf32>,
            %get3A_806 = vector.shape_cast %get3A_805 : vector<1x16xf32> to vector<16xf32>
            %mul3A_807 = vector.broadcast %squeeze3A_725 : f32 to vector<16xf32>
            %mul3A_808 = arith.mulf %get3A_806, %mul3A_807 : vector<16xf32>
            %swap3A_809 = arith.index_cast %add3A_723 : i32 to index
            %swap3A_810 = arith.constant 112 : index
            %swap3A_811 = tpu.vector_load %arg18[%swap3A_809, %swap3A_810] {strides = array<i32>} : memref<128x128xf32, #tpu.memory_space<vmem>>, vector<1x16xf32>,
            %swap3A_812 = vector.shape_cast %swap3A_811 : vector<1x16xf32> to vector<16xf32>
            %swap3A_813 = vector.shape_cast %mul3A_808 : vector<16xf32> to vector<1x16xf32>
            tpu.vector_store %arg18[%swap3A_809, %swap3A_810], %swap3A_813 {strides = array<i32>} : memref<128x128xf32, #tpu.memory_space<vmem>>, vector<1x16xf32>,
            %mul3A_814 = arith.constant 16 : i32
            %mul3A_815 = arith.muli %add3A_59, %mul3A_814 : i32
            %add3A_816 = arith.constant 8 : i32
            %add3A_817 = arith.addi %mul3A_815, %add3A_816 : i32
            %slice3A_818 = vector.extract_strided_slice %get3A_64 {offsets = [8], sizes = [1], strides = [1]} : vector<16xf32> to vector<1xf32>
            %squeeze3A_819 = vector.extract %slice3A_818[0] : f32 from vector<1xf32>
            %get3A_820 = arith.index_cast %add3A_817 : i32 to index
            %get3A_821 = arith.constant 0 : index
            %get3A_822 = tpu.vector_load %arg18[%get3A_820, %get3A_821] {strides = array<i32>} : memref<128x128xf32, #tpu.memory_space<vmem>>, vector<1x16xf32>,
            %get3A_823 = vector.shape_cast %get3A_822 : vector<1x16xf32> to vector<16xf32>
            %mul3A_824 = vector.broadcast %squeeze3A_819 : f32 to vector<16xf32>
            %mul3A_825 = arith.mulf %get3A_823, %mul3A_824 : vector<16xf32>
            %swap3A_826 = arith.index_cast %add3A_817 : i32 to index
            %swap3A_827 = arith.constant 0 : index
            %swap3A_828 = tpu.vector_load %arg18[%swap3A_826, %swap3A_827] {strides = array<i32>} : memref<128x128xf32, #tpu.memory_space<vmem>>, vector<1x16xf32>,
            %swap3A_829 = vector.shape_cast %swap3A_828 : vector<1x16xf32> to vector<16xf32>
            %swap3A_830 = vector.shape_cast %mul3A_825 : vector<16xf32> to vector<1x16xf32>
            tpu.vector_store %arg18[%swap3A_826, %swap3A_827], %swap3A_830 {strides = array<i32>} : memref<128x128xf32, #tpu.memory_space<vmem>>, vector<1x16xf32>,
            %get3A_831 = arith.index_cast %add3A_817 : i32 to index
            %get3A_832 = arith.constant 16 : index
            %get3A_833 = tpu.vector_load %arg18[%get3A_831, %get3A_832] {strides = array<i32>} : memref<128x128xf32, #tpu.memory_space<vmem>>, vector<1x16xf32>,
            %get3A_834 = vector.shape_cast %get3A_833 : vector<1x16xf32> to vector<16xf32>
            %mul3A_835 = vector.broadcast %squeeze3A_819 : f32 to vector<16xf32>
            %mul3A_836 = arith.mulf %get3A_834, %mul3A_835 : vector<16xf32>
            %swap3A_837 = arith.index_cast %add3A_817 : i32 to index
            %swap3A_838 = arith.constant 16 : index
            %swap3A_839 = tpu.vector_load %arg18[%swap3A_837, %swap3A_838] {strides = array<i32>} : memref<128x128xf32, #tpu.memory_space<vmem>>, vector<1x16xf32>,
            %swap3A_840 = vector.shape_cast %swap3A_839 : vector<1x16xf32> to vector<16xf32>
            %swap3A_841 = vector.shape_cast %mul3A_836 : vector<16xf32> to vector<1x16xf32>
            tpu.vector_store %arg18[%swap3A_837, %swap3A_838], %swap3A_841 {strides = array<i32>} : memref<128x128xf32, #tpu.memory_space<vmem>>, vector<1x16xf32>,
            %get3A_842 = arith.index_cast %add3A_817 : i32 to index
            %get3A_843 = arith.constant 32 : index
            %get3A_844 = tpu.vector_load %arg18[%get3A_842, %get3A_843] {strides = array<i32>} : memref<128x128xf32, #tpu.memory_space<vmem>>, vector<1x16xf32>,
            %get3A_845 = vector.shape_cast %get3A_844 : vector<1x16xf32> to vector<16xf32>
            %mul3A_846 = vector.broadcast %squeeze3A_819 : f32 to vector<16xf32>
            %mul3A_847 = arith.mulf %get3A_845, %mul3A_846 : vector<16xf32>
            %swap3A_848 = arith.index_cast %add3A_817 : i32 to index
            %swap3A_849 = arith.constant 32 : index
            %swap3A_850 = tpu.vector_load %arg18[%swap3A_848, %swap3A_849] {strides = array<i32>} : memref<128x128xf32, #tpu.memory_space<vmem>>, vector<1x16xf32>,
            %swap3A_851 = vector.shape_cast %swap3A_850 : vector<1x16xf32> to vector<16xf32>
            %swap3A_852 = vector.shape_cast %mul3A_847 : vector<16xf32> to vector<1x16xf32>
            tpu.vector_store %arg18[%swap3A_848, %swap3A_849], %swap3A_852 {strides = array<i32>} : memref<128x128xf32, #tpu.memory_space<vmem>>, vector<1x16xf32>,
            %get3A_853 = arith.index_cast %add3A_817 : i32 to index
            %get3A_854 = arith.constant 48 : index
            %get3A_855 = tpu.vector_load %arg18[%get3A_853, %get3A_854] {strides = array<i32>} : memref<128x128xf32, #tpu.memory_space<vmem>>, vector<1x16xf32>,
            %get3A_856 = vector.shape_cast %get3A_855 : vector<1x16xf32> to vector<16xf32>
            %mul3A_857 = vector.broadcast %squeeze3A_819 : f32 to vector<16xf32>
            %mul3A_858 = arith.mulf %get3A_856, %mul3A_857 : vector<16xf32>
            %swap3A_859 = arith.index_cast %add3A_817 : i32 to index
            %swap3A_860 = arith.constant 48 : index
            %swap3A_861 = tpu.vector_load %arg18[%swap3A_859, %swap3A_860] {strides = array<i32>} : memref<128x128xf32, #tpu.memory_space<vmem>>, vector<1x16xf32>,
            %swap3A_862 = vector.shape_cast %swap3A_861 : vector<1x16xf32> to vector<16xf32>
            %swap3A_863 = vector.shape_cast %mul3A_858 : vector<16xf32> to vector<1x16xf32>
            tpu.vector_store %arg18[%swap3A_859, %swap3A_860], %swap3A_863 {strides = array<i32>} : memref<128x128xf32, #tpu.memory_space<vmem>>, vector<1x16xf32>,
            %get3A_864 = arith.index_cast %add3A_817 : i32 to index
            %get3A_865 = arith.constant 64 : index
            %get3A_866 = tpu.vector_load %arg18[%get3A_864, %get3A_865] {strides = array<i32>} : memref<128x128xf32, #tpu.memory_space<vmem>>, vector<1x16xf32>,
            %get3A_867 = vector.shape_cast %get3A_866 : vector<1x16xf32> to vector<16xf32>
            %mul3A_868 = vector.broadcast %squeeze3A_819 : f32 to vector<16xf32>
            %mul3A_869 = arith.mulf %get3A_867, %mul3A_868 : vector<16xf32>
            %swap3A_870 = arith.index_cast %add3A_817 : i32 to index
            %swap3A_871 = arith.constant 64 : index
            %swap3A_872 = tpu.vector_load %arg18[%swap3A_870, %swap3A_871] {strides = array<i32>} : memref<128x128xf32, #tpu.memory_space<vmem>>, vector<1x16xf32>,
            %swap3A_873 = vector.shape_cast %swap3A_872 : vector<1x16xf32> to vector<16xf32>
            %swap3A_874 = vector.shape_cast %mul3A_869 : vector<16xf32> to vector<1x16xf32>
            tpu.vector_store %arg18[%swap3A_870, %swap3A_871], %swap3A_874 {strides = array<i32>} : memref<128x128xf32, #tpu.memory_space<vmem>>, vector<1x16xf32>,
            %get3A_875 = arith.index_cast %add3A_817 : i32 to index
            %get3A_876 = arith.constant 80 : index
            %get3A_877 = tpu.vector_load %arg18[%get3A_875, %get3A_876] {strides = array<i32>} : memref<128x128xf32, #tpu.memory_space<vmem>>, vector<1x16xf32>,
            %get3A_878 = vector.shape_cast %get3A_877 : vector<1x16xf32> to vector<16xf32>
            %mul3A_879 = vector.broadcast %squeeze3A_819 : f32 to vector<16xf32>
            %mul3A_880 = arith.mulf %get3A_878, %mul3A_879 : vector<16xf32>
            %swap3A_881 = arith.index_cast %add3A_817 : i32 to index
            %swap3A_882 = arith.constant 80 : index
            %swap3A_883 = tpu.vector_load %arg18[%swap3A_881, %swap3A_882] {strides = array<i32>} : memref<128x128xf32, #tpu.memory_space<vmem>>, vector<1x16xf32>,
            %swap3A_884 = vector.shape_cast %swap3A_883 : vector<1x16xf32> to vector<16xf32>
            %swap3A_885 = vector.shape_cast %mul3A_880 : vector<16xf32> to vector<1x16xf32>
            tpu.vector_store %arg18[%swap3A_881, %swap3A_882], %swap3A_885 {strides = array<i32>} : memref<128x128xf32, #tpu.memory_space<vmem>>, vector<1x16xf32>,
            %get3A_886 = arith.index_cast %add3A_817 : i32 to index
            %get3A_887 = arith.constant 96 : index
            %get3A_888 = tpu.vector_load %arg18[%get3A_886, %get3A_887] {strides = array<i32>} : memref<128x128xf32, #tpu.memory_space<vmem>>, vector<1x16xf32>,
            %get3A_889 = vector.shape_cast %get3A_888 : vector<1x16xf32> to vector<16xf32>
            %mul3A_890 = vector.broadcast %squeeze3A_819 : f32 to vector<16xf32>
            %mul3A_891 = arith.mulf %get3A_889, %mul3A_890 : vector<16xf32>
            %swap3A_892 = arith.index_cast %add3A_817 : i32 to index
            %swap3A_893 = arith.constant 96 : index
            %swap3A_894 = tpu.vector_load %arg18[%swap3A_892, %swap3A_893] {strides = array<i32>} : memref<128x128xf32, #tpu.memory_space<vmem>>, vector<1x16xf32>,
            %swap3A_895 = vector.shape_cast %swap3A_894 : vector<1x16xf32> to vector<16xf32>
            %swap3A_896 = vector.shape_cast %mul3A_891 : vector<16xf32> to vector<1x16xf32>
            tpu.vector_store %arg18[%swap3A_892, %swap3A_893], %swap3A_896 {strides = array<i32>} : memref<128x128xf32, #tpu.memory_space<vmem>>, vector<1x16xf32>,
            %get3A_897 = arith.index_cast %add3A_817 : i32 to index
            %get3A_898 = arith.constant 112 : index
            %get3A_899 = tpu.vector_load %arg18[%get3A_897, %get3A_898] {strides = array<i32>} : memref<128x128xf32, #tpu.memory_space<vmem>>, vector<1x16xf32>,
            %get3A_900 = vector.shape_cast %get3A_899 : vector<1x16xf32> to vector<16xf32>
            %mul3A_901 = vector.broadcast %squeeze3A_819 : f32 to vector<16xf32>
            %mul3A_902 = arith.mulf %get3A_900, %mul3A_901 : vector<16xf32>
            %swap3A_903 = arith.index_cast %add3A_817 : i32 to index
            %swap3A_904 = arith.constant 112 : index
            %swap3A_905 = tpu.vector_load %arg18[%swap3A_903, %swap3A_904] {strides = array<i32>} : memref<128x128xf32, #tpu.memory_space<vmem>>, vector<1x16xf32>,
            %swap3A_906 = vector.shape_cast %swap3A_905 : vector<1x16xf32> to vector<16xf32>
            %swap3A_907 = vector.shape_cast %mul3A_902 : vector<16xf32> to vector<1x16xf32>
            tpu.vector_store %arg18[%swap3A_903, %swap3A_904], %swap3A_907 {strides = array<i32>} : memref<128x128xf32, #tpu.memory_space<vmem>>, vector<1x16xf32>,
            %mul3A_908 = arith.constant 16 : i32
            %mul3A_909 = arith.muli %add3A_59, %mul3A_908 : i32
            %add3A_910 = arith.constant 9 : i32
            %add3A_911 = arith.addi %mul3A_909, %add3A_910 : i32
            %slice3A_912 = vector.extract_strided_slice %get3A_64 {offsets = [9], sizes = [1], strides = [1]} : vector<16xf32> to vector<1xf32>
            %squeeze3A_913 = vector.extract %slice3A_912[0] : f32 from vector<1xf32>
            %get3A_914 = arith.index_cast %add3A_911 : i32 to index
            %get3A_915 = arith.constant 0 : index
            %get3A_916 = tpu.vector_load %arg18[%get3A_914, %get3A_915] {strides = array<i32>} : memref<128x128xf32, #tpu.memory_space<vmem>>, vector<1x16xf32>,
            %get3A_917 = vector.shape_cast %get3A_916 : vector<1x16xf32> to vector<16xf32>
            %mul3A_918 = vector.broadcast %squeeze3A_913 : f32 to vector<16xf32>
            %mul3A_919 = arith.mulf %get3A_917, %mul3A_918 : vector<16xf32>
            %swap3A_920 = arith.index_cast %add3A_911 : i32 to index
            %swap3A_921 = arith.constant 0 : index
            %swap3A_922 = tpu.vector_load %arg18[%swap3A_920, %swap3A_921] {strides = array<i32>} : memref<128x128xf32, #tpu.memory_space<vmem>>, vector<1x16xf32>,
            %swap3A_923 = vector.shape_cast %swap3A_922 : vector<1x16xf32> to vector<16xf32>
            %swap3A_924 = vector.shape_cast %mul3A_919 : vector<16xf32> to vector<1x16xf32>
            tpu.vector_store %arg18[%swap3A_920, %swap3A_921], %swap3A_924 {strides = array<i32>} : memref<128x128xf32, #tpu.memory_space<vmem>>, vector<1x16xf32>,
            %get3A_925 = arith.index_cast %add3A_911 : i32 to index
            %get3A_926 = arith.constant 16 : index
            %get3A_927 = tpu.vector_load %arg18[%get3A_925, %get3A_926] {strides = array<i32>} : memref<128x128xf32, #tpu.memory_space<vmem>>, vector<1x16xf32>,
            %get3A_928 = vector.shape_cast %get3A_927 : vector<1x16xf32> to vector<16xf32>
            %mul3A_929 = vector.broadcast %squeeze3A_913 : f32 to vector<16xf32>
            %mul3A_930 = arith.mulf %get3A_928, %mul3A_929 : vector<16xf32>
            %swap3A_931 = arith.index_cast %add3A_911 : i32 to index
            %swap3A_932 = arith.constant 16 : index
            %swap3A_933 = tpu.vector_load %arg18[%swap3A_931, %swap3A_932] {strides = array<i32>} : memref<128x128xf32, #tpu.memory_space<vmem>>, vector<1x16xf32>,
            %swap3A_934 = vector.shape_cast %swap3A_933 : vector<1x16xf32> to vector<16xf32>
            %swap3A_935 = vector.shape_cast %mul3A_930 : vector<16xf32> to vector<1x16xf32>
            tpu.vector_store %arg18[%swap3A_931, %swap3A_932], %swap3A_935 {strides = array<i32>} : memref<128x128xf32, #tpu.memory_space<vmem>>, vector<1x16xf32>,
            %get3A_936 = arith.index_cast %add3A_911 : i32 to index
            %get3A_937 = arith.constant 32 : index
            %get3A_938 = tpu.vector_load %arg18[%get3A_936, %get3A_937] {strides = array<i32>} : memref<128x128xf32, #tpu.memory_space<vmem>>, vector<1x16xf32>,
            %get3A_939 = vector.shape_cast %get3A_938 : vector<1x16xf32> to vector<16xf32>
            %mul3A_940 = vector.broadcast %squeeze3A_913 : f32 to vector<16xf32>
            %mul3A_941 = arith.mulf %get3A_939, %mul3A_940 : vector<16xf32>
            %swap3A_942 = arith.index_cast %add3A_911 : i32 to index
            %swap3A_943 = arith.constant 32 : index
            %swap3A_944 = tpu.vector_load %arg18[%swap3A_942, %swap3A_943] {strides = array<i32>} : memref<128x128xf32, #tpu.memory_space<vmem>>, vector<1x16xf32>,
            %swap3A_945 = vector.shape_cast %swap3A_944 : vector<1x16xf32> to vector<16xf32>
            %swap3A_946 = vector.shape_cast %mul3A_941 : vector<16xf32> to vector<1x16xf32>
            tpu.vector_store %arg18[%swap3A_942, %swap3A_943], %swap3A_946 {strides = array<i32>} : memref<128x128xf32, #tpu.memory_space<vmem>>, vector<1x16xf32>,
            %get3A_947 = arith.index_cast %add3A_911 : i32 to index
            %get3A_948 = arith.constant 48 : index
            %get3A_949 = tpu.vector_load %arg18[%get3A_947, %get3A_948] {strides = array<i32>} : memref<128x128xf32, #tpu.memory_space<vmem>>, vector<1x16xf32>,
            %get3A_950 = vector.shape_cast %get3A_949 : vector<1x16xf32> to vector<16xf32>
            %mul3A_951 = vector.broadcast %squeeze3A_913 : f32 to vector<16xf32>
            %mul3A_952 = arith.mulf %get3A_950, %mul3A_951 : vector<16xf32>
            %swap3A_953 = arith.index_cast %add3A_911 : i32 to index
            %swap3A_954 = arith.constant 48 : index
            %swap3A_955 = tpu.vector_load %arg18[%swap3A_953, %swap3A_954] {strides = array<i32>} : memref<128x128xf32, #tpu.memory_space<vmem>>, vector<1x16xf32>,
            %swap3A_956 = vector.shape_cast %swap3A_955 : vector<1x16xf32> to vector<16xf32>
            %swap3A_957 = vector.shape_cast %mul3A_952 : vector<16xf32> to vector<1x16xf32>
            tpu.vector_store %arg18[%swap3A_953, %swap3A_954], %swap3A_957 {strides = array<i32>} : memref<128x128xf32, #tpu.memory_space<vmem>>, vector<1x16xf32>,
            %get3A_958 = arith.index_cast %add3A_911 : i32 to index
            %get3A_959 = arith.constant 64 : index
            %get3A_960 = tpu.vector_load %arg18[%get3A_958, %get3A_959] {strides = array<i32>} : memref<128x128xf32, #tpu.memory_space<vmem>>, vector<1x16xf32>,
            %get3A_961 = vector.shape_cast %get3A_960 : vector<1x16xf32> to vector<16xf32>
            %mul3A_962 = vector.broadcast %squeeze3A_913 : f32 to vector<16xf32>
            %mul3A_963 = arith.mulf %get3A_961, %mul3A_962 : vector<16xf32>
            %swap3A_964 = arith.index_cast %add3A_911 : i32 to index
            %swap3A_965 = arith.constant 64 : index
            %swap3A_966 = tpu.vector_load %arg18[%swap3A_964, %swap3A_965] {strides = array<i32>} : memref<128x128xf32, #tpu.memory_space<vmem>>, vector<1x16xf32>,
            %swap3A_967 = vector.shape_cast %swap3A_966 : vector<1x16xf32> to vector<16xf32>
            %swap3A_968 = vector.shape_cast %mul3A_963 : vector<16xf32> to vector<1x16xf32>
            tpu.vector_store %arg18[%swap3A_964, %swap3A_965], %swap3A_968 {strides = array<i32>} : memref<128x128xf32, #tpu.memory_space<vmem>>, vector<1x16xf32>,
            %get3A_969 = arith.index_cast %add3A_911 : i32 to index
            %get3A_970 = arith.constant 80 : index
            %get3A_971 = tpu.vector_load %arg18[%get3A_969, %get3A_970] {strides = array<i32>} : memref<128x128xf32, #tpu.memory_space<vmem>>, vector<1x16xf32>,
            %get3A_972 = vector.shape_cast %get3A_971 : vector<1x16xf32> to vector<16xf32>
            %mul3A_973 = vector.broadcast %squeeze3A_913 : f32 to vector<16xf32>
            %mul3A_974 = arith.mulf %get3A_972, %mul3A_973 : vector<16xf32>
            %swap3A_975 = arith.index_cast %add3A_911 : i32 to index
            %swap3A_976 = arith.constant 80 : index
            %swap3A_977 = tpu.vector_load %arg18[%swap3A_975, %swap3A_976] {strides = array<i32>} : memref<128x128xf32, #tpu.memory_space<vmem>>, vector<1x16xf32>,
            %swap3A_978 = vector.shape_cast %swap3A_977 : vector<1x16xf32> to vector<16xf32>
            %swap3A_979 = vector.shape_cast %mul3A_974 : vector<16xf32> to vector<1x16xf32>
            tpu.vector_store %arg18[%swap3A_975, %swap3A_976], %swap3A_979 {strides = array<i32>} : memref<128x128xf32, #tpu.memory_space<vmem>>, vector<1x16xf32>,
            %get3A_980 = arith.index_cast %add3A_911 : i32 to index
            %get3A_981 = arith.constant 96 : index
            %get3A_982 = tpu.vector_load %arg18[%get3A_980, %get3A_981] {strides = array<i32>} : memref<128x128xf32, #tpu.memory_space<vmem>>, vector<1x16xf32>,
            %get3A_983 = vector.shape_cast %get3A_982 : vector<1x16xf32> to vector<16xf32>
            %mul3A_984 = vector.broadcast %squeeze3A_913 : f32 to vector<16xf32>
            %mul3A_985 = arith.mulf %get3A_983, %mul3A_984 : vector<16xf32>
            %swap3A_986 = arith.index_cast %add3A_911 : i32 to index
            %swap3A_987 = arith.constant 96 : index
            %swap3A_988 = tpu.vector_load %arg18[%swap3A_986, %swap3A_987] {strides = array<i32>} : memref<128x128xf32, #tpu.memory_space<vmem>>, vector<1x16xf32>,
            %swap3A_989 = vector.shape_cast %swap3A_988 : vector<1x16xf32> to vector<16xf32>
            %swap3A_990 = vector.shape_cast %mul3A_985 : vector<16xf32> to vector<1x16xf32>
            tpu.vector_store %arg18[%swap3A_986, %swap3A_987], %swap3A_990 {strides = array<i32>} : memref<128x128xf32, #tpu.memory_space<vmem>>, vector<1x16xf32>,
            %get3A_991 = arith.index_cast %add3A_911 : i32 to index
            %get3A_992 = arith.constant 112 : index
            %get3A_993 = tpu.vector_load %arg18[%get3A_991, %get3A_992] {strides = array<i32>} : memref<128x128xf32, #tpu.memory_space<vmem>>, vector<1x16xf32>,
            %get3A_994 = vector.shape_cast %get3A_993 : vector<1x16xf32> to vector<16xf32>
            %mul3A_995 = vector.broadcast %squeeze3A_913 : f32 to vector<16xf32>
            %mul3A_996 = arith.mulf %get3A_994, %mul3A_995 : vector<16xf32>
            %swap3A_997 = arith.index_cast %add3A_911 : i32 to index
            %swap3A_998 = arith.constant 112 : index
            %swap3A_999 = tpu.vector_load %arg18[%swap3A_997, %swap3A_998] {strides = array<i32>} : memref<128x128xf32, #tpu.memory_space<vmem>>, vector<1x16xf32>,
            %swap3A_1000 = vector.shape_cast %swap3A_999 : vector<1x16xf32> to vector<16xf32>
            %swap3A_1001 = vector.shape_cast %mul3A_996 : vector<16xf32> to vector<1x16xf32>
            tpu.vector_store %arg18[%swap3A_997, %swap3A_998], %swap3A_1001 {strides = array<i32>} : memref<128x128xf32, #tpu.memory_space<vmem>>, vector<1x16xf32>,
            %mul3A_1002 = arith.constant 16 : i32
            %mul3A_1003 = arith.muli %add3A_59, %mul3A_1002 : i32
            %add3A_1004 = arith.constant 10 : i32
            %add3A_1005 = arith.addi %mul3A_1003, %add3A_1004 : i32
            %slice3A_1006 = vector.extract_strided_slice %get3A_64 {offsets = [10], sizes = [1], strides = [1]} : vector<16xf32> to vector<1xf32>
            %squeeze3A_1007 = vector.extract %slice3A_1006[0] : f32 from vector<1xf32>
            %get3A_1008 = arith.index_cast %add3A_1005 : i32 to index
            %get3A_1009 = arith.constant 0 : index
            %get3A_1010 = tpu.vector_load %arg18[%get3A_1008, %get3A_1009] {strides = array<i32>} : memref<128x128xf32, #tpu.memory_space<vmem>>, vector<1x16xf32>,
            %get3A_1011 = vector.shape_cast %get3A_1010 : vector<1x16xf32> to vector<16xf32>
            %mul3A_1012 = vector.broadcast %squeeze3A_1007 : f32 to vector<16xf32>
            %mul3A_1013 = arith.mulf %get3A_1011, %mul3A_1012 : vector<16xf32>
            %swap3A_1014 = arith.index_cast %add3A_1005 : i32 to index
            %swap3A_1015 = arith.constant 0 : index
            %swap3A_1016 = tpu.vector_load %arg18[%swap3A_1014, %swap3A_1015] {strides = array<i32>} : memref<128x128xf32, #tpu.memory_space<vmem>>, vector<1x16xf32>,
            %swap3A_1017 = vector.shape_cast %swap3A_1016 : vector<1x16xf32> to vector<16xf32>
            %swap3A_1018 = vector.shape_cast %mul3A_1013 : vector<16xf32> to vector<1x16xf32>
            tpu.vector_store %arg18[%swap3A_1014, %swap3A_1015], %swap3A_1018 {strides = array<i32>} : memref<128x128xf32, #tpu.memory_space<vmem>>, vector<1x16xf32>,
            %get3A_1019 = arith.index_cast %add3A_1005 : i32 to index
            %get3A_1020 = arith.constant 16 : index
            %get3A_1021 = tpu.vector_load %arg18[%get3A_1019, %get3A_1020] {strides = array<i32>} : memref<128x128xf32, #tpu.memory_space<vmem>>, vector<1x16xf32>,
            %get3A_1022 = vector.shape_cast %get3A_1021 : vector<1x16xf32> to vector<16xf32>
            %mul3A_1023 = vector.broadcast %squeeze3A_1007 : f32 to vector<16xf32>
            %mul3A_1024 = arith.mulf %get3A_1022, %mul3A_1023 : vector<16xf32>
            %swap3A_1025 = arith.index_cast %add3A_1005 : i32 to index
            %swap3A_1026 = arith.constant 16 : index
            %swap3A_1027 = tpu.vector_load %arg18[%swap3A_1025, %swap3A_1026] {strides = array<i32>} : memref<128x128xf32, #tpu.memory_space<vmem>>, vector<1x16xf32>,
            %swap3A_1028 = vector.shape_cast %swap3A_1027 : vector<1x16xf32> to vector<16xf32>
            %swap3A_1029 = vector.shape_cast %mul3A_1024 : vector<16xf32> to vector<1x16xf32>
            tpu.vector_store %arg18[%swap3A_1025, %swap3A_1026], %swap3A_1029 {strides = array<i32>} : memref<128x128xf32, #tpu.memory_space<vmem>>, vector<1x16xf32>,
            %get3A_1030 = arith.index_cast %add3A_1005 : i32 to index
            %get3A_1031 = arith.constant 32 : index
            %get3A_1032 = tpu.vector_load %arg18[%get3A_1030, %get3A_1031] {strides = array<i32>} : memref<128x128xf32, #tpu.memory_space<vmem>>, vector<1x16xf32>,
            %get3A_1033 = vector.shape_cast %get3A_1032 : vector<1x16xf32> to vector<16xf32>
            %mul3A_1034 = vector.broadcast %squeeze3A_1007 : f32 to vector<16xf32>
            %mul3A_1035 = arith.mulf %get3A_1033, %mul3A_1034 : vector<16xf32>
            %swap3A_1036 = arith.index_cast %add3A_1005 : i32 to index
            %swap3A_1037 = arith.constant 32 : index
            %swap3A_1038 = tpu.vector_load %arg18[%swap3A_1036, %swap3A_1037] {strides = array<i32>} : memref<128x128xf32, #tpu.memory_space<vmem>>, vector<1x16xf32>,
            %swap3A_1039 = vector.shape_cast %swap3A_1038 : vector<1x16xf32> to vector<16xf32>
            %swap3A_1040 = vector.shape_cast %mul3A_1035 : vector<16xf32> to vector<1x16xf32>
            tpu.vector_store %arg18[%swap3A_1036, %swap3A_1037], %swap3A_1040 {strides = array<i32>} : memref<128x128xf32, #tpu.memory_space<vmem>>, vector<1x16xf32>,
            %get3A_1041 = arith.index_cast %add3A_1005 : i32 to index
            %get3A_1042 = arith.constant 48 : index
            %get3A_1043 = tpu.vector_load %arg18[%get3A_1041, %get3A_1042] {strides = array<i32>} : memref<128x128xf32, #tpu.memory_space<vmem>>, vector<1x16xf32>,
            %get3A_1044 = vector.shape_cast %get3A_1043 : vector<1x16xf32> to vector<16xf32>
            %mul3A_1045 = vector.broadcast %squeeze3A_1007 : f32 to vector<16xf32>
            %mul3A_1046 = arith.mulf %get3A_1044, %mul3A_1045 : vector<16xf32>
            %swap3A_1047 = arith.index_cast %add3A_1005 : i32 to index
            %swap3A_1048 = arith.constant 48 : index
            %swap3A_1049 = tpu.vector_load %arg18[%swap3A_1047, %swap3A_1048] {strides = array<i32>} : memref<128x128xf32, #tpu.memory_space<vmem>>, vector<1x16xf32>,
            %swap3A_1050 = vector.shape_cast %swap3A_1049 : vector<1x16xf32> to vector<16xf32>
            %swap3A_1051 = vector.shape_cast %mul3A_1046 : vector<16xf32> to vector<1x16xf32>
            tpu.vector_store %arg18[%swap3A_1047, %swap3A_1048], %swap3A_1051 {strides = array<i32>} : memref<128x128xf32, #tpu.memory_space<vmem>>, vector<1x16xf32>,
            %get3A_1052 = arith.index_cast %add3A_1005 : i32 to index
            %get3A_1053 = arith.constant 64 : index
            %get3A_1054 = tpu.vector_load %arg18[%get3A_1052, %get3A_1053] {strides = array<i32>} : memref<128x128xf32, #tpu.memory_space<vmem>>, vector<1x16xf32>,
            %get3A_1055 = vector.shape_cast %get3A_1054 : vector<1x16xf32> to vector<16xf32>
            %mul3A_1056 = vector.broadcast %squeeze3A_1007 : f32 to vector<16xf32>
            %mul3A_1057 = arith.mulf %get3A_1055, %mul3A_1056 : vector<16xf32>
            %swap3A_1058 = arith.index_cast %add3A_1005 : i32 to index
            %swap3A_1059 = arith.constant 64 : index
            %swap3A_1060 = tpu.vector_load %arg18[%swap3A_1058, %swap3A_1059] {strides = array<i32>} : memref<128x128xf32, #tpu.memory_space<vmem>>, vector<1x16xf32>,
            %swap3A_1061 = vector.shape_cast %swap3A_1060 : vector<1x16xf32> to vector<16xf32>
            %swap3A_1062 = vector.shape_cast %mul3A_1057 : vector<16xf32> to vector<1x16xf32>
            tpu.vector_store %arg18[%swap3A_1058, %swap3A_1059], %swap3A_1062 {strides = array<i32>} : memref<128x128xf32, #tpu.memory_space<vmem>>, vector<1x16xf32>,
            %get3A_1063 = arith.index_cast %add3A_1005 : i32 to index
            %get3A_1064 = arith.constant 80 : index
            %get3A_1065 = tpu.vector_load %arg18[%get3A_1063, %get3A_1064] {strides = array<i32>} : memref<128x128xf32, #tpu.memory_space<vmem>>, vector<1x16xf32>,
            %get3A_1066 = vector.shape_cast %get3A_1065 : vector<1x16xf32> to vector<16xf32>
            %mul3A_1067 = vector.broadcast %squeeze3A_1007 : f32 to vector<16xf32>
            %mul3A_1068 = arith.mulf %get3A_1066, %mul3A_1067 : vector<16xf32>
            %swap3A_1069 = arith.index_cast %add3A_1005 : i32 to index
            %swap3A_1070 = arith.constant 80 : index
            %swap3A_1071 = tpu.vector_load %arg18[%swap3A_1069, %swap3A_1070] {strides = array<i32>} : memref<128x128xf32, #tpu.memory_space<vmem>>, vector<1x16xf32>,
            %swap3A_1072 = vector.shape_cast %swap3A_1071 : vector<1x16xf32> to vector<16xf32>
            %swap3A_1073 = vector.shape_cast %mul3A_1068 : vector<16xf32> to vector<1x16xf32>
            tpu.vector_store %arg18[%swap3A_1069, %swap3A_1070], %swap3A_1073 {strides = array<i32>} : memref<128x128xf32, #tpu.memory_space<vmem>>, vector<1x16xf32>,
            %get3A_1074 = arith.index_cast %add3A_1005 : i32 to index
            %get3A_1075 = arith.constant 96 : index
            %get3A_1076 = tpu.vector_load %arg18[%get3A_1074, %get3A_1075] {strides = array<i32>} : memref<128x128xf32, #tpu.memory_space<vmem>>, vector<1x16xf32>,
            %get3A_1077 = vector.shape_cast %get3A_1076 : vector<1x16xf32> to vector<16xf32>
            %mul3A_1078 = vector.broadcast %squeeze3A_1007 : f32 to vector<16xf32>
            %mul3A_1079 = arith.mulf %get3A_1077, %mul3A_1078 : vector<16xf32>
            %swap3A_1080 = arith.index_cast %add3A_1005 : i32 to index
            %swap3A_1081 = arith.constant 96 : index
            %swap3A_1082 = tpu.vector_load %arg18[%swap3A_1080, %swap3A_1081] {strides = array<i32>} : memref<128x128xf32, #tpu.memory_space<vmem>>, vector<1x16xf32>,
            %swap3A_1083 = vector.shape_cast %swap3A_1082 : vector<1x16xf32> to vector<16xf32>
            %swap3A_1084 = vector.shape_cast %mul3A_1079 : vector<16xf32> to vector<1x16xf32>
            tpu.vector_store %arg18[%swap3A_1080, %swap3A_1081], %swap3A_1084 {strides = array<i32>} : memref<128x128xf32, #tpu.memory_space<vmem>>, vector<1x16xf32>,
            %get3A_1085 = arith.index_cast %add3A_1005 : i32 to index
            %get3A_1086 = arith.constant 112 : index
            %get3A_1087 = tpu.vector_load %arg18[%get3A_1085, %get3A_1086] {strides = array<i32>} : memref<128x128xf32, #tpu.memory_space<vmem>>, vector<1x16xf32>,
            %get3A_1088 = vector.shape_cast %get3A_1087 : vector<1x16xf32> to vector<16xf32>
            %mul3A_1089 = vector.broadcast %squeeze3A_1007 : f32 to vector<16xf32>
            %mul3A_1090 = arith.mulf %get3A_1088, %mul3A_1089 : vector<16xf32>
            %swap3A_1091 = arith.index_cast %add3A_1005 : i32 to index
            %swap3A_1092 = arith.constant 112 : index
            %swap3A_1093 = tpu.vector_load %arg18[%swap3A_1091, %swap3A_1092] {strides = array<i32>} : memref<128x128xf32, #tpu.memory_space<vmem>>, vector<1x16xf32>,
            %swap3A_1094 = vector.shape_cast %swap3A_1093 : vector<1x16xf32> to vector<16xf32>
            %swap3A_1095 = vector.shape_cast %mul3A_1090 : vector<16xf32> to vector<1x16xf32>
            tpu.vector_store %arg18[%swap3A_1091, %swap3A_1092], %swap3A_1095 {strides = array<i32>} : memref<128x128xf32, #tpu.memory_space<vmem>>, vector<1x16xf32>,
            %mul3A_1096 = arith.constant 16 : i32
            %mul3A_1097 = arith.muli %add3A_59, %mul3A_1096 : i32
            %add3A_1098 = arith.constant 11 : i32
            %add3A_1099 = arith.addi %mul3A_1097, %add3A_1098 : i32
            %slice3A_1100 = vector.extract_strided_slice %get3A_64 {offsets = [11], sizes = [1], strides = [1]} : vector<16xf32> to vector<1xf32>
            %squeeze3A_1101 = vector.extract %slice3A_1100[0] : f32 from vector<1xf32>
            %get3A_1102 = arith.index_cast %add3A_1099 : i32 to index
            %get3A_1103 = arith.constant 0 : index
            %get3A_1104 = tpu.vector_load %arg18[%get3A_1102, %get3A_1103] {strides = array<i32>} : memref<128x128xf32, #tpu.memory_space<vmem>>, vector<1x16xf32>,
            %get3A_1105 = vector.shape_cast %get3A_1104 : vector<1x16xf32> to vector<16xf32>
            %mul3A_1106 = vector.broadcast %squeeze3A_1101 : f32 to vector<16xf32>
            %mul3A_1107 = arith.mulf %get3A_1105, %mul3A_1106 : vector<16xf32>
            %swap3A_1108 = arith.index_cast %add3A_1099 : i32 to index
            %swap3A_1109 = arith.constant 0 : index
            %swap3A_1110 = tpu.vector_load %arg18[%swap3A_1108, %swap3A_1109] {strides = array<i32>} : memref<128x128xf32, #tpu.memory_space<vmem>>, vector<1x16xf32>,
            %swap3A_1111 = vector.shape_cast %swap3A_1110 : vector<1x16xf32> to vector<16xf32>
            %swap3A_1112 = vector.shape_cast %mul3A_1107 : vector<16xf32> to vector<1x16xf32>
            tpu.vector_store %arg18[%swap3A_1108, %swap3A_1109], %swap3A_1112 {strides = array<i32>} : memref<128x128xf32, #tpu.memory_space<vmem>>, vector<1x16xf32>,
            %get3A_1113 = arith.index_cast %add3A_1099 : i32 to index
            %get3A_1114 = arith.constant 16 : index
            %get3A_1115 = tpu.vector_load %arg18[%get3A_1113, %get3A_1114] {strides = array<i32>} : memref<128x128xf32, #tpu.memory_space<vmem>>, vector<1x16xf32>,
            %get3A_1116 = vector.shape_cast %get3A_1115 : vector<1x16xf32> to vector<16xf32>
            %mul3A_1117 = vector.broadcast %squeeze3A_1101 : f32 to vector<16xf32>
            %mul3A_1118 = arith.mulf %get3A_1116, %mul3A_1117 : vector<16xf32>
            %swap3A_1119 = arith.index_cast %add3A_1099 : i32 to index
            %swap3A_1120 = arith.constant 16 : index
            %swap3A_1121 = tpu.vector_load %arg18[%swap3A_1119, %swap3A_1120] {strides = array<i32>} : memref<128x128xf32, #tpu.memory_space<vmem>>, vector<1x16xf32>,
            %swap3A_1122 = vector.shape_cast %swap3A_1121 : vector<1x16xf32> to vector<16xf32>
            %swap3A_1123 = vector.shape_cast %mul3A_1118 : vector<16xf32> to vector<1x16xf32>
            tpu.vector_store %arg18[%swap3A_1119, %swap3A_1120], %swap3A_1123 {strides = array<i32>} : memref<128x128xf32, #tpu.memory_space<vmem>>, vector<1x16xf32>,
            %get3A_1124 = arith.index_cast %add3A_1099 : i32 to index
            %get3A_1125 = arith.constant 32 : index
            %get3A_1126 = tpu.vector_load %arg18[%get3A_1124, %get3A_1125] {strides = array<i32>} : memref<128x128xf32, #tpu.memory_space<vmem>>, vector<1x16xf32>,
            %get3A_1127 = vector.shape_cast %get3A_1126 : vector<1x16xf32> to vector<16xf32>
            %mul3A_1128 = vector.broadcast %squeeze3A_1101 : f32 to vector<16xf32>
            %mul3A_1129 = arith.mulf %get3A_1127, %mul3A_1128 : vector<16xf32>
            %swap3A_1130 = arith.index_cast %add3A_1099 : i32 to index
            %swap3A_1131 = arith.constant 32 : index
            %swap3A_1132 = tpu.vector_load %arg18[%swap3A_1130, %swap3A_1131] {strides = array<i32>} : memref<128x128xf32, #tpu.memory_space<vmem>>, vector<1x16xf32>,
            %swap3A_1133 = vector.shape_cast %swap3A_1132 : vector<1x16xf32> to vector<16xf32>
            %swap3A_1134 = vector.shape_cast %mul3A_1129 : vector<16xf32> to vector<1x16xf32>
            tpu.vector_store %arg18[%swap3A_1130, %swap3A_1131], %swap3A_1134 {strides = array<i32>} : memref<128x128xf32, #tpu.memory_space<vmem>>, vector<1x16xf32>,
            %get3A_1135 = arith.index_cast %add3A_1099 : i32 to index
            %get3A_1136 = arith.constant 48 : index
            %get3A_1137 = tpu.vector_load %arg18[%get3A_1135, %get3A_1136] {strides = array<i32>} : memref<128x128xf32, #tpu.memory_space<vmem>>, vector<1x16xf32>,
            %get3A_1138 = vector.shape_cast %get3A_1137 : vector<1x16xf32> to vector<16xf32>
            %mul3A_1139 = vector.broadcast %squeeze3A_1101 : f32 to vector<16xf32>
            %mul3A_1140 = arith.mulf %get3A_1138, %mul3A_1139 : vector<16xf32>
            %swap3A_1141 = arith.index_cast %add3A_1099 : i32 to index
            %swap3A_1142 = arith.constant 48 : index
            %swap3A_1143 = tpu.vector_load %arg18[%swap3A_1141, %swap3A_1142] {strides = array<i32>} : memref<128x128xf32, #tpu.memory_space<vmem>>, vector<1x16xf32>,
            %swap3A_1144 = vector.shape_cast %swap3A_1143 : vector<1x16xf32> to vector<16xf32>
            %swap3A_1145 = vector.shape_cast %mul3A_1140 : vector<16xf32> to vector<1x16xf32>
            tpu.vector_store %arg18[%swap3A_1141, %swap3A_1142], %swap3A_1145 {strides = array<i32>} : memref<128x128xf32, #tpu.memory_space<vmem>>, vector<1x16xf32>,
            %get3A_1146 = arith.index_cast %add3A_1099 : i32 to index
            %get3A_1147 = arith.constant 64 : index
            %get3A_1148 = tpu.vector_load %arg18[%get3A_1146, %get3A_1147] {strides = array<i32>} : memref<128x128xf32, #tpu.memory_space<vmem>>, vector<1x16xf32>,
            %get3A_1149 = vector.shape_cast %get3A_1148 : vector<1x16xf32> to vector<16xf32>
            %mul3A_1150 = vector.broadcast %squeeze3A_1101 : f32 to vector<16xf32>
            %mul3A_1151 = arith.mulf %get3A_1149, %mul3A_1150 : vector<16xf32>
            %swap3A_1152 = arith.index_cast %add3A_1099 : i32 to index
            %swap3A_1153 = arith.constant 64 : index
            %swap3A_1154 = tpu.vector_load %arg18[%swap3A_1152, %swap3A_1153] {strides = array<i32>} : memref<128x128xf32, #tpu.memory_space<vmem>>, vector<1x16xf32>,
            %swap3A_1155 = vector.shape_cast %swap3A_1154 : vector<1x16xf32> to vector<16xf32>
            %swap3A_1156 = vector.shape_cast %mul3A_1151 : vector<16xf32> to vector<1x16xf32>
            tpu.vector_store %arg18[%swap3A_1152, %swap3A_1153], %swap3A_1156 {strides = array<i32>} : memref<128x128xf32, #tpu.memory_space<vmem>>, vector<1x16xf32>,
            %get3A_1157 = arith.index_cast %add3A_1099 : i32 to index
            %get3A_1158 = arith.constant 80 : index
            %get3A_1159 = tpu.vector_load %arg18[%get3A_1157, %get3A_1158] {strides = array<i32>} : memref<128x128xf32, #tpu.memory_space<vmem>>, vector<1x16xf32>,
            %get3A_1160 = vector.shape_cast %get3A_1159 : vector<1x16xf32> to vector<16xf32>
            %mul3A_1161 = vector.broadcast %squeeze3A_1101 : f32 to vector<16xf32>
            %mul3A_1162 = arith.mulf %get3A_1160, %mul3A_1161 : vector<16xf32>
            %swap3A_1163 = arith.index_cast %add3A_1099 : i32 to index
            %swap3A_1164 = arith.constant 80 : index
            %swap3A_1165 = tpu.vector_load %arg18[%swap3A_1163, %swap3A_1164] {strides = array<i32>} : memref<128x128xf32, #tpu.memory_space<vmem>>, vector<1x16xf32>,
            %swap3A_1166 = vector.shape_cast %swap3A_1165 : vector<1x16xf32> to vector<16xf32>
            %swap3A_1167 = vector.shape_cast %mul3A_1162 : vector<16xf32> to vector<1x16xf32>
            tpu.vector_store %arg18[%swap3A_1163, %swap3A_1164], %swap3A_1167 {strides = array<i32>} : memref<128x128xf32, #tpu.memory_space<vmem>>, vector<1x16xf32>,
            %get3A_1168 = arith.index_cast %add3A_1099 : i32 to index
            %get3A_1169 = arith.constant 96 : index
            %get3A_1170 = tpu.vector_load %arg18[%get3A_1168, %get3A_1169] {strides = array<i32>} : memref<128x128xf32, #tpu.memory_space<vmem>>, vector<1x16xf32>,
            %get3A_1171 = vector.shape_cast %get3A_1170 : vector<1x16xf32> to vector<16xf32>
            %mul3A_1172 = vector.broadcast %squeeze3A_1101 : f32 to vector<16xf32>
            %mul3A_1173 = arith.mulf %get3A_1171, %mul3A_1172 : vector<16xf32>
            %swap3A_1174 = arith.index_cast %add3A_1099 : i32 to index
            %swap3A_1175 = arith.constant 96 : index
            %swap3A_1176 = tpu.vector_load %arg18[%swap3A_1174, %swap3A_1175] {strides = array<i32>} : memref<128x128xf32, #tpu.memory_space<vmem>>, vector<1x16xf32>,
            %swap3A_1177 = vector.shape_cast %swap3A_1176 : vector<1x16xf32> to vector<16xf32>
            %swap3A_1178 = vector.shape_cast %mul3A_1173 : vector<16xf32> to vector<1x16xf32>
            tpu.vector_store %arg18[%swap3A_1174, %swap3A_1175], %swap3A_1178 {strides = array<i32>} : memref<128x128xf32, #tpu.memory_space<vmem>>, vector<1x16xf32>,
            %get3A_1179 = arith.index_cast %add3A_1099 : i32 to index
            %get3A_1180 = arith.constant 112 : index
            %get3A_1181 = tpu.vector_load %arg18[%get3A_1179, %get3A_1180] {strides = array<i32>} : memref<128x128xf32, #tpu.memory_space<vmem>>, vector<1x16xf32>,
            %get3A_1182 = vector.shape_cast %get3A_1181 : vector<1x16xf32> to vector<16xf32>
            %mul3A_1183 = vector.broadcast %squeeze3A_1101 : f32 to vector<16xf32>
            %mul3A_1184 = arith.mulf %get3A_1182, %mul3A_1183 : vector<16xf32>
            %swap3A_1185 = arith.index_cast %add3A_1099 : i32 to index
            %swap3A_1186 = arith.constant 112 : index
            %swap3A_1187 = tpu.vector_load %arg18[%swap3A_1185, %swap3A_1186] {strides = array<i32>} : memref<128x128xf32, #tpu.memory_space<vmem>>, vector<1x16xf32>,
            %swap3A_1188 = vector.shape_cast %swap3A_1187 : vector<1x16xf32> to vector<16xf32>
            %swap3A_1189 = vector.shape_cast %mul3A_1184 : vector<16xf32> to vector<1x16xf32>
            tpu.vector_store %arg18[%swap3A_1185, %swap3A_1186], %swap3A_1189 {strides = array<i32>} : memref<128x128xf32, #tpu.memory_space<vmem>>, vector<1x16xf32>,
            %mul3A_1190 = arith.constant 16 : i32
            %mul3A_1191 = arith.muli %add3A_59, %mul3A_1190 : i32
            %add3A_1192 = arith.constant 12 : i32
            %add3A_1193 = arith.addi %mul3A_1191, %add3A_1192 : i32
            %slice3A_1194 = vector.extract_strided_slice %get3A_64 {offsets = [12], sizes = [1], strides = [1]} : vector<16xf32> to vector<1xf32>
            %squeeze3A_1195 = vector.extract %slice3A_1194[0] : f32 from vector<1xf32>
            %get3A_1196 = arith.index_cast %add3A_1193 : i32 to index
            %get3A_1197 = arith.constant 0 : index
            %get3A_1198 = tpu.vector_load %arg18[%get3A_1196, %get3A_1197] {strides = array<i32>} : memref<128x128xf32, #tpu.memory_space<vmem>>, vector<1x16xf32>,
            %get3A_1199 = vector.shape_cast %get3A_1198 : vector<1x16xf32> to vector<16xf32>
            %mul3A_1200 = vector.broadcast %squeeze3A_1195 : f32 to vector<16xf32>
            %mul3A_1201 = arith.mulf %get3A_1199, %mul3A_1200 : vector<16xf32>
            %swap3A_1202 = arith.index_cast %add3A_1193 : i32 to index
            %swap3A_1203 = arith.constant 0 : index
            %swap3A_1204 = tpu.vector_load %arg18[%swap3A_1202, %swap3A_1203] {strides = array<i32>} : memref<128x128xf32, #tpu.memory_space<vmem>>, vector<1x16xf32>,
            %swap3A_1205 = vector.shape_cast %swap3A_1204 : vector<1x16xf32> to vector<16xf32>
            %swap3A_1206 = vector.shape_cast %mul3A_1201 : vector<16xf32> to vector<1x16xf32>
            tpu.vector_store %arg18[%swap3A_1202, %swap3A_1203], %swap3A_1206 {strides = array<i32>} : memref<128x128xf32, #tpu.memory_space<vmem>>, vector<1x16xf32>,
            %get3A_1207 = arith.index_cast %add3A_1193 : i32 to index
            %get3A_1208 = arith.constant 16 : index
            %get3A_1209 = tpu.vector_load %arg18[%get3A_1207, %get3A_1208] {strides = array<i32>} : memref<128x128xf32, #tpu.memory_space<vmem>>, vector<1x16xf32>,
            %get3A_1210 = vector.shape_cast %get3A_1209 : vector<1x16xf32> to vector<16xf32>
            %mul3A_1211 = vector.broadcast %squeeze3A_1195 : f32 to vector<16xf32>
            %mul3A_1212 = arith.mulf %get3A_1210, %mul3A_1211 : vector<16xf32>
            %swap3A_1213 = arith.index_cast %add3A_1193 : i32 to index
            %swap3A_1214 = arith.constant 16 : index
            %swap3A_1215 = tpu.vector_load %arg18[%swap3A_1213, %swap3A_1214] {strides = array<i32>} : memref<128x128xf32, #tpu.memory_space<vmem>>, vector<1x16xf32>,
            %swap3A_1216 = vector.shape_cast %swap3A_1215 : vector<1x16xf32> to vector<16xf32>
            %swap3A_1217 = vector.shape_cast %mul3A_1212 : vector<16xf32> to vector<1x16xf32>
            tpu.vector_store %arg18[%swap3A_1213, %swap3A_1214], %swap3A_1217 {strides = array<i32>} : memref<128x128xf32, #tpu.memory_space<vmem>>, vector<1x16xf32>,
            %get3A_1218 = arith.index_cast %add3A_1193 : i32 to index
            %get3A_1219 = arith.constant 32 : index
            %get3A_1220 = tpu.vector_load %arg18[%get3A_1218, %get3A_1219] {strides = array<i32>} : memref<128x128xf32, #tpu.memory_space<vmem>>, vector<1x16xf32>,
            %get3A_1221 = vector.shape_cast %get3A_1220 : vector<1x16xf32> to vector<16xf32>
            %mul3A_1222 = vector.broadcast %squeeze3A_1195 : f32 to vector<16xf32>
            %mul3A_1223 = arith.mulf %get3A_1221, %mul3A_1222 : vector<16xf32>
            %swap3A_1224 = arith.index_cast %add3A_1193 : i32 to index
            %swap3A_1225 = arith.constant 32 : index
            %swap3A_1226 = tpu.vector_load %arg18[%swap3A_1224, %swap3A_1225] {strides = array<i32>} : memref<128x128xf32, #tpu.memory_space<vmem>>, vector<1x16xf32>,
            %swap3A_1227 = vector.shape_cast %swap3A_1226 : vector<1x16xf32> to vector<16xf32>
            %swap3A_1228 = vector.shape_cast %mul3A_1223 : vector<16xf32> to vector<1x16xf32>
            tpu.vector_store %arg18[%swap3A_1224, %swap3A_1225], %swap3A_1228 {strides = array<i32>} : memref<128x128xf32, #tpu.memory_space<vmem>>, vector<1x16xf32>,
            %get3A_1229 = arith.index_cast %add3A_1193 : i32 to index
            %get3A_1230 = arith.constant 48 : index
            %get3A_1231 = tpu.vector_load %arg18[%get3A_1229, %get3A_1230] {strides = array<i32>} : memref<128x128xf32, #tpu.memory_space<vmem>>, vector<1x16xf32>,
            %get3A_1232 = vector.shape_cast %get3A_1231 : vector<1x16xf32> to vector<16xf32>
            %mul3A_1233 = vector.broadcast %squeeze3A_1195 : f32 to vector<16xf32>
            %mul3A_1234 = arith.mulf %get3A_1232, %mul3A_1233 : vector<16xf32>
            %swap3A_1235 = arith.index_cast %add3A_1193 : i32 to index
            %swap3A_1236 = arith.constant 48 : index
            %swap3A_1237 = tpu.vector_load %arg18[%swap3A_1235, %swap3A_1236] {strides = array<i32>} : memref<128x128xf32, #tpu.memory_space<vmem>>, vector<1x16xf32>,
            %swap3A_1238 = vector.shape_cast %swap3A_1237 : vector<1x16xf32> to vector<16xf32>
            %swap3A_1239 = vector.shape_cast %mul3A_1234 : vector<16xf32> to vector<1x16xf32>
            tpu.vector_store %arg18[%swap3A_1235, %swap3A_1236], %swap3A_1239 {strides = array<i32>} : memref<128x128xf32, #tpu.memory_space<vmem>>, vector<1x16xf32>,
            %get3A_1240 = arith.index_cast %add3A_1193 : i32 to index
            %get3A_1241 = arith.constant 64 : index
            %get3A_1242 = tpu.vector_load %arg18[%get3A_1240, %get3A_1241] {strides = array<i32>} : memref<128x128xf32, #tpu.memory_space<vmem>>, vector<1x16xf32>,
            %get3A_1243 = vector.shape_cast %get3A_1242 : vector<1x16xf32> to vector<16xf32>
            %mul3A_1244 = vector.broadcast %squeeze3A_1195 : f32 to vector<16xf32>
            %mul3A_1245 = arith.mulf %get3A_1243, %mul3A_1244 : vector<16xf32>
            %swap3A_1246 = arith.index_cast %add3A_1193 : i32 to index
            %swap3A_1247 = arith.constant 64 : index
            %swap3A_1248 = tpu.vector_load %arg18[%swap3A_1246, %swap3A_1247] {strides = array<i32>} : memref<128x128xf32, #tpu.memory_space<vmem>>, vector<1x16xf32>,
            %swap3A_1249 = vector.shape_cast %swap3A_1248 : vector<1x16xf32> to vector<16xf32>
            %swap3A_1250 = vector.shape_cast %mul3A_1245 : vector<16xf32> to vector<1x16xf32>
            tpu.vector_store %arg18[%swap3A_1246, %swap3A_1247], %swap3A_1250 {strides = array<i32>} : memref<128x128xf32, #tpu.memory_space<vmem>>, vector<1x16xf32>,
            %get3A_1251 = arith.index_cast %add3A_1193 : i32 to index
            %get3A_1252 = arith.constant 80 : index
            %get3A_1253 = tpu.vector_load %arg18[%get3A_1251, %get3A_1252] {strides = array<i32>} : memref<128x128xf32, #tpu.memory_space<vmem>>, vector<1x16xf32>,
            %get3A_1254 = vector.shape_cast %get3A_1253 : vector<1x16xf32> to vector<16xf32>
            %mul3A_1255 = vector.broadcast %squeeze3A_1195 : f32 to vector<16xf32>
            %mul3A_1256 = arith.mulf %get3A_1254, %mul3A_1255 : vector<16xf32>
            %swap3A_1257 = arith.index_cast %add3A_1193 : i32 to index
            %swap3A_1258 = arith.constant 80 : index
            %swap3A_1259 = tpu.vector_load %arg18[%swap3A_1257, %swap3A_1258] {strides = array<i32>} : memref<128x128xf32, #tpu.memory_space<vmem>>, vector<1x16xf32>,
            %swap3A_1260 = vector.shape_cast %swap3A_1259 : vector<1x16xf32> to vector<16xf32>
            %swap3A_1261 = vector.shape_cast %mul3A_1256 : vector<16xf32> to vector<1x16xf32>
            tpu.vector_store %arg18[%swap3A_1257, %swap3A_1258], %swap3A_1261 {strides = array<i32>} : memref<128x128xf32, #tpu.memory_space<vmem>>, vector<1x16xf32>,
            %get3A_1262 = arith.index_cast %add3A_1193 : i32 to index
            %get3A_1263 = arith.constant 96 : index
            %get3A_1264 = tpu.vector_load %arg18[%get3A_1262, %get3A_1263] {strides = array<i32>} : memref<128x128xf32, #tpu.memory_space<vmem>>, vector<1x16xf32>,
            %get3A_1265 = vector.shape_cast %get3A_1264 : vector<1x16xf32> to vector<16xf32>
            %mul3A_1266 = vector.broadcast %squeeze3A_1195 : f32 to vector<16xf32>
            %mul3A_1267 = arith.mulf %get3A_1265, %mul3A_1266 : vector<16xf32>
            %swap3A_1268 = arith.index_cast %add3A_1193 : i32 to index
            %swap3A_1269 = arith.constant 96 : index
            %swap3A_1270 = tpu.vector_load %arg18[%swap3A_1268, %swap3A_1269] {strides = array<i32>} : memref<128x128xf32, #tpu.memory_space<vmem>>, vector<1x16xf32>,
            %swap3A_1271 = vector.shape_cast %swap3A_1270 : vector<1x16xf32> to vector<16xf32>
            %swap3A_1272 = vector.shape_cast %mul3A_1267 : vector<16xf32> to vector<1x16xf32>
            tpu.vector_store %arg18[%swap3A_1268, %swap3A_1269], %swap3A_1272 {strides = array<i32>} : memref<128x128xf32, #tpu.memory_space<vmem>>, vector<1x16xf32>,
            %get3A_1273 = arith.index_cast %add3A_1193 : i32 to index
            %get3A_1274 = arith.constant 112 : index
            %get3A_1275 = tpu.vector_load %arg18[%get3A_1273, %get3A_1274] {strides = array<i32>} : memref<128x128xf32, #tpu.memory_space<vmem>>, vector<1x16xf32>,
            %get3A_1276 = vector.shape_cast %get3A_1275 : vector<1x16xf32> to vector<16xf32>
            %mul3A_1277 = vector.broadcast %squeeze3A_1195 : f32 to vector<16xf32>
            %mul3A_1278 = arith.mulf %get3A_1276, %mul3A_1277 : vector<16xf32>
            %swap3A_1279 = arith.index_cast %add3A_1193 : i32 to index
            %swap3A_1280 = arith.constant 112 : index
            %swap3A_1281 = tpu.vector_load %arg18[%swap3A_1279, %swap3A_1280] {strides = array<i32>} : memref<128x128xf32, #tpu.memory_space<vmem>>, vector<1x16xf32>,
            %swap3A_1282 = vector.shape_cast %swap3A_1281 : vector<1x16xf32> to vector<16xf32>
            %swap3A_1283 = vector.shape_cast %mul3A_1278 : vector<16xf32> to vector<1x16xf32>
            tpu.vector_store %arg18[%swap3A_1279, %swap3A_1280], %swap3A_1283 {strides = array<i32>} : memref<128x128xf32, #tpu.memory_space<vmem>>, vector<1x16xf32>,
            %mul3A_1284 = arith.constant 16 : i32
            %mul3A_1285 = arith.muli %add3A_59, %mul3A_1284 : i32
            %add3A_1286 = arith.constant 13 : i32
            %add3A_1287 = arith.addi %mul3A_1285, %add3A_1286 : i32
            %slice3A_1288 = vector.extract_strided_slice %get3A_64 {offsets = [13], sizes = [1], strides = [1]} : vector<16xf32> to vector<1xf32>
            %squeeze3A_1289 = vector.extract %slice3A_1288[0] : f32 from vector<1xf32>
            %get3A_1290 = arith.index_cast %add3A_1287 : i32 to index
            %get3A_1291 = arith.constant 0 : index
            %get3A_1292 = tpu.vector_load %arg18[%get3A_1290, %get3A_1291] {strides = array<i32>} : memref<128x128xf32, #tpu.memory_space<vmem>>, vector<1x16xf32>,
            %get3A_1293 = vector.shape_cast %get3A_1292 : vector<1x16xf32> to vector<16xf32>
            %mul3A_1294 = vector.broadcast %squeeze3A_1289 : f32 to vector<16xf32>
            %mul3A_1295 = arith.mulf %get3A_1293, %mul3A_1294 : vector<16xf32>
            %swap3A_1296 = arith.index_cast %add3A_1287 : i32 to index
            %swap3A_1297 = arith.constant 0 : index
            %swap3A_1298 = tpu.vector_load %arg18[%swap3A_1296, %swap3A_1297] {strides = array<i32>} : memref<128x128xf32, #tpu.memory_space<vmem>>, vector<1x16xf32>,
            %swap3A_1299 = vector.shape_cast %swap3A_1298 : vector<1x16xf32> to vector<16xf32>
            %swap3A_1300 = vector.shape_cast %mul3A_1295 : vector<16xf32> to vector<1x16xf32>
            tpu.vector_store %arg18[%swap3A_1296, %swap3A_1297], %swap3A_1300 {strides = array<i32>} : memref<128x128xf32, #tpu.memory_space<vmem>>, vector<1x16xf32>,
            %get3A_1301 = arith.index_cast %add3A_1287 : i32 to index
            %get3A_1302 = arith.constant 16 : index
            %get3A_1303 = tpu.vector_load %arg18[%get3A_1301, %get3A_1302] {strides = array<i32>} : memref<128x128xf32, #tpu.memory_space<vmem>>, vector<1x16xf32>,
            %get3A_1304 = vector.shape_cast %get3A_1303 : vector<1x16xf32> to vector<16xf32>
            %mul3A_1305 = vector.broadcast %squeeze3A_1289 : f32 to vector<16xf32>
            %mul3A_1306 = arith.mulf %get3A_1304, %mul3A_1305 : vector<16xf32>
            %swap3A_1307 = arith.index_cast %add3A_1287 : i32 to index
            %swap3A_1308 = arith.constant 16 : index
            %swap3A_1309 = tpu.vector_load %arg18[%swap3A_1307, %swap3A_1308] {strides = array<i32>} : memref<128x128xf32, #tpu.memory_space<vmem>>, vector<1x16xf32>,
            %swap3A_1310 = vector.shape_cast %swap3A_1309 : vector<1x16xf32> to vector<16xf32>
            %swap3A_1311 = vector.shape_cast %mul3A_1306 : vector<16xf32> to vector<1x16xf32>
            tpu.vector_store %arg18[%swap3A_1307, %swap3A_1308], %swap3A_1311 {strides = array<i32>} : memref<128x128xf32, #tpu.memory_space<vmem>>, vector<1x16xf32>,
            %get3A_1312 = arith.index_cast %add3A_1287 : i32 to index
            %get3A_1313 = arith.constant 32 : index
            %get3A_1314 = tpu.vector_load %arg18[%get3A_1312, %get3A_1313] {strides = array<i32>} : memref<128x128xf32, #tpu.memory_space<vmem>>, vector<1x16xf32>,
            %get3A_1315 = vector.shape_cast %get3A_1314 : vector<1x16xf32> to vector<16xf32>
            %mul3A_1316 = vector.broadcast %squeeze3A_1289 : f32 to vector<16xf32>
            %mul3A_1317 = arith.mulf %get3A_1315, %mul3A_1316 : vector<16xf32>
            %swap3A_1318 = arith.index_cast %add3A_1287 : i32 to index
            %swap3A_1319 = arith.constant 32 : index
            %swap3A_1320 = tpu.vector_load %arg18[%swap3A_1318, %swap3A_1319] {strides = array<i32>} : memref<128x128xf32, #tpu.memory_space<vmem>>, vector<1x16xf32>,
            %swap3A_1321 = vector.shape_cast %swap3A_1320 : vector<1x16xf32> to vector<16xf32>
            %swap3A_1322 = vector.shape_cast %mul3A_1317 : vector<16xf32> to vector<1x16xf32>
            tpu.vector_store %arg18[%swap3A_1318, %swap3A_1319], %swap3A_1322 {strides = array<i32>} : memref<128x128xf32, #tpu.memory_space<vmem>>, vector<1x16xf32>,
            %get3A_1323 = arith.index_cast %add3A_1287 : i32 to index
            %get3A_1324 = arith.constant 48 : index
            %get3A_1325 = tpu.vector_load %arg18[%get3A_1323, %get3A_1324] {strides = array<i32>} : memref<128x128xf32, #tpu.memory_space<vmem>>, vector<1x16xf32>,
            %get3A_1326 = vector.shape_cast %get3A_1325 : vector<1x16xf32> to vector<16xf32>
            %mul3A_1327 = vector.broadcast %squeeze3A_1289 : f32 to vector<16xf32>
            %mul3A_1328 = arith.mulf %get3A_1326, %mul3A_1327 : vector<16xf32>
            %swap3A_1329 = arith.index_cast %add3A_1287 : i32 to index
            %swap3A_1330 = arith.constant 48 : index
            %swap3A_1331 = tpu.vector_load %arg18[%swap3A_1329, %swap3A_1330] {strides = array<i32>} : memref<128x128xf32, #tpu.memory_space<vmem>>, vector<1x16xf32>,
            %swap3A_1332 = vector.shape_cast %swap3A_1331 : vector<1x16xf32> to vector<16xf32>
            %swap3A_1333 = vector.shape_cast %mul3A_1328 : vector<16xf32> to vector<1x16xf32>
            tpu.vector_store %arg18[%swap3A_1329, %swap3A_1330], %swap3A_1333 {strides = array<i32>} : memref<128x128xf32, #tpu.memory_space<vmem>>, vector<1x16xf32>,
            %get3A_1334 = arith.index_cast %add3A_1287 : i32 to index
            %get3A_1335 = arith.constant 64 : index
            %get3A_1336 = tpu.vector_load %arg18[%get3A_1334, %get3A_1335] {strides = array<i32>} : memref<128x128xf32, #tpu.memory_space<vmem>>, vector<1x16xf32>,
            %get3A_1337 = vector.shape_cast %get3A_1336 : vector<1x16xf32> to vector<16xf32>
            %mul3A_1338 = vector.broadcast %squeeze3A_1289 : f32 to vector<16xf32>
            %mul3A_1339 = arith.mulf %get3A_1337, %mul3A_1338 : vector<16xf32>
            %swap3A_1340 = arith.index_cast %add3A_1287 : i32 to index
            %swap3A_1341 = arith.constant 64 : index
            %swap3A_1342 = tpu.vector_load %arg18[%swap3A_1340, %swap3A_1341] {strides = array<i32>} : memref<128x128xf32, #tpu.memory_space<vmem>>, vector<1x16xf32>,
            %swap3A_1343 = vector.shape_cast %swap3A_1342 : vector<1x16xf32> to vector<16xf32>
            %swap3A_1344 = vector.shape_cast %mul3A_1339 : vector<16xf32> to vector<1x16xf32>
            tpu.vector_store %arg18[%swap3A_1340, %swap3A_1341], %swap3A_1344 {strides = array<i32>} : memref<128x128xf32, #tpu.memory_space<vmem>>, vector<1x16xf32>,
            %get3A_1345 = arith.index_cast %add3A_1287 : i32 to index
            %get3A_1346 = arith.constant 80 : index
            %get3A_1347 = tpu.vector_load %arg18[%get3A_1345, %get3A_1346] {strides = array<i32>} : memref<128x128xf32, #tpu.memory_space<vmem>>, vector<1x16xf32>,
            %get3A_1348 = vector.shape_cast %get3A_1347 : vector<1x16xf32> to vector<16xf32>
            %mul3A_1349 = vector.broadcast %squeeze3A_1289 : f32 to vector<16xf32>
            %mul3A_1350 = arith.mulf %get3A_1348, %mul3A_1349 : vector<16xf32>
            %swap3A_1351 = arith.index_cast %add3A_1287 : i32 to index
            %swap3A_1352 = arith.constant 80 : index
            %swap3A_1353 = tpu.vector_load %arg18[%swap3A_1351, %swap3A_1352] {strides = array<i32>} : memref<128x128xf32, #tpu.memory_space<vmem>>, vector<1x16xf32>,
            %swap3A_1354 = vector.shape_cast %swap3A_1353 : vector<1x16xf32> to vector<16xf32>
            %swap3A_1355 = vector.shape_cast %mul3A_1350 : vector<16xf32> to vector<1x16xf32>
            tpu.vector_store %arg18[%swap3A_1351, %swap3A_1352], %swap3A_1355 {strides = array<i32>} : memref<128x128xf32, #tpu.memory_space<vmem>>, vector<1x16xf32>,
            %get3A_1356 = arith.index_cast %add3A_1287 : i32 to index
            %get3A_1357 = arith.constant 96 : index
            %get3A_1358 = tpu.vector_load %arg18[%get3A_1356, %get3A_1357] {strides = array<i32>} : memref<128x128xf32, #tpu.memory_space<vmem>>, vector<1x16xf32>,
            %get3A_1359 = vector.shape_cast %get3A_1358 : vector<1x16xf32> to vector<16xf32>
            %mul3A_1360 = vector.broadcast %squeeze3A_1289 : f32 to vector<16xf32>
            %mul3A_1361 = arith.mulf %get3A_1359, %mul3A_1360 : vector<16xf32>
            %swap3A_1362 = arith.index_cast %add3A_1287 : i32 to index
            %swap3A_1363 = arith.constant 96 : index
            %swap3A_1364 = tpu.vector_load %arg18[%swap3A_1362, %swap3A_1363] {strides = array<i32>} : memref<128x128xf32, #tpu.memory_space<vmem>>, vector<1x16xf32>,
            %swap3A_1365 = vector.shape_cast %swap3A_1364 : vector<1x16xf32> to vector<16xf32>
            %swap3A_1366 = vector.shape_cast %mul3A_1361 : vector<16xf32> to vector<1x16xf32>
            tpu.vector_store %arg18[%swap3A_1362, %swap3A_1363], %swap3A_1366 {strides = array<i32>} : memref<128x128xf32, #tpu.memory_space<vmem>>, vector<1x16xf32>,
            %get3A_1367 = arith.index_cast %add3A_1287 : i32 to index
            %get3A_1368 = arith.constant 112 : index
            %get3A_1369 = tpu.vector_load %arg18[%get3A_1367, %get3A_1368] {strides = array<i32>} : memref<128x128xf32, #tpu.memory_space<vmem>>, vector<1x16xf32>,
            %get3A_1370 = vector.shape_cast %get3A_1369 : vector<1x16xf32> to vector<16xf32>
            %mul3A_1371 = vector.broadcast %squeeze3A_1289 : f32 to vector<16xf32>
            %mul3A_1372 = arith.mulf %get3A_1370, %mul3A_1371 : vector<16xf32>
            %swap3A_1373 = arith.index_cast %add3A_1287 : i32 to index
            %swap3A_1374 = arith.constant 112 : index
            %swap3A_1375 = tpu.vector_load %arg18[%swap3A_1373, %swap3A_1374] {strides = array<i32>} : memref<128x128xf32, #tpu.memory_space<vmem>>, vector<1x16xf32>,
            %swap3A_1376 = vector.shape_cast %swap3A_1375 : vector<1x16xf32> to vector<16xf32>
            %swap3A_1377 = vector.shape_cast %mul3A_1372 : vector<16xf32> to vector<1x16xf32>
            tpu.vector_store %arg18[%swap3A_1373, %swap3A_1374], %swap3A_1377 {strides = array<i32>} : memref<128x128xf32, #tpu.memory_space<vmem>>, vector<1x16xf32>,
            %mul3A_1378 = arith.constant 16 : i32
            %mul3A_1379 = arith.muli %add3A_59, %mul3A_1378 : i32
            %add3A_1380 = arith.constant 14 : i32
            %add3A_1381 = arith.addi %mul3A_1379, %add3A_1380 : i32
            %slice3A_1382 = vector.extract_strided_slice %get3A_64 {offsets = [14], sizes = [1], strides = [1]} : vector<16xf32> to vector<1xf32>
            %squeeze3A_1383 = vector.extract %slice3A_1382[0] : f32 from vector<1xf32>
            %get3A_1384 = arith.index_cast %add3A_1381 : i32 to index
            %get3A_1385 = arith.constant 0 : index
            %get3A_1386 = tpu.vector_load %arg18[%get3A_1384, %get3A_1385] {strides = array<i32>} : memref<128x128xf32, #tpu.memory_space<vmem>>, vector<1x16xf32>,
            %get3A_1387 = vector.shape_cast %get3A_1386 : vector<1x16xf32> to vector<16xf32>
            %mul3A_1388 = vector.broadcast %squeeze3A_1383 : f32 to vector<16xf32>
            %mul3A_1389 = arith.mulf %get3A_1387, %mul3A_1388 : vector<16xf32>
            %swap3A_1390 = arith.index_cast %add3A_1381 : i32 to index
            %swap3A_1391 = arith.constant 0 : index
            %swap3A_1392 = tpu.vector_load %arg18[%swap3A_1390, %swap3A_1391] {strides = array<i32>} : memref<128x128xf32, #tpu.memory_space<vmem>>, vector<1x16xf32>,
            %swap3A_1393 = vector.shape_cast %swap3A_1392 : vector<1x16xf32> to vector<16xf32>
            %swap3A_1394 = vector.shape_cast %mul3A_1389 : vector<16xf32> to vector<1x16xf32>
            tpu.vector_store %arg18[%swap3A_1390, %swap3A_1391], %swap3A_1394 {strides = array<i32>} : memref<128x128xf32, #tpu.memory_space<vmem>>, vector<1x16xf32>,
            %get3A_1395 = arith.index_cast %add3A_1381 : i32 to index
            %get3A_1396 = arith.constant 16 : index
            %get3A_1397 = tpu.vector_load %arg18[%get3A_1395, %get3A_1396] {strides = array<i32>} : memref<128x128xf32, #tpu.memory_space<vmem>>, vector<1x16xf32>,
            %get3A_1398 = vector.shape_cast %get3A_1397 : vector<1x16xf32> to vector<16xf32>
            %mul3A_1399 = vector.broadcast %squeeze3A_1383 : f32 to vector<16xf32>
            %mul3A_1400 = arith.mulf %get3A_1398, %mul3A_1399 : vector<16xf32>
            %swap3A_1401 = arith.index_cast %add3A_1381 : i32 to index
            %swap3A_1402 = arith.constant 16 : index
            %swap3A_1403 = tpu.vector_load %arg18[%swap3A_1401, %swap3A_1402] {strides = array<i32>} : memref<128x128xf32, #tpu.memory_space<vmem>>, vector<1x16xf32>,
            %swap3A_1404 = vector.shape_cast %swap3A_1403 : vector<1x16xf32> to vector<16xf32>
            %swap3A_1405 = vector.shape_cast %mul3A_1400 : vector<16xf32> to vector<1x16xf32>
            tpu.vector_store %arg18[%swap3A_1401, %swap3A_1402], %swap3A_1405 {strides = array<i32>} : memref<128x128xf32, #tpu.memory_space<vmem>>, vector<1x16xf32>,
            %get3A_1406 = arith.index_cast %add3A_1381 : i32 to index
            %get3A_1407 = arith.constant 32 : index
            %get3A_1408 = tpu.vector_load %arg18[%get3A_1406, %get3A_1407] {strides = array<i32>} : memref<128x128xf32, #tpu.memory_space<vmem>>, vector<1x16xf32>,
            %get3A_1409 = vector.shape_cast %get3A_1408 : vector<1x16xf32> to vector<16xf32>
            %mul3A_1410 = vector.broadcast %squeeze3A_1383 : f32 to vector<16xf32>
            %mul3A_1411 = arith.mulf %get3A_1409, %mul3A_1410 : vector<16xf32>
            %swap3A_1412 = arith.index_cast %add3A_1381 : i32 to index
            %swap3A_1413 = arith.constant 32 : index
            %swap3A_1414 = tpu.vector_load %arg18[%swap3A_1412, %swap3A_1413] {strides = array<i32>} : memref<128x128xf32, #tpu.memory_space<vmem>>, vector<1x16xf32>,
            %swap3A_1415 = vector.shape_cast %swap3A_1414 : vector<1x16xf32> to vector<16xf32>
            %swap3A_1416 = vector.shape_cast %mul3A_1411 : vector<16xf32> to vector<1x16xf32>
            tpu.vector_store %arg18[%swap3A_1412, %swap3A_1413], %swap3A_1416 {strides = array<i32>} : memref<128x128xf32, #tpu.memory_space<vmem>>, vector<1x16xf32>,
            %get3A_1417 = arith.index_cast %add3A_1381 : i32 to index
            %get3A_1418 = arith.constant 48 : index
            %get3A_1419 = tpu.vector_load %arg18[%get3A_1417, %get3A_1418] {strides = array<i32>} : memref<128x128xf32, #tpu.memory_space<vmem>>, vector<1x16xf32>,
            %get3A_1420 = vector.shape_cast %get3A_1419 : vector<1x16xf32> to vector<16xf32>
            %mul3A_1421 = vector.broadcast %squeeze3A_1383 : f32 to vector<16xf32>
            %mul3A_1422 = arith.mulf %get3A_1420, %mul3A_1421 : vector<16xf32>
            %swap3A_1423 = arith.index_cast %add3A_1381 : i32 to index
            %swap3A_1424 = arith.constant 48 : index
            %swap3A_1425 = tpu.vector_load %arg18[%swap3A_1423, %swap3A_1424] {strides = array<i32>} : memref<128x128xf32, #tpu.memory_space<vmem>>, vector<1x16xf32>,
            %swap3A_1426 = vector.shape_cast %swap3A_1425 : vector<1x16xf32> to vector<16xf32>
            %swap3A_1427 = vector.shape_cast %mul3A_1422 : vector<16xf32> to vector<1x16xf32>
            tpu.vector_store %arg18[%swap3A_1423, %swap3A_1424], %swap3A_1427 {strides = array<i32>} : memref<128x128xf32, #tpu.memory_space<vmem>>, vector<1x16xf32>,
            %get3A_1428 = arith.index_cast %add3A_1381 : i32 to index
            %get3A_1429 = arith.constant 64 : index
            %get3A_1430 = tpu.vector_load %arg18[%get3A_1428, %get3A_1429] {strides = array<i32>} : memref<128x128xf32, #tpu.memory_space<vmem>>, vector<1x16xf32>,
            %get3A_1431 = vector.shape_cast %get3A_1430 : vector<1x16xf32> to vector<16xf32>
            %mul3A_1432 = vector.broadcast %squeeze3A_1383 : f32 to vector<16xf32>
            %mul3A_1433 = arith.mulf %get3A_1431, %mul3A_1432 : vector<16xf32>
            %swap3A_1434 = arith.index_cast %add3A_1381 : i32 to index
            %swap3A_1435 = arith.constant 64 : index
            %swap3A_1436 = tpu.vector_load %arg18[%swap3A_1434, %swap3A_1435] {strides = array<i32>} : memref<128x128xf32, #tpu.memory_space<vmem>>, vector<1x16xf32>,
            %swap3A_1437 = vector.shape_cast %swap3A_1436 : vector<1x16xf32> to vector<16xf32>
            %swap3A_1438 = vector.shape_cast %mul3A_1433 : vector<16xf32> to vector<1x16xf32>
            tpu.vector_store %arg18[%swap3A_1434, %swap3A_1435], %swap3A_1438 {strides = array<i32>} : memref<128x128xf32, #tpu.memory_space<vmem>>, vector<1x16xf32>,
            %get3A_1439 = arith.index_cast %add3A_1381 : i32 to index
            %get3A_1440 = arith.constant 80 : index
            %get3A_1441 = tpu.vector_load %arg18[%get3A_1439, %get3A_1440] {strides = array<i32>} : memref<128x128xf32, #tpu.memory_space<vmem>>, vector<1x16xf32>,
            %get3A_1442 = vector.shape_cast %get3A_1441 : vector<1x16xf32> to vector<16xf32>
            %mul3A_1443 = vector.broadcast %squeeze3A_1383 : f32 to vector<16xf32>
            %mul3A_1444 = arith.mulf %get3A_1442, %mul3A_1443 : vector<16xf32>
            %swap3A_1445 = arith.index_cast %add3A_1381 : i32 to index
            %swap3A_1446 = arith.constant 80 : index
            %swap3A_1447 = tpu.vector_load %arg18[%swap3A_1445, %swap3A_1446] {strides = array<i32>} : memref<128x128xf32, #tpu.memory_space<vmem>>, vector<1x16xf32>,
            %swap3A_1448 = vector.shape_cast %swap3A_1447 : vector<1x16xf32> to vector<16xf32>
            %swap3A_1449 = vector.shape_cast %mul3A_1444 : vector<16xf32> to vector<1x16xf32>
            tpu.vector_store %arg18[%swap3A_1445, %swap3A_1446], %swap3A_1449 {strides = array<i32>} : memref<128x128xf32, #tpu.memory_space<vmem>>, vector<1x16xf32>,
            %get3A_1450 = arith.index_cast %add3A_1381 : i32 to index
            %get3A_1451 = arith.constant 96 : index
            %get3A_1452 = tpu.vector_load %arg18[%get3A_1450, %get3A_1451] {strides = array<i32>} : memref<128x128xf32, #tpu.memory_space<vmem>>, vector<1x16xf32>,
            %get3A_1453 = vector.shape_cast %get3A_1452 : vector<1x16xf32> to vector<16xf32>
            %mul3A_1454 = vector.broadcast %squeeze3A_1383 : f32 to vector<16xf32>
            %mul3A_1455 = arith.mulf %get3A_1453, %mul3A_1454 : vector<16xf32>
            %swap3A_1456 = arith.index_cast %add3A_1381 : i32 to index
            %swap3A_1457 = arith.constant 96 : index
            %swap3A_1458 = tpu.vector_load %arg18[%swap3A_1456, %swap3A_1457] {strides = array<i32>} : memref<128x128xf32, #tpu.memory_space<vmem>>, vector<1x16xf32>,
            %swap3A_1459 = vector.shape_cast %swap3A_1458 : vector<1x16xf32> to vector<16xf32>
            %swap3A_1460 = vector.shape_cast %mul3A_1455 : vector<16xf32> to vector<1x16xf32>
            tpu.vector_store %arg18[%swap3A_1456, %swap3A_1457], %swap3A_1460 {strides = array<i32>} : memref<128x128xf32, #tpu.memory_space<vmem>>, vector<1x16xf32>,
            %get3A_1461 = arith.index_cast %add3A_1381 : i32 to index
            %get3A_1462 = arith.constant 112 : index
            %get3A_1463 = tpu.vector_load %arg18[%get3A_1461, %get3A_1462] {strides = array<i32>} : memref<128x128xf32, #tpu.memory_space<vmem>>, vector<1x16xf32>,
            %get3A_1464 = vector.shape_cast %get3A_1463 : vector<1x16xf32> to vector<16xf32>
            %mul3A_1465 = vector.broadcast %squeeze3A_1383 : f32 to vector<16xf32>
            %mul3A_1466 = arith.mulf %get3A_1464, %mul3A_1465 : vector<16xf32>
            %swap3A_1467 = arith.index_cast %add3A_1381 : i32 to index
            %swap3A_1468 = arith.constant 112 : index
            %swap3A_1469 = tpu.vector_load %arg18[%swap3A_1467, %swap3A_1468] {strides = array<i32>} : memref<128x128xf32, #tpu.memory_space<vmem>>, vector<1x16xf32>,
            %swap3A_1470 = vector.shape_cast %swap3A_1469 : vector<1x16xf32> to vector<16xf32>
            %swap3A_1471 = vector.shape_cast %mul3A_1466 : vector<16xf32> to vector<1x16xf32>
            tpu.vector_store %arg18[%swap3A_1467, %swap3A_1468], %swap3A_1471 {strides = array<i32>} : memref<128x128xf32, #tpu.memory_space<vmem>>, vector<1x16xf32>,
            %mul3A_1472 = arith.constant 16 : i32
            %mul3A_1473 = arith.muli %add3A_59, %mul3A_1472 : i32
            %add3A_1474 = arith.constant 15 : i32
            %add3A_1475 = arith.addi %mul3A_1473, %add3A_1474 : i32
            %slice3A_1476 = vector.extract_strided_slice %get3A_64 {offsets = [15], sizes = [1], strides = [1]} : vector<16xf32> to vector<1xf32>
            %squeeze3A_1477 = vector.extract %slice3A_1476[0] : f32 from vector<1xf32>
            %get3A_1478 = arith.index_cast %add3A_1475 : i32 to index
            %get3A_1479 = arith.constant 0 : index
            %get3A_1480 = tpu.vector_load %arg18[%get3A_1478, %get3A_1479] {strides = array<i32>} : memref<128x128xf32, #tpu.memory_space<vmem>>, vector<1x16xf32>,
            %get3A_1481 = vector.shape_cast %get3A_1480 : vector<1x16xf32> to vector<16xf32>
            %mul3A_1482 = vector.broadcast %squeeze3A_1477 : f32 to vector<16xf32>
            %mul3A_1483 = arith.mulf %get3A_1481, %mul3A_1482 : vector<16xf32>
            %swap3A_1484 = arith.index_cast %add3A_1475 : i32 to index
            %swap3A_1485 = arith.constant 0 : index
            %swap3A_1486 = tpu.vector_load %arg18[%swap3A_1484, %swap3A_1485] {strides = array<i32>} : memref<128x128xf32, #tpu.memory_space<vmem>>, vector<1x16xf32>,
            %swap3A_1487 = vector.shape_cast %swap3A_1486 : vector<1x16xf32> to vector<16xf32>
            %swap3A_1488 = vector.shape_cast %mul3A_1483 : vector<16xf32> to vector<1x16xf32>
            tpu.vector_store %arg18[%swap3A_1484, %swap3A_1485], %swap3A_1488 {strides = array<i32>} : memref<128x128xf32, #tpu.memory_space<vmem>>, vector<1x16xf32>,
            %get3A_1489 = arith.index_cast %add3A_1475 : i32 to index
            %get3A_1490 = arith.constant 16 : index
            %get3A_1491 = tpu.vector_load %arg18[%get3A_1489, %get3A_1490] {strides = array<i32>} : memref<128x128xf32, #tpu.memory_space<vmem>>, vector<1x16xf32>,
            %get3A_1492 = vector.shape_cast %get3A_1491 : vector<1x16xf32> to vector<16xf32>
            %mul3A_1493 = vector.broadcast %squeeze3A_1477 : f32 to vector<16xf32>
            %mul3A_1494 = arith.mulf %get3A_1492, %mul3A_1493 : vector<16xf32>
            %swap3A_1495 = arith.index_cast %add3A_1475 : i32 to index
            %swap3A_1496 = arith.constant 16 : index
            %swap3A_1497 = tpu.vector_load %arg18[%swap3A_1495, %swap3A_1496] {strides = array<i32>} : memref<128x128xf32, #tpu.memory_space<vmem>>, vector<1x16xf32>,
            %swap3A_1498 = vector.shape_cast %swap3A_1497 : vector<1x16xf32> to vector<16xf32>
            %swap3A_1499 = vector.shape_cast %mul3A_1494 : vector<16xf32> to vector<1x16xf32>
            tpu.vector_store %arg18[%swap3A_1495, %swap3A_1496], %swap3A_1499 {strides = array<i32>} : memref<128x128xf32, #tpu.memory_space<vmem>>, vector<1x16xf32>,
            %get3A_1500 = arith.index_cast %add3A_1475 : i32 to index
            %get3A_1501 = arith.constant 32 : index
            %get3A_1502 = tpu.vector_load %arg18[%get3A_1500, %get3A_1501] {strides = array<i32>} : memref<128x128xf32, #tpu.memory_space<vmem>>, vector<1x16xf32>,
            %get3A_1503 = vector.shape_cast %get3A_1502 : vector<1x16xf32> to vector<16xf32>
            %mul3A_1504 = vector.broadcast %squeeze3A_1477 : f32 to vector<16xf32>
            %mul3A_1505 = arith.mulf %get3A_1503, %mul3A_1504 : vector<16xf32>
            %swap3A_1506 = arith.index_cast %add3A_1475 : i32 to index
            %swap3A_1507 = arith.constant 32 : index
            %swap3A_1508 = tpu.vector_load %arg18[%swap3A_1506, %swap3A_1507] {strides = array<i32>} : memref<128x128xf32, #tpu.memory_space<vmem>>, vector<1x16xf32>,
            %swap3A_1509 = vector.shape_cast %swap3A_1508 : vector<1x16xf32> to vector<16xf32>
            %swap3A_1510 = vector.shape_cast %mul3A_1505 : vector<16xf32> to vector<1x16xf32>
            tpu.vector_store %arg18[%swap3A_1506, %swap3A_1507], %swap3A_1510 {strides = array<i32>} : memref<128x128xf32, #tpu.memory_space<vmem>>, vector<1x16xf32>,
            %get3A_1511 = arith.index_cast %add3A_1475 : i32 to index
            %get3A_1512 = arith.constant 48 : index
            %get3A_1513 = tpu.vector_load %arg18[%get3A_1511, %get3A_1512] {strides = array<i32>} : memref<128x128xf32, #tpu.memory_space<vmem>>, vector<1x16xf32>,
            %get3A_1514 = vector.shape_cast %get3A_1513 : vector<1x16xf32> to vector<16xf32>
            %mul3A_1515 = vector.broadcast %squeeze3A_1477 : f32 to vector<16xf32>
            %mul3A_1516 = arith.mulf %get3A_1514, %mul3A_1515 : vector<16xf32>
            %swap3A_1517 = arith.index_cast %add3A_1475 : i32 to index
            %swap3A_1518 = arith.constant 48 : index
            %swap3A_1519 = tpu.vector_load %arg18[%swap3A_1517, %swap3A_1518] {strides = array<i32>} : memref<128x128xf32, #tpu.memory_space<vmem>>, vector<1x16xf32>,
            %swap3A_1520 = vector.shape_cast %swap3A_1519 : vector<1x16xf32> to vector<16xf32>
            %swap3A_1521 = vector.shape_cast %mul3A_1516 : vector<16xf32> to vector<1x16xf32>
            tpu.vector_store %arg18[%swap3A_1517, %swap3A_1518], %swap3A_1521 {strides = array<i32>} : memref<128x128xf32, #tpu.memory_space<vmem>>, vector<1x16xf32>,
            %get3A_1522 = arith.index_cast %add3A_1475 : i32 to index
            %get3A_1523 = arith.constant 64 : index
            %get3A_1524 = tpu.vector_load %arg18[%get3A_1522, %get3A_1523] {strides = array<i32>} : memref<128x128xf32, #tpu.memory_space<vmem>>, vector<1x16xf32>,
            %get3A_1525 = vector.shape_cast %get3A_1524 : vector<1x16xf32> to vector<16xf32>
            %mul3A_1526 = vector.broadcast %squeeze3A_1477 : f32 to vector<16xf32>
            %mul3A_1527 = arith.mulf %get3A_1525, %mul3A_1526 : vector<16xf32>
            %swap3A_1528 = arith.index_cast %add3A_1475 : i32 to index
            %swap3A_1529 = arith.constant 64 : index
            %swap3A_1530 = tpu.vector_load %arg18[%swap3A_1528, %swap3A_1529] {strides = array<i32>} : memref<128x128xf32, #tpu.memory_space<vmem>>, vector<1x16xf32>,
            %swap3A_1531 = vector.shape_cast %swap3A_1530 : vector<1x16xf32> to vector<16xf32>
            %swap3A_1532 = vector.shape_cast %mul3A_1527 : vector<16xf32> to vector<1x16xf32>
            tpu.vector_store %arg18[%swap3A_1528, %swap3A_1529], %swap3A_1532 {strides = array<i32>} : memref<128x128xf32, #tpu.memory_space<vmem>>, vector<1x16xf32>,
            %get3A_1533 = arith.index_cast %add3A_1475 : i32 to index
            %get3A_1534 = arith.constant 80 : index
            %get3A_1535 = tpu.vector_load %arg18[%get3A_1533, %get3A_1534] {strides = array<i32>} : memref<128x128xf32, #tpu.memory_space<vmem>>, vector<1x16xf32>,
            %get3A_1536 = vector.shape_cast %get3A_1535 : vector<1x16xf32> to vector<16xf32>
            %mul3A_1537 = vector.broadcast %squeeze3A_1477 : f32 to vector<16xf32>
            %mul3A_1538 = arith.mulf %get3A_1536, %mul3A_1537 : vector<16xf32>
            %swap3A_1539 = arith.index_cast %add3A_1475 : i32 to index
            %swap3A_1540 = arith.constant 80 : index
            %swap3A_1541 = tpu.vector_load %arg18[%swap3A_1539, %swap3A_1540] {strides = array<i32>} : memref<128x128xf32, #tpu.memory_space<vmem>>, vector<1x16xf32>,
            %swap3A_1542 = vector.shape_cast %swap3A_1541 : vector<1x16xf32> to vector<16xf32>
            %swap3A_1543 = vector.shape_cast %mul3A_1538 : vector<16xf32> to vector<1x16xf32>
            tpu.vector_store %arg18[%swap3A_1539, %swap3A_1540], %swap3A_1543 {strides = array<i32>} : memref<128x128xf32, #tpu.memory_space<vmem>>, vector<1x16xf32>,
            %get3A_1544 = arith.index_cast %add3A_1475 : i32 to index
            %get3A_1545 = arith.constant 96 : index
            %get3A_1546 = tpu.vector_load %arg18[%get3A_1544, %get3A_1545] {strides = array<i32>} : memref<128x128xf32, #tpu.memory_space<vmem>>, vector<1x16xf32>,
            %get3A_1547 = vector.shape_cast %get3A_1546 : vector<1x16xf32> to vector<16xf32>
            %mul3A_1548 = vector.broadcast %squeeze3A_1477 : f32 to vector<16xf32>
            %mul3A_1549 = arith.mulf %get3A_1547, %mul3A_1548 : vector<16xf32>
            %swap3A_1550 = arith.index_cast %add3A_1475 : i32 to index
            %swap3A_1551 = arith.constant 96 : index
            %swap3A_1552 = tpu.vector_load %arg18[%swap3A_1550, %swap3A_1551] {strides = array<i32>} : memref<128x128xf32, #tpu.memory_space<vmem>>, vector<1x16xf32>,
            %swap3A_1553 = vector.shape_cast %swap3A_1552 : vector<1x16xf32> to vector<16xf32>
            %swap3A_1554 = vector.shape_cast %mul3A_1549 : vector<16xf32> to vector<1x16xf32>
            tpu.vector_store %arg18[%swap3A_1550, %swap3A_1551], %swap3A_1554 {strides = array<i32>} : memref<128x128xf32, #tpu.memory_space<vmem>>, vector<1x16xf32>,
            %get3A_1555 = arith.index_cast %add3A_1475 : i32 to index
            %get3A_1556 = arith.constant 112 : index
            %get3A_1557 = tpu.vector_load %arg18[%get3A_1555, %get3A_1556] {strides = array<i32>} : memref<128x128xf32, #tpu.memory_space<vmem>>, vector<1x16xf32>,
            %get3A_1558 = vector.shape_cast %get3A_1557 : vector<1x16xf32> to vector<16xf32>
            %mul3A_1559 = vector.broadcast %squeeze3A_1477 : f32 to vector<16xf32>
            %mul3A_1560 = arith.mulf %get3A_1558, %mul3A_1559 : vector<16xf32>
            %swap3A_1561 = arith.index_cast %add3A_1475 : i32 to index
            %swap3A_1562 = arith.constant 112 : index
            %swap3A_1563 = tpu.vector_load %arg18[%swap3A_1561, %swap3A_1562] {strides = array<i32>} : memref<128x128xf32, #tpu.memory_space<vmem>>, vector<1x16xf32>,
            %swap3A_1564 = vector.shape_cast %swap3A_1563 : vector<1x16xf32> to vector<16xf32>
            %swap3A_1565 = vector.shape_cast %mul3A_1560 : vector<16xf32> to vector<1x16xf32>
            tpu.vector_store %arg18[%swap3A_1561, %swap3A_1562], %swap3A_1565 {strides = array<i32>} : memref<128x128xf32, #tpu.memory_space<vmem>>, vector<1x16xf32>,
          }
          %scan3A_54 = arith.constant 8 : i32
          "tpu.region"() ({
            %run_scoped3A = tpu.sem_alloc : memref<!tpu.dma_semaphore, #tpu.memory_space<semaphore_mem>>
            %dma_start3A = arith.constant 0 : i32
            %dma_start3A_55 = tpu.memref_slice %arg16[%add3A_49, %dma_start3A] : memref<32x128xi32, #tpu.memory_space<vmem>> -> memref<1x128xi32, #tpu.memory_space<vmem>>
            %dma_start3A_56 = tpu.memref_squeeze %dma_start3A_55 : memref<1x128xi32, #tpu.memory_space<vmem>> -> memref<128xi32, #tpu.memory_space<vmem>>
            %dma_start3A_57 = arith.constant 0 : i32
            %dma_start3A_58 = arith.constant 0 : i32
            %dma_start3A_59 = tpu.memref_slice %arg19[%dma_start3A_57, %dma_start3A_58] : memref<10368x128xf32, #tpu.memory_space<vmem_shared>> -> memref<10368x128xf32, #tpu.memory_space<vmem_shared>>
            tpu.enqueue_indirect_dma source(%arg18 : memref<128x128xf32, #tpu.memory_space<vmem>>) target(%dma_start3A_59 : memref<10368x128xf32, #tpu.memory_space<vmem_shared>>) offsets(%dma_start3A_56 : memref<128xi32, #tpu.memory_space<vmem>>) semaphore(%run_scoped3A : memref<!tpu.dma_semaphore, #tpu.memory_space<semaphore_mem>>) {add = true}
            %dma_wait3A = arith.constant 0 : i32
            %dma_wait3A_60 = tpu.memref_slice %arg16[%add3A_49, %dma_wait3A] : memref<32x128xi32, #tpu.memory_space<vmem>> -> memref<1x128xi32, #tpu.memory_space<vmem>>
            %dma_wait3A_61 = tpu.memref_squeeze %dma_wait3A_60 : memref<1x128xi32, #tpu.memory_space<vmem>> -> memref<128xi32, #tpu.memory_space<vmem>>
            %dma_wait3A_62 = arith.constant 0 : i32
            %dma_wait3A_63 = arith.constant 0 : i32
            %dma_wait3A_64 = tpu.memref_slice %arg19[%dma_wait3A_62, %dma_wait3A_63] : memref<10368x128xf32, #tpu.memory_space<vmem_shared>> -> memref<10368x128xf32, #tpu.memory_space<vmem_shared>>
            tpu.wait_indirect_dma semaphore(%run_scoped3A : memref<!tpu.dma_semaphore, #tpu.memory_space<semaphore_mem>>) src(%arg18 : memref<128x128xf32, #tpu.memory_space<vmem>>) dst(%dma_wait3A_64 : memref<10368x128xf32, #tpu.memory_space<vmem_shared>>)
            tpu.yield
          }) : () -> ()
        }
        %scan3A_44 = arith.constant 32 : i32
      }
      %scan3A_16 = arith.constant 5 : i32
      %barrier3A_17 = arith.constant 0 : index
      tpu.barrier barrier_id(%barrier3A_17)
      "tpu.region"() ({
        %run_scoped3A = tpu.sem_alloc : memref<!tpu.dma_semaphore, #tpu.memory_space<semaphore_mem>>
        %dma_start3A = arith.constant 0 : i32
        %dma_start3A_32 = tpu.memref_slice %arg12[%multiple_of3A_12, %dma_start3A] : memref<10240x128xf32, #tpu.memory_space<hbm>> -> memref<640x128xf32, #tpu.memory_space<hbm>>
        %dma_start3A_33 = arith.constant 0 : i32
        %dma_start3A_34 = tpu.memref_slice %arg19[%multiple_of3A_12, %dma_start3A_33] : memref<10368x128xf32, #tpu.memory_space<vmem_shared>> -> memref<640x128xf32, #tpu.memory_space<vmem_shared>>
        tpu.enqueue_dma source(%dma_start3A_34 : memref<640x128xf32, #tpu.memory_space<vmem_shared>>) target(%dma_start3A_32 : memref<640x128xf32, #tpu.memory_space<hbm>>) target_semaphore(%run_scoped3A : memref<!tpu.dma_semaphore, #tpu.memory_space<semaphore_mem>>)
        %dma_wait3A = arith.constant 0 : i32
        %dma_wait3A_35 = tpu.memref_slice %arg12[%multiple_of3A_12, %dma_wait3A] : memref<10240x128xf32, #tpu.memory_space<hbm>> -> memref<640x128xf32, #tpu.memory_space<hbm>>
        %dma_wait3A_36 = arith.constant 0 : i32
        %dma_wait3A_37 = tpu.memref_slice %arg19[%multiple_of3A_12, %dma_wait3A_36] : memref<10368x128xf32, #tpu.memory_space<vmem_shared>> -> memref<640x128xf32, #tpu.memory_space<vmem_shared>>
        tpu.wait_dma2 semaphore(%run_scoped3A : memref<!tpu.dma_semaphore, #tpu.memory_space<semaphore_mem>>) src(%dma_wait3A_37 : memref<640x128xf32, #tpu.memory_space<vmem_shared>>) dst(%dma_wait3A_35 : memref<640x128xf32, #tpu.memory_space<hbm>>)
        tpu.yield
      }) : () -> ()
      %barrier3A_18 = arith.constant 0 : index
      tpu.barrier barrier_id(%barrier3A_18)
      "tpu.region"() ({
        %run_scoped3A = tpu.sem_alloc : memref<!tpu.dma_semaphore, #tpu.memory_space<semaphore_mem>>
        %dma_start3A = arith.constant 0 : i32
        %dma_start3A_32 = tpu.memref_slice %arg19[%multiple_of3A, %dma_start3A] : memref<10368x128xf32, #tpu.memory_space<vmem_shared>> -> memref<648x128xf32, #tpu.memory_space<vmem_shared>>
        tpu.enqueue_dma source(%arg10 : memref<648x128xf32, #tpu.memory_space<hbm>>) target(%dma_start3A_32 : memref<648x128xf32, #tpu.memory_space<vmem_shared>>) target_semaphore(%run_scoped3A : memref<!tpu.dma_semaphore, #tpu.memory_space<semaphore_mem>>)
        %dma_wait3A = arith.constant 0 : i32
        %dma_wait3A_33 = tpu.memref_slice %arg19[%multiple_of3A, %dma_wait3A] : memref<10368x128xf32, #tpu.memory_space<vmem_shared>> -> memref<648x128xf32, #tpu.memory_space<vmem_shared>>
        tpu.wait_dma2 semaphore(%run_scoped3A : memref<!tpu.dma_semaphore, #tpu.memory_space<semaphore_mem>>) src(%arg10 : memref<648x128xf32, #tpu.memory_space<hbm>>) dst(%dma_wait3A_33 : memref<648x128xf32, #tpu.memory_space<vmem_shared>>)
        tpu.yield
      }) : () -> ()
      %scan3A_19 = arith.constant 0 : i32
      %scan3A_20 = arith.constant 128 : i32
      %scan3A_21 = arith.addi %scan3A_19, %scan3A_20 : i32
      %scan3A_22 = arith.constant 1 : i32
      scf.for %scan3A_32 = %scan3A_19 to %scan3A_21 step %scan3A_22  : i32 {
        %mul3A_33 = arith.constant 1 : i32
        %mul3A_34 = arith.muli %scan3A_32, %mul3A_33 : i32
        %add3A = arith.constant 0 : i32
        %add3A_35 = arith.addi %add3A, %mul3A_34 : i32
        %broadcast_in_dim3A = arith.constant 1.000000e+00 : f32
        %broadcast_in_dim3A_36 = vector.broadcast %broadcast_in_dim3A : f32 to vector<16xf32>
        %swap3A = arith.index_cast %add3A_35 : i32 to index
        %swap3A_37 = arith.constant 0 : index
        %swap3A_38 = tpu.vector_load %arg18[%swap3A, %swap3A_37] {strides = array<i32>} : memref<128x128xf32, #tpu.memory_space<vmem>>, vector<1x16xf32>,
        %swap3A_39 = vector.shape_cast %swap3A_38 : vector<1x16xf32> to vector<16xf32>
        %swap3A_40 = vector.shape_cast %broadcast_in_dim3A_36 : vector<16xf32> to vector<1x16xf32>
        tpu.vector_store %arg18[%swap3A, %swap3A_37], %swap3A_40 {strides = array<i32>} : memref<128x128xf32, #tpu.memory_space<vmem>>, vector<1x16xf32>,
        %broadcast_in_dim3A_41 = arith.constant 1.000000e+00 : f32
        %broadcast_in_dim3A_42 = vector.broadcast %broadcast_in_dim3A_41 : f32 to vector<16xf32>
        %swap3A_43 = arith.index_cast %add3A_35 : i32 to index
        %swap3A_44 = arith.constant 16 : index
        %swap3A_45 = tpu.vector_load %arg18[%swap3A_43, %swap3A_44] {strides = array<i32>} : memref<128x128xf32, #tpu.memory_space<vmem>>, vector<1x16xf32>,
        %swap3A_46 = vector.shape_cast %swap3A_45 : vector<1x16xf32> to vector<16xf32>
        %swap3A_47 = vector.shape_cast %broadcast_in_dim3A_42 : vector<16xf32> to vector<1x16xf32>
        tpu.vector_store %arg18[%swap3A_43, %swap3A_44], %swap3A_47 {strides = array<i32>} : memref<128x128xf32, #tpu.memory_space<vmem>>, vector<1x16xf32>,
        %broadcast_in_dim3A_48 = arith.constant 1.000000e+00 : f32
        %broadcast_in_dim3A_49 = vector.broadcast %broadcast_in_dim3A_48 : f32 to vector<16xf32>
        %swap3A_50 = arith.index_cast %add3A_35 : i32 to index
        %swap3A_51 = arith.constant 32 : index
        %swap3A_52 = tpu.vector_load %arg18[%swap3A_50, %swap3A_51] {strides = array<i32>} : memref<128x128xf32, #tpu.memory_space<vmem>>, vector<1x16xf32>,
        %swap3A_53 = vector.shape_cast %swap3A_52 : vector<1x16xf32> to vector<16xf32>
        %swap3A_54 = vector.shape_cast %broadcast_in_dim3A_49 : vector<16xf32> to vector<1x16xf32>
        tpu.vector_store %arg18[%swap3A_50, %swap3A_51], %swap3A_54 {strides = array<i32>} : memref<128x128xf32, #tpu.memory_space<vmem>>, vector<1x16xf32>,
        %broadcast_in_dim3A_55 = arith.constant 1.000000e+00 : f32
        %broadcast_in_dim3A_56 = vector.broadcast %broadcast_in_dim3A_55 : f32 to vector<16xf32>
        %swap3A_57 = arith.index_cast %add3A_35 : i32 to index
        %swap3A_58 = arith.constant 48 : index
        %swap3A_59 = tpu.vector_load %arg18[%swap3A_57, %swap3A_58] {strides = array<i32>} : memref<128x128xf32, #tpu.memory_space<vmem>>, vector<1x16xf32>,
        %swap3A_60 = vector.shape_cast %swap3A_59 : vector<1x16xf32> to vector<16xf32>
        %swap3A_61 = vector.shape_cast %broadcast_in_dim3A_56 : vector<16xf32> to vector<1x16xf32>
        tpu.vector_store %arg18[%swap3A_57, %swap3A_58], %swap3A_61 {strides = array<i32>} : memref<128x128xf32, #tpu.memory_space<vmem>>, vector<1x16xf32>,
        %broadcast_in_dim3A_62 = arith.constant 1.000000e+00 : f32
        %broadcast_in_dim3A_63 = vector.broadcast %broadcast_in_dim3A_62 : f32 to vector<16xf32>
        %swap3A_64 = arith.index_cast %add3A_35 : i32 to index
        %swap3A_65 = arith.constant 64 : index
        %swap3A_66 = tpu.vector_load %arg18[%swap3A_64, %swap3A_65] {strides = array<i32>} : memref<128x128xf32, #tpu.memory_space<vmem>>, vector<1x16xf32>,
        %swap3A_67 = vector.shape_cast %swap3A_66 : vector<1x16xf32> to vector<16xf32>
        %swap3A_68 = vector.shape_cast %broadcast_in_dim3A_63 : vector<16xf32> to vector<1x16xf32>
        tpu.vector_store %arg18[%swap3A_64, %swap3A_65], %swap3A_68 {strides = array<i32>} : memref<128x128xf32, #tpu.memory_space<vmem>>, vector<1x16xf32>,
        %broadcast_in_dim3A_69 = arith.constant 1.000000e+00 : f32
        %broadcast_in_dim3A_70 = vector.broadcast %broadcast_in_dim3A_69 : f32 to vector<16xf32>
        %swap3A_71 = arith.index_cast %add3A_35 : i32 to index
        %swap3A_72 = arith.constant 80 : index
        %swap3A_73 = tpu.vector_load %arg18[%swap3A_71, %swap3A_72] {strides = array<i32>} : memref<128x128xf32, #tpu.memory_space<vmem>>, vector<1x16xf32>,
        %swap3A_74 = vector.shape_cast %swap3A_73 : vector<1x16xf32> to vector<16xf32>
        %swap3A_75 = vector.shape_cast %broadcast_in_dim3A_70 : vector<16xf32> to vector<1x16xf32>
        tpu.vector_store %arg18[%swap3A_71, %swap3A_72], %swap3A_75 {strides = array<i32>} : memref<128x128xf32, #tpu.memory_space<vmem>>, vector<1x16xf32>,
        %broadcast_in_dim3A_76 = arith.constant 1.000000e+00 : f32
        %broadcast_in_dim3A_77 = vector.broadcast %broadcast_in_dim3A_76 : f32 to vector<16xf32>
        %swap3A_78 = arith.index_cast %add3A_35 : i32 to index
        %swap3A_79 = arith.constant 96 : index
        %swap3A_80 = tpu.vector_load %arg18[%swap3A_78, %swap3A_79] {strides = array<i32>} : memref<128x128xf32, #tpu.memory_space<vmem>>, vector<1x16xf32>,
        %swap3A_81 = vector.shape_cast %swap3A_80 : vector<1x16xf32> to vector<16xf32>
        %swap3A_82 = vector.shape_cast %broadcast_in_dim3A_77 : vector<16xf32> to vector<1x16xf32>
        tpu.vector_store %arg18[%swap3A_78, %swap3A_79], %swap3A_82 {strides = array<i32>} : memref<128x128xf32, #tpu.memory_space<vmem>>, vector<1x16xf32>,
        %broadcast_in_dim3A_83 = arith.constant 1.000000e+00 : f32
        %broadcast_in_dim3A_84 = vector.broadcast %broadcast_in_dim3A_83 : f32 to vector<16xf32>
        %swap3A_85 = arith.index_cast %add3A_35 : i32 to index
        %swap3A_86 = arith.constant 112 : index
        %swap3A_87 = tpu.vector_load %arg18[%swap3A_85, %swap3A_86] {strides = array<i32>} : memref<128x128xf32, #tpu.memory_space<vmem>>, vector<1x16xf32>,
        %swap3A_88 = vector.shape_cast %swap3A_87 : vector<1x16xf32> to vector<16xf32>
        %swap3A_89 = vector.shape_cast %broadcast_in_dim3A_84 : vector<16xf32> to vector<1x16xf32>
        tpu.vector_store %arg18[%swap3A_85, %swap3A_86], %swap3A_89 {strides = array<i32>} : memref<128x128xf32, #tpu.memory_space<vmem>>, vector<1x16xf32>,
      }
      %scan3A_23 = arith.constant 128 : i32
      %barrier3A_24 = arith.constant 0 : index
      tpu.barrier barrier_id(%barrier3A_24)
      %scan3A_25 = arith.constant 0 : i32
      %scan3A_26 = arith.constant 5 : i32
      %scan3A_27 = arith.addi %scan3A_25, %scan3A_26 : i32
      %scan3A_28 = arith.constant 1 : i32
      scf.for %scan3A_32 = %scan3A_25 to %scan3A_27 step %scan3A_28  : i32 {
        %mul3A_33 = arith.constant 1 : i32
        %mul3A_34 = arith.muli %scan3A_32, %mul3A_33 : i32
        %add3A = arith.constant 0 : i32
        %add3A_35 = arith.addi %add3A, %mul3A_34 : i32
        %mul3A_36 = arith.constant 32 : i32
        %mul3A_37 = arith.muli %add3A_35, %mul3A_36 : i32
        %add3A_38 = arith.addi %mul3A_7, %mul3A_37 : i32
        %multiple_of3A_39 = tpu.assume_multiple %add3A_38, 8 : i32
        "tpu.region"() ({
          %run_scoped3A = tpu.sem_alloc : memref<!tpu.dma_semaphore, #tpu.memory_space<semaphore_mem>>
          %dma_start3A = arith.constant 0 : i32
          %dma_start3A_45 = tpu.memref_slice %arg7[%multiple_of3A_39, %dma_start3A] : memref<2560x128xi32, #tpu.memory_space<hbm>> -> memref<32x128xi32, #tpu.memory_space<hbm>>
          %dma_start3A_46 = arith.constant 0 : i32
          %dma_start3A_47 = tpu.memref_slice %arg7[%multiple_of3A_39, %dma_start3A_46] : memref<2560x128xi32, #tpu.memory_space<hbm>> -> memref<32x128xi32, #tpu.memory_space<hbm>>
          tpu.enqueue_dma source(%dma_start3A_47 : memref<32x128xi32, #tpu.memory_space<hbm>>) target(%arg16 : memref<32x128xi32, #tpu.memory_space<vmem>>) target_semaphore(%run_scoped3A : memref<!tpu.dma_semaphore, #tpu.memory_space<semaphore_mem>>)
          %dma_wait3A = arith.constant 0 : i32
          %dma_wait3A_48 = tpu.memref_slice %arg7[%multiple_of3A_39, %dma_wait3A] : memref<2560x128xi32, #tpu.memory_space<hbm>> -> memref<32x128xi32, #tpu.memory_space<hbm>>
          %dma_wait3A_49 = arith.constant 0 : i32
          %dma_wait3A_50 = tpu.memref_slice %arg7[%multiple_of3A_39, %dma_wait3A_49] : memref<2560x128xi32, #tpu.memory_space<hbm>> -> memref<32x128xi32, #tpu.memory_space<hbm>>
          tpu.wait_dma2 semaphore(%run_scoped3A : memref<!tpu.dma_semaphore, #tpu.memory_space<semaphore_mem>>) src(%dma_wait3A_50 : memref<32x128xi32, #tpu.memory_space<hbm>>) dst(%arg16 : memref<32x128xi32, #tpu.memory_space<vmem>>)
          tpu.yield
        }) : () -> ()
        %scan3A_40 = arith.constant 0 : i32
        %scan3A_41 = arith.constant 32 : i32
        %scan3A_42 = arith.addi %scan3A_40, %scan3A_41 : i32
        %scan3A_43 = arith.constant 1 : i32
        scf.for %scan3A_45 = %scan3A_40 to %scan3A_42 step %scan3A_43  : i32 {
          %mul3A_46 = arith.constant 1 : i32
          %mul3A_47 = arith.muli %scan3A_45, %mul3A_46 : i32
          %add3A_48 = arith.constant 0 : i32
          %add3A_49 = arith.addi %add3A_48, %mul3A_47 : i32
          "tpu.region"() ({
            %run_scoped3A = tpu.sem_alloc : memref<!tpu.dma_semaphore, #tpu.memory_space<semaphore_mem>>
            %dma_start3A = arith.constant 0 : i32
            %dma_start3A_50 = tpu.memref_slice %arg16[%add3A_49, %dma_start3A] : memref<32x128xi32, #tpu.memory_space<vmem>> -> memref<1x128xi32, #tpu.memory_space<vmem>>
            %dma_start3A_51 = tpu.memref_squeeze %dma_start3A_50 : memref<1x128xi32, #tpu.memory_space<vmem>> -> memref<128xi32, #tpu.memory_space<vmem>>
            %dma_start3A_52 = arith.constant 0 : i32
            %dma_start3A_53 = arith.constant 0 : i32
            %dma_start3A_54 = tpu.memref_slice %arg19[%dma_start3A_52, %dma_start3A_53] : memref<10368x128xf32, #tpu.memory_space<vmem_shared>> -> memref<10368x128xf32, #tpu.memory_space<vmem_shared>>
            tpu.enqueue_indirect_dma source(%arg18 : memref<128x128xf32, #tpu.memory_space<vmem>>) target(%dma_start3A_54 : memref<10368x128xf32, #tpu.memory_space<vmem_shared>>) offsets(%dma_start3A_51 : memref<128xi32, #tpu.memory_space<vmem>>) semaphore(%run_scoped3A : memref<!tpu.dma_semaphore, #tpu.memory_space<semaphore_mem>>) {add = true}
            %dma_wait3A = arith.constant 0 : i32
            %dma_wait3A_55 = tpu.memref_slice %arg16[%add3A_49, %dma_wait3A] : memref<32x128xi32, #tpu.memory_space<vmem>> -> memref<1x128xi32, #tpu.memory_space<vmem>>
            %dma_wait3A_56 = tpu.memref_squeeze %dma_wait3A_55 : memref<1x128xi32, #tpu.memory_space<vmem>> -> memref<128xi32, #tpu.memory_space<vmem>>
            %dma_wait3A_57 = arith.constant 0 : i32
            %dma_wait3A_58 = arith.constant 0 : i32
            %dma_wait3A_59 = tpu.memref_slice %arg19[%dma_wait3A_57, %dma_wait3A_58] : memref<10368x128xf32, #tpu.memory_space<vmem_shared>> -> memref<10368x128xf32, #tpu.memory_space<vmem_shared>>
            tpu.wait_indirect_dma semaphore(%run_scoped3A : memref<!tpu.dma_semaphore, #tpu.memory_space<semaphore_mem>>) src(%arg18 : memref<128x128xf32, #tpu.memory_space<vmem>>) dst(%dma_wait3A_59 : memref<10368x128xf32, #tpu.memory_space<vmem_shared>>)
            tpu.yield
          }) : () -> ()
        }
        %scan3A_44 = arith.constant 32 : i32
      }
      %scan3A_29 = arith.constant 5 : i32
      %barrier3A_30 = arith.constant 0 : index
      tpu.barrier barrier_id(%barrier3A_30)
      "tpu.region"() ({
        %run_scoped3A = tpu.sem_alloc : memref<!tpu.dma_semaphore, #tpu.memory_space<semaphore_mem>>
        %dma_start3A = arith.constant 0 : i32
        %dma_start3A_32 = tpu.memref_slice %arg14[%multiple_of3A_12, %dma_start3A] : memref<10240x128xf32, #tpu.memory_space<hbm>> -> memref<640x128xf32, #tpu.memory_space<hbm>>
        %dma_start3A_33 = arith.constant 0 : i32
        %dma_start3A_34 = tpu.memref_slice %arg19[%multiple_of3A_12, %dma_start3A_33] : memref<10368x128xf32, #tpu.memory_space<vmem_shared>> -> memref<640x128xf32, #tpu.memory_space<vmem_shared>>
        tpu.enqueue_dma source(%dma_start3A_34 : memref<640x128xf32, #tpu.memory_space<vmem_shared>>) target(%dma_start3A_32 : memref<640x128xf32, #tpu.memory_space<hbm>>) target_semaphore(%run_scoped3A : memref<!tpu.dma_semaphore, #tpu.memory_space<semaphore_mem>>)
        %dma_wait3A = arith.constant 0 : i32
        %dma_wait3A_35 = tpu.memref_slice %arg14[%multiple_of3A_12, %dma_wait3A] : memref<10240x128xf32, #tpu.memory_space<hbm>> -> memref<640x128xf32, #tpu.memory_space<hbm>>
        %dma_wait3A_36 = arith.constant 0 : i32
        %dma_wait3A_37 = tpu.memref_slice %arg19[%multiple_of3A_12, %dma_wait3A_36] : memref<10368x128xf32, #tpu.memory_space<vmem_shared>> -> memref<640x128xf32, #tpu.memory_space<vmem_shared>>
        tpu.wait_dma2 semaphore(%run_scoped3A : memref<!tpu.dma_semaphore, #tpu.memory_space<semaphore_mem>>) src(%dma_wait3A_37 : memref<640x128xf32, #tpu.memory_space<vmem_shared>>) dst(%dma_wait3A_35 : memref<640x128xf32, #tpu.memory_space<hbm>>)
        tpu.yield
      }) : () -> ()
      %barrier3A_31 = arith.constant 0 : index
      tpu.barrier barrier_id(%barrier3A_31)
    } else {
    }
    return
  }
}

module attributes {stable_mosaic.version = 14 : i64} {
  func.func @_tc_body(%arg0: i32, %arg1: memref<1024x128xf32, #tpu.memory_space<vmem>>, %arg2: memref<1024x128xf32, #tpu.memory_space<vmem>>, %arg3: memref<1024x128xf32, #tpu.memory_space<vmem>>, %arg4: memref<1024x128xf32, #tpu.memory_space<vmem>>, %arg5: memref<128x128xf32, #tpu.memory_space<vmem>>, %arg6: memref<1024x128xf32, #tpu.memory_space<vmem>>, %arg7: memref<1024x128xf32, #tpu.memory_space<vmem>>, %arg8: memref<1024x128xf32, #tpu.memory_space<vmem>>, %arg9: memref<1024x128xf32, #tpu.memory_space<vmem>>, %arg10: memref<128x128xf32, #tpu.memory_space<vmem>>, %arg11: memref<1024x128xf32, #tpu.memory_space<vmem>>, %arg12: memref<1024x128xf32, #tpu.memory_space<vmem>>) attributes {dimension_semantics = [#tpu.dimension_semantics<arbitrary>], iteration_bounds = array<i64: 10>, scalar_prefetch = 0 : i64, scratch_operands = 0 : i64, tpu.core_type = #tpu.core_type<tc>, window_params = [{transform_indices = @transform_0, window_bounds = array<i64: 1024, 128>}, {transform_indices = @transform_1, window_bounds = array<i64: 1024, 128>}, {transform_indices = @transform_2, window_bounds = array<i64: 1024, 128>}, {transform_indices = @transform_3, window_bounds = array<i64: 1024, 128>}, {pipeline_mode = #tpu.pipeline_mode<synchronous>, transform_indices = @transform_4, window_bounds = array<i64: 128, 128>}, {transform_indices = @transform_5, window_bounds = array<i64: 1024, 128>}, {transform_indices = @transform_6, window_bounds = array<i64: 1024, 128>}, {transform_indices = @transform_7, window_bounds = array<i64: 1024, 128>}, {transform_indices = @transform_8, window_bounds = array<i64: 1024, 128>}, {pipeline_mode = #tpu.pipeline_mode<synchronous>, transform_indices = @transform_9, window_bounds = array<i64: 128, 128>}, {transform_indices = @transform_10, window_bounds = array<i64: 1024, 128>}, {transform_indices = @transform_11, window_bounds = array<i64: 1024, 128>}]} {
    %get3A = arith.constant 0 : index
    %get3A_0 = arith.constant 0 : index
    %get3A_1 = vector.load %arg5[%get3A, %get3A_0] : memref<128x128xf32, #tpu.memory_space<vmem>>, vector<128x128xf32>
    %get3A_2 = arith.constant 0 : index
    %get3A_3 = arith.constant 0 : index
    %get3A_4 = vector.load %arg2[%get3A_2, %get3A_3] : memref<1024x128xf32, #tpu.memory_space<vmem>>, vector<1024x128xf32>
    %dot_general3A = arith.constant dense<0.000000e+00> : vector<1024x128xf32>
    %dot_general3A_5 = tpu.matmul %get3A_4, %get3A_1, %dot_general3A {dimension_numbers = #tpu.dot_dimension_numbers<[1], [0], [0], [1], [0, 0, 1, 1], [], []>, transpose_lhs_hint = false} : vector<1024x128xf32>, vector<128x128xf32>, vector<1024x128xf32> -> vector<1024x128xf32>
    %dot_general3A_6 = arith.constant dense<0.000000e+00> : vector<1024x128xf32>
    %dot_general3A_7 = tpu.matmul %dot_general3A_5, %get3A_1, %dot_general3A_6 {dimension_numbers = #tpu.dot_dimension_numbers<[1], [1], [0], [0], [0, 0, 1, 0], [], []>, transpose_lhs_hint = false} : vector<1024x128xf32>, vector<128x128xf32>, vector<1024x128xf32> -> vector<1024x128xf32>
    %get3A_8 = arith.constant 0 : index
    %get3A_9 = arith.constant 0 : index
    %get3A_10 = vector.load %arg3[%get3A_8, %get3A_9] : memref<1024x128xf32, #tpu.memory_space<vmem>>, vector<1024x128xf32>
    %dot_general3A_11 = arith.constant dense<0.000000e+00> : vector<1024x128xf32>
    %dot_general3A_12 = tpu.matmul %get3A_10, %get3A_1, %dot_general3A_11 {dimension_numbers = #tpu.dot_dimension_numbers<[1], [1], [0], [0], [0, 0, 1, 0], [], []>, transpose_lhs_hint = false} : vector<1024x128xf32>, vector<128x128xf32>, vector<1024x128xf32> -> vector<1024x128xf32>
    %get3A_13 = arith.constant 0 : index
    %get3A_14 = arith.constant 0 : index
    %get3A_15 = vector.load %arg1[%get3A_13, %get3A_14] : memref<1024x128xf32, #tpu.memory_space<vmem>>, vector<1024x128xf32>
    %get3A_16 = arith.constant 0 : index
    %get3A_17 = arith.constant 0 : index
    %get3A_18 = vector.load %arg4[%get3A_16, %get3A_17] : memref<1024x128xf32, #tpu.memory_space<vmem>>, vector<1024x1xf32>
    %mul3A = vector.broadcast %get3A_18 : vector<1024x1xf32> to vector<1024x128xf32>
    %mul3A_19 = arith.mulf %mul3A, %dot_general3A_7 : vector<1024x128xf32>
    %mul3A_20 = arith.constant 6.10351549E-7 : f32
    %mul3A_21 = vector.broadcast %mul3A_20 : f32 to vector<1024x128xf32>
    %mul3A_22 = arith.mulf %mul3A_19, %mul3A_21 : vector<1024x128xf32>
    %sub3A = arith.subf %get3A_15, %mul3A_22 : vector<1024x128xf32>
    %mul3A_23 = arith.constant 7.812500e-04 : f32
    %mul3A_24 = vector.broadcast %mul3A_23 : f32 to vector<1024x128xf32>
    %mul3A_25 = arith.mulf %dot_general3A_12, %mul3A_24 : vector<1024x128xf32>
    %add3A = arith.addf %sub3A, %mul3A_25 : vector<1024x128xf32>
    %swap3A = arith.constant 0 : index
    %swap3A_26 = arith.constant 0 : index
    %swap3A_27 = vector.load %arg11[%swap3A, %swap3A_26] : memref<1024x128xf32, #tpu.memory_space<vmem>>, vector<1024x128xf32>
    tpu.vector_store %arg11[%swap3A, %swap3A_26], %add3A {strides = array<i32>} : memref<1024x128xf32, #tpu.memory_space<vmem>>, vector<1024x128xf32>,
    %get3A_28 = arith.constant 0 : index
    %get3A_29 = arith.constant 0 : index
    %get3A_30 = vector.load %arg10[%get3A_28, %get3A_29] : memref<128x128xf32, #tpu.memory_space<vmem>>, vector<128x128xf32>
    %get3A_31 = arith.constant 0 : index
    %get3A_32 = arith.constant 0 : index
    %get3A_33 = vector.load %arg7[%get3A_31, %get3A_32] : memref<1024x128xf32, #tpu.memory_space<vmem>>, vector<1024x128xf32>
    %dot_general3A_34 = arith.constant dense<0.000000e+00> : vector<1024x128xf32>
    %dot_general3A_35 = tpu.matmul %get3A_33, %get3A_30, %dot_general3A_34 {dimension_numbers = #tpu.dot_dimension_numbers<[1], [0], [0], [1], [0, 0, 1, 1], [], []>, transpose_lhs_hint = false} : vector<1024x128xf32>, vector<128x128xf32>, vector<1024x128xf32> -> vector<1024x128xf32>
    %dot_general3A_36 = arith.constant dense<0.000000e+00> : vector<1024x128xf32>
    %dot_general3A_37 = tpu.matmul %dot_general3A_35, %get3A_30, %dot_general3A_36 {dimension_numbers = #tpu.dot_dimension_numbers<[1], [1], [0], [0], [0, 0, 1, 0], [], []>, transpose_lhs_hint = false} : vector<1024x128xf32>, vector<128x128xf32>, vector<1024x128xf32> -> vector<1024x128xf32>
    %get3A_38 = arith.constant 0 : index
    %get3A_39 = arith.constant 0 : index
    %get3A_40 = vector.load %arg8[%get3A_38, %get3A_39] : memref<1024x128xf32, #tpu.memory_space<vmem>>, vector<1024x128xf32>
    %dot_general3A_41 = arith.constant dense<0.000000e+00> : vector<1024x128xf32>
    %dot_general3A_42 = tpu.matmul %get3A_40, %get3A_30, %dot_general3A_41 {dimension_numbers = #tpu.dot_dimension_numbers<[1], [1], [0], [0], [0, 0, 1, 0], [], []>, transpose_lhs_hint = false} : vector<1024x128xf32>, vector<128x128xf32>, vector<1024x128xf32> -> vector<1024x128xf32>
    %get3A_43 = arith.constant 0 : index
    %get3A_44 = arith.constant 0 : index
    %get3A_45 = vector.load %arg6[%get3A_43, %get3A_44] : memref<1024x128xf32, #tpu.memory_space<vmem>>, vector<1024x128xf32>
    %get3A_46 = arith.constant 0 : index
    %get3A_47 = arith.constant 0 : index
    %get3A_48 = vector.load %arg9[%get3A_46, %get3A_47] : memref<1024x128xf32, #tpu.memory_space<vmem>>, vector<1024x1xf32>
    %mul3A_49 = vector.broadcast %get3A_48 : vector<1024x1xf32> to vector<1024x128xf32>
    %mul3A_50 = arith.mulf %mul3A_49, %dot_general3A_37 : vector<1024x128xf32>
    %mul3A_51 = arith.constant 6.10351549E-7 : f32
    %mul3A_52 = vector.broadcast %mul3A_51 : f32 to vector<1024x128xf32>
    %mul3A_53 = arith.mulf %mul3A_50, %mul3A_52 : vector<1024x128xf32>
    %sub3A_54 = arith.subf %get3A_45, %mul3A_53 : vector<1024x128xf32>
    %mul3A_55 = arith.constant 7.812500e-04 : f32
    %mul3A_56 = vector.broadcast %mul3A_55 : f32 to vector<1024x128xf32>
    %mul3A_57 = arith.mulf %dot_general3A_42, %mul3A_56 : vector<1024x128xf32>
    %add3A_58 = arith.addf %sub3A_54, %mul3A_57 : vector<1024x128xf32>
    %swap3A_59 = arith.constant 0 : index
    %swap3A_60 = arith.constant 0 : index
    %swap3A_61 = vector.load %arg12[%swap3A_59, %swap3A_60] : memref<1024x128xf32, #tpu.memory_space<vmem>>, vector<1024x128xf32>
    tpu.vector_store %arg12[%swap3A_59, %swap3A_60], %add3A_58 {strides = array<i32>} : memref<1024x128xf32, #tpu.memory_space<vmem>>, vector<1024x128xf32>,
    return
  }
  func.func @transform_0(%arg0: i32) -> (i32, i32) {
    %c0_i32 = arith.constant 0 : i32
    %c0_i32_0 = arith.constant 0 : i32
    return %arg0, %c0_i32 : i32, i32
  }
  func.func @transform_1(%arg0: i32) -> (i32, i32) {
    %c0_i32 = arith.constant 0 : i32
    %c0_i32_0 = arith.constant 0 : i32
    return %arg0, %c0_i32 : i32, i32
  }
  func.func @transform_2(%arg0: i32) -> (i32, i32) {
    %c0_i32 = arith.constant 0 : i32
    %c0_i32_0 = arith.constant 0 : i32
    return %arg0, %c0_i32 : i32, i32
  }
  func.func @transform_3(%arg0: i32) -> (i32, i32) {
    %c0_i32 = arith.constant 0 : i32
    %c0_i32_0 = arith.constant 0 : i32
    return %arg0, %c0_i32 : i32, i32
  }
  func.func @transform_4(%arg0: i32) -> (i32, i32) {
    %c0_i32 = arith.constant 0 : i32
    %c0_i32_0 = arith.constant 0 : i32
    %c0_i32_1 = arith.constant 0 : i32
    return %c0_i32, %c0_i32_0 : i32, i32
  }
  func.func @transform_5(%arg0: i32) -> (i32, i32) {
    %c0_i32 = arith.constant 0 : i32
    %c0_i32_0 = arith.constant 0 : i32
    return %arg0, %c0_i32 : i32, i32
  }
  func.func @transform_6(%arg0: i32) -> (i32, i32) {
    %c0_i32 = arith.constant 0 : i32
    %c0_i32_0 = arith.constant 0 : i32
    return %arg0, %c0_i32 : i32, i32
  }
  func.func @transform_7(%arg0: i32) -> (i32, i32) {
    %c0_i32 = arith.constant 0 : i32
    %c0_i32_0 = arith.constant 0 : i32
    return %arg0, %c0_i32 : i32, i32
  }
  func.func @transform_8(%arg0: i32) -> (i32, i32) {
    %c0_i32 = arith.constant 0 : i32
    %c0_i32_0 = arith.constant 0 : i32
    return %arg0, %c0_i32 : i32, i32
  }
  func.func @transform_9(%arg0: i32) -> (i32, i32) {
    %c0_i32 = arith.constant 0 : i32
    %c0_i32_0 = arith.constant 0 : i32
    %c0_i32_1 = arith.constant 0 : i32
    return %c0_i32, %c0_i32_0 : i32, i32
  }
  func.func @transform_10(%arg0: i32) -> (i32, i32) {
    %c0_i32 = arith.constant 0 : i32
    %c0_i32_0 = arith.constant 0 : i32
    return %arg0, %c0_i32 : i32, i32
  }
  func.func @transform_11(%arg0: i32) -> (i32, i32) {
    %c0_i32 = arith.constant 0 : i32
    %c0_i32_0 = arith.constant 0 : i32
    return %arg0, %c0_i32 : i32, i32
  }
}

</mosaic_0001>

<sc_bundles>
// kernel: kernel.4.cloned.1.call-start
scs
__scs_entry_jumppad:
0x0: {  	(pc) =	sbr.rel $0x88, $3  }
0x1: {  	(tag) =	ssettag $0x0;
	lr =	simm.s32 $0x1  }
0x2: {  	[smem:$0x3F97] =	sst lr;
	_ =	strace $0xD0000000  }
0x3: {  	_ = 	snop  }
0x4: {  	_ = 	snop  }
0x5: {  	_ = 	snop  }
0x6: {  	_ = 	snop  }
0x7: {  	_ = 	snop  }
__scs_overlays_trampoline_lowered:
0x8: {  	[smem:$0x3FA6] =	sst s0  }
0x9: {  	[smem:$0x3FA7] =	sst s1  }
0xa: {  	[smem:$0x3FA8] =	sst s2  }
0xb: {  	[smem:$0x3FA9] =	sst s3  }
0xc: {  	[smem:$0x3FAA] =	sst s4  }
0xd: {  	[smem:$0x3FAB] =	sst s5  }
0xe: {  	[smem:$0x3FAC] =	sst s6  }
0xf: {  	[smem:$0x3FAD] =	sst s7  }
0x10: {  	[smem:$0x3FAE] =	sst s8  }
0x11: {  	[smem:$0x3FAF] =	sst s9;
	s0 =	simm.s32 @!p0 $0x0  }
0x12: {  	s1 =	sld [smem:$0x3F95];
	s0 =	simm.s32 @p0 $0x1  }
0x13: {  	[smem:$0x3FB0] =	sst s0;
	s0 =	simm.s32 @!p1 $0x0  }
0x14: {  	s2 =	sld [smem:$0x3F94];
	s0 =	simm.s32 @p1 $0x1  }
0x15: {  	[smem:$0x3FB1] =	sst s0;
	s0 =	simm.s32 @!p2 $0x0  }
0x16: {  	s3 =	sld [smem:$0x3FDB];
	s0 =	simm.s32 @p2 $0x1  }
0x17: {  	s4 =	simm.s32 $0x1BF5;
	[smem:$0x3FB3] =	sst s0  }
0x18: {  	s0 =	sld [smem:$0x3F96];
	_ =	swait.ge [sflag:s4], $0x0  }
0x19: {  	s7 =	sld [smem:$0x3F97]  }
0x1a: {  	s8 =	sadd.s32 $0xFFFFE003, lr  }
0x1b: {  	s9 =	sadd.s32 $0xFFFFFEF7, lr;
	s5 =	simm.s32 $0xFFFFFFFF;
	p2 =	slt.u32 s8, $0xFFFFF086  }
0x1c: {  	p1 =	slt.u32 s9, $0xF7A;
	s5 =	simm.s32 @!p2 $0x0  }
0x1d: {  	s5 =	simm.s32 @p1 $0x1;
	p0 =	seq.s32 s7, s2  }
0x1e: {  	s7 =	smul.u32 @!p0 $0xF7A, s2;
	p2 =	seq.s32 @!p0 s5, $0x0  }
0x1f: {  	s9 =	smul.u32 $0xF7A, s1;
	s8 =	simm.s32 @!p0 $0x1BF5;
	p2 =	por !p2, p0  }
0x20: {  	[sflag:s8] =	ssyncset.s32 @!p0 $0xFFFFF086;
	s6 =	sadd.s32 @!p0 s3, s7;
	s7 =	simm.s32 @!p0 $0x108  }
0x21: {  	s3 =	sadd.s32 s3, s9;
	s6 =	sadd.s32 @!p0 $0x88, s6;
	s7 =	simm.s32 @p2 $0x1082  }
0x22: {  	[simem:s7], [sflag:s8] =	dma.local @!p0 [hbm:s6], $0xF7A  }
0x23: {  	s9 =	sor.u32 $0xD0000000, s2;
	s6 =	simm.s32 $0x108;
	_ =	swait.ge @!p0 [sflag:s8], $0x0  }
0x24: {  	s3 =	sadd.s32 $0x88, s3;
	s6 =	simm.s32 @!p1 $0x1082;
	[sflag:s4] =	ssyncset.s32 $0xFFFFF086  }
0x25: {  	[simem:s6], [sflag:s4] =	dma.local [hbm:s3], $0xF7A  }
0x26: {  	[smem:$0x3F97] =	sst s1;
	(tag) =	ssettag s2;
	_ =	strace s9  }
0x27: {  	s1 =	sld [smem:$0x3FA7]  }
0x28: {  	s2 =	sld [smem:$0x3FA8]  }
0x29: {  	s4 =	sld [smem:$0x3FAA]  }
0x2a: {  	p0 =	seq.s32 s5, $0x0;
	s5 =	sld [smem:$0x3FAB]  }
0x2b: {  	s6 =	sld [smem:$0x3FAC]  }
0x2c: {  	s7 =	sld [smem:$0x3FAD]  }
0x2d: {  	s3 =	simm.s32 $0x108;
	s8 =	sld [smem:$0x3FAE]  }
0x2e: {  	s3 =	simm.s32 @!p0 $0x1082;
	s9 =	sld [smem:$0x3FAF]  }
0x2f: {  	lr =	sadd.s32 s0, s3;
	s0 =	sld [smem:$0x3FA6]  }
0x30: {  	s3 =	sld [smem:$0x3FA9]  }
0x31: {  	[smem:$0x3FB2] =	sst s10  }
0x32: {  	s10 =	sld [smem:$0x3FB0];
	_ =	sdelay $0x3  }
0x33: {  	p0 =	seq.s32 s10, $0x1;
	s10 =	sld [smem:$0x3FB2];
	_ =	sdelay $0x3  }
0x34: {  	[smem:$0x3FB2] =	sst s10  }
0x35: {  	s10 =	sld [smem:$0x3FB1];
	_ =	sdelay $0x3  }
0x36: {  	p1 =	seq.s32 s10, $0x1;
	s10 =	sld [smem:$0x3FB2];
	_ =	sdelay $0x3  }
0x37: {  	[smem:$0x3FB2] =	sst s10  }
0x38: {  	s10 =	sld [smem:$0x3FB3]  }
0x39: {  	_ = 	snop;
	(pc) =	sbr.ind lr, $3  }
0x3a: {  	_ = 	snop  }
0x3b: {  	_ = 	snop  }
0x3c: {  	p2 =	seq.s32 s10, $0x1;
	s10 =	sld [smem:$0x3FB2]  }
0x3d: {  	_ =	shalt  }
0x3e: {  	_ =	shalt  }
0x3f: {  	_ =	shalt  }
0x40: {  	_ =	shalt  }
0x41: {  	_ =	shalt  }
0x42: {  	_ =	shalt  }
0x43: {  	_ =	shalt  }
0x44: {  	_ =	shalt  }
0x45: {  	_ =	shalt  }
0x46: {  	_ =	shalt  }
0x47: {  	_ =	shalt  }
0x48: {  	_ =	shalt  }
0x49: {  	_ =	shalt  }
0x4a: {  	_ =	shalt  }
0x4b: {  	_ =	shalt  }
0x4c: {  	_ =	shalt  }
0x4d: {  	_ =	shalt  }
0x4e: {  	_ =	shalt  }
0x4f: {  	_ =	shalt  }
0x50: {  	_ =	shalt  }
0x51: {  	_ =	shalt  }
0x52: {  	_ =	shalt  }
0x53: {  	_ =	shalt  }
0x54: {  	_ =	shalt  }
0x55: {  	_ =	shalt  }
0x56: {  	_ =	shalt  }
0x57: {  	_ =	shalt  }
0x58: {  	_ =	shalt  }
0x59: {  	_ =	shalt  }
0x5a: {  	_ =	shalt  }
0x5b: {  	_ =	shalt  }
0x5c: {  	_ =	shalt  }
0x5d: {  	_ =	shalt  }
0x5e: {  	_ =	shalt  }
0x5f: {  	_ =	shalt  }
0x60: {  	_ =	shalt  }
0x61: {  	_ =	shalt  }
0x62: {  	_ =	shalt  }
0x63: {  	_ =	shalt  }
0x64: {  	_ =	shalt  }
0x65: {  	_ =	shalt  }
0x66: {  	_ =	shalt  }
0x67: {  	_ =	shalt  }
0x68: {  	_ =	shalt  }
0x69: {  	_ =	shalt  }
0x6a: {  	_ =	shalt  }
0x6b: {  	_ =	shalt  }
0x6c: {  	_ =	shalt  }
0x6d: {  	_ =	shalt  }
0x6e: {  	_ =	shalt  }
0x6f: {  	_ =	shalt  }
0x70: {  	_ =	shalt  }
0x71: {  	_ =	shalt  }
0x72: {  	_ =	shalt  }
0x73: {  	_ =	shalt  }
0x74: {  	_ =	shalt  }
0x75: {  	_ =	shalt  }
0x76: {  	_ =	shalt  }
0x77: {  	_ =	shalt  }
0x78: {  	_ =	shalt  }
0x79: {  	_ =	shalt  }
0x7a: {  	_ =	shalt  }
0x7b: {  	_ =	shalt  }
0x7c: {  	_ =	shalt  }
0x7d: {  	_ =	shalt  }
0x7e: {  	_ =	shalt  }
0x7f: {  	_ =	shalt  }
0x80: {  	_ =	shalt  }
0x81: {  	_ =	shalt  }
0x82: {  	_ =	shalt  }
0x83: {  	_ =	shalt  }
0x84: {  	_ =	shalt  }
0x85: {  	_ =	shalt  }
0x86: {  	_ =	shalt  }
0x87: {  	_ =	shalt  }
.Lfunc_end0:
.L_simem_size_0:
called_computation_lowered:
.L_overlay_start_0:
0x88: {  	s2 =	sld [smem:$0x3FD9]  }
0x89: {  	s3 =	sld [smem:$0x3FFE];
	_ =	sdelay $0x1  }
0x8a: {  	s1 =	srdreg.scid  }
0x8b: {  	s0 =	sand.u32 $0x1, s1  }
0x8c: {  	s14 =	sshll.u32 s0, $0xA;
	s2 =	sadd.s32 s3, s2  }
0x8d: {  	s2 =	sadd.s32 s2, s14  }
0x8e: {  	[smem:$0x3FBE] =	sst s2  }
0x8f: {  	_ = 	snop  }
0x90: {  	s2 =	sld [smem:$0x3FD0];
	_ =	sdelay $0x1  }
0x91: {  	s15 =	sld [smem:$0x3FC9]  }
0x92: {  	s5 =	simm.s32 $0xA;
	s6 =	simm.s32 $0x10;
	s4 =	sld [smem:$0x3FC8]  }
0x93: {  	[smem:s6], [sflag:s5] =	dma.local [hbm:s2], $0x1  }
0x94: {  	_ =	swait.eq [sflag:s5], $0x1  }
0x95: {  	[sflag:s5] =	ssyncset.done $0x0  }
0x96: {  	s16 =	sld [smem:$0x10];
	[sflag:s5] =	ssyncadd.s32 $0xFFFFFFFF  }
0x97: {  	s17 =	sld [smem:$0x11];
	(tm) =	ssettm $0x1  }
0x98: {  	s18 =	sld [smem:$0x3FFB];
	_ =	sdelay $0x3  }
0x99: {  	_ =	strace s18  }
0x9a: {  	s6 =	sld [smem:$0x3FFC];
	_ =	sdelay $0x3  }
0x9b: {  	_ =	strace s6  }
0x9c: {  	s6 =	sld [smem:$0x3FFD];
	_ =	sdelay $0x3  }
0x9d: {  	_ =	strace s6  }
0x9e: {  	_ =	strace $0x8FFFFFFF  }
0x9f: {  	s19 =	sld [smem:$0x3FDB];
	_ =	sdelay $0x1  }
0xa0: {  	s7 =	simm.s32 $_scs_section_size  }
0xa1: {  	s8 =	simm.s32 $_size__tile_overlayer_lowered;
	s9 =	simm.s32 $_tile_overlayer_lowered  }
0xa2: {  	s22 =	simm.s32 $0x1BFF;
	s21 =	sshll.u32 s9, $0x1;
	s6 =	sadd.s32 s7, s19  }
0xa3: {  	s10 =	simm.s32 $0x0;
	s20 =	sshll.u32 s8, $0x1;
	s8 =	sadd.s32 s21, s6  }
0xa4: {  	[timem:s10], [sflag:s22] =	dma.local [hbm:s8], s20  }
0xa5: {  	_ =	swait.ge [sflag:s22], s20  }
0xa6: {  	s7 =	ssub.s32 $0x0, s20;
	[sflag:s22] =	ssyncset.done $0x0  }
0xa7: {  	[sflag:s22] =	ssyncadd.s32 s7;
	_ =	sdelay $0x1  }
0xa8: {  	s23 =	simm.s32 $0x1B8B  }
0xa9: {  	_ =	swait.ge [sflag:s23], $0x1  }
0xaa: {  	[sflag:s23] =	ssyncset.done $0x0  }
0xab: {  	s25 =	simm.s32 $0x1B8E;
	s24 =	sld [smem:$0x3FFE];
	[sflag:s23] =	ssyncadd.s32 $0xFFFFFFFF  }
0xac: {  	s26 =	simm.s32 $execute0_lowered;
	[smem:$0x3FD2] =	sst s25  }
0xad: {  	s8 =	sshll.u32 s26, $0x1;
	_ =	strace $0x80000046;
	[dreg:$0x1] =	wrdreg $0xFFFFFFFF  }
0xae: {  	s28 =	simm.s32 $_size_execute0_lowered;
	s6 =	sadd.s32 s6, s8;
	[dreg:$0x0] =	wrdreg $0x0  }
0xaf: {  	s8 =	sshll.u32 s28, $0x1;
	[dreg:$0x2] =	wrdreg s6  }
0xb0: {  	[dreg:$0x3] =	wrdreg s8  }
0xb1: {  	[dreg:$0x4] =	wrdreg $0xC0  }
0xb2: {  	_ =	task [dreg:s10], $0x5FFFF  }
0xb3: {  	[dreg:$0x1] =	wrdreg $0xFFFFFFFF  }
0xb4: {  	[dreg:$0x0] =	wrdreg $0x60  }
0xb5: {  	[dreg:$0x2] =	wrdreg s15  }
0xb6: {  	[dreg:$0x3] =	wrdreg s4  }
0xb7: {  	[dreg:$0x4] =	wrdreg s17  }
0xb8: {  	[dreg:$0x5] =	wrdreg s16  }
0xb9: {  	[dreg:$0x6] =	wrdreg s24  }
0xba: {  	[dreg:$0x7] =	wrdreg $0x70000  }
0xbb: {  	[dreg:$0x8] =	wrdreg $0x9  }
0xbc: {  	_ =	task.clear_ibuf [dreg:s10], $0x9FFFF;
	_ =	strace $0x90000046  }
0xbd: {  	s29 =	simm.s32 $0x9;
	_ =	strace $0x80000048  }
0xbe: {  	_ =	swait.ge [sflag:s29], $0x1  }
0xbf: {  	[sflag:s29] =	ssyncadd.s32 $0xFFFFFFFF  }
0xc0: {  	_ =	strace $0x90000048  }
0xc1: {  	_ =	sfence  }
0xc2: {  	s30 =	sld [smem:$0x0];
	_ =	sdelay $0x2  }
0xc3: {  	s31 =	sshll.u32 s1, $0xD;
	s1 =	sshrl.u32 s1, $0x2  }
0xc4: {  	s3 =	sand.u32 $0x4000, s31;
	s1 =	sadd.s32 s1, s30  }
0xc5: {  	s0 =	sor.u32 s3, s0;
	s1 =	sshll.u32 s1, $0x11  }
0xc6: {  	s0 =	sor.u32 s1, s0  }
0xc7: {  	s0 =	sadd.s32 $0x8F2B, s0  }
0xc8: {  	[sflag:s0] =	ssyncadd.remote.s32 $0x1  }
0xc9: {  	_ =	sfence.sel $0xFFFF  }
0xca: {  	[dreg:$0x0] =	wrdreg $0xFFFFFFFF;
	(pc) =	sbr.abs _section_cstart, $3  }
0xcb: {  	[dreg:$0x1] =	wrdreg $0xFFFFFFFF  }
0xcc: {  	_ =	task.clear_ibuf [dreg:s10], $0x2FFFF;
	_ =	strace $0x9FFFFFFF  }
0xcd: {  	(tm) =	ssettm $0x7FFFFFFF  }
tec
execute0_lowered:
.L_overlay_start_1:
0x0: {  	(tag) =	ssettag $0x1  }
0x1: {  	s1 =	rddreg [dreg:$0x0]  }
0x2: {  	s2 =	rddreg [dreg:$0x1]  }
0x3: {  	s3 =	rddreg [dreg:$0x2]  }
0x4: {  	s4 =	rddreg [dreg:$0x3]  }
0x5: {  	s0 =	rddreg [dreg:$0x4]  }
0x6: {  	s5 =	rddreg [dreg:$0x5];
	s6 =	simm.s32 $0x0;
	s22 =	stileid.u32  }
0x7: {  	s7 =	srdreg.scid;
	[smem:$0x7FF] =	sst s6  }
0x8: {  	s8 =	sadd.s32 $0x20C00, s0;
	s9 =	sadd.s32 $0x16C00, s0;
	s10 =	sadd.s32 $0x2C00, s0  }
0x9: {  	s11 =	smul.u32 $0x2800, s22;
	s12 =	sadd.s32 $0xCC00, s0;
	s13 =	sadd.s32 $0x2AC00, s0  }
0xa: {  	s7 =	sand.u32 $0x1, s7;
	s17 =	smul.u32 $0x51000, s22;
	s15 =	sadd.s32 $0x7D600, s0  }
0xb: {  	s19 =	smul.u32 $0x50000, s22;
	_ =	strace $0x80000047;
	s16 =	ssub.s32 $0x2, s7  }
0xc: {  	[dreg:$0x7] =	wrdreg s15;
	s15 =	sadd.s32 $0xA5600, s0;
	p0 =	seq.s32 s7, $0x1  }
0xd: {  	s14 =	sadd.s32 s11, s0;
	s18 =	sshrl.u32 s16, $0x1;
	s21 =	sshrl.u32 s17, $0x2  }
0xe: {  	s23 =	sshrl.u32 s19, $0x2;
	s20 =	ssub.s32 s16, s18;
	s16 =	smul.u32 $0x5000, s22  }
0xf: {  	s19 =	simm.s32 $0x1;
	s17 =	sadd.s32 s21, s5;
	s24 =	sadd.s32 $0x2D600, s14  }
0x10: {  	s25 =	sadd.s32 $0x55600, s14;
	[dreg:$0x8] =	wrdreg s24;
	s26 =	sshrl.u32 s16, $0x3  }
0x11: {  	s18 =	sadd.s32 s23, s5;
	[dreg:$0x9] =	wrdreg s25;
	s28 =	sadd.s32 s4, s26  }
0x12: {  	s29 =	sadd.s32 $0x200, s26;
	s0 =	sadd.s32 s9, s26;
	[dreg:$0xa] =	wrdreg s28  }
0x13: {  	s21 =	smax.u32 s20, $0x1;
	[dreg:$0xb] =	wrdreg s0;
	s23 =	sadd.s32 s4, s29  }
0x14: {  	s30 =	sadd.s32 $0x400, s26;
	s24 =	sadd.s32 s9, s29;
	[dreg:$0xc] =	wrdreg s23  }
0x15: {  	s31 =	sadd.s32 $0x600, s26;
	s25 =	sadd.s32 s4, s30;
	[dreg:$0xd] =	wrdreg s24  }
0x16: {  	s20 =	sadd.s32 $0x800, s26;
	s26 =	sadd.s32 s9, s30;
	[dreg:$0xe] =	wrdreg s25  }
.Ltmp0:
0x17: {  	s28 =	sadd.s32 s4, s31;
	[dreg:$0xf] =	wrdreg s26;
	(pc) =	sbr.rel .LBB2_1-.Ltmp0, $4  }
0x18: {  	s29 =	sadd.s32 s9, s31;
	s30 =	sadd.s32 s4, s20;
	[dreg:$0x10] =	wrdreg s28  }
0x19: {  	s0 =	sadd.s32 s9, s20;
	s31 =	sshll.u32 s22, $0x6;
	[dreg:$0x11] =	wrdreg s29  }
0x1a: {  	s20 =	simm.s32 $0x1000;
	s22 =	simm.s32 $0x2000;
	[dreg:$0x12] =	wrdreg s30  }
0x1b: {  	v0 =	vimm.f32 $1.000000000e+00;
	s7 =	sor.u32 $0x1C01, s31;
	s23 =	simm.s32 $0x80;
	s24 =	simm.s32 $0x3000  }
.LBB2_38:
0x1c: {  	s14 =	sadd.s32 s14, s11  }
0x1d: {  	[bflag:$0x0] =	sbarrier.arrive $0xFFFF;
	s25 =	sshrl.u32 s18, $0x3;
	s6 =	sadd.s32 $0x1, s6  }
0x1e: {  	[hbm:s14], [sflag:s7] =	dma.local [spmem:s25], $0x2800  }
0x1f: {  	p1 =	sne.s32 s6, s21  }
.Ltmp1:
0x20: {  	_ =	swait.ge [sflag:s19], $0x2800;
	(pc) =	sbr.rel @!p1 .LBB2_39-.Ltmp1, $3  }
0x21: {  	[sflag:s19] =	ssyncset.done $0x0  }
0x22: {  	[sflag:s19] =	ssyncadd.s32 $0xFFFFD800  }
0x23: {  	[bflag:$0x0] =	sbarrier.arrive $0xFFFF;
	_ =	sdelay $0x1  }
.LBB2_1:
0x24: {  	s25 =	sshrl.u32 s17, $0x3  }
0x25: {  	[spmem:s25], [sflag:s7] =	dma.local [hbm:s13], $0x2880  }
.Ltmp2:
0x26: {  	_ =	swait.ge [sflag:s19], $0x2880;
	(pc) =	sbr.rel @!p0 .LBB2_2-.Ltmp2, $4  }
0x27: {  	[sflag:s19] =	ssyncset.done $0x0  }
0x28: {  	[sflag:s19] =	ssyncadd.s32 $0xFFFFD780  }
0x29: {  	[bflag:$0x0] =	sbarrier.arrive $0xFFFF  }
0x2a: {  	s26 =	simm.s32 $0x0;
	s28 =	simm.s32 $0x0  }
.LBB2_20:
0x2b: {  	s14 =	sshll.u32 s28, $0xC  }
0x2c: {  	s14 =	sadd.s32 s16, s14  }
0x2d: {  	s14 =	sshrl.u32 s14, $0x3  }
0x2e: {  	s26 =	simm.s32 $0x0;
	s29 =	sadd.s32 s3, s14  }
0x2f: {  	[tilespmem:s26], [sflag:$0x1] =	stream.linear.gather [hbm4b:s29+s26], $0x1000, $0x38;
	[tilespmem:$0x1B400] =	vst v63  }
0x30: {  	_ =	swait.ge [sflag:s19], $0x1000  }
0x31: {  	[sflag:s19] =	ssyncset.done $0x0  }
0x32: {  	s31 =	sadd.s32 s9, s14;
	[sflag:s19] =	ssyncadd.s32 $0xFFFFF000  }
0x33: {  	[tilespmem:s20], [sflag:$0x1] =	stream.linear.gather [hbm4b:s31+s26], $0x1000, $0x38;
	[tilespmem:$0x1B400] =	vst v63  }
0x34: {  	_ =	swait.ge [sflag:s19], $0x1000  }
0x35: {  	[sflag:s19] =	ssyncset.done $0x0  }
0x36: {  	s14 =	sadd.s32 s10, s14;
	[sflag:s19] =	ssyncadd.s32 $0xFFFFF000  }
0x37: {  	[tilespmem:s22], [sflag:$0x1] =	stream.linear.gather [hbm4b:s14+s26], $0x1000, $0x38;
	[tilespmem:$0x1B400] =	vst v63  }
0x38: {  	_ =	swait.ge [sflag:s19], $0x1000  }
0x39: {  	[sflag:s19] =	ssyncset.done $0x0  }
0x3a: {  	[sflag:s19] =	ssyncadd.s32 $0xFFFFF000  }
.LBB2_21:
0x3b: {  	s14 =	sshll.u32 s26, $0x7  }
0x3c: {  	s29 =	sadd.s32 $0x2000, s14  }
0x3d: {  	v1 =	vmov s29  }
0x3e: {  	[tilespmem:s24], [sflag:$0x1] =	stream.indirect.gather [hbm4b:s1+s23], $0x80, s14, s23, $0xb8;
	[tilespmem:$0x1B400] =	vst v63  }
0x3f: {  	_ =	swait.ge [sflag:s19], $0x4000  }
0x40: {  	s29 =	simm.s32 $0x0;
	[sflag:s19] =	ssyncset.done $0x0  }
0x41: {  	s30 =	simm.s32 $0x0;
	s29 =	sand.u32 $0x3FFFFFF0, s29;
	[sflag:s19] =	ssyncadd.s32 $0xFFFFC000  }
0x42: {  	v2 =	vld.idx.msk [tilespmem:v1+s29+$0x0 ss:$0x1], $0xffff;
	s29 =	sand.u32 $0x3FFFF800, s30  }
0x43: {  	v8 =	vld [tilespmem:s29+$0x30C0]  }
0x44: {  	v4 =	vld [tilespmem:s29+$0x3020]  }
0x45: {  	v5 =	vld [tilespmem:s29+$0x3030]  }
0x46: {  	v11 =	vld [tilespmem:s29+$0x3060]  }
0x47: {  	v12 =	vld [tilespmem:s29+$0x3070];
	v3 =	vbroadcast v2, $0x0  }
0x48: {  	v13 =	vld [tilespmem:s29+$0x3080]  }
0x49: {  	v14 =	vld [tilespmem:s29+$0x3090];
	v4 =	vmul.f32 v4, v3  }
0x4a: {  	v15 =	vld [tilespmem:s29+$0x30A0];
	v5 =	vmul.f32 v5, v3  }
0x4b: {  	v10 =	vld [tilespmem:s29+$0x30B0];
	v21 =	vbroadcast v2, $0x1;
	v20 =	vmul.f32 v11, v3;
	[tilespmem:s29+$0x3020] =	vst v4  }
0x4c: {  	v9 =	vld [tilespmem:s29+$0x30D0];
	v12 =	vmul.f32 v12, v3;
	[tilespmem:s29+$0x3030] =	vst v5  }
0x4d: {  	v7 =	vld [tilespmem:s29+$0x3570];
	v13 =	vmul.f32 v13, v21;
	[tilespmem:s29+$0x3060] =	vst v20  }
0x4e: {  	v23 =	vld [tilespmem:s29+$0x30F0];
	v14 =	vmul.f32 v14, v21;
	[tilespmem:s29+$0x3070] =	vst v12  }
0x4f: {  	v24 =	vld [tilespmem:s29+$0x3100];
	v15 =	vmul.f32 v15, v21;
	[tilespmem:s29+$0x3080] =	vst v13  }
0x50: {  	v25 =	vld [tilespmem:s29+$0x3110];
	v10 =	vmul.f32 v10, v21;
	[tilespmem:s29+$0x3090] =	vst v14  }
0x51: {  	v22 =	vld [tilespmem:s29+$0x30E0];
	v8 =	vmul.f32 v8, v21;
	[tilespmem:s29+$0x30A0] =	vst v15  }
0x52: {  	v26 =	vld [tilespmem:s29+$0x3120];
	v16 =	vbroadcast v2, $0x2;
	v9 =	vmul.f32 v9, v21;
	[tilespmem:s29+$0x30B0] =	vst v10  }
0x53: {  	v27 =	vld [tilespmem:s29+$0x3130];
	v11 =	vmul.f32 v23, v21;
	[tilespmem:s29+$0x30C0] =	vst v8  }
0x54: {  	v28 =	vld [tilespmem:s29+$0x3140];
	v6 =	vbroadcast v2, $0xA;
	v30 =	vmul.f32 v24, v16;
	[tilespmem:s29+$0x30D0] =	vst v9  }
0x55: {  	v29 =	vld [tilespmem:s29+$0x3150];
	v32 =	vmul.f32 v25, v16;
	[tilespmem:s29+$0x30F0] =	vst v11  }
0x56: {  	v31 =	vld [tilespmem:s29+$0x3160];
	v4 =	vmul.f32 v7, v6;
	[tilespmem:s29+$0x3100] =	vst v30  }
0x57: {  	v33 =	vld [tilespmem:s29+$0x3170];
	v12 =	vmul.f32 v22, v21;
	[tilespmem:s29+$0x3110] =	vst v32  }
0x58: {  	v34 =	vld [tilespmem:s29+$0x3180];
	v10 =	vmul.f32 v26, v16;
	[tilespmem:s29+$0x3570] =	vst v4  }
0x59: {  	v35 =	vld [tilespmem:s29+$0x3190];
	v8 =	vmul.f32 v27, v16;
	[tilespmem:s29+$0x30E0] =	vst v12  }
0x5a: {  	v36 =	vld [tilespmem:s29+$0x31A0];
	v9 =	vmul.f32 v28, v16;
	[tilespmem:s29+$0x3120] =	vst v10  }
0x5b: {  	v37 =	vld [tilespmem:s29+$0x31B0];
	v39 =	vbroadcast v2, $0x3;
	v11 =	vmul.f32 v31, v16;
	[tilespmem:s29+$0x3130] =	vst v8  }
0x5c: {  	v38 =	vld [tilespmem:s29+$0x31C0];
	v13 =	vmul.f32 v33, v16;
	[tilespmem:s29+$0x3140] =	vst v9  }
0x5d: {  	v40 =	vld [tilespmem:s29+$0x31D0];
	v14 =	vmul.f32 v34, v39;
	[tilespmem:s29+$0x3160] =	vst v11  }
0x5e: {  	v41 =	vld [tilespmem:s29+$0x31E0];
	v12 =	vmul.f32 v29, v16;
	[tilespmem:s29+$0x3170] =	vst v13  }
0x5f: {  	v42 =	vld [tilespmem:s29+$0x31F0];
	v10 =	vmul.f32 v35, v39;
	[tilespmem:s29+$0x3180] =	vst v14  }
0x60: {  	v43 =	vld [tilespmem:s29+$0x3200];
	v8 =	vmul.f32 v36, v39;
	[tilespmem:s29+$0x3150] =	vst v12  }
0x61: {  	v44 =	vld [tilespmem:s29+$0x3210];
	v9 =	vmul.f32 v37, v39;
	[tilespmem:s29+$0x3190] =	vst v10  }
0x62: {  	v45 =	vld [tilespmem:s29+$0x3220];
	v11 =	vmul.f32 v40, v39;
	[tilespmem:s29+$0x31A0] =	vst v8  }
0x63: {  	v46 =	vld [tilespmem:s29+$0x3230];
	v13 =	vmul.f32 v41, v39;
	[tilespmem:s29+$0x31B0] =	vst v9  }
0x64: {  	v47 =	vld [tilespmem:s29+$0x3240];
	v48 =	vbroadcast v2, $0x4;
	v14 =	vmul.f32 v42, v39;
	[tilespmem:s29+$0x31D0] =	vst v11  }
0x65: {  	v49 =	vld [tilespmem:s29+$0x3250];
	v12 =	vmul.f32 v38, v39;
	[tilespmem:s29+$0x31E0] =	vst v13  }
0x66: {  	v50 =	vld [tilespmem:s29+$0x3260];
	v10 =	vmul.f32 v43, v48;
	[tilespmem:s29+$0x31F0] =	vst v14  }
0x67: {  	v51 =	vld [tilespmem:s29+$0x3270];
	v8 =	vmul.f32 v44, v48;
	[tilespmem:s29+$0x31C0] =	vst v12  }
0x68: {  	v52 =	vld [tilespmem:s29+$0x3280];
	v9 =	vmul.f32 v45, v48;
	[tilespmem:s29+$0x3200] =	vst v10  }
0x69: {  	v53 =	vld [tilespmem:s29+$0x3290];
	v11 =	vmul.f32 v47, v48;
	[tilespmem:s29+$0x3210] =	vst v8  }
0x6a: {  	v54 =	vld [tilespmem:s29+$0x32A0];
	v13 =	vmul.f32 v49, v48;
	[tilespmem:s29+$0x3220] =	vst v9  }
0x6b: {  	v55 =	vld [tilespmem:s29+$0x32B0];
	v14 =	vmul.f32 v50, v48;
	[tilespmem:s29+$0x3240] =	vst v11  }
0x6c: {  	v56 =	vld [tilespmem:s29+$0x32C0];
	v57 =	vbroadcast v2, $0x5;
	v12 =	vmul.f32 v46, v48;
	[tilespmem:s29+$0x3250] =	vst v13  }
0x6d: {  	v58 =	vld [tilespmem:s29+$0x32D0];
	v10 =	vmul.f32 v51, v48;
	[tilespmem:s29+$0x3260] =	vst v14  }
0x6e: {  	v59 =	vld [tilespmem:s29+$0x32E0];
	v8 =	vmul.f32 v52, v57;
	[tilespmem:s29+$0x3230] =	vst v12  }
0x6f: {  	v60 =	vld [tilespmem:s29+$0x32F0];
	v9 =	vmul.f32 v53, v57;
	[tilespmem:s29+$0x3270] =	vst v10  }
0x70: {  	v61 =	vld [tilespmem:s29+$0x3300];
	v11 =	vmul.f32 v55, v57;
	[tilespmem:s29+$0x3280] =	vst v8  }
0x71: {  	v62 =	vld [tilespmem:s29+$0x3310];
	v13 =	vmul.f32 v56, v57;
	[tilespmem:s29+$0x3290] =	vst v9  }
0x72: {  	v63 =	vld [tilespmem:s29+$0x3320];
	v14 =	vmul.f32 v58, v57;
	[tilespmem:s29+$0x32B0] =	vst v11  }
0x73: {  	v20 =	vld [tilespmem:s29+$0x3330];
	v12 =	vmul.f32 v54, v57;
	[tilespmem:s29+$0x32C0] =	vst v13  }
0x74: {  	v21 =	vld [tilespmem:s29+$0x3340];
	v22 =	vbroadcast v2, $0x6;
	v10 =	vmul.f32 v59, v57;
	[tilespmem:s29+$0x32D0] =	vst v14  }
0x75: {  	v23 =	vld [tilespmem:s29+$0x3350];
	v8 =	vmul.f32 v60, v57;
	[tilespmem:s29+$0x32A0] =	vst v12  }
0x76: {  	v24 =	vld [tilespmem:s29+$0x3360];
	v9 =	vmul.f32 v61, v22;
	[tilespmem:s29+$0x32E0] =	vst v10  }
0x77: {  	v25 =	vld [tilespmem:s29+$0x3370];
	v11 =	vmul.f32 v63, v22;
	[tilespmem:s29+$0x32F0] =	vst v8  }
0x78: {  	v5 =	vld [tilespmem:s29+$0x3580];
	v13 =	vmul.f32 v20, v22;
	[tilespmem:s29+$0x3300] =	vst v9  }
0x79: {  	v27 =	vld [tilespmem:s29+$0x3390];
	v14 =	vmul.f32 v21, v22;
	[tilespmem:s29+$0x3320] =	vst v11  }
0x7a: {  	v28 =	vld [tilespmem:s29+$0x33A0];
	v12 =	vmul.f32 v62, v22;
	[tilespmem:s29+$0x3330] =	vst v13  }
0x7b: {  	v29 =	vld [tilespmem:s29+$0x33B0];
	v10 =	vmul.f32 v23, v22;
	[tilespmem:s29+$0x3340] =	vst v14  }
0x7c: {  	v31 =	vbroadcast v2, $0x7;
	v53 =	vld [tilespmem:s29+$0x3500];
	v8 =	vmul.f32 v24, v22;
	[tilespmem:s29+$0x3310] =	vst v12  }
0x7d: {  	v58 =	vld [tilespmem:s29+$0x3550];
	v9 =	vmul.f32 v25, v22;
	[tilespmem:s29+$0x3350] =	vst v10  }
0x7e: {  	v26 =	vld [tilespmem:s29+$0x3380];
	v11 =	vmul.f32 v27, v31;
	[tilespmem:s29+$0x3360] =	vst v8  }
0x7f: {  	v30 =	vld [tilespmem:s29+$0x33C0];
	v13 =	vmul.f32 v28, v31;
	[tilespmem:s29+$0x3370] =	vst v9  }
0x80: {  	v32 =	vld [tilespmem:s29+$0x33D0];
	v14 =	vmul.f32 v29, v31;
	[tilespmem:s29+$0x3390] =	vst v11  }
0x81: {  	v33 =	vld [tilespmem:s29+$0x33E0];
	v59 =	vmul.f32 v53, v6;
	[tilespmem:s29+$0x33A0] =	vst v13  }
0x82: {  	v35 =	vld [tilespmem:s29+$0x3400];
	v21 =	vmul.f32 v58, v6;
	[tilespmem:s29+$0x33B0] =	vst v14  }
0x83: {  	v36 =	vld [tilespmem:s29+$0x3410];
	v12 =	vmul.f32 v26, v31;
	[tilespmem:s29+$0x3500] =	vst v59  }
0x84: {  	v37 =	vld [tilespmem:s29+$0x3420];
	v10 =	vmul.f32 v30, v31;
	[tilespmem:s29+$0x3550] =	vst v21  }
0x85: {  	v7 =	vld [tilespmem:s29+$0x3590];
	v40 =	vbroadcast v2, $0x8;
	v8 =	vmul.f32 v32, v31;
	[tilespmem:s29+$0x3380] =	vst v12  }
0x86: {  	v34 =	vld [tilespmem:s29+$0x33F0];
	v9 =	vmul.f32 v33, v31;
	[tilespmem:s29+$0x33C0] =	vst v10  }
0x87: {  	v57 =	vld [tilespmem:s29+$0x3540];
	v11 =	vmul.f32 v35, v40;
	[tilespmem:s29+$0x33D0] =	vst v8  }
0x88: {  	v61 =	vld [tilespmem:s29+$0x3000];
	v24 =	vbroadcast v2, $0xB;
	v13 =	vmul.f32 v36, v40;
	[tilespmem:s29+$0x33E0] =	vst v9  }
0x89: {  	v4 =	vld [tilespmem:s29+$0x37D0];
	v14 =	vmul.f32 v37, v40;
	[tilespmem:s29+$0x3400] =	vst v11  }
0x8a: {  	v38 =	vld [tilespmem:s29+$0x3430];
	v5 =	vmul.f32 v5, v24;
	[tilespmem:s29+$0x3410] =	vst v13  }
0x8b: {  	v39 =	vld [tilespmem:s29+$0x3440];
	v7 =	vmul.f32 v7, v24;
	[tilespmem:s29+$0x3420] =	vst v14  }
0x8c: {  	v41 =	vld [tilespmem:s29+$0x3450];
	v19 =	vmul.f32 v57, v6;
	[tilespmem:s29+$0x3580] =	vst v5  }
0x8d: {  	v43 =	vld [tilespmem:s29+$0x3470];
	v25 =	vmul.f32 v3, v61;
	[tilespmem:s29+$0x3590] =	vst v7  }
0x8e: {  	v44 =	vld [tilespmem:s29+$0x3480];
	v12 =	vmul.f32 v34, v31;
	[tilespmem:s29+$0x3540] =	vst v19  }
0x8f: {  	v45 =	vld [tilespmem:s29+$0x3490];
	v10 =	vmul.f32 v38, v40;
	[tilespmem:s29+$0x3000] =	vst v25  }
0x90: {  	v27 =	vld [tilespmem:s29+$0x35D0];
	v8 =	vmul.f32 v39, v40;
	[tilespmem:s29+$0x33F0] =	vst v12  }
0x91: {  	v49 =	vbroadcast v2, $0x9;
	v29 =	vld [tilespmem:s29+$0x35F0];
	v9 =	vmul.f32 v41, v40;
	[tilespmem:s29+$0x3430] =	vst v10  }
0x92: {  	v42 =	vld [tilespmem:s29+$0x3460];
	v11 =	vmul.f32 v43, v40;
	[tilespmem:s29+$0x3440] =	vst v8  }
0x93: {  	v46 =	vld [tilespmem:s29+$0x34A0];
	v13 =	vmul.f32 v44, v49;
	[tilespmem:s29+$0x3450] =	vst v9  }
0x94: {  	v47 =	vld [tilespmem:s29+$0x34B0];
	v14 =	vmul.f32 v45, v49;
	[tilespmem:s29+$0x3470] =	vst v11  }
0x95: {  	v48 =	vld [tilespmem:s29+$0x34C0];
	v32 =	vmul.f32 v27, v24;
	[tilespmem:s29+$0x3480] =	vst v13  }
0x96: {  	v51 =	vld [tilespmem:s29+$0x34E0];
	v7 =	vmul.f32 v29, v24;
	[tilespmem:s29+$0x3490] =	vst v14  }
0x97: {  	v52 =	vld [tilespmem:s29+$0x34F0];
	v12 =	vmul.f32 v42, v40;
	[tilespmem:s29+$0x35D0] =	vst v32  }
0x98: {  	v10 =	vmul.f32 v46, v49;
	[tilespmem:s29+$0x35F0] =	vst v7  }
0x99: {  	v28 =	vld [tilespmem:s29+$0x35E0];
	v8 =	vmul.f32 v47, v49;
	[tilespmem:s29+$0x3460] =	vst v12  }
0x9a: {  	v30 =	vld [tilespmem:s29+$0x3600];
	v9 =	vmul.f32 v48, v49;
	[tilespmem:s29+$0x34A0] =	vst v10  }
0x9b: {  	v50 =	vld [tilespmem:s29+$0x34D0];
	v5 =	vbroadcast v2, $0xF;
	v11 =	vmul.f32 v51, v49;
	[tilespmem:s29+$0x34B0] =	vst v8  }
0x9c: {  	v54 =	vld [tilespmem:s29+$0x3510];
	v13 =	vmul.f32 v52, v49;
	[tilespmem:s29+$0x34C0] =	vst v9  }
0x9d: {  	v55 =	vld [tilespmem:s29+$0x3520];
	v35 =	vbroadcast v2, $0xC;
	v4 =	vmul.f32 v4, v5;
	[tilespmem:s29+$0x34E0] =	vst v11  }
0x9e: {  	v56 =	vld [tilespmem:s29+$0x3530];
	v40 =	vmul.f32 v28, v24;
	[tilespmem:s29+$0x34F0] =	vst v13  }
0x9f: {  	v60 =	vld [tilespmem:s29+$0x3560];
	v16 =	vmul.f32 v30, v35;
	[tilespmem:s29+$0x37D0] =	vst v4  }
0xa0: {  	v62 =	vld [tilespmem:s29+$0x3010];
	v12 =	vmul.f32 v50, v49;
	[tilespmem:s29+$0x35E0] =	vst v40  }
0xa1: {  	v63 =	vld [tilespmem:s29+$0x3040];
	v10 =	vmul.f32 v54, v6;
	[tilespmem:s29+$0x3600] =	vst v16  }
0xa2: {  	v20 =	vld [tilespmem:s29+$0x3050];
	v8 =	vmul.f32 v55, v6;
	[tilespmem:s29+$0x34D0] =	vst v12  }
0xa3: {  	v33 =	vld [tilespmem:s29+$0x3630];
	v9 =	vmul.f32 v56, v6;
	[tilespmem:s29+$0x3510] =	vst v10  }
0xa4: {  	v61 =	vld [tilespmem:s29+$0x37F0];
	v6 =	vmul.f32 v60, v6;
	[tilespmem:s29+$0x3520] =	vst v8  }
0xa5: {  	v38 =	vld [tilespmem:s29+$0x3670];
	v13 =	vmul.f32 v62, v3;
	[tilespmem:s29+$0x3530] =	vst v9  }
0xa6: {  	v22 =	vld [tilespmem:s29+$0x35A0];
	v4 =	vmul.f32 v63, v3;
	[tilespmem:s29+$0x3560] =	vst v6  }
0xa7: {  	v23 =	vld [tilespmem:s29+$0x35B0];
	v3 =	vmul.f32 v20, v3;
	[tilespmem:s29+$0x3010] =	vst v13  }
0xa8: {  	v26 =	vld [tilespmem:s29+$0x35C0];
	v62 =	vmul.f32 v33, v35;
	[tilespmem:s29+$0x3040] =	vst v4  }
0xa9: {  	v31 =	vld [tilespmem:s29+$0x3610];
	v63 =	vmul.f32 v61, v5;
	[tilespmem:s29+$0x3050] =	vst v3  }
0xaa: {  	v34 =	vld [tilespmem:s29+$0x3640];
	v16 =	vmul.f32 v38, v35;
	[tilespmem:s29+$0x3630] =	vst v62  }
0xab: {  	v41 =	vld [tilespmem:s29+$0x36A0];
	v8 =	vmul.f32 v22, v24;
	[tilespmem:s29+$0x37F0] =	vst v63  }
0xac: {  	v46 =	vld [tilespmem:s29+$0x36E0];
	v9 =	vmul.f32 v23, v24;
	[tilespmem:s29+$0x3670] =	vst v16  }
0xad: {  	v6 =	vmul.f32 v26, v24;
	v3 =	vld [tilespmem:s29+$0x3690];
	[tilespmem:s29+$0x35A0] =	vst v8  }
0xae: {  	v36 =	vld [tilespmem:s29+$0x3650];
	v44 =	vbroadcast v2, $0xD;
	v10 =	vmul.f32 v31, v35;
	[tilespmem:s29+$0x35B0] =	vst v9  }
0xaf: {  	v37 =	vld [tilespmem:s29+$0x3660];
	v13 =	vmul.f32 v34, v35;
	[tilespmem:s29+$0x35C0] =	vst v6  }
0xb0: {  	v39 =	vld [tilespmem:s29+$0x3680];
	v12 =	vmul.f32 v41, v44;
	[tilespmem:s29+$0x3610] =	vst v10  }
0xb1: {  	v42 =	vld [tilespmem:s29+$0x36B0];
	v51 =	vmul.f32 v46, v44;
	[tilespmem:s29+$0x3640] =	vst v13  }
0xb2: {  	v48 =	vld [tilespmem:s29+$0x3710];
	[tilespmem:s29+$0x36A0] =	vst v12;
	v3 =	vmul.f32 v3, v44  }
0xb3: {  	v49 =	vld [tilespmem:s29+$0x3720];
	v9 =	vmul.f32 v36, v35;
	[tilespmem:s29+$0x36E0] =	vst v51  }
0xb4: {  	v6 =	vmul.f32 v37, v35;
	[tilespmem:s29+$0x3690] =	vst v3;
	v3 =	vld [tilespmem:s29+$0x3700]  }
0xb5: {  	v2 =	vbroadcast v2, $0xE;
	v50 =	vld [tilespmem:s29+$0x3730];
	v10 =	vmul.f32 v39, v44;
	[tilespmem:s29+$0x3650] =	vst v9  }
0xb6: {  	v45 =	vld [tilespmem:s29+$0x36D0];
	v13 =	vmul.f32 v42, v44;
	[tilespmem:s29+$0x3660] =	vst v6  }
0xb7: {  	v47 =	vld [tilespmem:s29+$0x36F0];
	v12 =	vmul.f32 v48, v2;
	[tilespmem:s29+$0x3680] =	vst v10  }
0xb8: {  	v43 =	vld [tilespmem:s29+$0x36C0];
	v11 =	vmul.f32 v49, v2;
	[tilespmem:s29+$0x36B0] =	vst v13  }
0xb9: {  	v55 =	vld [tilespmem:s29+$0x3780];
	[tilespmem:s29+$0x3710] =	vst v12;
	v3 =	vmul.f32 v3, v2  }
0xba: {  	v57 =	vld [tilespmem:s29+$0x37A0];
	v7 =	vmul.f32 v50, v2;
	[tilespmem:s29+$0x3720] =	vst v11  }
0xbb: {  	v6 =	vmul.f32 v45, v44;
	[tilespmem:s29+$0x3700] =	vst v3;
	v3 =	vld [tilespmem:s29+$0x3770]  }
0xbc: {  	v52 =	vld [tilespmem:s29+$0x3740];
	v10 =	vmul.f32 v47, v44;
	[tilespmem:s29+$0x3730] =	vst v7  }
0xbd: {  	v56 =	vld [tilespmem:s29+$0x3790];
	v9 =	vmul.f32 v43, v44;
	[tilespmem:s29+$0x36D0] =	vst v6  }
0xbe: {  	v54 =	vld [tilespmem:s29+$0x3760];
	v12 =	vmul.f32 v55, v5;
	[tilespmem:s29+$0x36F0] =	vst v10  }
0xbf: {  	v58 =	vld [tilespmem:s29+$0x37B0];
	v7 =	vmul.f32 v57, v5;
	[tilespmem:s29+$0x36C0] =	vst v9  }
0xc0: {  	v53 =	vld [tilespmem:s29+$0x3750];
	[tilespmem:s29+$0x3780] =	vst v12;
	v3 =	vmul.f32 v3, v2  }
0xc1: {  	v59 =	vld [tilespmem:s29+$0x37C0];
	v6 =	vmul.f32 v52, v2;
	[tilespmem:s29+$0x37A0] =	vst v7  }
0xc2: {  	v60 =	vld [tilespmem:s29+$0x37E0];
	[tilespmem:s29+$0x3770] =	vst v3;
	v3 =	vmul.f32 v56, v5  }
0xc3: {  	v10 =	vmul.f32 v54, v2;
	[tilespmem:s29+$0x3740] =	vst v6  }
0xc4: {  	v4 =	vld [tilespmem:s29+$0x3620];
	[tilespmem:s29+$0x3790] =	vst v3;
	v3 =	vmul.f32 v58, v5  }
0xc5: {  	[tilespmem:s29+$0x3760] =	vst v10;
	v2 =	vmul.f32 v53, v2  }
0xc6: {  	[tilespmem:s29+$0x37B0] =	vst v3;
	v3 =	vmul.f32 v59, v5  }
0xc7: {  	[tilespmem:s29+$0x3750] =	vst v2;
	v5 =	vmul.f32 v60, v5  }
0xc8: {  	[tilespmem:s29+$0x37C0] =	vst v3  }
0xc9: {  	s30 =	simm.s32 $0x1;
	v3 =	vmul.f32 v4, v35;
	[tilespmem:s29+$0x37E0] =	vst v5  }
.LBB2_22:
0xca: {  	s31 =	sshll.u32 s30, $0x4  }
0xcb: {  	p1 =	sne.s32 s30, $0x7;
	[tilespmem:s29+$0x3620] =	vst v3;
	s29 =	smov.u32 s30;
	s30 =	sadd.s32 $0x1, s30  }
0xcc: {  	s31 =	sand.u32 $0x3FFFFFF0, s31  }
0xcd: {  	v2 =	vld.idx.msk [tilespmem:v1+s31+$0x0 ss:$0x1], $0xffff  }
0xce: {  	s29 =	sshll.u32 s29, $0xB  }
0xcf: {  	s29 =	sand.u32 $0x3FFFF800, s29  }
0xd0: {  	v9 =	vld [tilespmem:s29+$0x30C0]  }
0xd1: {  	v10 =	vld [tilespmem:s29+$0x30D0]  }
0xd2: {  	v11 =	vld [tilespmem:s29+$0x30B0]  }
0xd3: {  	v3 =	vbroadcast v2, $0x0;
	v8 =	vbroadcast v2, $0x4;
	v4 =	vld [tilespmem:s29+$0x3020]  }
0xd4: {  	v6 =	vld [tilespmem:s29+$0x3030]  }
0xd5: {  	v7 =	vld [tilespmem:s29+$0x3570]  }
0xd6: {  	v12 =	vld [tilespmem:s29+$0x3060]  }
0xd7: {  	v13 =	vld [tilespmem:s29+$0x3070]  }
0xd8: {  	v5 =	vbroadcast v2, $0xA;
	v4 =	vmul.f32 v4, v3;
	v14 =	vld [tilespmem:s29+$0x3080]  }
0xd9: {  	v6 =	vmul.f32 v6, v3;
	v15 =	vld [tilespmem:s29+$0x3090]  }
0xda: {  	[tilespmem:s29+$0x3020] =	vst v4;
	v16 =	vld [tilespmem:s29+$0x30A0];
	v4 =	vmul.f32 v7, v5  }
0xdb: {  	[tilespmem:s29+$0x3030] =	vst v6;
	v7 =	vmul.f32 v12, v3;
	v12 =	vbroadcast v2, $0x1;
	v6 =	vld [tilespmem:s29+$0x3580]  }
0xdc: {  	v13 =	vmul.f32 v13, v3;
	[tilespmem:s29+$0x3570] =	vst v4;
	v4 =	vld [tilespmem:s29+$0x37D0]  }
0xdd: {  	[tilespmem:s29+$0x3060] =	vst v7;
	v14 =	vmul.f32 v14, v12;
	v7 =	vld [tilespmem:s29+$0x3590]  }
0xde: {  	[tilespmem:s29+$0x3070] =	vst v13;
	v13 =	vmul.f32 v15, v12;
	v15 =	vld [tilespmem:s29+$0x30E0]  }
0xdf: {  	[tilespmem:s29+$0x3080] =	vst v14;
	v14 =	vmul.f32 v16, v12;
	v16 =	vld [tilespmem:s29+$0x30F0]  }
0xe0: {  	v11 =	vmul.f32 v11, v12;
	[tilespmem:s29+$0x3090] =	vst v13;
	v13 =	vld [tilespmem:s29+$0x3100]  }
0xe1: {  	v9 =	vmul.f32 v9, v12;
	[tilespmem:s29+$0x30A0] =	vst v14;
	v14 =	vld [tilespmem:s29+$0x3110]  }
0xe2: {  	v10 =	vmul.f32 v10, v12;
	[tilespmem:s29+$0x30B0] =	vst v11;
	v11 =	vld [tilespmem:s29+$0x3120]  }
0xe3: {  	[tilespmem:s29+$0x30C0] =	vst v9;
	v9 =	vmul.f32 v15, v12;
	v15 =	vbroadcast v2, $0x2;
	v17 =	vld [tilespmem:s29+$0x3130]  }
0xe4: {  	[tilespmem:s29+$0x30D0] =	vst v10;
	v10 =	vmul.f32 v16, v12;
	v12 =	vld [tilespmem:s29+$0x3140]  }
0xe5: {  	[tilespmem:s29+$0x30E0] =	vst v9;
	v9 =	vmul.f32 v13, v15;
	v13 =	vld [tilespmem:s29+$0x3150]  }
0xe6: {  	[tilespmem:s29+$0x30F0] =	vst v10;
	v10 =	vmul.f32 v14, v15;
	v14 =	vld [tilespmem:s29+$0x3160]  }
0xe7: {  	[tilespmem:s29+$0x3100] =	vst v9;
	v9 =	vmul.f32 v11, v15;
	v11 =	vld [tilespmem:s29+$0x3170]  }
0xe8: {  	[tilespmem:s29+$0x3110] =	vst v10;
	v10 =	vmul.f32 v17, v15;
	v16 =	vld [tilespmem:s29+$0x3180]  }
0xe9: {  	[tilespmem:s29+$0x3120] =	vst v9;
	v9 =	vmul.f32 v12, v15;
	v12 =	vld [tilespmem:s29+$0x3190]  }
0xea: {  	[tilespmem:s29+$0x3130] =	vst v10;
	v10 =	vmul.f32 v13, v15;
	v13 =	vld [tilespmem:s29+$0x31A0]  }
0xeb: {  	[tilespmem:s29+$0x3140] =	vst v9;
	v9 =	vmul.f32 v14, v15;
	v14 =	vbroadcast v2, $0x3;
	v17 =	vld [tilespmem:s29+$0x31B0]  }
0xec: {  	[tilespmem:s29+$0x3150] =	vst v10;
	v10 =	vmul.f32 v11, v15;
	v11 =	vld [tilespmem:s29+$0x31C0]  }
0xed: {  	[tilespmem:s29+$0x3160] =	vst v9;
	v9 =	vmul.f32 v16, v14;
	v15 =	vld [tilespmem:s29+$0x31D0]  }
0xee: {  	[tilespmem:s29+$0x3170] =	vst v10;
	v10 =	vmul.f32 v12, v14;
	v12 =	vld [tilespmem:s29+$0x31E0]  }
0xef: {  	[tilespmem:s29+$0x3180] =	vst v9;
	v9 =	vmul.f32 v13, v14;
	v13 =	vld [tilespmem:s29+$0x31F0]  }
0xf0: {  	[tilespmem:s29+$0x3190] =	vst v10;
	v10 =	vmul.f32 v17, v14;
	v16 =	vld [tilespmem:s29+$0x3200]  }
0xf1: {  	[tilespmem:s29+$0x31A0] =	vst v9;
	v9 =	vmul.f32 v11, v14;
	v11 =	vld [tilespmem:s29+$0x3210]  }
0xf2: {  	[tilespmem:s29+$0x31B0] =	vst v10;
	v10 =	vmul.f32 v15, v14;
	v15 =	vld [tilespmem:s29+$0x3220]  }
0xf3: {  	[tilespmem:s29+$0x31C0] =	vst v9;
	v9 =	vmul.f32 v12, v14;
	v12 =	vld [tilespmem:s29+$0x3230]  }
0xf4: {  	[tilespmem:s29+$0x31D0] =	vst v10;
	v10 =	vmul.f32 v13, v14;
	v13 =	vld [tilespmem:s29+$0x3240]  }
0xf5: {  	[tilespmem:s29+$0x31E0] =	vst v9;
	v9 =	vmul.f32 v16, v8;
	v14 =	vld [tilespmem:s29+$0x3250]  }
0xf6: {  	[tilespmem:s29+$0x31F0] =	vst v10;
	v10 =	vmul.f32 v11, v8;
	v11 =	vld [tilespmem:s29+$0x3260]  }
0xf7: {  	[tilespmem:s29+$0x3200] =	vst v9;
	v9 =	vmul.f32 v15, v8;
	v15 =	vld [tilespmem:s29+$0x3270]  }
0xf8: {  	[tilespmem:s29+$0x3210] =	vst v10;
	v10 =	vmul.f32 v12, v8;
	v12 =	vld [tilespmem:s29+$0x3280]  }
0xf9: {  	[tilespmem:s29+$0x3220] =	vst v9;
	v9 =	vmul.f32 v13, v8;
	v13 =	vld [tilespmem:s29+$0x3290]  }
0xfa: {  	[tilespmem:s29+$0x3230] =	vst v10;
	v10 =	vmul.f32 v14, v8;
	v14 =	vld [tilespmem:s29+$0x32A0]  }
0xfb: {  	[tilespmem:s29+$0x3240] =	vst v9;
	v9 =	vmul.f32 v11, v8;
	v11 =	vbroadcast v2, $0x5;
	v16 =	vld [tilespmem:s29+$0x32B0]  }
0xfc: {  	[tilespmem:s29+$0x3250] =	vst v10;
	v8 =	vmul.f32 v15, v8;
	v10 =	vld [tilespmem:s29+$0x32C0]  }
0xfd: {  	[tilespmem:s29+$0x3260] =	vst v9;
	v9 =	vmul.f32 v12, v11;
	v12 =	vld [tilespmem:s29+$0x32D0]  }
0xfe: {  	[tilespmem:s29+$0x3270] =	vst v8;
	v8 =	vmul.f32 v13, v11;
	v13 =	vld [tilespmem:s29+$0x32E0]  }
0xff: {  	[tilespmem:s29+$0x3280] =	vst v9;
	v9 =	vmul.f32 v14, v11;
	v14 =	vld [tilespmem:s29+$0x32F0]  }
0x100: {  	[tilespmem:s29+$0x3290] =	vst v8;
	v8 =	vmul.f32 v16, v11;
	v15 =	vld [tilespmem:s29+$0x3300]  }
0x101: {  	[tilespmem:s29+$0x32A0] =	vst v9;
	v9 =	vmul.f32 v10, v11;
	v10 =	vld [tilespmem:s29+$0x3310]  }
0x102: {  	[tilespmem:s29+$0x32B0] =	vst v8;
	v8 =	vmul.f32 v12, v11;
	v12 =	vld [tilespmem:s29+$0x3320]  }
0x103: {  	[tilespmem:s29+$0x32C0] =	vst v9;
	v9 =	vmul.f32 v13, v11;
	v13 =	vbroadcast v2, $0x6;
	v16 =	vld [tilespmem:s29+$0x3330]  }
0x104: {  	[tilespmem:s29+$0x32D0] =	vst v8;
	v8 =	vmul.f32 v14, v11;
	v11 =	vld [tilespmem:s29+$0x3340]  }
0x105: {  	[tilespmem:s29+$0x32E0] =	vst v9;
	v9 =	vmul.f32 v15, v13;
	v14 =	vld [tilespmem:s29+$0x3350]  }
0x106: {  	[tilespmem:s29+$0x32F0] =	vst v8;
	v8 =	vmul.f32 v10, v13;
	v10 =	vld [tilespmem:s29+$0x3360]  }
0x107: {  	[tilespmem:s29+$0x3300] =	vst v9;
	v9 =	vmul.f32 v12, v13;
	v12 =	vld [tilespmem:s29+$0x3370]  }
0x108: {  	[tilespmem:s29+$0x3310] =	vst v8;
	v8 =	vmul.f32 v16, v13;
	v15 =	vld [tilespmem:s29+$0x3380]  }
0x109: {  	[tilespmem:s29+$0x3320] =	vst v9;
	v9 =	vmul.f32 v11, v13;
	v11 =	vld [tilespmem:s29+$0x3390]  }
0x10a: {  	[tilespmem:s29+$0x3330] =	vst v8;
	v8 =	vmul.f32 v14, v13;
	v14 =	vld [tilespmem:s29+$0x33A0]  }
0x10b: {  	[tilespmem:s29+$0x3340] =	vst v9;
	v9 =	vmul.f32 v10, v13;
	v10 =	vbroadcast v2, $0x7;
	v16 =	vld [tilespmem:s29+$0x33B0]  }
0x10c: {  	[tilespmem:s29+$0x3350] =	vst v8;
	v8 =	vmul.f32 v12, v13;
	v12 =	vld [tilespmem:s29+$0x33C0]  }
0x10d: {  	[tilespmem:s29+$0x3360] =	vst v9;
	v9 =	vmul.f32 v15, v10;
	v13 =	vld [tilespmem:s29+$0x33D0]  }
0x10e: {  	[tilespmem:s29+$0x3370] =	vst v8;
	v8 =	vmul.f32 v11, v10;
	v11 =	vld [tilespmem:s29+$0x33E0]  }
0x10f: {  	[tilespmem:s29+$0x3380] =	vst v9;
	v9 =	vmul.f32 v14, v10;
	v14 =	vld [tilespmem:s29+$0x33F0]  }
0x110: {  	[tilespmem:s29+$0x3390] =	vst v8;
	v8 =	vmul.f32 v16, v10;
	v15 =	vld [tilespmem:s29+$0x3400]  }
0x111: {  	[tilespmem:s29+$0x33A0] =	vst v9;
	v9 =	vmul.f32 v12, v10;
	v12 =	vld [tilespmem:s29+$0x3410]  }
0x112: {  	[tilespmem:s29+$0x33B0] =	vst v8;
	v8 =	vmul.f32 v13, v10;
	v13 =	vld [tilespmem:s29+$0x3420]  }
0x113: {  	[tilespmem:s29+$0x33C0] =	vst v9;
	v9 =	vmul.f32 v11, v10;
	v11 =	vbroadcast v2, $0x8;
	v16 =	vld [tilespmem:s29+$0x3430]  }
0x114: {  	[tilespmem:s29+$0x33D0] =	vst v8;
	v8 =	vmul.f32 v14, v10;
	v10 =	vld [tilespmem:s29+$0x3440]  }
0x115: {  	[tilespmem:s29+$0x33E0] =	vst v9;
	v9 =	vmul.f32 v15, v11;
	v14 =	vld [tilespmem:s29+$0x3450]  }
0x116: {  	[tilespmem:s29+$0x33F0] =	vst v8;
	v8 =	vmul.f32 v12, v11;
	v12 =	vld [tilespmem:s29+$0x3460]  }
0x117: {  	[tilespmem:s29+$0x3400] =	vst v9;
	v9 =	vmul.f32 v13, v11;
	v13 =	vld [tilespmem:s29+$0x3470]  }
0x118: {  	[tilespmem:s29+$0x3410] =	vst v8;
	v8 =	vmul.f32 v16, v11;
	v15 =	vld [tilespmem:s29+$0x3480]  }
0x119: {  	[tilespmem:s29+$0x3420] =	vst v9;
	v9 =	vmul.f32 v10, v11;
	v10 =	vld [tilespmem:s29+$0x3490]  }
0x11a: {  	[tilespmem:s29+$0x3430] =	vst v8;
	v8 =	vmul.f32 v14, v11;
	v14 =	vld [tilespmem:s29+$0x34A0]  }
0x11b: {  	[tilespmem:s29+$0x3440] =	vst v9;
	v9 =	vmul.f32 v12, v11;
	v12 =	vbroadcast v2, $0x9;
	v16 =	vld [tilespmem:s29+$0x34B0]  }
0x11c: {  	[tilespmem:s29+$0x3450] =	vst v8;
	v8 =	vmul.f32 v13, v11;
	v11 =	vld [tilespmem:s29+$0x34C0]  }
0x11d: {  	[tilespmem:s29+$0x3460] =	vst v9;
	v9 =	vmul.f32 v15, v12;
	v13 =	vld [tilespmem:s29+$0x34D0]  }
0x11e: {  	[tilespmem:s29+$0x3470] =	vst v8;
	v8 =	vmul.f32 v10, v12;
	v10 =	vld [tilespmem:s29+$0x34E0]  }
0x11f: {  	[tilespmem:s29+$0x3480] =	vst v9;
	v9 =	vmul.f32 v14, v12;
	v14 =	vld [tilespmem:s29+$0x34F0]  }
0x120: {  	[tilespmem:s29+$0x3490] =	vst v8;
	v8 =	vmul.f32 v16, v12;
	v15 =	vld [tilespmem:s29+$0x3500]  }
0x121: {  	[tilespmem:s29+$0x34A0] =	vst v9;
	v9 =	vmul.f32 v11, v12;
	v11 =	vld [tilespmem:s29+$0x3510]  }
0x122: {  	[tilespmem:s29+$0x34B0] =	vst v8;
	v8 =	vmul.f32 v13, v12;
	v13 =	vld [tilespmem:s29+$0x3520]  }
0x123: {  	[tilespmem:s29+$0x34C0] =	vst v9;
	v9 =	vmul.f32 v10, v12;
	v10 =	vld [tilespmem:s29+$0x3530]  }
0x124: {  	[tilespmem:s29+$0x34D0] =	vst v8;
	v8 =	vmul.f32 v14, v12;
	v12 =	vld [tilespmem:s29+$0x3540]  }
0x125: {  	[tilespmem:s29+$0x34E0] =	vst v9;
	v9 =	vmul.f32 v15, v5;
	v14 =	vld [tilespmem:s29+$0x3550]  }
0x126: {  	[tilespmem:s29+$0x34F0] =	vst v8;
	v8 =	vmul.f32 v11, v5;
	v11 =	vld [tilespmem:s29+$0x3560]  }
0x127: {  	v15 =	vld [tilespmem:s29+$0x3000];
	[tilespmem:s29+$0x3500] =	vst v9;
	v9 =	vmul.f32 v13, v5  }
0x128: {  	v13 =	vld [tilespmem:s29+$0x3010];
	[tilespmem:s29+$0x3510] =	vst v8;
	v8 =	vmul.f32 v10, v5  }
0x129: {  	v10 =	vld [tilespmem:s29+$0x3040];
	[tilespmem:s29+$0x3520] =	vst v9;
	v9 =	vmul.f32 v12, v5  }
0x12a: {  	v12 =	vld [tilespmem:s29+$0x3050];
	[tilespmem:s29+$0x3530] =	vst v8;
	v8 =	vmul.f32 v14, v5  }
0x12b: {  	[tilespmem:s29+$0x3540] =	vst v9;
	v9 =	vmul.f32 v11, v5;
	v11 =	vbroadcast v2, $0xB;
	v14 =	vld [tilespmem:s29+$0x35A0]  }
0x12c: {  	v5 =	vbroadcast v2, $0xF;
	v15 =	vmul.f32 v3, v15;
	[tilespmem:s29+$0x3550] =	vst v8;
	v8 =	vld [tilespmem:s29+$0x35B0]  }
0x12d: {  	v13 =	vmul.f32 v13, v3;
	[tilespmem:s29+$0x3560] =	vst v9;
	v6 =	vmul.f32 v6, v11;
	v9 =	vld [tilespmem:s29+$0x35C0]  }
0x12e: {  	v7 =	vmul.f32 v7, v11;
	[tilespmem:s29+$0x3000] =	vst v15;
	v10 =	vmul.f32 v10, v3;
	v15 =	vld [tilespmem:s29+$0x35D0]  }
0x12f: {  	v4 =	vmul.f32 v4, v5;
	v12 =	vmul.f32 v12, v3;
	[tilespmem:s29+$0x3580] =	vst v6;
	v3 =	vld [tilespmem:s29+$0x35E0]  }
0x130: {  	[tilespmem:s29+$0x3590] =	vst v7;
	v6 =	vmul.f32 v14, v11;
	v7 =	vld [tilespmem:s29+$0x35F0]  }
0x131: {  	v8 =	vmul.f32 v8, v11;
	v14 =	vld [tilespmem:s29+$0x3600];
	[tilespmem:s29+$0x37D0] =	vst v4  }
0x132: {  	[tilespmem:s29+$0x3010] =	vst v13;
	v4 =	vmul.f32 v9, v11;
	v9 =	vld [tilespmem:s29+$0x3610]  }
0x133: {  	[tilespmem:s29+$0x3040] =	vst v10;
	v10 =	vmul.f32 v15, v11;
	v13 =	vld [tilespmem:s29+$0x3620]  }
0x134: {  	v15 =	vbroadcast v2, $0xC;
	[tilespmem:s29+$0x35A0] =	vst v6;
	v6 =	vmul.f32 v3, v11;
	v16 =	vld [tilespmem:s29+$0x3630]  }
0x135: {  	[tilespmem:s29+$0x35D0] =	vst v10;
	v7 =	vmul.f32 v7, v11;
	v10 =	vld [tilespmem:s29+$0x3640]  }
0x136: {  	[tilespmem:s29+$0x35B0] =	vst v8;
	v3 =	vmul.f32 v14, v15;
	v8 =	vld [tilespmem:s29+$0x3650]  }
0x137: {  	[tilespmem:s29+$0x35C0] =	vst v4;
	v4 =	vmul.f32 v9, v15;
	v9 =	vld [tilespmem:s29+$0x3660]  }
0x138: {  	[tilespmem:s29+$0x3600] =	vst v3;
	v3 =	vmul.f32 v13, v15;
	v11 =	vld [tilespmem:s29+$0x3670]  }
0x139: {  	[tilespmem:s29+$0x3610] =	vst v4;
	v4 =	vld [tilespmem:s29+$0x3680]  }
0x13a: {  	[tilespmem:s29+$0x3050] =	vst v12;
	v10 =	vmul.f32 v10, v15;
	v12 =	vld [tilespmem:s29+$0x3690]  }
0x13b: {  	[tilespmem:s29+$0x35E0] =	vst v6;
	v6 =	vmul.f32 v8, v15;
	v8 =	vld [tilespmem:s29+$0x36A0]  }
0x13c: {  	[tilespmem:s29+$0x3640] =	vst v10;
	v9 =	vmul.f32 v9, v15;
	v10 =	vbroadcast v2, $0xD;
	v13 =	vld [tilespmem:s29+$0x36B0]  }
0x13d: {  	[tilespmem:s29+$0x3650] =	vst v6;
	v6 =	vmul.f32 v11, v15;
	v11 =	vld [tilespmem:s29+$0x36C0]  }
0x13e: {  	[tilespmem:s29+$0x3660] =	vst v9;
	v4 =	vmul.f32 v4, v10;
	v9 =	vld [tilespmem:s29+$0x36D0]  }
0x13f: {  	[tilespmem:s29+$0x3670] =	vst v6;
	v6 =	vmul.f32 v12, v10;
	v12 =	vld [tilespmem:s29+$0x36E0]  }
0x140: {  	[tilespmem:s29+$0x3680] =	vst v4;
	v4 =	vmul.f32 v8, v10;
	v8 =	vld [tilespmem:s29+$0x36F0]  }
0x141: {  	[tilespmem:s29+$0x3690] =	vst v6;
	v6 =	vmul.f32 v13, v10;
	v13 =	vld [tilespmem:s29+$0x3700]  }
0x142: {  	[tilespmem:s29+$0x36A0] =	vst v4;
	v4 =	vmul.f32 v11, v10;
	v11 =	vld [tilespmem:s29+$0x3710]  }
0x143: {  	[tilespmem:s29+$0x36B0] =	vst v6;
	v6 =	vmul.f32 v9, v10;
	v9 =	vld [tilespmem:s29+$0x3720]  }
0x144: {  	v2 =	vbroadcast v2, $0xE;
	[tilespmem:s29+$0x35F0] =	vst v7;
	v7 =	vmul.f32 v12, v10;
	v12 =	vld [tilespmem:s29+$0x3730]  }
0x145: {  	[tilespmem:s29+$0x36D0] =	vst v6;
	v6 =	vmul.f32 v8, v10;
	v8 =	vld [tilespmem:s29+$0x3740]  }
0x146: {  	[tilespmem:s29+$0x36E0] =	vst v7;
	v7 =	vmul.f32 v13, v2;
	v10 =	vld [tilespmem:s29+$0x3750]  }
0x147: {  	[tilespmem:s29+$0x36F0] =	vst v6;
	v6 =	vmul.f32 v11, v2;
	v11 =	vld [tilespmem:s29+$0x3760]  }
0x148: {  	[tilespmem:s29+$0x3700] =	vst v7;
	v7 =	vmul.f32 v9, v2;
	v9 =	vld [tilespmem:s29+$0x3770]  }
0x149: {  	[tilespmem:s29+$0x3710] =	vst v6;
	v6 =	vmul.f32 v12, v2;
	v12 =	vld [tilespmem:s29+$0x3780]  }
0x14a: {  	[tilespmem:s29+$0x3720] =	vst v7;
	v7 =	vmul.f32 v8, v2;
	v8 =	vld [tilespmem:s29+$0x3790]  }
0x14b: {  	[tilespmem:s29+$0x3730] =	vst v6;
	v6 =	vmul.f32 v10, v2;
	v10 =	vld [tilespmem:s29+$0x37A0]  }
0x14c: {  	[tilespmem:s29+$0x3740] =	vst v7;
	v7 =	vmul.f32 v11, v2;
	v11 =	vld [tilespmem:s29+$0x37B0]  }
0x14d: {  	[tilespmem:s29+$0x36C0] =	vst v4;
	v2 =	vmul.f32 v9, v2;
	v4 =	vld [tilespmem:s29+$0x37C0]  }
0x14e: {  	[tilespmem:s29+$0x3760] =	vst v7;
	v7 =	vmul.f32 v12, v5;
	v9 =	vld [tilespmem:s29+$0x37E0]  }
0x14f: {  	[tilespmem:s29+$0x3770] =	vst v2;
	v2 =	vmul.f32 v8, v5;
	v8 =	vld [tilespmem:s29+$0x37F0]  }
0x150: {  	[tilespmem:s29+$0x3780] =	vst v7;
	v7 =	vmul.f32 v10, v5  }
0x151: {  	[tilespmem:s29+$0x3790] =	vst v2;
	v2 =	vmul.f32 v11, v5  }
0x152: {  	v10 =	vmul.f32 v16, v15;
	[tilespmem:s29+$0x37A0] =	vst v7  }
0x153: {  	[tilespmem:s29+$0x37B0] =	vst v2;
	v2 =	vmul.f32 v4, v5  }
.Ltmp3:
0x154: {  	[tilespmem:s29+$0x3630] =	vst v10;
	v4 =	vmul.f32 v8, v5;
	(pc) =	sbr.rel @p1 .LBB2_22-.Ltmp3, $4  }
0x155: {  	[tilespmem:s29+$0x37C0] =	vst v2  }
0x156: {  	v2 =	vmul.f32 v9, v5;
	[tilespmem:s29+$0x37F0] =	vst v4  }
0x157: {  	[tilespmem:s29+$0x3750] =	vst v6  }
0x158: {  	[tilespmem:s29+$0x37E0] =	vst v2  }
0x159: {  	s26 =	sadd.s32 $0x1, s26  }
0x15a: {  	p1 =	sne.s32 s26, $0x20  }
.Ltmp4:
0x15b: {  	[tilespmem:s29+$0x3620] =	vst v3;
	s14 =	sadd.s32 $0x1000, s14;
	(pc) =	sbr.rel @p1 .LBB2_21-.Ltmp4, $4  }
0x15c: {  	[spmem:s5] =	stream.indirect.scatter.add.f32 [tilespmem:s24], [sflag:$0x1], $0x80, s14, s23, $0xb8;
	[tilespmem:$0x1B400] =	vst v63  }
0x15d: {  	_ =	swait.ge [sflag:s19], $0x4000  }
0x15e: {  	[sflag:s19] =	ssyncset.done $0x0  }
0x15f: {  	[sflag:s19] =	ssyncadd.s32 $0xFFFFC000  }
0x160: {  	s28 =	sadd.s32 $0x1, s28  }
0x161: {  	p1 =	sne.s32 s28, $0x5  }
.Ltmp5:
0x162: {  	_ = 	snop;
	(pc) =	sbr.rel @p1 .LBB2_20-.Ltmp5, $1  }
0x163: {  	_ =	sdelay $0x3  }
0x164: {  	[bflag:$0x0] =	sbarrier.arrive $0xFFFF  }
0x165: {  	s14 =	sshrl.u32 s18, $0x3;
	s26 =	rddreg [dreg:$0x9]  }
0x166: {  	[hbm:s26], [sflag:s7] =	dma.local [spmem:s14], $0x2800  }
0x167: {  	_ =	swait.ge [sflag:s19], $0x2800  }
0x168: {  	[sflag:s19] =	ssyncset.done $0x0  }
0x169: {  	[sflag:s19] =	ssyncadd.s32 $0xFFFFD800  }
0x16a: {  	[bflag:$0x0] =	sbarrier.arrive $0xFFFF  }
0x16b: {  	[spmem:s25], [sflag:s7] =	dma.local [hbm:s13], $0x2880  }
0x16c: {  	_ =	swait.ge [sflag:s19], $0x2880  }
0x16d: {  	[sflag:s19] =	ssyncset.done $0x0  }
0x16e: {  	s14 =	simm.s32 $0x0;
	s25 =	simm.s32 $0x200;
	[sflag:s19] =	ssyncadd.s32 $0xFFFFD780  }
.LBB2_26:
0x16f: {  	p1 =	sne.s32 s25, $0xFE00;
	[tilespmem:s14+$0x3070] =	vst v0  }
0x170: {  	[tilespmem:s14+$0x3000] =	vst v0  }
0x171: {  	[tilespmem:s14+$0x3010] =	vst v0  }
.Ltmp6:
0x172: {  	[tilespmem:s14+$0x3020] =	vst v0;
	(pc) =	sbr.rel @p1 .LBB2_26-.Ltmp6, $4  }
0x173: {  	[tilespmem:s14+$0x3030] =	vst v0  }
0x174: {  	[tilespmem:s14+$0x3040] =	vst v0  }
0x175: {  	[tilespmem:s14+$0x3050] =	vst v0  }
0x176: {  	[tilespmem:s14+$0x3060] =	vst v0;
	s14 =	sshra.s32 s25, $0x2;
	s25 =	sadd.s32 $0x200, s25  }
0x177: {  	[tilespmem:s14+$0x3070] =	vst v0  }
0x178: {  	[tilespmem:s14+$0x3000] =	vst v0  }
0x179: {  	[tilespmem:s14+$0x3010] =	vst v0  }
0x17a: {  	[tilespmem:s14+$0x3020] =	vst v0  }
0x17b: {  	[tilespmem:s14+$0x3030] =	vst v0  }
0x17c: {  	[tilespmem:s14+$0x3040] =	vst v0  }
0x17d: {  	[tilespmem:s14+$0x3050] =	vst v0  }
0x17e: {  	[tilespmem:s14+$0x3060] =	vst v0  }
0x17f: {  	[bflag:$0x0] =	sbarrier.arrive $0xFFFF  }
0x180: {  	s30 =	simm.s32 $0x0;
	s25 =	rddreg [dreg:$0xb]  }
0x181: {  	[tilespmem:s20], [sflag:$0x1] =	stream.linear.gather [hbm4b:s25+s30], $0x1000, $0x38;
	[tilespmem:$0x1B400] =	vst v63  }
0x182: {  	_ =	swait.ge [sflag:s19], $0x1000  }
0x183: {  	[sflag:s19] =	ssyncset.done $0x0  }
0x184: {  	s31 =	simm.s32 $0x1000;
	[sflag:s19] =	ssyncadd.s32 $0xFFFFF000  }
0x185: {  	[spmem:s5] =	stream.indirect.scatter.add.f32 [tilespmem:s24], [sflag:$0x1], $0x80, s31, s23, $0xb8;
	[tilespmem:$0x1B400] =	vst v63  }
0x186: {  	s14 =	simm.s32 $0x200;
	_ =	swait.ge [sflag:s19], $0x4000  }
.LBB2_28:
0x187: {  	s25 =	sshra.s32 s14, $0x2;
	[sflag:s19] =	ssyncset.done $0x0;
	p1 =	sne.s32 s14, $0x3E00  }
.Ltmp7:
0x188: {  	s25 =	sadd.s32 $0x1000, s25;
	[sflag:s19] =	ssyncadd.s32 $0xFFFFC000;
	(pc) =	sbr.rel @p1 .LBB2_28-.Ltmp7, $3  }
0x189: {  	[spmem:s5] =	stream.indirect.scatter.add.f32 [tilespmem:s24], [sflag:$0x1], $0x80, s25, s23, $0xb8;
	[tilespmem:$0x1B400] =	vst v63  }
0x18a: {  	s14 =	sadd.s32 $0x200, s14;
	_ =	sdelay $0x1  }
0x18b: {  	_ =	swait.ge [sflag:s19], $0x4000  }
0x18c: {  	[sflag:s19] =	ssyncset.done $0x0  }
0x18d: {  	s14 =	simm.s32 $0x0;
	s25 =	rddreg [dreg:$0xd];
	[sflag:s19] =	ssyncadd.s32 $0xFFFFC000  }
0x18e: {  	[tilespmem:s20], [sflag:$0x1] =	stream.linear.gather [hbm4b:s25+s14], $0x1000, $0x38;
	[tilespmem:$0x1B400] =	vst v63  }
0x18f: {  	_ =	swait.ge [sflag:s19], $0x1000  }
0x190: {  	[sflag:s19] =	ssyncset.done $0x0  }
0x191: {  	s31 =	simm.s32 $0x1000;
	[sflag:s19] =	ssyncadd.s32 $0xFFFFF000  }
0x192: {  	[spmem:s5] =	stream.indirect.scatter.add.f32 [tilespmem:s24], [sflag:$0x1], $0x80, s31, s23, $0xb8;
	[tilespmem:$0x1B400] =	vst v63  }
0x193: {  	s14 =	simm.s32 $0x200;
	_ =	swait.ge [sflag:s19], $0x4000  }
.LBB2_30:
0x194: {  	s25 =	sshra.s32 s14, $0x2;
	[sflag:s19] =	ssyncset.done $0x0;
	p1 =	sne.s32 s14, $0x3E00  }
.Ltmp8:
0x195: {  	s25 =	sadd.s32 $0x1000, s25;
	[sflag:s19] =	ssyncadd.s32 $0xFFFFC000;
	(pc) =	sbr.rel @p1 .LBB2_30-.Ltmp8, $3  }
0x196: {  	[spmem:s5] =	stream.indirect.scatter.add.f32 [tilespmem:s24], [sflag:$0x1], $0x80, s25, s23, $0xb8;
	[tilespmem:$0x1B400] =	vst v63  }
0x197: {  	s14 =	sadd.s32 $0x200, s14;
	_ =	sdelay $0x1  }
0x198: {  	_ =	swait.ge [sflag:s19], $0x4000  }
0x199: {  	[sflag:s19] =	ssyncset.done $0x0  }
0x19a: {  	s14 =	simm.s32 $0x0;
	s25 =	rddreg [dreg:$0xf];
	[sflag:s19] =	ssyncadd.s32 $0xFFFFC000  }
0x19b: {  	[tilespmem:s20], [sflag:$0x1] =	stream.linear.gather [hbm4b:s25+s14], $0x1000, $0x38;
	[tilespmem:$0x1B400] =	vst v63  }
0x19c: {  	_ =	swait.ge [sflag:s19], $0x1000  }
0x19d: {  	[sflag:s19] =	ssyncset.done $0x0  }
0x19e: {  	s31 =	simm.s32 $0x1000;
	[sflag:s19] =	ssyncadd.s32 $0xFFFFF000  }
0x19f: {  	[spmem:s5] =	stream.indirect.scatter.add.f32 [tilespmem:s24], [sflag:$0x1], $0x80, s31, s23, $0xb8;
	[tilespmem:$0x1B400] =	vst v63  }
0x1a0: {  	s14 =	simm.s32 $0x200;
	_ =	swait.ge [sflag:s19], $0x4000  }
.LBB2_32:
0x1a1: {  	s25 =	sshra.s32 s14, $0x2;
	[sflag:s19] =	ssyncset.done $0x0;
	p1 =	sne.s32 s14, $0x3E00  }
.Ltmp9:
0x1a2: {  	s25 =	sadd.s32 $0x1000, s25;
	[sflag:s19] =	ssyncadd.s32 $0xFFFFC000;
	(pc) =	sbr.rel @p1 .LBB2_32-.Ltmp9, $3  }
0x1a3: {  	[spmem:s5] =	stream.indirect.scatter.add.f32 [tilespmem:s24], [sflag:$0x1], $0x80, s25, s23, $0xb8;
	[tilespmem:$0x1B400] =	vst v63  }
0x1a4: {  	s14 =	sadd.s32 $0x200, s14;
	_ =	sdelay $0x1  }
0x1a5: {  	_ =	swait.ge [sflag:s19], $0x4000  }
0x1a6: {  	[sflag:s19] =	ssyncset.done $0x0  }
0x1a7: {  	s14 =	simm.s32 $0x0;
	s25 =	rddreg [dreg:$0x11];
	[sflag:s19] =	ssyncadd.s32 $0xFFFFC000  }
0x1a8: {  	[tilespmem:s20], [sflag:$0x1] =	stream.linear.gather [hbm4b:s25+s14], $0x1000, $0x38;
	[tilespmem:$0x1B400] =	vst v63  }
0x1a9: {  	_ =	swait.ge [sflag:s19], $0x1000  }
0x1aa: {  	[sflag:s19] =	ssyncset.done $0x0  }
0x1ab: {  	s31 =	simm.s32 $0x1000;
	[sflag:s19] =	ssyncadd.s32 $0xFFFFF000  }
0x1ac: {  	[spmem:s5] =	stream.indirect.scatter.add.f32 [tilespmem:s24], [sflag:$0x1], $0x80, s31, s23, $0xb8;
	[tilespmem:$0x1B400] =	vst v63  }
0x1ad: {  	s14 =	simm.s32 $0x200;
	_ =	swait.ge [sflag:s19], $0x4000  }
.LBB2_34:
0x1ae: {  	s25 =	sshra.s32 s14, $0x2;
	[sflag:s19] =	ssyncset.done $0x0;
	p1 =	sne.s32 s14, $0x3E00  }
.Ltmp10:
0x1af: {  	s25 =	sadd.s32 $0x1000, s25;
	[sflag:s19] =	ssyncadd.s32 $0xFFFFC000;
	(pc) =	sbr.rel @p1 .LBB2_34-.Ltmp10, $3  }
0x1b0: {  	[spmem:s5] =	stream.indirect.scatter.add.f32 [tilespmem:s24], [sflag:$0x1], $0x80, s25, s23, $0xb8;
	[tilespmem:$0x1B400] =	vst v63  }
0x1b1: {  	s14 =	sadd.s32 $0x200, s14;
	_ =	sdelay $0x1  }
0x1b2: {  	_ =	swait.ge [sflag:s19], $0x4000  }
0x1b3: {  	[sflag:s19] =	ssyncset.done $0x0  }
0x1b4: {  	s14 =	simm.s32 $0x0;
	[sflag:s19] =	ssyncadd.s32 $0xFFFFC000  }
0x1b5: {  	[tilespmem:s20], [sflag:$0x1] =	stream.linear.gather [hbm4b:s0+s14], $0x1000, $0x38;
	[tilespmem:$0x1B400] =	vst v63  }
0x1b6: {  	_ =	swait.ge [sflag:s19], $0x1000  }
0x1b7: {  	[sflag:s19] =	ssyncset.done $0x0  }
0x1b8: {  	s31 =	simm.s32 $0x1000;
	[sflag:s19] =	ssyncadd.s32 $0xFFFFF000  }
0x1b9: {  	[spmem:s5] =	stream.indirect.scatter.add.f32 [tilespmem:s24], [sflag:$0x1], $0x80, s31, s23, $0xb8;
	[tilespmem:$0x1B400] =	vst v63  }
0x1ba: {  	s14 =	simm.s32 $0x200;
	_ =	swait.ge [sflag:s19], $0x4000  }
.LBB2_36:
0x1bb: {  	s25 =	sshra.s32 s14, $0x2;
	[sflag:s19] =	ssyncset.done $0x0;
	p1 =	sne.s32 s14, $0x3E00  }
.Ltmp11:
0x1bc: {  	s25 =	sadd.s32 $0x1000, s25;
	[sflag:s19] =	ssyncadd.s32 $0xFFFFC000;
	(pc) =	sbr.rel @p1 .LBB2_36-.Ltmp11, $3  }
0x1bd: {  	[spmem:s5] =	stream.indirect.scatter.add.f32 [tilespmem:s24], [sflag:$0x1], $0x80, s25, s23, $0xb8;
	[tilespmem:$0x1B400] =	vst v63  }
0x1be: {  	s14 =	sadd.s32 $0x200, s14;
	_ =	sdelay $0x1  }
0x1bf: {  	_ =	swait.ge [sflag:s19], $0x4000  }
.Ltmp12:
0x1c0: {  	(pc) =	sbr.rel .LBB2_38-.Ltmp12, $3  }
0x1c1: {  	_ =	sdelay $0x1  }
0x1c2: {  	[sflag:s19] =	ssyncset.done $0x0  }
0x1c3: {  	s14 =	smov.u32 s15;
	[sflag:s19] =	ssyncadd.s32 $0xFFFFC000  }
.LBB2_2:
0x1c4: {  	s14 =	sshll.u32 s26, $0xC  }
0x1c5: {  	s14 =	sadd.s32 s16, s14  }
0x1c6: {  	s14 =	sshrl.u32 s14, $0x3  }
0x1c7: {  	s28 =	simm.s32 $0x0;
	s29 =	sadd.s32 s8, s14  }
0x1c8: {  	[tilespmem:s28], [sflag:$0x1] =	stream.linear.gather [hbm4b:s29+s28], $0x1000, $0x38;
	[tilespmem:$0x1B400] =	vst v63  }
0x1c9: {  	_ =	swait.ge [sflag:s19], $0x1000  }
0x1ca: {  	[sflag:s19] =	ssyncset.done $0x0  }
0x1cb: {  	s31 =	sadd.s32 s4, s14;
	[sflag:s19] =	ssyncadd.s32 $0xFFFFF000  }
0x1cc: {  	[tilespmem:s20], [sflag:$0x1] =	stream.linear.gather [hbm4b:s31+s28], $0x1000, $0x38;
	[tilespmem:$0x1B400] =	vst v63  }
0x1cd: {  	_ =	swait.ge [sflag:s19], $0x1000  }
0x1ce: {  	[sflag:s19] =	ssyncset.done $0x0  }
0x1cf: {  	s14 =	sadd.s32 s12, s14;
	[sflag:s19] =	ssyncadd.s32 $0xFFFFF000  }
0x1d0: {  	[tilespmem:s22], [sflag:$0x1] =	stream.linear.gather [hbm4b:s14+s28], $0x1000, $0x38;
	[tilespmem:$0x1B400] =	vst v63  }
0x1d1: {  	_ =	swait.ge [sflag:s19], $0x1000  }
0x1d2: {  	[sflag:s19] =	ssyncset.done $0x0  }
0x1d3: {  	[sflag:s19] =	ssyncadd.s32 $0xFFFFF000  }
.LBB2_3:
0x1d4: {  	s14 =	sshll.u32 s28, $0x7  }
0x1d5: {  	s29 =	sadd.s32 $0x2000, s14  }
0x1d6: {  	v1 =	vmov s29  }
0x1d7: {  	[tilespmem:s24], [sflag:$0x1] =	stream.indirect.gather [hbm4b:s2+s23], $0x80, s14, s23, $0xb8;
	[tilespmem:$0x1B400] =	vst v63  }
0x1d8: {  	_ =	swait.ge [sflag:s19], $0x4000  }
0x1d9: {  	s29 =	simm.s32 $0x0;
	[sflag:s19] =	ssyncset.done $0x0  }
0x1da: {  	s30 =	simm.s32 $0x0;
	s29 =	sand.u32 $0x3FFFFFF0, s29;
	[sflag:s19] =	ssyncadd.s32 $0xFFFFC000  }
0x1db: {  	v2 =	vld.idx.msk [tilespmem:v1+s29+$0x0 ss:$0x1], $0xffff;
	s29 =	sand.u32 $0x3FFFF800, s30  }
0x1dc: {  	v8 =	vld [tilespmem:s29+$0x30C0]  }
0x1dd: {  	v4 =	vld [tilespmem:s29+$0x3020]  }
0x1de: {  	v5 =	vld [tilespmem:s29+$0x3030]  }
0x1df: {  	v11 =	vld [tilespmem:s29+$0x3060]  }
0x1e0: {  	v12 =	vld [tilespmem:s29+$0x3070];
	v3 =	vbroadcast v2, $0x0  }
0x1e1: {  	v13 =	vld [tilespmem:s29+$0x3080]  }
0x1e2: {  	v14 =	vld [tilespmem:s29+$0x3090];
	v4 =	vmul.f32 v4, v3  }
0x1e3: {  	v15 =	vld [tilespmem:s29+$0x30A0];
	v5 =	vmul.f32 v5, v3  }
0x1e4: {  	v10 =	vld [tilespmem:s29+$0x30B0];
	v21 =	vbroadcast v2, $0x1;
	v20 =	vmul.f32 v11, v3;
	[tilespmem:s29+$0x3020] =	vst v4  }
0x1e5: {  	v9 =	vld [tilespmem:s29+$0x30D0];
	v12 =	vmul.f32 v12, v3;
	[tilespmem:s29+$0x3030] =	vst v5  }
0x1e6: {  	v7 =	vld [tilespmem:s29+$0x3570];
	v13 =	vmul.f32 v13, v21;
	[tilespmem:s29+$0x3060] =	vst v20  }
0x1e7: {  	v23 =	vld [tilespmem:s29+$0x30F0];
	v14 =	vmul.f32 v14, v21;
	[tilespmem:s29+$0x3070] =	vst v12  }
0x1e8: {  	v24 =	vld [tilespmem:s29+$0x3100];
	v15 =	vmul.f32 v15, v21;
	[tilespmem:s29+$0x3080] =	vst v13  }
0x1e9: {  	v25 =	vld [tilespmem:s29+$0x3110];
	v10 =	vmul.f32 v10, v21;
	[tilespmem:s29+$0x3090] =	vst v14  }
0x1ea: {  	v22 =	vld [tilespmem:s29+$0x30E0];
	v8 =	vmul.f32 v8, v21;
	[tilespmem:s29+$0x30A0] =	vst v15  }
0x1eb: {  	v26 =	vld [tilespmem:s29+$0x3120];
	v16 =	vbroadcast v2, $0x2;
	v9 =	vmul.f32 v9, v21;
	[tilespmem:s29+$0x30B0] =	vst v10  }
0x1ec: {  	v27 =	vld [tilespmem:s29+$0x3130];
	v11 =	vmul.f32 v23, v21;
	[tilespmem:s29+$0x30C0] =	vst v8  }
0x1ed: {  	v28 =	vld [tilespmem:s29+$0x3140];
	v6 =	vbroadcast v2, $0xA;
	v30 =	vmul.f32 v24, v16;
	[tilespmem:s29+$0x30D0] =	vst v9  }
0x1ee: {  	v29 =	vld [tilespmem:s29+$0x3150];
	v32 =	vmul.f32 v25, v16;
	[tilespmem:s29+$0x30F0] =	vst v11  }
0x1ef: {  	v31 =	vld [tilespmem:s29+$0x3160];
	v4 =	vmul.f32 v7, v6;
	[tilespmem:s29+$0x3100] =	vst v30  }
0x1f0: {  	v33 =	vld [tilespmem:s29+$0x3170];
	v12 =	vmul.f32 v22, v21;
	[tilespmem:s29+$0x3110] =	vst v32  }
0x1f1: {  	v34 =	vld [tilespmem:s29+$0x3180];
	v10 =	vmul.f32 v26, v16;
	[tilespmem:s29+$0x3570] =	vst v4  }
0x1f2: {  	v35 =	vld [tilespmem:s29+$0x3190];
	v8 =	vmul.f32 v27, v16;
	[tilespmem:s29+$0x30E0] =	vst v12  }
0x1f3: {  	v36 =	vld [tilespmem:s29+$0x31A0];
	v9 =	vmul.f32 v28, v16;
	[tilespmem:s29+$0x3120] =	vst v10  }
0x1f4: {  	v37 =	vld [tilespmem:s29+$0x31B0];
	v39 =	vbroadcast v2, $0x3;
	v11 =	vmul.f32 v31, v16;
	[tilespmem:s29+$0x3130] =	vst v8  }
0x1f5: {  	v38 =	vld [tilespmem:s29+$0x31C0];
	v13 =	vmul.f32 v33, v16;
	[tilespmem:s29+$0x3140] =	vst v9  }
0x1f6: {  	v40 =	vld [tilespmem:s29+$0x31D0];
	v14 =	vmul.f32 v34, v39;
	[tilespmem:s29+$0x3160] =	vst v11  }
0x1f7: {  	v41 =	vld [tilespmem:s29+$0x31E0];
	v12 =	vmul.f32 v29, v16;
	[tilespmem:s29+$0x3170] =	vst v13  }
0x1f8: {  	v42 =	vld [tilespmem:s29+$0x31F0];
	v10 =	vmul.f32 v35, v39;
	[tilespmem:s29+$0x3180] =	vst v14  }
0x1f9: {  	v43 =	vld [tilespmem:s29+$0x3200];
	v8 =	vmul.f32 v36, v39;
	[tilespmem:s29+$0x3150] =	vst v12  }
0x1fa: {  	v44 =	vld [tilespmem:s29+$0x3210];
	v9 =	vmul.f32 v37, v39;
	[tilespmem:s29+$0x3190] =	vst v10  }
0x1fb: {  	v45 =	vld [tilespmem:s29+$0x3220];
	v11 =	vmul.f32 v40, v39;
	[tilespmem:s29+$0x31A0] =	vst v8  }
0x1fc: {  	v46 =	vld [tilespmem:s29+$0x3230];
	v13 =	vmul.f32 v41, v39;
	[tilespmem:s29+$0x31B0] =	vst v9  }
0x1fd: {  	v47 =	vld [tilespmem:s29+$0x3240];
	v48 =	vbroadcast v2, $0x4;
	v14 =	vmul.f32 v42, v39;
	[tilespmem:s29+$0x31D0] =	vst v11  }
0x1fe: {  	v49 =	vld [tilespmem:s29+$0x3250];
	v12 =	vmul.f32 v38, v39;
	[tilespmem:s29+$0x31E0] =	vst v13  }
0x1ff: {  	v50 =	vld [tilespmem:s29+$0x3260];
	v10 =	vmul.f32 v43, v48;
	[tilespmem:s29+$0x31F0] =	vst v14  }
0x200: {  	v51 =	vld [tilespmem:s29+$0x3270];
	v8 =	vmul.f32 v44, v48;
	[tilespmem:s29+$0x31C0] =	vst v12  }
0x201: {  	v52 =	vld [tilespmem:s29+$0x3280];
	v9 =	vmul.f32 v45, v48;
	[tilespmem:s29+$0x3200] =	vst v10  }
0x202: {  	v53 =	vld [tilespmem:s29+$0x3290];
	v11 =	vmul.f32 v47, v48;
	[tilespmem:s29+$0x3210] =	vst v8  }
0x203: {  	v54 =	vld [tilespmem:s29+$0x32A0];
	v13 =	vmul.f32 v49, v48;
	[tilespmem:s29+$0x3220] =	vst v9  }
0x204: {  	v55 =	vld [tilespmem:s29+$0x32B0];
	v14 =	vmul.f32 v50, v48;
	[tilespmem:s29+$0x3240] =	vst v11  }
0x205: {  	v56 =	vld [tilespmem:s29+$0x32C0];
	v57 =	vbroadcast v2, $0x5;
	v12 =	vmul.f32 v46, v48;
	[tilespmem:s29+$0x3250] =	vst v13  }
0x206: {  	v58 =	vld [tilespmem:s29+$0x32D0];
	v10 =	vmul.f32 v51, v48;
	[tilespmem:s29+$0x3260] =	vst v14  }
0x207: {  	v59 =	vld [tilespmem:s29+$0x32E0];
	v8 =	vmul.f32 v52, v57;
	[tilespmem:s29+$0x3230] =	vst v12  }
0x208: {  	v60 =	vld [tilespmem:s29+$0x32F0];
	v9 =	vmul.f32 v53, v57;
	[tilespmem:s29+$0x3270] =	vst v10  }
0x209: {  	v61 =	vld [tilespmem:s29+$0x3300];
	v11 =	vmul.f32 v55, v57;
	[tilespmem:s29+$0x3280] =	vst v8  }
0x20a: {  	v62 =	vld [tilespmem:s29+$0x3310];
	v13 =	vmul.f32 v56, v57;
	[tilespmem:s29+$0x3290] =	vst v9  }
0x20b: {  	v63 =	vld [tilespmem:s29+$0x3320];
	v14 =	vmul.f32 v58, v57;
	[tilespmem:s29+$0x32B0] =	vst v11  }
0x20c: {  	v20 =	vld [tilespmem:s29+$0x3330];
	v12 =	vmul.f32 v54, v57;
	[tilespmem:s29+$0x32C0] =	vst v13  }
0x20d: {  	v21 =	vld [tilespmem:s29+$0x3340];
	v22 =	vbroadcast v2, $0x6;
	v10 =	vmul.f32 v59, v57;
	[tilespmem:s29+$0x32D0] =	vst v14  }
0x20e: {  	v23 =	vld [tilespmem:s29+$0x3350];
	v8 =	vmul.f32 v60, v57;
	[tilespmem:s29+$0x32A0] =	vst v12  }
0x20f: {  	v24 =	vld [tilespmem:s29+$0x3360];
	v9 =	vmul.f32 v61, v22;
	[tilespmem:s29+$0x32E0] =	vst v10  }
0x210: {  	v25 =	vld [tilespmem:s29+$0x3370];
	v11 =	vmul.f32 v63, v22;
	[tilespmem:s29+$0x32F0] =	vst v8  }
0x211: {  	v5 =	vld [tilespmem:s29+$0x3580];
	v13 =	vmul.f32 v20, v22;
	[tilespmem:s29+$0x3300] =	vst v9  }
0x212: {  	v27 =	vld [tilespmem:s29+$0x3390];
	v14 =	vmul.f32 v21, v22;
	[tilespmem:s29+$0x3320] =	vst v11  }
0x213: {  	v28 =	vld [tilespmem:s29+$0x33A0];
	v12 =	vmul.f32 v62, v22;
	[tilespmem:s29+$0x3330] =	vst v13  }
0x214: {  	v29 =	vld [tilespmem:s29+$0x33B0];
	v10 =	vmul.f32 v23, v22;
	[tilespmem:s29+$0x3340] =	vst v14  }
0x215: {  	v31 =	vbroadcast v2, $0x7;
	v53 =	vld [tilespmem:s29+$0x3500];
	v8 =	vmul.f32 v24, v22;
	[tilespmem:s29+$0x3310] =	vst v12  }
0x216: {  	v58 =	vld [tilespmem:s29+$0x3550];
	v9 =	vmul.f32 v25, v22;
	[tilespmem:s29+$0x3350] =	vst v10  }
0x217: {  	v26 =	vld [tilespmem:s29+$0x3380];
	v11 =	vmul.f32 v27, v31;
	[tilespmem:s29+$0x3360] =	vst v8  }
0x218: {  	v30 =	vld [tilespmem:s29+$0x33C0];
	v13 =	vmul.f32 v28, v31;
	[tilespmem:s29+$0x3370] =	vst v9  }
0x219: {  	v32 =	vld [tilespmem:s29+$0x33D0];
	v14 =	vmul.f32 v29, v31;
	[tilespmem:s29+$0x3390] =	vst v11  }
0x21a: {  	v33 =	vld [tilespmem:s29+$0x33E0];
	v59 =	vmul.f32 v53, v6;
	[tilespmem:s29+$0x33A0] =	vst v13  }
0x21b: {  	v35 =	vld [tilespmem:s29+$0x3400];
	v21 =	vmul.f32 v58, v6;
	[tilespmem:s29+$0x33B0] =	vst v14  }
0x21c: {  	v36 =	vld [tilespmem:s29+$0x3410];
	v12 =	vmul.f32 v26, v31;
	[tilespmem:s29+$0x3500] =	vst v59  }
0x21d: {  	v37 =	vld [tilespmem:s29+$0x3420];
	v10 =	vmul.f32 v30, v31;
	[tilespmem:s29+$0x3550] =	vst v21  }
0x21e: {  	v7 =	vld [tilespmem:s29+$0x3590];
	v40 =	vbroadcast v2, $0x8;
	v8 =	vmul.f32 v32, v31;
	[tilespmem:s29+$0x3380] =	vst v12  }
0x21f: {  	v34 =	vld [tilespmem:s29+$0x33F0];
	v9 =	vmul.f32 v33, v31;
	[tilespmem:s29+$0x33C0] =	vst v10  }
0x220: {  	v57 =	vld [tilespmem:s29+$0x3540];
	v11 =	vmul.f32 v35, v40;
	[tilespmem:s29+$0x33D0] =	vst v8  }
0x221: {  	v61 =	vld [tilespmem:s29+$0x3000];
	v24 =	vbroadcast v2, $0xB;
	v13 =	vmul.f32 v36, v40;
	[tilespmem:s29+$0x33E0] =	vst v9  }
0x222: {  	v4 =	vld [tilespmem:s29+$0x37D0];
	v14 =	vmul.f32 v37, v40;
	[tilespmem:s29+$0x3400] =	vst v11  }
0x223: {  	v38 =	vld [tilespmem:s29+$0x3430];
	v5 =	vmul.f32 v5, v24;
	[tilespmem:s29+$0x3410] =	vst v13  }
0x224: {  	v39 =	vld [tilespmem:s29+$0x3440];
	v7 =	vmul.f32 v7, v24;
	[tilespmem:s29+$0x3420] =	vst v14  }
0x225: {  	v41 =	vld [tilespmem:s29+$0x3450];
	v19 =	vmul.f32 v57, v6;
	[tilespmem:s29+$0x3580] =	vst v5  }
0x226: {  	v43 =	vld [tilespmem:s29+$0x3470];
	v25 =	vmul.f32 v3, v61;
	[tilespmem:s29+$0x3590] =	vst v7  }
0x227: {  	v44 =	vld [tilespmem:s29+$0x3480];
	v12 =	vmul.f32 v34, v31;
	[tilespmem:s29+$0x3540] =	vst v19  }
0x228: {  	v45 =	vld [tilespmem:s29+$0x3490];
	v10 =	vmul.f32 v38, v40;
	[tilespmem:s29+$0x3000] =	vst v25  }
0x229: {  	v27 =	vld [tilespmem:s29+$0x35D0];
	v8 =	vmul.f32 v39, v40;
	[tilespmem:s29+$0x33F0] =	vst v12  }
0x22a: {  	v49 =	vbroadcast v2, $0x9;
	v29 =	vld [tilespmem:s29+$0x35F0];
	v9 =	vmul.f32 v41, v40;
	[tilespmem:s29+$0x3430] =	vst v10  }
0x22b: {  	v42 =	vld [tilespmem:s29+$0x3460];
	v11 =	vmul.f32 v43, v40;
	[tilespmem:s29+$0x3440] =	vst v8  }
0x22c: {  	v46 =	vld [tilespmem:s29+$0x34A0];
	v13 =	vmul.f32 v44, v49;
	[tilespmem:s29+$0x3450] =	vst v9  }
0x22d: {  	v47 =	vld [tilespmem:s29+$0x34B0];
	v14 =	vmul.f32 v45, v49;
	[tilespmem:s29+$0x3470] =	vst v11  }
0x22e: {  	v48 =	vld [tilespmem:s29+$0x34C0];
	v32 =	vmul.f32 v27, v24;
	[tilespmem:s29+$0x3480] =	vst v13  }
0x22f: {  	v51 =	vld [tilespmem:s29+$0x34E0];
	v7 =	vmul.f32 v29, v24;
	[tilespmem:s29+$0x3490] =	vst v14  }
0x230: {  	v52 =	vld [tilespmem:s29+$0x34F0];
	v12 =	vmul.f32 v42, v40;
	[tilespmem:s29+$0x35D0] =	vst v32  }
0x231: {  	v10 =	vmul.f32 v46, v49;
	[tilespmem:s29+$0x35F0] =	vst v7  }
0x232: {  	v28 =	vld [tilespmem:s29+$0x35E0];
	v8 =	vmul.f32 v47, v49;
	[tilespmem:s29+$0x3460] =	vst v12  }
0x233: {  	v30 =	vld [tilespmem:s29+$0x3600];
	v9 =	vmul.f32 v48, v49;
	[tilespmem:s29+$0x34A0] =	vst v10  }
0x234: {  	v50 =	vld [tilespmem:s29+$0x34D0];
	v5 =	vbroadcast v2, $0xF;
	v11 =	vmul.f32 v51, v49;
	[tilespmem:s29+$0x34B0] =	vst v8  }
0x235: {  	v54 =	vld [tilespmem:s29+$0x3510];
	v13 =	vmul.f32 v52, v49;
	[tilespmem:s29+$0x34C0] =	vst v9  }
0x236: {  	v55 =	vld [tilespmem:s29+$0x3520];
	v35 =	vbroadcast v2, $0xC;
	v4 =	vmul.f32 v4, v5;
	[tilespmem:s29+$0x34E0] =	vst v11  }
0x237: {  	v56 =	vld [tilespmem:s29+$0x3530];
	v40 =	vmul.f32 v28, v24;
	[tilespmem:s29+$0x34F0] =	vst v13  }
0x238: {  	v60 =	vld [tilespmem:s29+$0x3560];
	v16 =	vmul.f32 v30, v35;
	[tilespmem:s29+$0x37D0] =	vst v4  }
0x239: {  	v62 =	vld [tilespmem:s29+$0x3010];
	v12 =	vmul.f32 v50, v49;
	[tilespmem:s29+$0x35E0] =	vst v40  }
0x23a: {  	v63 =	vld [tilespmem:s29+$0x3040];
	v10 =	vmul.f32 v54, v6;
	[tilespmem:s29+$0x3600] =	vst v16  }
0x23b: {  	v20 =	vld [tilespmem:s29+$0x3050];
	v8 =	vmul.f32 v55, v6;
	[tilespmem:s29+$0x34D0] =	vst v12  }
0x23c: {  	v33 =	vld [tilespmem:s29+$0x3630];
	v9 =	vmul.f32 v56, v6;
	[tilespmem:s29+$0x3510] =	vst v10  }
0x23d: {  	v61 =	vld [tilespmem:s29+$0x37F0];
	v6 =	vmul.f32 v60, v6;
	[tilespmem:s29+$0x3520] =	vst v8  }
0x23e: {  	v38 =	vld [tilespmem:s29+$0x3670];
	v13 =	vmul.f32 v62, v3;
	[tilespmem:s29+$0x3530] =	vst v9  }
0x23f: {  	v22 =	vld [tilespmem:s29+$0x35A0];
	v4 =	vmul.f32 v63, v3;
	[tilespmem:s29+$0x3560] =	vst v6  }
0x240: {  	v23 =	vld [tilespmem:s29+$0x35B0];
	v3 =	vmul.f32 v20, v3;
	[tilespmem:s29+$0x3010] =	vst v13  }
0x241: {  	v26 =	vld [tilespmem:s29+$0x35C0];
	v62 =	vmul.f32 v33, v35;
	[tilespmem:s29+$0x3040] =	vst v4  }
0x242: {  	v31 =	vld [tilespmem:s29+$0x3610];
	v63 =	vmul.f32 v61, v5;
	[tilespmem:s29+$0x3050] =	vst v3  }
0x243: {  	v34 =	vld [tilespmem:s29+$0x3640];
	v16 =	vmul.f32 v38, v35;
	[tilespmem:s29+$0x3630] =	vst v62  }
0x244: {  	v41 =	vld [tilespmem:s29+$0x36A0];
	v8 =	vmul.f32 v22, v24;
	[tilespmem:s29+$0x37F0] =	vst v63  }
0x245: {  	v46 =	vld [tilespmem:s29+$0x36E0];
	v9 =	vmul.f32 v23, v24;
	[tilespmem:s29+$0x3670] =	vst v16  }
0x246: {  	v6 =	vmul.f32 v26, v24;
	v3 =	vld [tilespmem:s29+$0x3690];
	[tilespmem:s29+$0x35A0] =	vst v8  }
0x247: {  	v36 =	vld [tilespmem:s29+$0x3650];
	v44 =	vbroadcast v2, $0xD;
	v10 =	vmul.f32 v31, v35;
	[tilespmem:s29+$0x35B0] =	vst v9  }
0x248: {  	v37 =	vld [tilespmem:s29+$0x3660];
	v13 =	vmul.f32 v34, v35;
	[tilespmem:s29+$0x35C0] =	vst v6  }
0x249: {  	v39 =	vld [tilespmem:s29+$0x3680];
	v12 =	vmul.f32 v41, v44;
	[tilespmem:s29+$0x3610] =	vst v10  }
0x24a: {  	v42 =	vld [tilespmem:s29+$0x36B0];
	v51 =	vmul.f32 v46, v44;
	[tilespmem:s29+$0x3640] =	vst v13  }
0x24b: {  	v48 =	vld [tilespmem:s29+$0x3710];
	[tilespmem:s29+$0x36A0] =	vst v12;
	v3 =	vmul.f32 v3, v44  }
0x24c: {  	v49 =	vld [tilespmem:s29+$0x3720];
	v9 =	vmul.f32 v36, v35;
	[tilespmem:s29+$0x36E0] =	vst v51  }
0x24d: {  	v6 =	vmul.f32 v37, v35;
	[tilespmem:s29+$0x3690] =	vst v3;
	v3 =	vld [tilespmem:s29+$0x3700]  }
0x24e: {  	v2 =	vbroadcast v2, $0xE;
	v50 =	vld [tilespmem:s29+$0x3730];
	v10 =	vmul.f32 v39, v44;
	[tilespmem:s29+$0x3650] =	vst v9  }
0x24f: {  	v45 =	vld [tilespmem:s29+$0x36D0];
	v13 =	vmul.f32 v42, v44;
	[tilespmem:s29+$0x3660] =	vst v6  }
0x250: {  	v47 =	vld [tilespmem:s29+$0x36F0];
	v12 =	vmul.f32 v48, v2;
	[tilespmem:s29+$0x3680] =	vst v10  }
0x251: {  	v43 =	vld [tilespmem:s29+$0x36C0];
	v11 =	vmul.f32 v49, v2;
	[tilespmem:s29+$0x36B0] =	vst v13  }
0x252: {  	v55 =	vld [tilespmem:s29+$0x3780];
	[tilespmem:s29+$0x3710] =	vst v12;
	v3 =	vmul.f32 v3, v2  }
0x253: {  	v57 =	vld [tilespmem:s29+$0x37A0];
	v7 =	vmul.f32 v50, v2;
	[tilespmem:s29+$0x3720] =	vst v11  }
0x254: {  	v6 =	vmul.f32 v45, v44;
	[tilespmem:s29+$0x3700] =	vst v3;
	v3 =	vld [tilespmem:s29+$0x3770]  }
0x255: {  	v52 =	vld [tilespmem:s29+$0x3740];
	v10 =	vmul.f32 v47, v44;
	[tilespmem:s29+$0x3730] =	vst v7  }
0x256: {  	v56 =	vld [tilespmem:s29+$0x3790];
	v9 =	vmul.f32 v43, v44;
	[tilespmem:s29+$0x36D0] =	vst v6  }
0x257: {  	v54 =	vld [tilespmem:s29+$0x3760];
	v12 =	vmul.f32 v55, v5;
	[tilespmem:s29+$0x36F0] =	vst v10  }
0x258: {  	v58 =	vld [tilespmem:s29+$0x37B0];
	v7 =	vmul.f32 v57, v5;
	[tilespmem:s29+$0x36C0] =	vst v9  }
0x259: {  	v53 =	vld [tilespmem:s29+$0x3750];
	[tilespmem:s29+$0x3780] =	vst v12;
	v3 =	vmul.f32 v3, v2  }
0x25a: {  	v59 =	vld [tilespmem:s29+$0x37C0];
	v6 =	vmul.f32 v52, v2;
	[tilespmem:s29+$0x37A0] =	vst v7  }
0x25b: {  	v60 =	vld [tilespmem:s29+$0x37E0];
	[tilespmem:s29+$0x3770] =	vst v3;
	v3 =	vmul.f32 v56, v5  }
0x25c: {  	v10 =	vmul.f32 v54, v2;
	[tilespmem:s29+$0x3740] =	vst v6  }
0x25d: {  	v4 =	vld [tilespmem:s29+$0x3620];
	[tilespmem:s29+$0x3790] =	vst v3;
	v3 =	vmul.f32 v58, v5  }
0x25e: {  	[tilespmem:s29+$0x3760] =	vst v10;
	v2 =	vmul.f32 v53, v2  }
0x25f: {  	[tilespmem:s29+$0x37B0] =	vst v3;
	v3 =	vmul.f32 v59, v5  }
0x260: {  	[tilespmem:s29+$0x3750] =	vst v2;
	v5 =	vmul.f32 v60, v5  }
0x261: {  	[tilespmem:s29+$0x37C0] =	vst v3  }
0x262: {  	s30 =	simm.s32 $0x1;
	v3 =	vmul.f32 v4, v35;
	[tilespmem:s29+$0x37E0] =	vst v5  }
.LBB2_4:
0x263: {  	s31 =	sshll.u32 s30, $0x4  }
0x264: {  	p1 =	sne.s32 s30, $0x7;
	[tilespmem:s29+$0x3620] =	vst v3;
	s29 =	smov.u32 s30;
	s30 =	sadd.s32 $0x1, s30  }
0x265: {  	s31 =	sand.u32 $0x3FFFFFF0, s31  }
0x266: {  	v2 =	vld.idx.msk [tilespmem:v1+s31+$0x0 ss:$0x1], $0xffff  }
0x267: {  	s29 =	sshll.u32 s29, $0xB  }
0x268: {  	s29 =	sand.u32 $0x3FFFF800, s29  }
0x269: {  	v9 =	vld [tilespmem:s29+$0x30C0]  }
0x26a: {  	v10 =	vld [tilespmem:s29+$0x30D0]  }
0x26b: {  	v11 =	vld [tilespmem:s29+$0x30B0]  }
0x26c: {  	v3 =	vbroadcast v2, $0x0;
	v8 =	vbroadcast v2, $0x4;
	v4 =	vld [tilespmem:s29+$0x3020]  }
0x26d: {  	v6 =	vld [tilespmem:s29+$0x3030]  }
0x26e: {  	v7 =	vld [tilespmem:s29+$0x3570]  }
0x26f: {  	v12 =	vld [tilespmem:s29+$0x3060]  }
0x270: {  	v13 =	vld [tilespmem:s29+$0x3070]  }
0x271: {  	v5 =	vbroadcast v2, $0xA;
	v4 =	vmul.f32 v4, v3;
	v14 =	vld [tilespmem:s29+$0x3080]  }
0x272: {  	v6 =	vmul.f32 v6, v3;
	v15 =	vld [tilespmem:s29+$0x3090]  }
0x273: {  	[tilespmem:s29+$0x3020] =	vst v4;
	v16 =	vld [tilespmem:s29+$0x30A0];
	v4 =	vmul.f32 v7, v5  }
0x274: {  	[tilespmem:s29+$0x3030] =	vst v6;
	v7 =	vmul.f32 v12, v3;
	v12 =	vbroadcast v2, $0x1;
	v6 =	vld [tilespmem:s29+$0x3580]  }
0x275: {  	v13 =	vmul.f32 v13, v3;
	[tilespmem:s29+$0x3570] =	vst v4;
	v4 =	vld [tilespmem:s29+$0x37D0]  }
0x276: {  	[tilespmem:s29+$0x3060] =	vst v7;
	v14 =	vmul.f32 v14, v12;
	v7 =	vld [tilespmem:s29+$0x3590]  }
0x277: {  	[tilespmem:s29+$0x3070] =	vst v13;
	v13 =	vmul.f32 v15, v12;
	v15 =	vld [tilespmem:s29+$0x30E0]  }
0x278: {  	[tilespmem:s29+$0x3080] =	vst v14;
	v14 =	vmul.f32 v16, v12;
	v16 =	vld [tilespmem:s29+$0x30F0]  }
0x279: {  	v11 =	vmul.f32 v11, v12;
	[tilespmem:s29+$0x3090] =	vst v13;
	v13 =	vld [tilespmem:s29+$0x3100]  }
0x27a: {  	v9 =	vmul.f32 v9, v12;
	[tilespmem:s29+$0x30A0] =	vst v14;
	v14 =	vld [tilespmem:s29+$0x3110]  }
0x27b: {  	v10 =	vmul.f32 v10, v12;
	[tilespmem:s29+$0x30B0] =	vst v11;
	v11 =	vld [tilespmem:s29+$0x3120]  }
0x27c: {  	[tilespmem:s29+$0x30C0] =	vst v9;
	v9 =	vmul.f32 v15, v12;
	v15 =	vbroadcast v2, $0x2;
	v17 =	vld [tilespmem:s29+$0x3130]  }
0x27d: {  	[tilespmem:s29+$0x30D0] =	vst v10;
	v10 =	vmul.f32 v16, v12;
	v12 =	vld [tilespmem:s29+$0x3140]  }
0x27e: {  	[tilespmem:s29+$0x30E0] =	vst v9;
	v9 =	vmul.f32 v13, v15;
	v13 =	vld [tilespmem:s29+$0x3150]  }
0x27f: {  	[tilespmem:s29+$0x30F0] =	vst v10;
	v10 =	vmul.f32 v14, v15;
	v14 =	vld [tilespmem:s29+$0x3160]  }
0x280: {  	[tilespmem:s29+$0x3100] =	vst v9;
	v9 =	vmul.f32 v11, v15;
	v11 =	vld [tilespmem:s29+$0x3170]  }
0x281: {  	[tilespmem:s29+$0x3110] =	vst v10;
	v10 =	vmul.f32 v17, v15;
	v16 =	vld [tilespmem:s29+$0x3180]  }
0x282: {  	[tilespmem:s29+$0x3120] =	vst v9;
	v9 =	vmul.f32 v12, v15;
	v12 =	vld [tilespmem:s29+$0x3190]  }
0x283: {  	[tilespmem:s29+$0x3130] =	vst v10;
	v10 =	vmul.f32 v13, v15;
	v13 =	vld [tilespmem:s29+$0x31A0]  }
0x284: {  	[tilespmem:s29+$0x3140] =	vst v9;
	v9 =	vmul.f32 v14, v15;
	v14 =	vbroadcast v2, $0x3;
	v17 =	vld [tilespmem:s29+$0x31B0]  }
0x285: {  	[tilespmem:s29+$0x3150] =	vst v10;
	v10 =	vmul.f32 v11, v15;
	v11 =	vld [tilespmem:s29+$0x31C0]  }
0x286: {  	[tilespmem:s29+$0x3160] =	vst v9;
	v9 =	vmul.f32 v16, v14;
	v15 =	vld [tilespmem:s29+$0x31D0]  }
0x287: {  	[tilespmem:s29+$0x3170] =	vst v10;
	v10 =	vmul.f32 v12, v14;
	v12 =	vld [tilespmem:s29+$0x31E0]  }
0x288: {  	[tilespmem:s29+$0x3180] =	vst v9;
	v9 =	vmul.f32 v13, v14;
	v13 =	vld [tilespmem:s29+$0x31F0]  }
0x289: {  	[tilespmem:s29+$0x3190] =	vst v10;
	v10 =	vmul.f32 v17, v14;
	v16 =	vld [tilespmem:s29+$0x3200]  }
0x28a: {  	[tilespmem:s29+$0x31A0] =	vst v9;
	v9 =	vmul.f32 v11, v14;
	v11 =	vld [tilespmem:s29+$0x3210]  }
0x28b: {  	[tilespmem:s29+$0x31B0] =	vst v10;
	v10 =	vmul.f32 v15, v14;
	v15 =	vld [tilespmem:s29+$0x3220]  }
0x28c: {  	[tilespmem:s29+$0x31C0] =	vst v9;
	v9 =	vmul.f32 v12, v14;
	v12 =	vld [tilespmem:s29+$0x3230]  }
0x28d: {  	[tilespmem:s29+$0x31D0] =	vst v10;
	v10 =	vmul.f32 v13, v14;
	v13 =	vld [tilespmem:s29+$0x3240]  }
0x28e: {  	[tilespmem:s29+$0x31E0] =	vst v9;
	v9 =	vmul.f32 v16, v8;
	v14 =	vld [tilespmem:s29+$0x3250]  }
0x28f: {  	[tilespmem:s29+$0x31F0] =	vst v10;
	v10 =	vmul.f32 v11, v8;
	v11 =	vld [tilespmem:s29+$0x3260]  }
0x290: {  	[tilespmem:s29+$0x3200] =	vst v9;
	v9 =	vmul.f32 v15, v8;
	v15 =	vld [tilespmem:s29+$0x3270]  }
0x291: {  	[tilespmem:s29+$0x3210] =	vst v10;
	v10 =	vmul.f32 v12, v8;
	v12 =	vld [tilespmem:s29+$0x3280]  }
0x292: {  	[tilespmem:s29+$0x3220] =	vst v9;
	v9 =	vmul.f32 v13, v8;
	v13 =	vld [tilespmem:s29+$0x3290]  }
0x293: {  	[tilespmem:s29+$0x3230] =	vst v10;
	v10 =	vmul.f32 v14, v8;
	v14 =	vld [tilespmem:s29+$0x32A0]  }
0x294: {  	[tilespmem:s29+$0x3240] =	vst v9;
	v9 =	vmul.f32 v11, v8;
	v11 =	vbroadcast v2, $0x5;
	v16 =	vld [tilespmem:s29+$0x32B0]  }
0x295: {  	[tilespmem:s29+$0x3250] =	vst v10;
	v8 =	vmul.f32 v15, v8;
	v10 =	vld [tilespmem:s29+$0x32C0]  }
0x296: {  	[tilespmem:s29+$0x3260] =	vst v9;
	v9 =	vmul.f32 v12, v11;
	v12 =	vld [tilespmem:s29+$0x32D0]  }
0x297: {  	[tilespmem:s29+$0x3270] =	vst v8;
	v8 =	vmul.f32 v13, v11;
	v13 =	vld [tilespmem:s29+$0x32E0]  }
0x298: {  	[tilespmem:s29+$0x3280] =	vst v9;
	v9 =	vmul.f32 v14, v11;
	v14 =	vld [tilespmem:s29+$0x32F0]  }
0x299: {  	[tilespmem:s29+$0x3290] =	vst v8;
	v8 =	vmul.f32 v16, v11;
	v15 =	vld [tilespmem:s29+$0x3300]  }
0x29a: {  	[tilespmem:s29+$0x32A0] =	vst v9;
	v9 =	vmul.f32 v10, v11;
	v10 =	vld [tilespmem:s29+$0x3310]  }
0x29b: {  	[tilespmem:s29+$0x32B0] =	vst v8;
	v8 =	vmul.f32 v12, v11;
	v12 =	vld [tilespmem:s29+$0x3320]  }
0x29c: {  	[tilespmem:s29+$0x32C0] =	vst v9;
	v9 =	vmul.f32 v13, v11;
	v13 =	vbroadcast v2, $0x6;
	v16 =	vld [tilespmem:s29+$0x3330]  }
0x29d: {  	[tilespmem:s29+$0x32D0] =	vst v8;
	v8 =	vmul.f32 v14, v11;
	v11 =	vld [tilespmem:s29+$0x3340]  }
0x29e: {  	[tilespmem:s29+$0x32E0] =	vst v9;
	v9 =	vmul.f32 v15, v13;
	v14 =	vld [tilespmem:s29+$0x3350]  }
0x29f: {  	[tilespmem:s29+$0x32F0] =	vst v8;
	v8 =	vmul.f32 v10, v13;
	v10 =	vld [tilespmem:s29+$0x3360]  }
0x2a0: {  	[tilespmem:s29+$0x3300] =	vst v9;
	v9 =	vmul.f32 v12, v13;
	v12 =	vld [tilespmem:s29+$0x3370]  }
0x2a1: {  	[tilespmem:s29+$0x3310] =	vst v8;
	v8 =	vmul.f32 v16, v13;
	v15 =	vld [tilespmem:s29+$0x3380]  }
0x2a2: {  	[tilespmem:s29+$0x3320] =	vst v9;
	v9 =	vmul.f32 v11, v13;
	v11 =	vld [tilespmem:s29+$0x3390]  }
0x2a3: {  	[tilespmem:s29+$0x3330] =	vst v8;
	v8 =	vmul.f32 v14, v13;
	v14 =	vld [tilespmem:s29+$0x33A0]  }
0x2a4: {  	[tilespmem:s29+$0x3340] =	vst v9;
	v9 =	vmul.f32 v10, v13;
	v10 =	vbroadcast v2, $0x7;
	v16 =	vld [tilespmem:s29+$0x33B0]  }
0x2a5: {  	[tilespmem:s29+$0x3350] =	vst v8;
	v8 =	vmul.f32 v12, v13;
	v12 =	vld [tilespmem:s29+$0x33C0]  }
0x2a6: {  	[tilespmem:s29+$0x3360] =	vst v9;
	v9 =	vmul.f32 v15, v10;
	v13 =	vld [tilespmem:s29+$0x33D0]  }
0x2a7: {  	[tilespmem:s29+$0x3370] =	vst v8;
	v8 =	vmul.f32 v11, v10;
	v11 =	vld [tilespmem:s29+$0x33E0]  }
0x2a8: {  	[tilespmem:s29+$0x3380] =	vst v9;
	v9 =	vmul.f32 v14, v10;
	v14 =	vld [tilespmem:s29+$0x33F0]  }
0x2a9: {  	[tilespmem:s29+$0x3390] =	vst v8;
	v8 =	vmul.f32 v16, v10;
	v15 =	vld [tilespmem:s29+$0x3400]  }
0x2aa: {  	[tilespmem:s29+$0x33A0] =	vst v9;
	v9 =	vmul.f32 v12, v10;
	v12 =	vld [tilespmem:s29+$0x3410]  }
0x2ab: {  	[tilespmem:s29+$0x33B0] =	vst v8;
	v8 =	vmul.f32 v13, v10;
	v13 =	vld [tilespmem:s29+$0x3420]  }
0x2ac: {  	[tilespmem:s29+$0x33C0] =	vst v9;
	v9 =	vmul.f32 v11, v10;
	v11 =	vbroadcast v2, $0x8;
	v16 =	vld [tilespmem:s29+$0x3430]  }
0x2ad: {  	[tilespmem:s29+$0x33D0] =	vst v8;
	v8 =	vmul.f32 v14, v10;
	v10 =	vld [tilespmem:s29+$0x3440]  }
0x2ae: {  	[tilespmem:s29+$0x33E0] =	vst v9;
	v9 =	vmul.f32 v15, v11;
	v14 =	vld [tilespmem:s29+$0x3450]  }
0x2af: {  	[tilespmem:s29+$0x33F0] =	vst v8;
	v8 =	vmul.f32 v12, v11;
	v12 =	vld [tilespmem:s29+$0x3460]  }
0x2b0: {  	[tilespmem:s29+$0x3400] =	vst v9;
	v9 =	vmul.f32 v13, v11;
	v13 =	vld [tilespmem:s29+$0x3470]  }
0x2b1: {  	[tilespmem:s29+$0x3410] =	vst v8;
	v8 =	vmul.f32 v16, v11;
	v15 =	vld [tilespmem:s29+$0x3480]  }
0x2b2: {  	[tilespmem:s29+$0x3420] =	vst v9;
	v9 =	vmul.f32 v10, v11;
	v10 =	vld [tilespmem:s29+$0x3490]  }
0x2b3: {  	[tilespmem:s29+$0x3430] =	vst v8;
	v8 =	vmul.f32 v14, v11;
	v14 =	vld [tilespmem:s29+$0x34A0]  }
0x2b4: {  	[tilespmem:s29+$0x3440] =	vst v9;
	v9 =	vmul.f32 v12, v11;
	v12 =	vbroadcast v2, $0x9;
	v16 =	vld [tilespmem:s29+$0x34B0]  }
0x2b5: {  	[tilespmem:s29+$0x3450] =	vst v8;
	v8 =	vmul.f32 v13, v11;
	v11 =	vld [tilespmem:s29+$0x34C0]  }
0x2b6: {  	[tilespmem:s29+$0x3460] =	vst v9;
	v9 =	vmul.f32 v15, v12;
	v13 =	vld [tilespmem:s29+$0x34D0]  }
0x2b7: {  	[tilespmem:s29+$0x3470] =	vst v8;
	v8 =	vmul.f32 v10, v12;
	v10 =	vld [tilespmem:s29+$0x34E0]  }
0x2b8: {  	[tilespmem:s29+$0x3480] =	vst v9;
	v9 =	vmul.f32 v14, v12;
	v14 =	vld [tilespmem:s29+$0x34F0]  }
0x2b9: {  	[tilespmem:s29+$0x3490] =	vst v8;
	v8 =	vmul.f32 v16, v12;
	v15 =	vld [tilespmem:s29+$0x3500]  }
0x2ba: {  	[tilespmem:s29+$0x34A0] =	vst v9;
	v9 =	vmul.f32 v11, v12;
	v11 =	vld [tilespmem:s29+$0x3510]  }
0x2bb: {  	[tilespmem:s29+$0x34B0] =	vst v8;
	v8 =	vmul.f32 v13, v12;
	v13 =	vld [tilespmem:s29+$0x3520]  }
0x2bc: {  	[tilespmem:s29+$0x34C0] =	vst v9;
	v9 =	vmul.f32 v10, v12;
	v10 =	vld [tilespmem:s29+$0x3530]  }
0x2bd: {  	[tilespmem:s29+$0x34D0] =	vst v8;
	v8 =	vmul.f32 v14, v12;
	v12 =	vld [tilespmem:s29+$0x3540]  }
0x2be: {  	[tilespmem:s29+$0x34E0] =	vst v9;
	v9 =	vmul.f32 v15, v5;
	v14 =	vld [tilespmem:s29+$0x3550]  }
0x2bf: {  	[tilespmem:s29+$0x34F0] =	vst v8;
	v8 =	vmul.f32 v11, v5;
	v11 =	vld [tilespmem:s29+$0x3560]  }
0x2c0: {  	v15 =	vld [tilespmem:s29+$0x3000];
	[tilespmem:s29+$0x3500] =	vst v9;
	v9 =	vmul.f32 v13, v5  }
0x2c1: {  	v13 =	vld [tilespmem:s29+$0x3010];
	[tilespmem:s29+$0x3510] =	vst v8;
	v8 =	vmul.f32 v10, v5  }
0x2c2: {  	v10 =	vld [tilespmem:s29+$0x3040];
	[tilespmem:s29+$0x3520] =	vst v9;
	v9 =	vmul.f32 v12, v5  }
0x2c3: {  	v12 =	vld [tilespmem:s29+$0x3050];
	[tilespmem:s29+$0x3530] =	vst v8;
	v8 =	vmul.f32 v14, v5  }
0x2c4: {  	[tilespmem:s29+$0x3540] =	vst v9;
	v9 =	vmul.f32 v11, v5;
	v11 =	vbroadcast v2, $0xB;
	v14 =	vld [tilespmem:s29+$0x35A0]  }
0x2c5: {  	v5 =	vbroadcast v2, $0xF;
	v15 =	vmul.f32 v3, v15;
	[tilespmem:s29+$0x3550] =	vst v8;
	v8 =	vld [tilespmem:s29+$0x35B0]  }
0x2c6: {  	v13 =	vmul.f32 v13, v3;
	[tilespmem:s29+$0x3560] =	vst v9;
	v6 =	vmul.f32 v6, v11;
	v9 =	vld [tilespmem:s29+$0x35C0]  }
0x2c7: {  	v7 =	vmul.f32 v7, v11;
	[tilespmem:s29+$0x3000] =	vst v15;
	v10 =	vmul.f32 v10, v3;
	v15 =	vld [tilespmem:s29+$0x35D0]  }
0x2c8: {  	v4 =	vmul.f32 v4, v5;
	v12 =	vmul.f32 v12, v3;
	[tilespmem:s29+$0x3580] =	vst v6;
	v3 =	vld [tilespmem:s29+$0x35E0]  }
0x2c9: {  	[tilespmem:s29+$0x3590] =	vst v7;
	v6 =	vmul.f32 v14, v11;
	v7 =	vld [tilespmem:s29+$0x35F0]  }
0x2ca: {  	v8 =	vmul.f32 v8, v11;
	v14 =	vld [tilespmem:s29+$0x3600];
	[tilespmem:s29+$0x37D0] =	vst v4  }
0x2cb: {  	[tilespmem:s29+$0x3010] =	vst v13;
	v4 =	vmul.f32 v9, v11;
	v9 =	vld [tilespmem:s29+$0x3610]  }
0x2cc: {  	[tilespmem:s29+$0x3040] =	vst v10;
	v10 =	vmul.f32 v15, v11;
	v13 =	vld [tilespmem:s29+$0x3620]  }
0x2cd: {  	v15 =	vbroadcast v2, $0xC;
	[tilespmem:s29+$0x35A0] =	vst v6;
	v6 =	vmul.f32 v3, v11;
	v16 =	vld [tilespmem:s29+$0x3630]  }
0x2ce: {  	[tilespmem:s29+$0x35D0] =	vst v10;
	v7 =	vmul.f32 v7, v11;
	v10 =	vld [tilespmem:s29+$0x3640]  }
0x2cf: {  	[tilespmem:s29+$0x35B0] =	vst v8;
	v3 =	vmul.f32 v14, v15;
	v8 =	vld [tilespmem:s29+$0x3650]  }
0x2d0: {  	[tilespmem:s29+$0x35C0] =	vst v4;
	v4 =	vmul.f32 v9, v15;
	v9 =	vld [tilespmem:s29+$0x3660]  }
0x2d1: {  	[tilespmem:s29+$0x3600] =	vst v3;
	v3 =	vmul.f32 v13, v15;
	v11 =	vld [tilespmem:s29+$0x3670]  }
0x2d2: {  	[tilespmem:s29+$0x3610] =	vst v4;
	v4 =	vld [tilespmem:s29+$0x3680]  }
0x2d3: {  	[tilespmem:s29+$0x3050] =	vst v12;
	v10 =	vmul.f32 v10, v15;
	v12 =	vld [tilespmem:s29+$0x3690]  }
0x2d4: {  	[tilespmem:s29+$0x35E0] =	vst v6;
	v6 =	vmul.f32 v8, v15;
	v8 =	vld [tilespmem:s29+$0x36A0]  }
0x2d5: {  	[tilespmem:s29+$0x3640] =	vst v10;
	v9 =	vmul.f32 v9, v15;
	v10 =	vbroadcast v2, $0xD;
	v13 =	vld [tilespmem:s29+$0x36B0]  }
0x2d6: {  	[tilespmem:s29+$0x3650] =	vst v6;
	v6 =	vmul.f32 v11, v15;
	v11 =	vld [tilespmem:s29+$0x36C0]  }
0x2d7: {  	[tilespmem:s29+$0x3660] =	vst v9;
	v4 =	vmul.f32 v4, v10;
	v9 =	vld [tilespmem:s29+$0x36D0]  }
0x2d8: {  	[tilespmem:s29+$0x3670] =	vst v6;
	v6 =	vmul.f32 v12, v10;
	v12 =	vld [tilespmem:s29+$0x36E0]  }
0x2d9: {  	[tilespmem:s29+$0x3680] =	vst v4;
	v4 =	vmul.f32 v8, v10;
	v8 =	vld [tilespmem:s29+$0x36F0]  }
0x2da: {  	[tilespmem:s29+$0x3690] =	vst v6;
	v6 =	vmul.f32 v13, v10;
	v13 =	vld [tilespmem:s29+$0x3700]  }
0x2db: {  	[tilespmem:s29+$0x36A0] =	vst v4;
	v4 =	vmul.f32 v11, v10;
	v11 =	vld [tilespmem:s29+$0x3710]  }
0x2dc: {  	[tilespmem:s29+$0x36B0] =	vst v6;
	v6 =	vmul.f32 v9, v10;
	v9 =	vld [tilespmem:s29+$0x3720]  }
0x2dd: {  	v2 =	vbroadcast v2, $0xE;
	[tilespmem:s29+$0x35F0] =	vst v7;
	v7 =	vmul.f32 v12, v10;
	v12 =	vld [tilespmem:s29+$0x3730]  }
0x2de: {  	[tilespmem:s29+$0x36D0] =	vst v6;
	v6 =	vmul.f32 v8, v10;
	v8 =	vld [tilespmem:s29+$0x3740]  }
0x2df: {  	[tilespmem:s29+$0x36E0] =	vst v7;
	v7 =	vmul.f32 v13, v2;
	v10 =	vld [tilespmem:s29+$0x3750]  }
0x2e0: {  	[tilespmem:s29+$0x36F0] =	vst v6;
	v6 =	vmul.f32 v11, v2;
	v11 =	vld [tilespmem:s29+$0x3760]  }
0x2e1: {  	[tilespmem:s29+$0x3700] =	vst v7;
	v7 =	vmul.f32 v9, v2;
	v9 =	vld [tilespmem:s29+$0x3770]  }
0x2e2: {  	[tilespmem:s29+$0x3710] =	vst v6;
	v6 =	vmul.f32 v12, v2;
	v12 =	vld [tilespmem:s29+$0x3780]  }
0x2e3: {  	[tilespmem:s29+$0x3720] =	vst v7;
	v7 =	vmul.f32 v8, v2;
	v8 =	vld [tilespmem:s29+$0x3790]  }
0x2e4: {  	[tilespmem:s29+$0x3730] =	vst v6;
	v6 =	vmul.f32 v10, v2;
	v10 =	vld [tilespmem:s29+$0x37A0]  }
0x2e5: {  	[tilespmem:s29+$0x3740] =	vst v7;
	v7 =	vmul.f32 v11, v2;
	v11 =	vld [tilespmem:s29+$0x37B0]  }
0x2e6: {  	[tilespmem:s29+$0x36C0] =	vst v4;
	v2 =	vmul.f32 v9, v2;
	v4 =	vld [tilespmem:s29+$0x37C0]  }
0x2e7: {  	[tilespmem:s29+$0x3760] =	vst v7;
	v7 =	vmul.f32 v12, v5;
	v9 =	vld [tilespmem:s29+$0x37E0]  }
0x2e8: {  	[tilespmem:s29+$0x3770] =	vst v2;
	v2 =	vmul.f32 v8, v5;
	v8 =	vld [tilespmem:s29+$0x37F0]  }
0x2e9: {  	[tilespmem:s29+$0x3780] =	vst v7;
	v7 =	vmul.f32 v10, v5  }
0x2ea: {  	[tilespmem:s29+$0x3790] =	vst v2;
	v2 =	vmul.f32 v11, v5  }
0x2eb: {  	v10 =	vmul.f32 v16, v15;
	[tilespmem:s29+$0x37A0] =	vst v7  }
0x2ec: {  	[tilespmem:s29+$0x37B0] =	vst v2;
	v2 =	vmul.f32 v4, v5  }
.Ltmp13:
0x2ed: {  	[tilespmem:s29+$0x3630] =	vst v10;
	v4 =	vmul.f32 v8, v5;
	(pc) =	sbr.rel @p1 .LBB2_4-.Ltmp13, $4  }
0x2ee: {  	[tilespmem:s29+$0x37C0] =	vst v2  }
0x2ef: {  	v2 =	vmul.f32 v9, v5;
	[tilespmem:s29+$0x37F0] =	vst v4  }
0x2f0: {  	[tilespmem:s29+$0x3750] =	vst v6  }
0x2f1: {  	[tilespmem:s29+$0x37E0] =	vst v2  }
0x2f2: {  	s28 =	sadd.s32 $0x1, s28  }
0x2f3: {  	p1 =	sne.s32 s28, $0x20  }
.Ltmp14:
0x2f4: {  	[tilespmem:s29+$0x3620] =	vst v3;
	s14 =	sadd.s32 $0x1000, s14;
	(pc) =	sbr.rel @p1 .LBB2_3-.Ltmp14, $4  }
0x2f5: {  	[spmem:s5] =	stream.indirect.scatter.add.f32 [tilespmem:s24], [sflag:$0x1], $0x80, s14, s23, $0xb8;
	[tilespmem:$0x1B400] =	vst v63  }
0x2f6: {  	_ =	swait.ge [sflag:s19], $0x4000  }
0x2f7: {  	[sflag:s19] =	ssyncset.done $0x0  }
0x2f8: {  	[sflag:s19] =	ssyncadd.s32 $0xFFFFC000  }
0x2f9: {  	s26 =	sadd.s32 $0x1, s26  }
0x2fa: {  	p1 =	sne.s32 s26, $0x5  }
.Ltmp15:
0x2fb: {  	_ = 	snop;
	(pc) =	sbr.rel @p1 .LBB2_2-.Ltmp15, $1  }
0x2fc: {  	_ =	sdelay $0x3  }
0x2fd: {  	[bflag:$0x0] =	sbarrier.arrive $0xFFFF  }
0x2fe: {  	s14 =	sshrl.u32 s18, $0x3;
	s26 =	rddreg [dreg:$0x8]  }
0x2ff: {  	[hbm:s26], [sflag:s7] =	dma.local [spmem:s14], $0x2800  }
0x300: {  	_ =	swait.ge [sflag:s19], $0x2800  }
0x301: {  	[sflag:s19] =	ssyncset.done $0x0  }
0x302: {  	[sflag:s19] =	ssyncadd.s32 $0xFFFFD800  }
0x303: {  	[bflag:$0x0] =	sbarrier.arrive $0xFFFF  }
0x304: {  	[spmem:s25], [sflag:s7] =	dma.local [hbm:s13], $0x2880  }
0x305: {  	_ =	swait.ge [sflag:s19], $0x2880  }
0x306: {  	[sflag:s19] =	ssyncset.done $0x0  }
0x307: {  	s14 =	simm.s32 $0x0;
	s25 =	simm.s32 $0x200;
	[sflag:s19] =	ssyncadd.s32 $0xFFFFD780  }
.LBB2_8:
0x308: {  	p1 =	sne.s32 s25, $0xFE00;
	[tilespmem:s14+$0x3070] =	vst v0  }
0x309: {  	[tilespmem:s14+$0x3000] =	vst v0  }
0x30a: {  	[tilespmem:s14+$0x3010] =	vst v0  }
.Ltmp16:
0x30b: {  	[tilespmem:s14+$0x3020] =	vst v0;
	(pc) =	sbr.rel @p1 .LBB2_8-.Ltmp16, $4  }
0x30c: {  	[tilespmem:s14+$0x3030] =	vst v0  }
0x30d: {  	[tilespmem:s14+$0x3040] =	vst v0  }
0x30e: {  	[tilespmem:s14+$0x3050] =	vst v0  }
0x30f: {  	[tilespmem:s14+$0x3060] =	vst v0;
	s14 =	sshra.s32 s25, $0x2;
	s25 =	sadd.s32 $0x200, s25  }
0x310: {  	[tilespmem:s14+$0x3070] =	vst v0  }
0x311: {  	[tilespmem:s14+$0x3000] =	vst v0  }
0x312: {  	[tilespmem:s14+$0x3010] =	vst v0  }
0x313: {  	[tilespmem:s14+$0x3020] =	vst v0  }
0x314: {  	[tilespmem:s14+$0x3030] =	vst v0  }
0x315: {  	[tilespmem:s14+$0x3040] =	vst v0  }
0x316: {  	[tilespmem:s14+$0x3050] =	vst v0  }
0x317: {  	[tilespmem:s14+$0x3060] =	vst v0  }
0x318: {  	[bflag:$0x0] =	sbarrier.arrive $0xFFFF  }
0x319: {  	s30 =	simm.s32 $0x0;
	s25 =	rddreg [dreg:$0xa]  }
0x31a: {  	[tilespmem:s20], [sflag:$0x1] =	stream.linear.gather [hbm4b:s25+s30], $0x1000, $0x38;
	[tilespmem:$0x1B400] =	vst v63  }
0x31b: {  	_ =	swait.ge [sflag:s19], $0x1000  }
0x31c: {  	[sflag:s19] =	ssyncset.done $0x0  }
0x31d: {  	s31 =	simm.s32 $0x1000;
	[sflag:s19] =	ssyncadd.s32 $0xFFFFF000  }
0x31e: {  	[spmem:s5] =	stream.indirect.scatter.add.f32 [tilespmem:s24], [sflag:$0x1], $0x80, s31, s23, $0xb8;
	[tilespmem:$0x1B400] =	vst v63  }
0x31f: {  	s14 =	simm.s32 $0x200;
	_ =	swait.ge [sflag:s19], $0x4000  }
.LBB2_10:
0x320: {  	s25 =	sshra.s32 s14, $0x2;
	[sflag:s19] =	ssyncset.done $0x0;
	p1 =	sne.s32 s14, $0x3E00  }
.Ltmp17:
0x321: {  	s25 =	sadd.s32 $0x1000, s25;
	[sflag:s19] =	ssyncadd.s32 $0xFFFFC000;
	(pc) =	sbr.rel @p1 .LBB2_10-.Ltmp17, $3  }
0x322: {  	[spmem:s5] =	stream.indirect.scatter.add.f32 [tilespmem:s24], [sflag:$0x1], $0x80, s25, s23, $0xb8;
	[tilespmem:$0x1B400] =	vst v63  }
0x323: {  	s14 =	sadd.s32 $0x200, s14;
	_ =	sdelay $0x1  }
0x324: {  	_ =	swait.ge [sflag:s19], $0x4000  }
0x325: {  	[sflag:s19] =	ssyncset.done $0x0  }
0x326: {  	s14 =	simm.s32 $0x0;
	s25 =	rddreg [dreg:$0xc];
	[sflag:s19] =	ssyncadd.s32 $0xFFFFC000  }
0x327: {  	[tilespmem:s20], [sflag:$0x1] =	stream.linear.gather [hbm4b:s25+s14], $0x1000, $0x38;
	[tilespmem:$0x1B400] =	vst v63  }
0x328: {  	_ =	swait.ge [sflag:s19], $0x1000  }
0x329: {  	[sflag:s19] =	ssyncset.done $0x0  }
0x32a: {  	s31 =	simm.s32 $0x1000;
	[sflag:s19] =	ssyncadd.s32 $0xFFFFF000  }
0x32b: {  	[spmem:s5] =	stream.indirect.scatter.add.f32 [tilespmem:s24], [sflag:$0x1], $0x80, s31, s23, $0xb8;
	[tilespmem:$0x1B400] =	vst v63  }
0x32c: {  	s14 =	simm.s32 $0x200;
	_ =	swait.ge [sflag:s19], $0x4000  }
.LBB2_12:
0x32d: {  	s25 =	sshra.s32 s14, $0x2;
	[sflag:s19] =	ssyncset.done $0x0;
	p1 =	sne.s32 s14, $0x3E00  }
.Ltmp18:
0x32e: {  	s25 =	sadd.s32 $0x1000, s25;
	[sflag:s19] =	ssyncadd.s32 $0xFFFFC000;
	(pc) =	sbr.rel @p1 .LBB2_12-.Ltmp18, $3  }
0x32f: {  	[spmem:s5] =	stream.indirect.scatter.add.f32 [tilespmem:s24], [sflag:$0x1], $0x80, s25, s23, $0xb8;
	[tilespmem:$0x1B400] =	vst v63  }
0x330: {  	s14 =	sadd.s32 $0x200, s14;
	_ =	sdelay $0x1  }
0x331: {  	_ =	swait.ge [sflag:s19], $0x4000  }
0x332: {  	[sflag:s19] =	ssyncset.done $0x0  }
0x333: {  	s14 =	simm.s32 $0x0;
	s25 =	rddreg [dreg:$0xe];
	[sflag:s19] =	ssyncadd.s32 $0xFFFFC000  }
0x334: {  	[tilespmem:s20], [sflag:$0x1] =	stream.linear.gather [hbm4b:s25+s14], $0x1000, $0x38;
	[tilespmem:$0x1B400] =	vst v63  }
0x335: {  	_ =	swait.ge [sflag:s19], $0x1000  }
0x336: {  	[sflag:s19] =	ssyncset.done $0x0  }
0x337: {  	s31 =	simm.s32 $0x1000;
	[sflag:s19] =	ssyncadd.s32 $0xFFFFF000  }
0x338: {  	[spmem:s5] =	stream.indirect.scatter.add.f32 [tilespmem:s24], [sflag:$0x1], $0x80, s31, s23, $0xb8;
	[tilespmem:$0x1B400] =	vst v63  }
0x339: {  	s14 =	simm.s32 $0x200;
	_ =	swait.ge [sflag:s19], $0x4000  }
.LBB2_14:
0x33a: {  	s25 =	sshra.s32 s14, $0x2;
	[sflag:s19] =	ssyncset.done $0x0;
	p1 =	sne.s32 s14, $0x3E00  }
.Ltmp19:
0x33b: {  	s25 =	sadd.s32 $0x1000, s25;
	[sflag:s19] =	ssyncadd.s32 $0xFFFFC000;
	(pc) =	sbr.rel @p1 .LBB2_14-.Ltmp19, $3  }
0x33c: {  	[spmem:s5] =	stream.indirect.scatter.add.f32 [tilespmem:s24], [sflag:$0x1], $0x80, s25, s23, $0xb8;
	[tilespmem:$0x1B400] =	vst v63  }
0x33d: {  	s14 =	sadd.s32 $0x200, s14;
	_ =	sdelay $0x1  }
0x33e: {  	_ =	swait.ge [sflag:s19], $0x4000  }
0x33f: {  	[sflag:s19] =	ssyncset.done $0x0  }
0x340: {  	s14 =	simm.s32 $0x0;
	s25 =	rddreg [dreg:$0x10];
	[sflag:s19] =	ssyncadd.s32 $0xFFFFC000  }
0x341: {  	[tilespmem:s20], [sflag:$0x1] =	stream.linear.gather [hbm4b:s25+s14], $0x1000, $0x38;
	[tilespmem:$0x1B400] =	vst v63  }
0x342: {  	_ =	swait.ge [sflag:s19], $0x1000  }
0x343: {  	[sflag:s19] =	ssyncset.done $0x0  }
0x344: {  	s31 =	simm.s32 $0x1000;
	[sflag:s19] =	ssyncadd.s32 $0xFFFFF000  }
0x345: {  	[spmem:s5] =	stream.indirect.scatter.add.f32 [tilespmem:s24], [sflag:$0x1], $0x80, s31, s23, $0xb8;
	[tilespmem:$0x1B400] =	vst v63  }
0x346: {  	s14 =	simm.s32 $0x200;
	_ =	swait.ge [sflag:s19], $0x4000  }
.LBB2_16:
0x347: {  	s25 =	sshra.s32 s14, $0x2;
	[sflag:s19] =	ssyncset.done $0x0;
	p1 =	sne.s32 s14, $0x3E00  }
.Ltmp20:
0x348: {  	s25 =	sadd.s32 $0x1000, s25;
	[sflag:s19] =	ssyncadd.s32 $0xFFFFC000;
	(pc) =	sbr.rel @p1 .LBB2_16-.Ltmp20, $3  }
0x349: {  	[spmem:s5] =	stream.indirect.scatter.add.f32 [tilespmem:s24], [sflag:$0x1], $0x80, s25, s23, $0xb8;
	[tilespmem:$0x1B400] =	vst v63  }
0x34a: {  	s14 =	sadd.s32 $0x200, s14;
	_ =	sdelay $0x1  }
0x34b: {  	_ =	swait.ge [sflag:s19], $0x4000  }
0x34c: {  	[sflag:s19] =	ssyncset.done $0x0  }
0x34d: {  	s14 =	simm.s32 $0x0;
	s25 =	rddreg [dreg:$0x12];
	[sflag:s19] =	ssyncadd.s32 $0xFFFFC000  }
0x34e: {  	[tilespmem:s20], [sflag:$0x1] =	stream.linear.gather [hbm4b:s25+s14], $0x1000, $0x38;
	[tilespmem:$0x1B400] =	vst v63  }
0x34f: {  	_ =	swait.ge [sflag:s19], $0x1000  }
0x350: {  	[sflag:s19] =	ssyncset.done $0x0  }
0x351: {  	s31 =	simm.s32 $0x1000;
	[sflag:s19] =	ssyncadd.s32 $0xFFFFF000  }
0x352: {  	[spmem:s5] =	stream.indirect.scatter.add.f32 [tilespmem:s24], [sflag:$0x1], $0x80, s31, s23, $0xb8;
	[tilespmem:$0x1B400] =	vst v63  }
0x353: {  	s14 =	simm.s32 $0x200;
	_ =	swait.ge [sflag:s19], $0x4000  }
.LBB2_18:
0x354: {  	s25 =	sshra.s32 s14, $0x2;
	[sflag:s19] =	ssyncset.done $0x0;
	p1 =	seq.s32 s14, $0x3E00  }
.Ltmp21:
0x355: {  	s25 =	sadd.s32 $0x1000, s25;
	[sflag:s19] =	ssyncadd.s32 $0xFFFFC000;
	(pc) =	sbr.rel @!p1 .LBB2_18-.Ltmp21, $3  }
0x356: {  	[spmem:s5] =	stream.indirect.scatter.add.f32 [tilespmem:s24], [sflag:$0x1], $0x80, s25, s23, $0xb8;
	[tilespmem:$0x1B400] =	vst v63  }
0x357: {  	s14 =	sadd.s32 $0x200, s14;
	_ =	sdelay $0x1  }
0x358: {  	_ =	swait.ge [sflag:s19], $0x4000  }
.Ltmp22:
0x359: {  	(pc) =	sbr.rel .LBB2_38-.Ltmp22, $3  }
0x35a: {  	_ =	sdelay $0x1  }
0x35b: {  	[sflag:s19] =	ssyncset.done $0x0  }
0x35c: {  	s14 =	rddreg [dreg:$0x7];
	[sflag:s19] =	ssyncadd.s32 $0xFFFFC000  }
.LBB2_39:
0x35d: {  	_ =	sfence.sel $0x180000  }
0x35e: {  	[bflag:$0x0] =	sbarrier.arrive $0xFFFF  }
0x35f: {  	_ =	strace $0x90000047  }
0x360: {  	s0 =	stileid.u32;
	[bflag:$0x2] =	sbarrier.arrive $0xFFFF  }
0x361: {  	p0 =	sne.s32 s0, $0x0;
	s0 =	rddreg [dreg:$0x6]  }
0x362: {  	s0 =	sadd.s32 @!p0 $0x100000, s0  }
0x363: {  	[sflag:s0] =	ssyncadd.tile.s32 @!p0 $0x1;
	_ =	shalt  }
.Lfunc_end2:
_tile_overlayer_lowered:
.L_overlay_start_2:
0x364: {  	(tag) =	ssettag $0x2  }
0x365: {  	s0 =	rddreg [dreg:$0x0];
	s2 =	stileid.u32  }
0x366: {  	s1 =	rddreg [dreg:$0x1];
	p0 =	sne.s32 s2, $0x0  }
0x367: {  	s3 =	rddreg [dreg:$0x2];
	[bflag:$0x3] =	sbarrier.arrive $0xFFFF;
	s2 =	simm.s32 @!p0 $0x1C01  }
0x368: {  	[timem:s3], [sflag:s2] =	dma.local @!p0 [hbm:s0], s1  }
0x369: {  	s0 =	simm.s32 @!p0 $0x1  }
0x36a: {  	_ =	swait.ge @!p0 [sflag:s0], s1  }
0x36b: {  	s1 =	ssub.s32 @!p0 $0x0, s1;
	[sflag:s0] =	ssyncset.done @!p0 $0x0  }
0x36c: {  	[sflag:s0] =	ssyncadd.s32 @!p0 s1  }
0x36d: {  	[bflag:$0x3] =	sbarrier.arrive $0xFFFF  }
0x36e: {  	_ =	shalt  }

</sc_bundles>
